<compile_context>
chip_gen: v7x
topology: tpu7x:2x2x1
jax: 0.10.2.dev20260603
libtpu: 0.0.44.dev20260713+nightly
codegen_flags: <defaults>
</compile_context>

<pallas_src>
import functools

import jax
import jax.numpy as jnp
from jax import lax
from jax.experimental import pallas as pl
from jax.experimental.pallas import tpu as pltpu
from jax.experimental.pallas import tpu_sc as plsc

F32 = jnp.float32
_SLICES = (128000, 192000)
_NC = 2
_NS = 16
_B = 80


def _edge_lin_body(a_ref, w_ref, b_ref, o_ref):
    a = a_ref[...].astype(jnp.bfloat16)
    w = w_ref[...].astype(jnp.bfloat16)
    o_ref[...] = jnp.dot(a, w, preferred_element_type=F32) + b_ref[...]


def _edge_linear(edge_attr, We, be2d, row0, nrows, block_e):
    E, H = edge_attr.shape
    blk0 = row0 // block_e
    return pl.pallas_call(
        _edge_lin_body,
        grid=(nrows // block_e,),
        in_specs=[
            pl.BlockSpec((block_e, H), lambda i: (blk0 + i, 0)),
            pl.BlockSpec((H, H), lambda i: (0, 0)),
            pl.BlockSpec((1, H), lambda i: (0, 0)),
        ],
        out_specs=pl.BlockSpec((block_e, H), lambda i: (i, 0)),
        out_shape=jax.ShapeDtypeStruct((nrows, H), F32),
    )(edge_attr, We, be2d)


def _ffn_body(x_ref, p_refs, w1_ref, w2_ref, g_ref, b_ref, o_ref):
    x = x_ref[...]
    h = x
    for p_ref in p_refs:
        h = h + p_ref[0] + p_ref[1]
    t = jnp.dot(h.astype(jnp.bfloat16), w1_ref[...].astype(jnp.bfloat16),
                preferred_element_type=F32)
    t = 0.5 * t * (1.0 + lax.erf(t * 0.7071067811865476))
    y = jnp.dot(t.astype(jnp.bfloat16), w2_ref[...].astype(jnp.bfloat16),
                preferred_element_type=F32)
    z = x + y
    mu = jnp.mean(z, axis=-1, keepdims=True)
    zc = z - mu
    var = jnp.mean(zc * zc, axis=-1, keepdims=True)
    o_ref[...] = zc * lax.rsqrt(var + 1e-5) * g_ref[...] + b_ref[...]


def _node_ffn(x, parts, W1, W2, g2d, b2d, block_n):
    N, H = x.shape
    H4 = W1.shape[1]

    def body(x_ref, *rest):
        p_refs = rest[:len(parts)]
        w1_ref, w2_ref, g_ref, b_ref, o_ref = rest[len(parts):]
        _ffn_body(x_ref, p_refs, w1_ref, w2_ref, g_ref, b_ref, o_ref)

    return pl.pallas_call(
        body,
        grid=(N // block_n,),
        in_specs=[pl.BlockSpec((block_n, H), lambda i: (i, 0))]
        + [pl.BlockSpec((2, block_n, H), lambda i: (0, i, 0))
           for _ in parts]
        + [
            pl.BlockSpec((H, H4), lambda i: (0, 0)),
            pl.BlockSpec((H4, H), lambda i: (0, 0)),
            pl.BlockSpec((1, H), lambda i: (0, 0)),
            pl.BlockSpec((1, H), lambda i: (0, 0)),
        ],
        out_specs=pl.BlockSpec((block_n, H), lambda i: (i, 0)),
        out_shape=jax.ShapeDtypeStruct((N, H), F32),
    )(x, *parts, W1, W2, g2d, b2d)


def _sc_message_scatter(x, e, src1d, dst1d, eoff):
    N, H = x.shape
    ES = e.shape[0]
    NW = _NC * _NS
    ew = ES // NW
    nch = ew // _B
    npairs = nch // 2
    zr = 80
    npad = ((N + zr * _NS - 1) // (zr * _NS)) * (zr * _NS)
    rps = npad // _NS
    nz = rps // zr
    nvec = H // 16

    mesh = plsc.VectorSubcoreMesh(
        core_axis_name="core", subcore_axis_name="subcore")

    @functools.partial(
        pl.kernel,
        out_type=jax.ShapeDtypeStruct((_NC, npad, H), F32),
        mesh=mesh,
        scratch_types=[
            pltpu.VMEM_SHARED((npad, H), F32),
            pltpu.VMEM((_B, H), F32),
            pltpu.VMEM((_B, H), F32),
            pltpu.VMEM((_B, H), F32),
            pltpu.VMEM((_B, H), F32),
            pltpu.VMEM((4, _B), jnp.int32),
            pltpu.VMEM((4, _B), jnp.int32),
            pltpu.SemaphoreType.DMA,
            pltpu.SemaphoreType.DMA,
            pltpu.SemaphoreType.DMA,
            pltpu.SemaphoreType.DMA,
            pltpu.SemaphoreType.DMA,
            pltpu.SemaphoreType.DMA,
            pltpu.SemaphoreType.DMA,
        ],
    )
    def sc_kernel(x_hbm, e_hbm, src_hbm, dst_hbm, out_hbm,
                  agg, ev0, ev1, xg0, xg1, sv4, dv4,
                  se0, se1, sg0, sg1, ss0, ss1, si):
        c = lax.axis_index("core")
        s = lax.axis_index("subcore")
        wid = c * _NS + s
        base = wid * ew
        ibase = eoff + base
        row0 = s * rps

        evs, xgs = (ev0, ev1), (xg0, xg1)
        ses, sgs, sss = (se0, se1), (sg0, sg1), (ss0, ss1)

        @pl.loop(0, zr)
        def _(r):
            for j in range(nvec):
                ev0[r, pl.ds(j * 16, 16)] = jnp.zeros((16,), F32)

        for i in range(nz):
            pltpu.sync_copy(ev0, agg.at[pl.ds(row0 + i * zr, zr)])
        plsc.subcore_barrier()

        def load_idx(pair):
            r0 = 2 * (pair % 2)
            for q in range(2):
                off = pl.ds(ibase + (2 * pair + q) * _B, _B)
                pltpu.sync_copy(src_hbm.at[off], sv4.at[r0 + q])
                pltpu.sync_copy(dst_hbm.at[off], dv4.at[r0 + q])

        def idx_start(pair):
            r0 = 2 * (pair % 2)
            for q in range(2):
                off = pl.ds(ibase + (2 * pair + q) * _B, _B)
                pltpu.async_copy(src_hbm.at[off], sv4.at[r0 + q], si)
                pltpu.async_copy(dst_hbm.at[off], dv4.at[r0 + q], si)

        def idx_wait(pair):
            r0 = 2 * (pair % 2)
            for q in range(2):
                off = pl.ds(ibase + (2 * pair + q) * _B, _B)
                pltpu.make_async_copy(src_hbm.at[off], sv4.at[r0 + q],
                                      si).wait()
                pltpu.make_async_copy(dst_hbm.at[off], dv4.at[r0 + q],
                                      si).wait()

        def issue(b, k):
            pltpu.async_copy(e_hbm.at[pl.ds(base + k * _B, _B)],
                             evs[b], ses[b])
            pltpu.async_copy(x_hbm.at[sv4.at[k % 4]], xgs[b], sgs[b])

        def wait_in(b, k):
            pltpu.make_async_copy(e_hbm.at[pl.ds(base + k * _B, _B)],
                                  evs[b], ses[b]).wait()
            pltpu.make_async_copy(x_hbm.at[sv4.at[k % 4]],
                                  xgs[b], sgs[b]).wait()

        def scatter_start(b, k):
            pltpu.async_copy(evs[b], agg.at[dv4.at[k % 4]], sss[b], add=True)

        def scatter_wait(b, k):
            pltpu.make_async_copy(evs[b], agg.at[dv4.at[k % 4]],
                                  sss[b]).wait()

        def compute(b):
            ev, xg = evs[b], xgs[b]

            @pl.loop(0, _B, step=2)
            def _(r):
                for rr in range(2):
                    for j in range(nvec):
                        sl = pl.ds(j * 16, 16)
                        ev[r + rr, sl] = jnp.maximum(
                            ev[r + rr, sl] + xg[r + rr, sl], 0.0)

        load_idx(0)
        issue(0, 0)

        @pl.loop(0, npairs)
        def _(t):
            k0 = 2 * t
            wait_in(0, k0)

            @pl.when(t > 0)
            def _():
                scatter_wait(1, k0 - 1)

            idx_start(t + 1)
            issue(1, k0 + 1)
            compute(0)
            scatter_start(0, k0)
            wait_in(1, k0 + 1)
            scatter_wait(0, k0)
            idx_wait(t + 1)

            @pl.when(k0 + 2 < nch)
            def _():
                issue(0, k0 + 2)

            compute(1)
            scatter_start(1, k0 + 1)

        if nch % 2 == 1:
            kl = nch - 1
            wait_in(0, kl)
            scatter_wait(1, kl - 1)
            compute(0)
            pltpu.sync_copy(ev0, agg.at[dv4.at[kl % 4]], add=True)
        else:
            scatter_wait(1, nch - 1)

        plsc.subcore_barrier()
        for i in range(nz):
            rr = pl.ds(row0 + i * zr, zr)
            pltpu.sync_copy(agg.at[rr], out_hbm.at[c, rr])

    return sc_kernel(x, e, src1d, dst1d)


def kernel(x, edge_index, edge_attr, We, be, W1, W2, gamma, beta):
    pad = jnp.zeros((2, 2 * _B), jnp.int32)
    ei = jnp.concatenate([edge_index, pad], axis=1)
    be2d = be.reshape(1, -1)
    parts = []
    eoff = 0
    for es in _SLICES:
        e = _edge_linear(edge_attr, We, be2d, eoff, es, block_e=4000)
        parts.append(_sc_message_scatter(x, e, ei[0], ei[1], eoff))
        eoff += es
    return _node_ffn(x, parts, W1, W2, gamma.reshape(1, -1),
                     beta.reshape(1, -1), block_n=2000)

# --- scband reference (transcript-rebuilt; emitter-appended) ---
"""Pipeline reference for scband-conv-layer-90099823935628 (READ-ONLY COPY).

The authoritative reference and input builder live on the scoring server;
editing this copy changes nothing except your own understanding.
"""

import jax, jax.numpy as jnp
import numpy as np

N = 10000
E = 320000
H = 128

def layer_norm(x, g, b, eps=1e-5):
    mu = jnp.mean(x, axis=-1, keepdims=True)
    var = jnp.mean((x - mu) ** 2, axis=-1, keepdims=True)
    return (x - mu) / jnp.sqrt(var + eps) * g + b

def setup_inputs(seed: int = 0):
    key = jax.random.key(seed)
    ks = jax.random.split(key, 8)
    x = jax.random.normal(ks[0], (N, H), dtype=jnp.float32)
    edge_index = jax.random.randint(ks[1], (2, E), 0, N, dtype=jnp.int32)
    edge_attr = jax.random.normal(ks[2], (E, H), dtype=jnp.float32)
    # GINEConv edge lin: Linear(edge_dim=H, in_channels=H) with bias (PyG default)
    We = jax.random.normal(ks[3], (H, H), dtype=jnp.float32) * 0.05
    be = jnp.zeros((H,), dtype=jnp.float32)
    # GINE nn: Linear(H, 4H, bias=False) -> GELU -> Linear(4H, H, bias=False)
    W1 = jax.random.normal(ks[4], (H, 4 * H), dtype=jnp.float32) * 0.05
    W2 = jax.random.normal(ks[5], (4 * H, H), dtype=jnp.float32) * 0.05
    # LayerNorm(H, eps=1e-5, bias=True)
    gamma = jnp.ones((H,), dtype=jnp.float32)
    beta = jnp.zeros((H,), dtype=jnp.float32)
    return {"x": x, "edge_index": edge_index, "edge_attr": edge_attr,
            "We": We, "be": be, "W1": W1, "W2": W2,
            "gamma": gamma, "beta": beta}

def reference(x, edge_index, edge_attr, We, be, W1, W2, gamma, beta):
    src = edge_index[0]
    dst = edge_index[1]
    # GINEConv message: relu(x_j + lin(edge_attr))
    e = edge_attr @ We + be
    msg = jax.nn.relu(x[src] + e)
    # sum aggregation at destination nodes (scatter-add)
    agg = jnp.zeros_like(x).at[dst].add(msg)
    # (1 + eps) * x_r + aggr, eps = 0 (train_eps=False default)
    h = x + agg
    # apply GIN mlp: Linear -> GELU(exact) -> Linear
    h = jax.nn.gelu(h @ W1, approximate=False) @ W2
    # ConvLayer GINE branch: x = x + dropout(conv(...)); x = norm1(x)
    out = x + h
    out = layer_norm(out, gamma, beta, eps=1e-5)
    return out

if __name__ == "__main__":
    import jax
    _d = setup_inputs()
    print(jax.jit(kernel)(*tuple(_d.values())))

</pallas_src>

<mosaic_0001>
#map = affine_map<(d0, d1) -> (0, 0)>
#map1 = affine_map<(d0, d1) -> (0)>
#map2 = affine_map<(d0, d1) -> (0, 0, 0)>
module attributes {stable_mosaic.version = 14 : i64} {
  func.func @sc_kernel(%arg0: i32, %arg1: i32, %arg2: memref<10000x128xf32, #tpu.memory_space<hbm>>, %arg3: memref<128000x128xf32, #tpu.memory_space<hbm>>, %arg4: memref<320160xi32, #tpu.memory_space<hbm>>, %arg5: memref<320160xi32, #tpu.memory_space<hbm>>, %arg6: memref<2x10240x128xf32, #tpu.memory_space<hbm>>, %arg7: memref<10240x128xf32, #tpu.memory_space<vmem_shared>>, %arg8: memref<80x128xf32, #tpu.memory_space<vmem>>, %arg9: memref<80x128xf32, #tpu.memory_space<vmem>>, %arg10: memref<80x128xf32, #tpu.memory_space<vmem>>, %arg11: memref<80x128xf32, #tpu.memory_space<vmem>>, %arg12: memref<4x80xi32, #tpu.memory_space<vmem>>, %arg13: memref<4x80xi32, #tpu.memory_space<vmem>>, %arg14: memref<!tpu.dma_semaphore, #tpu.memory_space<semaphore_mem>>, %arg15: memref<!tpu.dma_semaphore, #tpu.memory_space<semaphore_mem>>, %arg16: memref<!tpu.dma_semaphore, #tpu.memory_space<semaphore_mem>>, %arg17: memref<!tpu.dma_semaphore, #tpu.memory_space<semaphore_mem>>, %arg18: memref<!tpu.dma_semaphore, #tpu.memory_space<semaphore_mem>>, %arg19: memref<!tpu.dma_semaphore, #tpu.memory_space<semaphore_mem>>, %arg20: memref<!tpu.dma_semaphore, #tpu.memory_space<semaphore_mem>>) attributes {dimension_semantics = [#tpu.dimension_semantics<core_parallel>, #tpu.dimension_semantics<subcore_parallel>], iteration_bounds = array<i64: 2, 16>, scalar_prefetch = 0 : i64, scratch_operands = 14 : i64, tpu.core_type = #tpu.core_type<sc_vector_subcore>, window_params = [{transform_indices = #map}, {transform_indices = #map}, {transform_indices = #map1}, {transform_indices = #map1}, {transform_indices = #map2}]} {
    %mul3A = arith.constant 16 : i32
    %mul3A_0 = arith.muli %arg0, %mul3A : i32
    %add3A = arith.addi %mul3A_0, %arg1 : i32
    %mul3A_1 = arith.constant 4000 : i32
    %mul3A_2 = arith.muli %add3A, %mul3A_1 : i32
    %add3A_3 = arith.constant 0 : i32
    %add3A_4 = arith.addi %add3A_3, %mul3A_2 : i32
    %mul3A_5 = arith.constant 640 : i32
    %mul3A_6 = arith.muli %arg1, %mul3A_5 : i32
    %scan3A = arith.constant 0 : i32
    %scan3A_7 = arith.constant 80 : i32
    %scan3A_8 = arith.addi %scan3A, %scan3A_7 : i32
    %scan3A_9 = arith.constant 1 : i32
    scf.for %scan3A_74 = %scan3A to %scan3A_8 step %scan3A_9  : i32 {
      %mul3A_75 = arith.constant 1 : i32
      %mul3A_76 = arith.muli %scan3A_74, %mul3A_75 : i32
      %add3A_77 = arith.constant 0 : i32
      %add3A_78 = arith.addi %add3A_77, %mul3A_76 : i32
      %broadcast_in_dim3A = arith.constant 0.000000e+00 : f32
      %broadcast_in_dim3A_79 = vector.broadcast %broadcast_in_dim3A : f32 to vector<16xf32>
      %swap3A = arith.index_cast %add3A_78 : i32 to index
      %swap3A_80 = arith.constant 0 : index
      %swap3A_81 = tpu.vector_load %arg8[%swap3A, %swap3A_80] {strides = array<i32>} : memref<80x128xf32, #tpu.memory_space<vmem>>, vector<1x16xf32>,
      %swap3A_82 = vector.shape_cast %swap3A_81 : vector<1x16xf32> to vector<16xf32>
      %swap3A_83 = vector.shape_cast %broadcast_in_dim3A_79 : vector<16xf32> to vector<1x16xf32>
      tpu.vector_store %arg8[%swap3A, %swap3A_80], %swap3A_83 {strides = array<i32>} : memref<80x128xf32, #tpu.memory_space<vmem>>, vector<1x16xf32>,
      %broadcast_in_dim3A_84 = arith.constant 0.000000e+00 : f32
      %broadcast_in_dim3A_85 = vector.broadcast %broadcast_in_dim3A_84 : f32 to vector<16xf32>
      %swap3A_86 = arith.index_cast %add3A_78 : i32 to index
      %swap3A_87 = arith.constant 16 : index
      %swap3A_88 = tpu.vector_load %arg8[%swap3A_86, %swap3A_87] {strides = array<i32>} : memref<80x128xf32, #tpu.memory_space<vmem>>, vector<1x16xf32>,
      %swap3A_89 = vector.shape_cast %swap3A_88 : vector<1x16xf32> to vector<16xf32>
      %swap3A_90 = vector.shape_cast %broadcast_in_dim3A_85 : vector<16xf32> to vector<1x16xf32>
      tpu.vector_store %arg8[%swap3A_86, %swap3A_87], %swap3A_90 {strides = array<i32>} : memref<80x128xf32, #tpu.memory_space<vmem>>, vector<1x16xf32>,
      %broadcast_in_dim3A_91 = arith.constant 0.000000e+00 : f32
      %broadcast_in_dim3A_92 = vector.broadcast %broadcast_in_dim3A_91 : f32 to vector<16xf32>
      %swap3A_93 = arith.index_cast %add3A_78 : i32 to index
      %swap3A_94 = arith.constant 32 : index
      %swap3A_95 = tpu.vector_load %arg8[%swap3A_93, %swap3A_94] {strides = array<i32>} : memref<80x128xf32, #tpu.memory_space<vmem>>, vector<1x16xf32>,
      %swap3A_96 = vector.shape_cast %swap3A_95 : vector<1x16xf32> to vector<16xf32>
      %swap3A_97 = vector.shape_cast %broadcast_in_dim3A_92 : vector<16xf32> to vector<1x16xf32>
      tpu.vector_store %arg8[%swap3A_93, %swap3A_94], %swap3A_97 {strides = array<i32>} : memref<80x128xf32, #tpu.memory_space<vmem>>, vector<1x16xf32>,
      %broadcast_in_dim3A_98 = arith.constant 0.000000e+00 : f32
      %broadcast_in_dim3A_99 = vector.broadcast %broadcast_in_dim3A_98 : f32 to vector<16xf32>
      %swap3A_100 = arith.index_cast %add3A_78 : i32 to index
      %swap3A_101 = arith.constant 48 : index
      %swap3A_102 = tpu.vector_load %arg8[%swap3A_100, %swap3A_101] {strides = array<i32>} : memref<80x128xf32, #tpu.memory_space<vmem>>, vector<1x16xf32>,
      %swap3A_103 = vector.shape_cast %swap3A_102 : vector<1x16xf32> to vector<16xf32>
      %swap3A_104 = vector.shape_cast %broadcast_in_dim3A_99 : vector<16xf32> to vector<1x16xf32>
      tpu.vector_store %arg8[%swap3A_100, %swap3A_101], %swap3A_104 {strides = array<i32>} : memref<80x128xf32, #tpu.memory_space<vmem>>, vector<1x16xf32>,
      %broadcast_in_dim3A_105 = arith.constant 0.000000e+00 : f32
      %broadcast_in_dim3A_106 = vector.broadcast %broadcast_in_dim3A_105 : f32 to vector<16xf32>
      %swap3A_107 = arith.index_cast %add3A_78 : i32 to index
      %swap3A_108 = arith.constant 64 : index
      %swap3A_109 = tpu.vector_load %arg8[%swap3A_107, %swap3A_108] {strides = array<i32>} : memref<80x128xf32, #tpu.memory_space<vmem>>, vector<1x16xf32>,
      %swap3A_110 = vector.shape_cast %swap3A_109 : vector<1x16xf32> to vector<16xf32>
      %swap3A_111 = vector.shape_cast %broadcast_in_dim3A_106 : vector<16xf32> to vector<1x16xf32>
      tpu.vector_store %arg8[%swap3A_107, %swap3A_108], %swap3A_111 {strides = array<i32>} : memref<80x128xf32, #tpu.memory_space<vmem>>, vector<1x16xf32>,
      %broadcast_in_dim3A_112 = arith.constant 0.000000e+00 : f32
      %broadcast_in_dim3A_113 = vector.broadcast %broadcast_in_dim3A_112 : f32 to vector<16xf32>
      %swap3A_114 = arith.index_cast %add3A_78 : i32 to index
      %swap3A_115 = arith.constant 80 : index
      %swap3A_116 = tpu.vector_load %arg8[%swap3A_114, %swap3A_115] {strides = array<i32>} : memref<80x128xf32, #tpu.memory_space<vmem>>, vector<1x16xf32>,
      %swap3A_117 = vector.shape_cast %swap3A_116 : vector<1x16xf32> to vector<16xf32>
      %swap3A_118 = vector.shape_cast %broadcast_in_dim3A_113 : vector<16xf32> to vector<1x16xf32>
      tpu.vector_store %arg8[%swap3A_114, %swap3A_115], %swap3A_118 {strides = array<i32>} : memref<80x128xf32, #tpu.memory_space<vmem>>, vector<1x16xf32>,
      %broadcast_in_dim3A_119 = arith.constant 0.000000e+00 : f32
      %broadcast_in_dim3A_120 = vector.broadcast %broadcast_in_dim3A_119 : f32 to vector<16xf32>
      %swap3A_121 = arith.index_cast %add3A_78 : i32 to index
      %swap3A_122 = arith.constant 96 : index
      %swap3A_123 = tpu.vector_load %arg8[%swap3A_121, %swap3A_122] {strides = array<i32>} : memref<80x128xf32, #tpu.memory_space<vmem>>, vector<1x16xf32>,
      %swap3A_124 = vector.shape_cast %swap3A_123 : vector<1x16xf32> to vector<16xf32>
      %swap3A_125 = vector.shape_cast %broadcast_in_dim3A_120 : vector<16xf32> to vector<1x16xf32>
      tpu.vector_store %arg8[%swap3A_121, %swap3A_122], %swap3A_125 {strides = array<i32>} : memref<80x128xf32, #tpu.memory_space<vmem>>, vector<1x16xf32>,
      %broadcast_in_dim3A_126 = arith.constant 0.000000e+00 : f32
      %broadcast_in_dim3A_127 = vector.broadcast %broadcast_in_dim3A_126 : f32 to vector<16xf32>
      %swap3A_128 = arith.index_cast %add3A_78 : i32 to index
      %swap3A_129 = arith.constant 112 : index
      %swap3A_130 = tpu.vector_load %arg8[%swap3A_128, %swap3A_129] {strides = array<i32>} : memref<80x128xf32, #tpu.memory_space<vmem>>, vector<1x16xf32>,
      %swap3A_131 = vector.shape_cast %swap3A_130 : vector<1x16xf32> to vector<16xf32>
      %swap3A_132 = vector.shape_cast %broadcast_in_dim3A_127 : vector<16xf32> to vector<1x16xf32>
      tpu.vector_store %arg8[%swap3A_128, %swap3A_129], %swap3A_132 {strides = array<i32>} : memref<80x128xf32, #tpu.memory_space<vmem>>, vector<1x16xf32>,
    }
    %scan3A_10 = arith.constant 80 : i32
    %add3A_11 = arith.constant 0 : i32
    %add3A_12 = arith.addi %mul3A_6, %add3A_11 : i32
    "tpu.region"() ({
      %run_scoped3A_74 = tpu.sem_alloc : memref<!tpu.dma_semaphore, #tpu.memory_space<semaphore_mem>>
      %dma_start3A_75 = arith.constant 0 : i32
      %dma_start3A_76 = tpu.memref_slice %arg7[%add3A_12, %dma_start3A_75] : memref<10240x128xf32, #tpu.memory_space<vmem_shared>> -> memref<80x128xf32, #tpu.memory_space<vmem_shared>>
      %dma_start3A_77 = arith.constant 0 : i32
      %dma_start3A_78 = tpu.memref_slice %arg7[%add3A_12, %dma_start3A_77] : memref<10240x128xf32, #tpu.memory_space<vmem_shared>> -> memref<80x128xf32, #tpu.memory_space<vmem_shared>>
      tpu.enqueue_dma source(%arg8 : memref<80x128xf32, #tpu.memory_space<vmem>>) target(%dma_start3A_78 : memref<80x128xf32, #tpu.memory_space<vmem_shared>>) target_semaphore(%run_scoped3A_74 : memref<!tpu.dma_semaphore, #tpu.memory_space<semaphore_mem>>)
      %dma_wait3A_79 = arith.constant 0 : i32
      %dma_wait3A_80 = tpu.memref_slice %arg7[%add3A_12, %dma_wait3A_79] : memref<10240x128xf32, #tpu.memory_space<vmem_shared>> -> memref<80x128xf32, #tpu.memory_space<vmem_shared>>
      %dma_wait3A_81 = arith.constant 0 : i32
      %dma_wait3A_82 = tpu.memref_slice %arg7[%add3A_12, %dma_wait3A_81] : memref<10240x128xf32, #tpu.memory_space<vmem_shared>> -> memref<80x128xf32, #tpu.memory_space<vmem_shared>>
      tpu.wait_dma2 semaphore(%run_scoped3A_74 : memref<!tpu.dma_semaphore, #tpu.memory_space<semaphore_mem>>) src(%arg8 : memref<80x128xf32, #tpu.memory_space<vmem>>) dst(%dma_wait3A_82 : memref<80x128xf32, #tpu.memory_space<vmem_shared>>)
      tpu.yield
    }) : () -> ()
    %add3A_13 = arith.constant 80 : i32
    %add3A_14 = arith.addi %mul3A_6, %add3A_13 : i32
    "tpu.region"() ({
      %run_scoped3A_74 = tpu.sem_alloc : memref<!tpu.dma_semaphore, #tpu.memory_space<semaphore_mem>>
      %dma_start3A_75 = arith.constant 0 : i32
      %dma_start3A_76 = tpu.memref_slice %arg7[%add3A_14, %dma_start3A_75] : memref<10240x128xf32, #tpu.memory_space<vmem_shared>> -> memref<80x128xf32, #tpu.memory_space<vmem_shared>>
      %dma_start3A_77 = arith.constant 0 : i32
      %dma_start3A_78 = tpu.memref_slice %arg7[%add3A_14, %dma_start3A_77] : memref<10240x128xf32, #tpu.memory_space<vmem_shared>> -> memref<80x128xf32, #tpu.memory_space<vmem_shared>>
      tpu.enqueue_dma source(%arg8 : memref<80x128xf32, #tpu.memory_space<vmem>>) target(%dma_start3A_78 : memref<80x128xf32, #tpu.memory_space<vmem_shared>>) target_semaphore(%run_scoped3A_74 : memref<!tpu.dma_semaphore, #tpu.memory_space<semaphore_mem>>)
      %dma_wait3A_79 = arith.constant 0 : i32
      %dma_wait3A_80 = tpu.memref_slice %arg7[%add3A_14, %dma_wait3A_79] : memref<10240x128xf32, #tpu.memory_space<vmem_shared>> -> memref<80x128xf32, #tpu.memory_space<vmem_shared>>
      %dma_wait3A_81 = arith.constant 0 : i32
      %dma_wait3A_82 = tpu.memref_slice %arg7[%add3A_14, %dma_wait3A_81] : memref<10240x128xf32, #tpu.memory_space<vmem_shared>> -> memref<80x128xf32, #tpu.memory_space<vmem_shared>>
      tpu.wait_dma2 semaphore(%run_scoped3A_74 : memref<!tpu.dma_semaphore, #tpu.memory_space<semaphore_mem>>) src(%arg8 : memref<80x128xf32, #tpu.memory_space<vmem>>) dst(%dma_wait3A_82 : memref<80x128xf32, #tpu.memory_space<vmem_shared>>)
      tpu.yield
    }) : () -> ()
    %add3A_15 = arith.constant 160 : i32
    %add3A_16 = arith.addi %mul3A_6, %add3A_15 : i32
    "tpu.region"() ({
      %run_scoped3A_74 = tpu.sem_alloc : memref<!tpu.dma_semaphore, #tpu.memory_space<semaphore_mem>>
      %dma_start3A_75 = arith.constant 0 : i32
      %dma_start3A_76 = tpu.memref_slice %arg7[%add3A_16, %dma_start3A_75] : memref<10240x128xf32, #tpu.memory_space<vmem_shared>> -> memref<80x128xf32, #tpu.memory_space<vmem_shared>>
      %dma_start3A_77 = arith.constant 0 : i32
      %dma_start3A_78 = tpu.memref_slice %arg7[%add3A_16, %dma_start3A_77] : memref<10240x128xf32, #tpu.memory_space<vmem_shared>> -> memref<80x128xf32, #tpu.memory_space<vmem_shared>>
      tpu.enqueue_dma source(%arg8 : memref<80x128xf32, #tpu.memory_space<vmem>>) target(%dma_start3A_78 : memref<80x128xf32, #tpu.memory_space<vmem_shared>>) target_semaphore(%run_scoped3A_74 : memref<!tpu.dma_semaphore, #tpu.memory_space<semaphore_mem>>)
      %dma_wait3A_79 = arith.constant 0 : i32
      %dma_wait3A_80 = tpu.memref_slice %arg7[%add3A_16, %dma_wait3A_79] : memref<10240x128xf32, #tpu.memory_space<vmem_shared>> -> memref<80x128xf32, #tpu.memory_space<vmem_shared>>
      %dma_wait3A_81 = arith.constant 0 : i32
      %dma_wait3A_82 = tpu.memref_slice %arg7[%add3A_16, %dma_wait3A_81] : memref<10240x128xf32, #tpu.memory_space<vmem_shared>> -> memref<80x128xf32, #tpu.memory_space<vmem_shared>>
      tpu.wait_dma2 semaphore(%run_scoped3A_74 : memref<!tpu.dma_semaphore, #tpu.memory_space<semaphore_mem>>) src(%arg8 : memref<80x128xf32, #tpu.memory_space<vmem>>) dst(%dma_wait3A_82 : memref<80x128xf32, #tpu.memory_space<vmem_shared>>)
      tpu.yield
    }) : () -> ()
    %add3A_17 = arith.constant 240 : i32
    %add3A_18 = arith.addi %mul3A_6, %add3A_17 : i32
    "tpu.region"() ({
      %run_scoped3A_74 = tpu.sem_alloc : memref<!tpu.dma_semaphore, #tpu.memory_space<semaphore_mem>>
      %dma_start3A_75 = arith.constant 0 : i32
      %dma_start3A_76 = tpu.memref_slice %arg7[%add3A_18, %dma_start3A_75] : memref<10240x128xf32, #tpu.memory_space<vmem_shared>> -> memref<80x128xf32, #tpu.memory_space<vmem_shared>>
      %dma_start3A_77 = arith.constant 0 : i32
      %dma_start3A_78 = tpu.memref_slice %arg7[%add3A_18, %dma_start3A_77] : memref<10240x128xf32, #tpu.memory_space<vmem_shared>> -> memref<80x128xf32, #tpu.memory_space<vmem_shared>>
      tpu.enqueue_dma source(%arg8 : memref<80x128xf32, #tpu.memory_space<vmem>>) target(%dma_start3A_78 : memref<80x128xf32, #tpu.memory_space<vmem_shared>>) target_semaphore(%run_scoped3A_74 : memref<!tpu.dma_semaphore, #tpu.memory_space<semaphore_mem>>)
      %dma_wait3A_79 = arith.constant 0 : i32
      %dma_wait3A_80 = tpu.memref_slice %arg7[%add3A_18, %dma_wait3A_79] : memref<10240x128xf32, #tpu.memory_space<vmem_shared>> -> memref<80x128xf32, #tpu.memory_space<vmem_shared>>
      %dma_wait3A_81 = arith.constant 0 : i32
      %dma_wait3A_82 = tpu.memref_slice %arg7[%add3A_18, %dma_wait3A_81] : memref<10240x128xf32, #tpu.memory_space<vmem_shared>> -> memref<80x128xf32, #tpu.memory_space<vmem_shared>>
      tpu.wait_dma2 semaphore(%run_scoped3A_74 : memref<!tpu.dma_semaphore, #tpu.memory_space<semaphore_mem>>) src(%arg8 : memref<80x128xf32, #tpu.memory_space<vmem>>) dst(%dma_wait3A_82 : memref<80x128xf32, #tpu.memory_space<vmem_shared>>)
      tpu.yield
    }) : () -> ()
    %add3A_19 = arith.constant 320 : i32
    %add3A_20 = arith.addi %mul3A_6, %add3A_19 : i32
    "tpu.region"() ({
      %run_scoped3A_74 = tpu.sem_alloc : memref<!tpu.dma_semaphore, #tpu.memory_space<semaphore_mem>>
      %dma_start3A_75 = arith.constant 0 : i32
      %dma_start3A_76 = tpu.memref_slice %arg7[%add3A_20, %dma_start3A_75] : memref<10240x128xf32, #tpu.memory_space<vmem_shared>> -> memref<80x128xf32, #tpu.memory_space<vmem_shared>>
      %dma_start3A_77 = arith.constant 0 : i32
      %dma_start3A_78 = tpu.memref_slice %arg7[%add3A_20, %dma_start3A_77] : memref<10240x128xf32, #tpu.memory_space<vmem_shared>> -> memref<80x128xf32, #tpu.memory_space<vmem_shared>>
      tpu.enqueue_dma source(%arg8 : memref<80x128xf32, #tpu.memory_space<vmem>>) target(%dma_start3A_78 : memref<80x128xf32, #tpu.memory_space<vmem_shared>>) target_semaphore(%run_scoped3A_74 : memref<!tpu.dma_semaphore, #tpu.memory_space<semaphore_mem>>)
      %dma_wait3A_79 = arith.constant 0 : i32
      %dma_wait3A_80 = tpu.memref_slice %arg7[%add3A_20, %dma_wait3A_79] : memref<10240x128xf32, #tpu.memory_space<vmem_shared>> -> memref<80x128xf32, #tpu.memory_space<vmem_shared>>
      %dma_wait3A_81 = arith.constant 0 : i32
      %dma_wait3A_82 = tpu.memref_slice %arg7[%add3A_20, %dma_wait3A_81] : memref<10240x128xf32, #tpu.memory_space<vmem_shared>> -> memref<80x128xf32, #tpu.memory_space<vmem_shared>>
      tpu.wait_dma2 semaphore(%run_scoped3A_74 : memref<!tpu.dma_semaphore, #tpu.memory_space<semaphore_mem>>) src(%arg8 : memref<80x128xf32, #tpu.memory_space<vmem>>) dst(%dma_wait3A_82 : memref<80x128xf32, #tpu.memory_space<vmem_shared>>)
      tpu.yield
    }) : () -> ()
    %add3A_21 = arith.constant 400 : i32
    %add3A_22 = arith.addi %mul3A_6, %add3A_21 : i32
    "tpu.region"() ({
      %run_scoped3A_74 = tpu.sem_alloc : memref<!tpu.dma_semaphore, #tpu.memory_space<semaphore_mem>>
      %dma_start3A_75 = arith.constant 0 : i32
      %dma_start3A_76 = tpu.memref_slice %arg7[%add3A_22, %dma_start3A_75] : memref<10240x128xf32, #tpu.memory_space<vmem_shared>> -> memref<80x128xf32, #tpu.memory_space<vmem_shared>>
      %dma_start3A_77 = arith.constant 0 : i32
      %dma_start3A_78 = tpu.memref_slice %arg7[%add3A_22, %dma_start3A_77] : memref<10240x128xf32, #tpu.memory_space<vmem_shared>> -> memref<80x128xf32, #tpu.memory_space<vmem_shared>>
      tpu.enqueue_dma source(%arg8 : memref<80x128xf32, #tpu.memory_space<vmem>>) target(%dma_start3A_78 : memref<80x128xf32, #tpu.memory_space<vmem_shared>>) target_semaphore(%run_scoped3A_74 : memref<!tpu.dma_semaphore, #tpu.memory_space<semaphore_mem>>)
      %dma_wait3A_79 = arith.constant 0 : i32
      %dma_wait3A_80 = tpu.memref_slice %arg7[%add3A_22, %dma_wait3A_79] : memref<10240x128xf32, #tpu.memory_space<vmem_shared>> -> memref<80x128xf32, #tpu.memory_space<vmem_shared>>
      %dma_wait3A_81 = arith.constant 0 : i32
      %dma_wait3A_82 = tpu.memref_slice %arg7[%add3A_22, %dma_wait3A_81] : memref<10240x128xf32, #tpu.memory_space<vmem_shared>> -> memref<80x128xf32, #tpu.memory_space<vmem_shared>>
      tpu.wait_dma2 semaphore(%run_scoped3A_74 : memref<!tpu.dma_semaphore, #tpu.memory_space<semaphore_mem>>) src(%arg8 : memref<80x128xf32, #tpu.memory_space<vmem>>) dst(%dma_wait3A_82 : memref<80x128xf32, #tpu.memory_space<vmem_shared>>)
      tpu.yield
    }) : () -> ()
    %add3A_23 = arith.constant 480 : i32
    %add3A_24 = arith.addi %mul3A_6, %add3A_23 : i32
    "tpu.region"() ({
      %run_scoped3A_74 = tpu.sem_alloc : memref<!tpu.dma_semaphore, #tpu.memory_space<semaphore_mem>>
      %dma_start3A_75 = arith.constant 0 : i32
      %dma_start3A_76 = tpu.memref_slice %arg7[%add3A_24, %dma_start3A_75] : memref<10240x128xf32, #tpu.memory_space<vmem_shared>> -> memref<80x128xf32, #tpu.memory_space<vmem_shared>>
      %dma_start3A_77 = arith.constant 0 : i32
      %dma_start3A_78 = tpu.memref_slice %arg7[%add3A_24, %dma_start3A_77] : memref<10240x128xf32, #tpu.memory_space<vmem_shared>> -> memref<80x128xf32, #tpu.memory_space<vmem_shared>>
      tpu.enqueue_dma source(%arg8 : memref<80x128xf32, #tpu.memory_space<vmem>>) target(%dma_start3A_78 : memref<80x128xf32, #tpu.memory_space<vmem_shared>>) target_semaphore(%run_scoped3A_74 : memref<!tpu.dma_semaphore, #tpu.memory_space<semaphore_mem>>)
      %dma_wait3A_79 = arith.constant 0 : i32
      %dma_wait3A_80 = tpu.memref_slice %arg7[%add3A_24, %dma_wait3A_79] : memref<10240x128xf32, #tpu.memory_space<vmem_shared>> -> memref<80x128xf32, #tpu.memory_space<vmem_shared>>
      %dma_wait3A_81 = arith.constant 0 : i32
      %dma_wait3A_82 = tpu.memref_slice %arg7[%add3A_24, %dma_wait3A_81] : memref<10240x128xf32, #tpu.memory_space<vmem_shared>> -> memref<80x128xf32, #tpu.memory_space<vmem_shared>>
      tpu.wait_dma2 semaphore(%run_scoped3A_74 : memref<!tpu.dma_semaphore, #tpu.memory_space<semaphore_mem>>) src(%arg8 : memref<80x128xf32, #tpu.memory_space<vmem>>) dst(%dma_wait3A_82 : memref<80x128xf32, #tpu.memory_space<vmem_shared>>)
      tpu.yield
    }) : () -> ()
    %add3A_25 = arith.constant 560 : i32
    %add3A_26 = arith.addi %mul3A_6, %add3A_25 : i32
    "tpu.region"() ({
      %run_scoped3A_74 = tpu.sem_alloc : memref<!tpu.dma_semaphore, #tpu.memory_space<semaphore_mem>>
      %dma_start3A_75 = arith.constant 0 : i32
      %dma_start3A_76 = tpu.memref_slice %arg7[%add3A_26, %dma_start3A_75] : memref<10240x128xf32, #tpu.memory_space<vmem_shared>> -> memref<80x128xf32, #tpu.memory_space<vmem_shared>>
      %dma_start3A_77 = arith.constant 0 : i32
      %dma_start3A_78 = tpu.memref_slice %arg7[%add3A_26, %dma_start3A_77] : memref<10240x128xf32, #tpu.memory_space<vmem_shared>> -> memref<80x128xf32, #tpu.memory_space<vmem_shared>>
      tpu.enqueue_dma source(%arg8 : memref<80x128xf32, #tpu.memory_space<vmem>>) target(%dma_start3A_78 : memref<80x128xf32, #tpu.memory_space<vmem_shared>>) target_semaphore(%run_scoped3A_74 : memref<!tpu.dma_semaphore, #tpu.memory_space<semaphore_mem>>)
      %dma_wait3A_79 = arith.constant 0 : i32
      %dma_wait3A_80 = tpu.memref_slice %arg7[%add3A_26, %dma_wait3A_79] : memref<10240x128xf32, #tpu.memory_space<vmem_shared>> -> memref<80x128xf32, #tpu.memory_space<vmem_shared>>
      %dma_wait3A_81 = arith.constant 0 : i32
      %dma_wait3A_82 = tpu.memref_slice %arg7[%add3A_26, %dma_wait3A_81] : memref<10240x128xf32, #tpu.memory_space<vmem_shared>> -> memref<80x128xf32, #tpu.memory_space<vmem_shared>>
      tpu.wait_dma2 semaphore(%run_scoped3A_74 : memref<!tpu.dma_semaphore, #tpu.memory_space<semaphore_mem>>) src(%arg8 : memref<80x128xf32, #tpu.memory_space<vmem>>) dst(%dma_wait3A_82 : memref<80x128xf32, #tpu.memory_space<vmem_shared>>)
      tpu.yield
    }) : () -> ()
    %barrier3A = arith.constant 0 : index
    tpu.barrier barrier_id(%barrier3A)
    %add3A_27 = arith.constant 0 : i32
    %add3A_28 = arith.addi %add3A_4, %add3A_27 : i32
    %run_scoped3A = arith.constant 0 : i32
    "tpu.region"() ({
      %run_scoped3A_74 = tpu.sem_alloc : memref<!tpu.dma_semaphore, #tpu.memory_space<semaphore_mem>>
      %dma_start3A_75 = arith.constant 0 : i32
      %dma_start3A_76 = tpu.memref_slice %arg12[%run_scoped3A, %dma_start3A_75] : memref<4x80xi32, #tpu.memory_space<vmem>> -> memref<1x80xi32, #tpu.memory_space<vmem>>
      %dma_start3A_77 = tpu.memref_squeeze %dma_start3A_76 : memref<1x80xi32, #tpu.memory_space<vmem>> -> memref<80xi32, #tpu.memory_space<vmem>>
      %dma_start3A_78 = tpu.memref_slice %arg4[%add3A_28] : memref<320160xi32, #tpu.memory_space<hbm>> -> memref<80xi32, #tpu.memory_space<hbm>>
      %dma_start3A_79 = arith.constant 0 : i32
      %dma_start3A_80 = tpu.memref_slice %arg12[%run_scoped3A, %dma_start3A_79] : memref<4x80xi32, #tpu.memory_space<vmem>> -> memref<1x80xi32, #tpu.memory_space<vmem>>
      %dma_start3A_81 = tpu.memref_squeeze %dma_start3A_80 : memref<1x80xi32, #tpu.memory_space<vmem>> -> memref<80xi32, #tpu.memory_space<vmem>>
      %dma_start3A_82 = tpu.memref_slice %arg4[%add3A_28] : memref<320160xi32, #tpu.memory_space<hbm>> -> memref<80xi32, #tpu.memory_space<hbm>>
      tpu.enqueue_dma source(%dma_start3A_82 : memref<80xi32, #tpu.memory_space<hbm>>) target(%dma_start3A_81 : memref<80xi32, #tpu.memory_space<vmem>>) target_semaphore(%run_scoped3A_74 : memref<!tpu.dma_semaphore, #tpu.memory_space<semaphore_mem>>)
      %dma_wait3A_83 = arith.constant 0 : i32
      %dma_wait3A_84 = tpu.memref_slice %arg12[%run_scoped3A, %dma_wait3A_83] : memref<4x80xi32, #tpu.memory_space<vmem>> -> memref<1x80xi32, #tpu.memory_space<vmem>>
      %dma_wait3A_85 = tpu.memref_squeeze %dma_wait3A_84 : memref<1x80xi32, #tpu.memory_space<vmem>> -> memref<80xi32, #tpu.memory_space<vmem>>
      %dma_wait3A_86 = tpu.memref_slice %arg4[%add3A_28] : memref<320160xi32, #tpu.memory_space<hbm>> -> memref<80xi32, #tpu.memory_space<hbm>>
      %dma_wait3A_87 = arith.constant 0 : i32
      %dma_wait3A_88 = tpu.memref_slice %arg12[%run_scoped3A, %dma_wait3A_87] : memref<4x80xi32, #tpu.memory_space<vmem>> -> memref<1x80xi32, #tpu.memory_space<vmem>>
      %dma_wait3A_89 = tpu.memref_squeeze %dma_wait3A_88 : memref<1x80xi32, #tpu.memory_space<vmem>> -> memref<80xi32, #tpu.memory_space<vmem>>
      %dma_wait3A_90 = tpu.memref_slice %arg4[%add3A_28] : memref<320160xi32, #tpu.memory_space<hbm>> -> memref<80xi32, #tpu.memory_space<hbm>>
      tpu.wait_dma2 semaphore(%run_scoped3A_74 : memref<!tpu.dma_semaphore, #tpu.memory_space<semaphore_mem>>) src(%dma_wait3A_90 : memref<80xi32, #tpu.memory_space<hbm>>) dst(%dma_wait3A_89 : memref<80xi32, #tpu.memory_space<vmem>>)
      tpu.yield
    }) : () -> ()
    %run_scoped3A_29 = arith.constant 0 : i32
    "tpu.region"() ({
      %run_scoped3A_74 = tpu.sem_alloc : memref<!tpu.dma_semaphore, #tpu.memory_space<semaphore_mem>>
      %dma_start3A_75 = arith.constant 0 : i32
      %dma_start3A_76 = tpu.memref_slice %arg13[%run_scoped3A_29, %dma_start3A_75] : memref<4x80xi32, #tpu.memory_space<vmem>> -> memref<1x80xi32, #tpu.memory_space<vmem>>
      %dma_start3A_77 = tpu.memref_squeeze %dma_start3A_76 : memref<1x80xi32, #tpu.memory_space<vmem>> -> memref<80xi32, #tpu.memory_space<vmem>>
      %dma_start3A_78 = tpu.memref_slice %arg5[%add3A_28] : memref<320160xi32, #tpu.memory_space<hbm>> -> memref<80xi32, #tpu.memory_space<hbm>>
      %dma_start3A_79 = arith.constant 0 : i32
      %dma_start3A_80 = tpu.memref_slice %arg13[%run_scoped3A_29, %dma_start3A_79] : memref<4x80xi32, #tpu.memory_space<vmem>> -> memref<1x80xi32, #tpu.memory_space<vmem>>
      %dma_start3A_81 = tpu.memref_squeeze %dma_start3A_80 : memref<1x80xi32, #tpu.memory_space<vmem>> -> memref<80xi32, #tpu.memory_space<vmem>>
      %dma_start3A_82 = tpu.memref_slice %arg5[%add3A_28] : memref<320160xi32, #tpu.memory_space<hbm>> -> memref<80xi32, #tpu.memory_space<hbm>>
      tpu.enqueue_dma source(%dma_start3A_82 : memref<80xi32, #tpu.memory_space<hbm>>) target(%dma_start3A_81 : memref<80xi32, #tpu.memory_space<vmem>>) target_semaphore(%run_scoped3A_74 : memref<!tpu.dma_semaphore, #tpu.memory_space<semaphore_mem>>)
      %dma_wait3A_83 = arith.constant 0 : i32
      %dma_wait3A_84 = tpu.memref_slice %arg13[%run_scoped3A_29, %dma_wait3A_83] : memref<4x80xi32, #tpu.memory_space<vmem>> -> memref<1x80xi32, #tpu.memory_space<vmem>>
      %dma_wait3A_85 = tpu.memref_squeeze %dma_wait3A_84 : memref<1x80xi32, #tpu.memory_space<vmem>> -> memref<80xi32, #tpu.memory_space<vmem>>
      %dma_wait3A_86 = tpu.memref_slice %arg5[%add3A_28] : memref<320160xi32, #tpu.memory_space<hbm>> -> memref<80xi32, #tpu.memory_space<hbm>>
      %dma_wait3A_87 = arith.constant 0 : i32
      %dma_wait3A_88 = tpu.memref_slice %arg13[%run_scoped3A_29, %dma_wait3A_87] : memref<4x80xi32, #tpu.memory_space<vmem>> -> memref<1x80xi32, #tpu.memory_space<vmem>>
      %dma_wait3A_89 = tpu.memref_squeeze %dma_wait3A_88 : memref<1x80xi32, #tpu.memory_space<vmem>> -> memref<80xi32, #tpu.memory_space<vmem>>
      %dma_wait3A_90 = tpu.memref_slice %arg5[%add3A_28] : memref<320160xi32, #tpu.memory_space<hbm>> -> memref<80xi32, #tpu.memory_space<hbm>>
      tpu.wait_dma2 semaphore(%run_scoped3A_74 : memref<!tpu.dma_semaphore, #tpu.memory_space<semaphore_mem>>) src(%dma_wait3A_90 : memref<80xi32, #tpu.memory_space<hbm>>) dst(%dma_wait3A_89 : memref<80xi32, #tpu.memory_space<vmem>>)
      tpu.yield
    }) : () -> ()
    %add3A_30 = arith.constant 80 : i32
    %add3A_31 = arith.addi %add3A_4, %add3A_30 : i32
    %run_scoped3A_32 = arith.constant 1 : i32
    "tpu.region"() ({
      %run_scoped3A_74 = tpu.sem_alloc : memref<!tpu.dma_semaphore, #tpu.memory_space<semaphore_mem>>
      %dma_start3A_75 = arith.constant 0 : i32
      %dma_start3A_76 = tpu.memref_slice %arg12[%run_scoped3A_32, %dma_start3A_75] : memref<4x80xi32, #tpu.memory_space<vmem>> -> memref<1x80xi32, #tpu.memory_space<vmem>>
      %dma_start3A_77 = tpu.memref_squeeze %dma_start3A_76 : memref<1x80xi32, #tpu.memory_space<vmem>> -> memref<80xi32, #tpu.memory_space<vmem>>
      %dma_start3A_78 = tpu.memref_slice %arg4[%add3A_31] : memref<320160xi32, #tpu.memory_space<hbm>> -> memref<80xi32, #tpu.memory_space<hbm>>
      %dma_start3A_79 = arith.constant 0 : i32
      %dma_start3A_80 = tpu.memref_slice %arg12[%run_scoped3A_32, %dma_start3A_79] : memref<4x80xi32, #tpu.memory_space<vmem>> -> memref<1x80xi32, #tpu.memory_space<vmem>>
      %dma_start3A_81 = tpu.memref_squeeze %dma_start3A_80 : memref<1x80xi32, #tpu.memory_space<vmem>> -> memref<80xi32, #tpu.memory_space<vmem>>
      %dma_start3A_82 = tpu.memref_slice %arg4[%add3A_31] : memref<320160xi32, #tpu.memory_space<hbm>> -> memref<80xi32, #tpu.memory_space<hbm>>
      tpu.enqueue_dma source(%dma_start3A_82 : memref<80xi32, #tpu.memory_space<hbm>>) target(%dma_start3A_81 : memref<80xi32, #tpu.memory_space<vmem>>) target_semaphore(%run_scoped3A_74 : memref<!tpu.dma_semaphore, #tpu.memory_space<semaphore_mem>>)
      %dma_wait3A_83 = arith.constant 0 : i32
      %dma_wait3A_84 = tpu.memref_slice %arg12[%run_scoped3A_32, %dma_wait3A_83] : memref<4x80xi32, #tpu.memory_space<vmem>> -> memref<1x80xi32, #tpu.memory_space<vmem>>
      %dma_wait3A_85 = tpu.memref_squeeze %dma_wait3A_84 : memref<1x80xi32, #tpu.memory_space<vmem>> -> memref<80xi32, #tpu.memory_space<vmem>>
      %dma_wait3A_86 = tpu.memref_slice %arg4[%add3A_31] : memref<320160xi32, #tpu.memory_space<hbm>> -> memref<80xi32, #tpu.memory_space<hbm>>
      %dma_wait3A_87 = arith.constant 0 : i32
      %dma_wait3A_88 = tpu.memref_slice %arg12[%run_scoped3A_32, %dma_wait3A_87] : memref<4x80xi32, #tpu.memory_space<vmem>> -> memref<1x80xi32, #tpu.memory_space<vmem>>
      %dma_wait3A_89 = tpu.memref_squeeze %dma_wait3A_88 : memref<1x80xi32, #tpu.memory_space<vmem>> -> memref<80xi32, #tpu.memory_space<vmem>>
      %dma_wait3A_90 = tpu.memref_slice %arg4[%add3A_31] : memref<320160xi32, #tpu.memory_space<hbm>> -> memref<80xi32, #tpu.memory_space<hbm>>
      tpu.wait_dma2 semaphore(%run_scoped3A_74 : memref<!tpu.dma_semaphore, #tpu.memory_space<semaphore_mem>>) src(%dma_wait3A_90 : memref<80xi32, #tpu.memory_space<hbm>>) dst(%dma_wait3A_89 : memref<80xi32, #tpu.memory_space<vmem>>)
      tpu.yield
    }) : () -> ()
    %run_scoped3A_33 = arith.constant 1 : i32
    "tpu.region"() ({
      %run_scoped3A_74 = tpu.sem_alloc : memref<!tpu.dma_semaphore, #tpu.memory_space<semaphore_mem>>
      %dma_start3A_75 = arith.constant 0 : i32
      %dma_start3A_76 = tpu.memref_slice %arg13[%run_scoped3A_33, %dma_start3A_75] : memref<4x80xi32, #tpu.memory_space<vmem>> -> memref<1x80xi32, #tpu.memory_space<vmem>>
      %dma_start3A_77 = tpu.memref_squeeze %dma_start3A_76 : memref<1x80xi32, #tpu.memory_space<vmem>> -> memref<80xi32, #tpu.memory_space<vmem>>
      %dma_start3A_78 = tpu.memref_slice %arg5[%add3A_31] : memref<320160xi32, #tpu.memory_space<hbm>> -> memref<80xi32, #tpu.memory_space<hbm>>
      %dma_start3A_79 = arith.constant 0 : i32
      %dma_start3A_80 = tpu.memref_slice %arg13[%run_scoped3A_33, %dma_start3A_79] : memref<4x80xi32, #tpu.memory_space<vmem>> -> memref<1x80xi32, #tpu.memory_space<vmem>>
      %dma_start3A_81 = tpu.memref_squeeze %dma_start3A_80 : memref<1x80xi32, #tpu.memory_space<vmem>> -> memref<80xi32, #tpu.memory_space<vmem>>
      %dma_start3A_82 = tpu.memref_slice %arg5[%add3A_31] : memref<320160xi32, #tpu.memory_space<hbm>> -> memref<80xi32, #tpu.memory_space<hbm>>
      tpu.enqueue_dma source(%dma_start3A_82 : memref<80xi32, #tpu.memory_space<hbm>>) target(%dma_start3A_81 : memref<80xi32, #tpu.memory_space<vmem>>) target_semaphore(%run_scoped3A_74 : memref<!tpu.dma_semaphore, #tpu.memory_space<semaphore_mem>>)
      %dma_wait3A_83 = arith.constant 0 : i32
      %dma_wait3A_84 = tpu.memref_slice %arg13[%run_scoped3A_33, %dma_wait3A_83] : memref<4x80xi32, #tpu.memory_space<vmem>> -> memref<1x80xi32, #tpu.memory_space<vmem>>
      %dma_wait3A_85 = tpu.memref_squeeze %dma_wait3A_84 : memref<1x80xi32, #tpu.memory_space<vmem>> -> memref<80xi32, #tpu.memory_space<vmem>>
      %dma_wait3A_86 = tpu.memref_slice %arg5[%add3A_31] : memref<320160xi32, #tpu.memory_space<hbm>> -> memref<80xi32, #tpu.memory_space<hbm>>
      %dma_wait3A_87 = arith.constant 0 : i32
      %dma_wait3A_88 = tpu.memref_slice %arg13[%run_scoped3A_33, %dma_wait3A_87] : memref<4x80xi32, #tpu.memory_space<vmem>> -> memref<1x80xi32, #tpu.memory_space<vmem>>
      %dma_wait3A_89 = tpu.memref_squeeze %dma_wait3A_88 : memref<1x80xi32, #tpu.memory_space<vmem>> -> memref<80xi32, #tpu.memory_space<vmem>>
      %dma_wait3A_90 = tpu.memref_slice %arg5[%add3A_31] : memref<320160xi32, #tpu.memory_space<hbm>> -> memref<80xi32, #tpu.memory_space<hbm>>
      tpu.wait_dma2 semaphore(%run_scoped3A_74 : memref<!tpu.dma_semaphore, #tpu.memory_space<semaphore_mem>>) src(%dma_wait3A_90 : memref<80xi32, #tpu.memory_space<hbm>>) dst(%dma_wait3A_89 : memref<80xi32, #tpu.memory_space<vmem>>)
      tpu.yield
    }) : () -> ()
    %add3A_34 = arith.constant 0 : i32
    %add3A_35 = arith.addi %mul3A_2, %add3A_34 : i32
    %dma_start3A = arith.constant 0 : i32
    %dma_start3A_36 = tpu.memref_slice %arg3[%add3A_35, %dma_start3A] : memref<128000x128xf32, #tpu.memory_space<hbm>> -> memref<80x128xf32, #tpu.memory_space<hbm>>
    %dma_start3A_37 = arith.constant 0 : i32
    %dma_start3A_38 = tpu.memref_slice %arg3[%add3A_35, %dma_start3A_37] : memref<128000x128xf32, #tpu.memory_space<hbm>> -> memref<80x128xf32, #tpu.memory_space<hbm>>
    tpu.enqueue_dma source(%dma_start3A_38 : memref<80x128xf32, #tpu.memory_space<hbm>>) target(%arg8 : memref<80x128xf32, #tpu.memory_space<vmem>>) target_semaphore(%arg14 : memref<!tpu.dma_semaphore, #tpu.memory_space<semaphore_mem>>)
    %dma_start3A_39 = arith.constant 0 : i32
    %dma_start3A_40 = arith.constant 0 : i32
    %dma_start3A_41 = tpu.memref_slice %arg12[%dma_start3A_39, %dma_start3A_40] : memref<4x80xi32, #tpu.memory_space<vmem>> -> memref<1x80xi32, #tpu.memory_space<vmem>>
    %dma_start3A_42 = tpu.memref_squeeze %dma_start3A_41 : memref<1x80xi32, #tpu.memory_space<vmem>> -> memref<80xi32, #tpu.memory_space<vmem>>
    %dma_start3A_43 = arith.constant 0 : i32
    %dma_start3A_44 = arith.constant 0 : i32
    %dma_start3A_45 = tpu.memref_slice %arg2[%dma_start3A_43, %dma_start3A_44] : memref<10000x128xf32, #tpu.memory_space<hbm>> -> memref<10000x128xf32, #tpu.memory_space<hbm>>
    tpu.enqueue_indirect_dma source(%dma_start3A_45 : memref<10000x128xf32, #tpu.memory_space<hbm>>) target(%arg10 : memref<80x128xf32, #tpu.memory_space<vmem>>) offsets(%dma_start3A_42 : memref<80xi32, #tpu.memory_space<vmem>>) semaphore(%arg16 : memref<!tpu.dma_semaphore, #tpu.memory_space<semaphore_mem>>)
    %scan3A_46 = arith.constant 0 : i32
    %scan3A_47 = arith.constant 25 : i32
    %scan3A_48 = arith.addi %scan3A_46, %scan3A_47 : i32
    %scan3A_49 = arith.constant 1 : i32
    scf.for %scan3A_74 = %scan3A_46 to %scan3A_48 step %scan3A_49  : i32 {
      %mul3A_75 = arith.constant 1 : i32
      %mul3A_76 = arith.muli %scan3A_74, %mul3A_75 : i32
      %add3A_77 = arith.constant 0 : i32
      %add3A_78 = arith.addi %add3A_77, %mul3A_76 : i32
      %mul3A_79 = arith.constant 2 : i32
      %mul3A_80 = arith.muli %mul3A_79, %add3A_78 : i32
      %mul3A_81 = arith.constant 80 : i32
      %mul3A_82 = arith.muli %mul3A_80, %mul3A_81 : i32
      %add3A_83 = arith.addi %mul3A_2, %mul3A_82 : i32
      %dma_wait3A_84 = arith.constant 0 : i32
      %dma_wait3A_85 = tpu.memref_slice %arg3[%add3A_83, %dma_wait3A_84] : memref<128000x128xf32, #tpu.memory_space<hbm>> -> memref<80x128xf32, #tpu.memory_space<hbm>>
      %dma_wait3A_86 = arith.constant 0 : i32
      %dma_wait3A_87 = tpu.memref_slice %arg3[%add3A_83, %dma_wait3A_86] : memref<128000x128xf32, #tpu.memory_space<hbm>> -> memref<80x128xf32, #tpu.memory_space<hbm>>
      tpu.wait_dma2 semaphore(%arg14 : memref<!tpu.dma_semaphore, #tpu.memory_space<semaphore_mem>>) src(%dma_wait3A_87 : memref<80x128xf32, #tpu.memory_space<hbm>>) dst(%arg8 : memref<80x128xf32, #tpu.memory_space<vmem>>)
      %jit3A = arith.constant 4 : i32
      %eq3A = arith.constant 0 : i32
      %eq3A_88 = arith.cmpi eq, %jit3A, %eq3A : i32
      %jit3A_89 = arith.constant 1 : i32
      %select_n3A = arith.select %eq3A_88, %jit3A_89, %jit3A : i32
      %rem3A = arith.remsi %mul3A_80, %select_n3A : i32
      %ne3A = arith.constant 0 : i32
      %ne3A_90 = arith.cmpi ne, %rem3A, %ne3A : i32
      %lt3A = arith.constant 0 : i32
      %lt3A_91 = arith.cmpi slt, %rem3A, %lt3A : i32
      %lt3A_92 = arith.constant 0 : i32
      %lt3A_93 = arith.cmpi slt, %select_n3A, %lt3A_92 : i32
      %ne3A_94 = arith.xori %lt3A_91, %lt3A_93 : i1
      %and3A = arith.andi %ne3A_94, %ne3A_90 : i1
      %add3A_95 = arith.addi %rem3A, %select_n3A : i32
      %select_n3A_96 = arith.select %and3A, %add3A_95, %rem3A : i32
      %dma_wait3A_97 = arith.constant 0 : i32
      %dma_wait3A_98 = tpu.memref_slice %arg12[%select_n3A_96, %dma_wait3A_97] : memref<4x80xi32, #tpu.memory_space<vmem>> -> memref<1x80xi32, #tpu.memory_space<vmem>>
      %dma_wait3A_99 = tpu.memref_squeeze %dma_wait3A_98 : memref<1x80xi32, #tpu.memory_space<vmem>> -> memref<80xi32, #tpu.memory_space<vmem>>
      %dma_wait3A_100 = arith.constant 0 : i32
      %dma_wait3A_101 = arith.constant 0 : i32
      %dma_wait3A_102 = tpu.memref_slice %arg2[%dma_wait3A_100, %dma_wait3A_101] : memref<10000x128xf32, #tpu.memory_space<hbm>> -> memref<10000x128xf32, #tpu.memory_space<hbm>>
      tpu.wait_indirect_dma semaphore(%arg16 : memref<!tpu.dma_semaphore, #tpu.memory_space<semaphore_mem>>) src(%dma_wait3A_102 : memref<10000x128xf32, #tpu.memory_space<hbm>>) dst(%arg10 : memref<80x128xf32, #tpu.memory_space<vmem>>)
      %gt3A = arith.constant 0 : i32
      %gt3A_103 = arith.cmpi sgt, %add3A_78, %gt3A : i32
      %convert_element_type3A = arith.extui %gt3A_103 : i1 to i32
      %cond3A = arith.constant 0 : i32
      %cond3A_104 = arith.cmpi ne, %convert_element_type3A, %cond3A : i32
      scf.if %cond3A_104 {
        %sub3A = arith.constant 1 : i32
        %sub3A_400 = arith.subi %mul3A_80, %sub3A : i32
        %jit3A_401 = arith.constant 4 : i32
        %eq3A_402 = arith.constant 0 : i32
        %eq3A_403 = arith.cmpi eq, %jit3A_401, %eq3A_402 : i32
        %jit3A_404 = arith.constant 1 : i32
        %select_n3A_405 = arith.select %eq3A_403, %jit3A_404, %jit3A_401 : i32
        %rem3A_406 = arith.remsi %sub3A_400, %select_n3A_405 : i32
        %ne3A_407 = arith.constant 0 : i32
        %ne3A_408 = arith.cmpi ne, %rem3A_406, %ne3A_407 : i32
        %lt3A_409 = arith.constant 0 : i32
        %lt3A_410 = arith.cmpi slt, %rem3A_406, %lt3A_409 : i32
        %lt3A_411 = arith.constant 0 : i32
        %lt3A_412 = arith.cmpi slt, %select_n3A_405, %lt3A_411 : i32
        %ne3A_413 = arith.xori %lt3A_410, %lt3A_412 : i1
        %and3A_414 = arith.andi %ne3A_413, %ne3A_408 : i1
        %add3A_415 = arith.addi %rem3A_406, %select_n3A_405 : i32
        %select_n3A_416 = arith.select %and3A_414, %add3A_415, %rem3A_406 : i32
        %dma_wait3A_417 = arith.constant 0 : i32
        %dma_wait3A_418 = tpu.memref_slice %arg13[%select_n3A_416, %dma_wait3A_417] : memref<4x80xi32, #tpu.memory_space<vmem>> -> memref<1x80xi32, #tpu.memory_space<vmem>>
        %dma_wait3A_419 = tpu.memref_squeeze %dma_wait3A_418 : memref<1x80xi32, #tpu.memory_space<vmem>> -> memref<80xi32, #tpu.memory_space<vmem>>
        %dma_wait3A_420 = arith.constant 0 : i32
        %dma_wait3A_421 = arith.constant 0 : i32
        %dma_wait3A_422 = tpu.memref_slice %arg7[%dma_wait3A_420, %dma_wait3A_421] : memref<10240x128xf32, #tpu.memory_space<vmem_shared>> -> memref<10240x128xf32, #tpu.memory_space<vmem_shared>>
        tpu.wait_indirect_dma semaphore(%arg19 : memref<!tpu.dma_semaphore, #tpu.memory_space<semaphore_mem>>) src(%arg9 : memref<80x128xf32, #tpu.memory_space<vmem>>) dst(%dma_wait3A_422 : memref<10240x128xf32, #tpu.memory_space<vmem_shared>>)
      } else {
      }
      %add3A_105 = arith.constant 1 : i32
      %add3A_106 = arith.addi %add3A_78, %add3A_105 : i32
      %jit3A_107 = arith.constant 2 : i32
      %eq3A_108 = arith.constant 0 : i32
      %eq3A_109 = arith.cmpi eq, %jit3A_107, %eq3A_108 : i32
      %jit3A_110 = arith.constant 1 : i32
      %select_n3A_111 = arith.select %eq3A_109, %jit3A_110, %jit3A_107 : i32
      %rem3A_112 = arith.remsi %add3A_106, %select_n3A_111 : i32
      %ne3A_113 = arith.constant 0 : i32
      %ne3A_114 = arith.cmpi ne, %rem3A_112, %ne3A_113 : i32
      %lt3A_115 = arith.constant 0 : i32
      %lt3A_116 = arith.cmpi slt, %rem3A_112, %lt3A_115 : i32
      %lt3A_117 = arith.constant 0 : i32
      %lt3A_118 = arith.cmpi slt, %select_n3A_111, %lt3A_117 : i32
      %ne3A_119 = arith.xori %lt3A_116, %lt3A_118 : i1
      %and3A_120 = arith.andi %ne3A_119, %ne3A_114 : i1
      %add3A_121 = arith.addi %rem3A_112, %select_n3A_111 : i32
      %select_n3A_122 = arith.select %and3A_120, %add3A_121, %rem3A_112 : i32
      %mul3A_123 = arith.constant 2 : i32
      %mul3A_124 = arith.muli %mul3A_123, %select_n3A_122 : i32
      %mul3A_125 = arith.constant 2 : i32
      %mul3A_126 = arith.muli %mul3A_125, %add3A_106 : i32
      %add3A_127 = arith.constant 0 : i32
      %add3A_128 = arith.addi %mul3A_126, %add3A_127 : i32
      %mul3A_129 = arith.constant 80 : i32
      %mul3A_130 = arith.muli %add3A_128, %mul3A_129 : i32
      %add3A_131 = arith.addi %add3A_4, %mul3A_130 : i32
      %add3A_132 = arith.constant 0 : i32
      %add3A_133 = arith.addi %mul3A_124, %add3A_132 : i32
      %dma_start3A_134 = arith.constant 0 : i32
      %dma_start3A_135 = tpu.memref_slice %arg12[%add3A_133, %dma_start3A_134] : memref<4x80xi32, #tpu.memory_space<vmem>> -> memref<1x80xi32, #tpu.memory_space<vmem>>
      %dma_start3A_136 = tpu.memref_squeeze %dma_start3A_135 : memref<1x80xi32, #tpu.memory_space<vmem>> -> memref<80xi32, #tpu.memory_space<vmem>>
      %dma_start3A_137 = tpu.memref_slice %arg4[%add3A_131] : memref<320160xi32, #tpu.memory_space<hbm>> -> memref<80xi32, #tpu.memory_space<hbm>>
      %dma_start3A_138 = arith.constant 0 : i32
      %dma_start3A_139 = tpu.memref_slice %arg12[%add3A_133, %dma_start3A_138] : memref<4x80xi32, #tpu.memory_space<vmem>> -> memref<1x80xi32, #tpu.memory_space<vmem>>
      %dma_start3A_140 = tpu.memref_squeeze %dma_start3A_139 : memref<1x80xi32, #tpu.memory_space<vmem>> -> memref<80xi32, #tpu.memory_space<vmem>>
      %dma_start3A_141 = tpu.memref_slice %arg4[%add3A_131] : memref<320160xi32, #tpu.memory_space<hbm>> -> memref<80xi32, #tpu.memory_space<hbm>>
      tpu.enqueue_dma source(%dma_start3A_141 : memref<80xi32, #tpu.memory_space<hbm>>) target(%dma_start3A_140 : memref<80xi32, #tpu.memory_space<vmem>>) target_semaphore(%arg20 : memref<!tpu.dma_semaphore, #tpu.memory_space<semaphore_mem>>)
      %add3A_142 = arith.constant 0 : i32
      %add3A_143 = arith.addi %mul3A_124, %add3A_142 : i32
      %dma_start3A_144 = arith.constant 0 : i32
      %dma_start3A_145 = tpu.memref_slice %arg13[%add3A_143, %dma_start3A_144] : memref<4x80xi32, #tpu.memory_space<vmem>> -> memref<1x80xi32, #tpu.memory_space<vmem>>
      %dma_start3A_146 = tpu.memref_squeeze %dma_start3A_145 : memref<1x80xi32, #tpu.memory_space<vmem>> -> memref<80xi32, #tpu.memory_space<vmem>>
      %dma_start3A_147 = tpu.memref_slice %arg5[%add3A_131] : memref<320160xi32, #tpu.memory_space<hbm>> -> memref<80xi32, #tpu.memory_space<hbm>>
      %dma_start3A_148 = arith.constant 0 : i32
      %dma_start3A_149 = tpu.memref_slice %arg13[%add3A_143, %dma_start3A_148] : memref<4x80xi32, #tpu.memory_space<vmem>> -> memref<1x80xi32, #tpu.memory_space<vmem>>
      %dma_start3A_150 = tpu.memref_squeeze %dma_start3A_149 : memref<1x80xi32, #tpu.memory_space<vmem>> -> memref<80xi32, #tpu.memory_space<vmem>>
      %dma_start3A_151 = tpu.memref_slice %arg5[%add3A_131] : memref<320160xi32, #tpu.memory_space<hbm>> -> memref<80xi32, #tpu.memory_space<hbm>>
      tpu.enqueue_dma source(%dma_start3A_151 : memref<80xi32, #tpu.memory_space<hbm>>) target(%dma_start3A_150 : memref<80xi32, #tpu.memory_space<vmem>>) target_semaphore(%arg20 : memref<!tpu.dma_semaphore, #tpu.memory_space<semaphore_mem>>)
      %mul3A_152 = arith.constant 2 : i32
      %mul3A_153 = arith.muli %mul3A_152, %add3A_106 : i32
      %add3A_154 = arith.constant 1 : i32
      %add3A_155 = arith.addi %mul3A_153, %add3A_154 : i32
      %mul3A_156 = arith.constant 80 : i32
      %mul3A_157 = arith.muli %add3A_155, %mul3A_156 : i32
      %add3A_158 = arith.addi %add3A_4, %mul3A_157 : i32
      %add3A_159 = arith.constant 1 : i32
      %add3A_160 = arith.addi %mul3A_124, %add3A_159 : i32
      %dma_start3A_161 = arith.constant 0 : i32
      %dma_start3A_162 = tpu.memref_slice %arg12[%add3A_160, %dma_start3A_161] : memref<4x80xi32, #tpu.memory_space<vmem>> -> memref<1x80xi32, #tpu.memory_space<vmem>>
      %dma_start3A_163 = tpu.memref_squeeze %dma_start3A_162 : memref<1x80xi32, #tpu.memory_space<vmem>> -> memref<80xi32, #tpu.memory_space<vmem>>
      %dma_start3A_164 = tpu.memref_slice %arg4[%add3A_158] : memref<320160xi32, #tpu.memory_space<hbm>> -> memref<80xi32, #tpu.memory_space<hbm>>
      %dma_start3A_165 = arith.constant 0 : i32
      %dma_start3A_166 = tpu.memref_slice %arg12[%add3A_160, %dma_start3A_165] : memref<4x80xi32, #tpu.memory_space<vmem>> -> memref<1x80xi32, #tpu.memory_space<vmem>>
      %dma_start3A_167 = tpu.memref_squeeze %dma_start3A_166 : memref<1x80xi32, #tpu.memory_space<vmem>> -> memref<80xi32, #tpu.memory_space<vmem>>
      %dma_start3A_168 = tpu.memref_slice %arg4[%add3A_158] : memref<320160xi32, #tpu.memory_space<hbm>> -> memref<80xi32, #tpu.memory_space<hbm>>
      tpu.enqueue_dma source(%dma_start3A_168 : memref<80xi32, #tpu.memory_space<hbm>>) target(%dma_start3A_167 : memref<80xi32, #tpu.memory_space<vmem>>) target_semaphore(%arg20 : memref<!tpu.dma_semaphore, #tpu.memory_space<semaphore_mem>>)
      %add3A_169 = arith.constant 1 : i32
      %add3A_170 = arith.addi %mul3A_124, %add3A_169 : i32
      %dma_start3A_171 = arith.constant 0 : i32
      %dma_start3A_172 = tpu.memref_slice %arg13[%add3A_170, %dma_start3A_171] : memref<4x80xi32, #tpu.memory_space<vmem>> -> memref<1x80xi32, #tpu.memory_space<vmem>>
      %dma_start3A_173 = tpu.memref_squeeze %dma_start3A_172 : memref<1x80xi32, #tpu.memory_space<vmem>> -> memref<80xi32, #tpu.memory_space<vmem>>
      %dma_start3A_174 = tpu.memref_slice %arg5[%add3A_158] : memref<320160xi32, #tpu.memory_space<hbm>> -> memref<80xi32, #tpu.memory_space<hbm>>
      %dma_start3A_175 = arith.constant 0 : i32
      %dma_start3A_176 = tpu.memref_slice %arg13[%add3A_170, %dma_start3A_175] : memref<4x80xi32, #tpu.memory_space<vmem>> -> memref<1x80xi32, #tpu.memory_space<vmem>>
      %dma_start3A_177 = tpu.memref_squeeze %dma_start3A_176 : memref<1x80xi32, #tpu.memory_space<vmem>> -> memref<80xi32, #tpu.memory_space<vmem>>
      %dma_start3A_178 = tpu.memref_slice %arg5[%add3A_158] : memref<320160xi32, #tpu.memory_space<hbm>> -> memref<80xi32, #tpu.memory_space<hbm>>
      tpu.enqueue_dma source(%dma_start3A_178 : memref<80xi32, #tpu.memory_space<hbm>>) target(%dma_start3A_177 : memref<80xi32, #tpu.memory_space<vmem>>) target_semaphore(%arg20 : memref<!tpu.dma_semaphore, #tpu.memory_space<semaphore_mem>>)
      %add3A_179 = arith.constant 1 : i32
      %add3A_180 = arith.addi %mul3A_80, %add3A_179 : i32
      %mul3A_181 = arith.constant 80 : i32
      %mul3A_182 = arith.muli %add3A_180, %mul3A_181 : i32
      %add3A_183 = arith.addi %mul3A_2, %mul3A_182 : i32
      %dma_start3A_184 = arith.constant 0 : i32
      %dma_start3A_185 = tpu.memref_slice %arg3[%add3A_183, %dma_start3A_184] : memref<128000x128xf32, #tpu.memory_space<hbm>> -> memref<80x128xf32, #tpu.memory_space<hbm>>
      %dma_start3A_186 = arith.constant 0 : i32
      %dma_start3A_187 = tpu.memref_slice %arg3[%add3A_183, %dma_start3A_186] : memref<128000x128xf32, #tpu.memory_space<hbm>> -> memref<80x128xf32, #tpu.memory_space<hbm>>
      tpu.enqueue_dma source(%dma_start3A_187 : memref<80x128xf32, #tpu.memory_space<hbm>>) target(%arg9 : memref<80x128xf32, #tpu.memory_space<vmem>>) target_semaphore(%arg15 : memref<!tpu.dma_semaphore, #tpu.memory_space<semaphore_mem>>)
      %jit3A_188 = arith.constant 4 : i32
      %eq3A_189 = arith.constant 0 : i32
      %eq3A_190 = arith.cmpi eq, %jit3A_188, %eq3A_189 : i32
      %jit3A_191 = arith.constant 1 : i32
      %select_n3A_192 = arith.select %eq3A_190, %jit3A_191, %jit3A_188 : i32
      %rem3A_193 = arith.remsi %add3A_180, %select_n3A_192 : i32
      %ne3A_194 = arith.constant 0 : i32
      %ne3A_195 = arith.cmpi ne, %rem3A_193, %ne3A_194 : i32
      %lt3A_196 = arith.constant 0 : i32
      %lt3A_197 = arith.cmpi slt, %rem3A_193, %lt3A_196 : i32
      %lt3A_198 = arith.constant 0 : i32
      %lt3A_199 = arith.cmpi slt, %select_n3A_192, %lt3A_198 : i32
      %ne3A_200 = arith.xori %lt3A_197, %lt3A_199 : i1
      %and3A_201 = arith.andi %ne3A_200, %ne3A_195 : i1
      %add3A_202 = arith.addi %rem3A_193, %select_n3A_192 : i32
      %select_n3A_203 = arith.select %and3A_201, %add3A_202, %rem3A_193 : i32
      %dma_start3A_204 = arith.constant 0 : i32
      %dma_start3A_205 = tpu.memref_slice %arg12[%select_n3A_203, %dma_start3A_204] : memref<4x80xi32, #tpu.memory_space<vmem>> -> memref<1x80xi32, #tpu.memory_space<vmem>>
      %dma_start3A_206 = tpu.memref_squeeze %dma_start3A_205 : memref<1x80xi32, #tpu.memory_space<vmem>> -> memref<80xi32, #tpu.memory_space<vmem>>
      %dma_start3A_207 = arith.constant 0 : i32
      %dma_start3A_208 = arith.constant 0 : i32
      %dma_start3A_209 = tpu.memref_slice %arg2[%dma_start3A_207, %dma_start3A_208] : memref<10000x128xf32, #tpu.memory_space<hbm>> -> memref<10000x128xf32, #tpu.memory_space<hbm>>
      tpu.enqueue_indirect_dma source(%dma_start3A_209 : memref<10000x128xf32, #tpu.memory_space<hbm>>) target(%arg11 : memref<80x128xf32, #tpu.memory_space<vmem>>) offsets(%dma_start3A_206 : memref<80xi32, #tpu.memory_space<vmem>>) semaphore(%arg17 : memref<!tpu.dma_semaphore, #tpu.memory_space<semaphore_mem>>)
      %scan3A_210 = arith.constant 0 : i32
      %scan3A_211 = arith.constant 40 : i32
      %scan3A_212 = arith.addi %scan3A_210, %scan3A_211 : i32
      %scan3A_213 = arith.constant 1 : i32
      scf.for %scan3A_400 = %scan3A_210 to %scan3A_212 step %scan3A_213  : i32 {
        %mul3A_401 = arith.constant 2 : i32
        %mul3A_402 = arith.muli %scan3A_400, %mul3A_401 : i32
        %add3A_403 = arith.constant 0 : i32
        %add3A_404 = arith.addi %add3A_403, %mul3A_402 : i32
        %add3A_405 = arith.constant 0 : i32
        %add3A_406 = arith.addi %add3A_404, %add3A_405 : i32
        %get3A = arith.index_cast %add3A_406 : i32 to index
        %get3A_407 = arith.constant 0 : index
        %get3A_408 = tpu.vector_load %arg8[%get3A, %get3A_407] {strides = array<i32>} : memref<80x128xf32, #tpu.memory_space<vmem>>, vector<1x16xf32>,
        %get3A_409 = vector.shape_cast %get3A_408 : vector<1x16xf32> to vector<16xf32>
        %add3A_410 = arith.constant 0 : i32
        %add3A_411 = arith.addi %add3A_404, %add3A_410 : i32
        %get3A_412 = arith.index_cast %add3A_411 : i32 to index
        %get3A_413 = arith.constant 0 : index
        %get3A_414 = tpu.vector_load %arg10[%get3A_412, %get3A_413] {strides = array<i32>} : memref<80x128xf32, #tpu.memory_space<vmem>>, vector<1x16xf32>,
        %get3A_415 = vector.shape_cast %get3A_414 : vector<1x16xf32> to vector<16xf32>
        %add3A_416 = arith.addf %get3A_409, %get3A_415 : vector<16xf32>
        %max3A = arith.constant 0.000000e+00 : f32
        %max3A_417 = vector.broadcast %max3A : f32 to vector<16xf32>
        %max3A_418 = arith.maximumf %add3A_416, %max3A_417 : vector<16xf32>
        %add3A_419 = arith.constant 0 : i32
        %add3A_420 = arith.addi %add3A_404, %add3A_419 : i32
        %swap3A = arith.index_cast %add3A_420 : i32 to index
        %swap3A_421 = arith.constant 0 : index
        %swap3A_422 = tpu.vector_load %arg8[%swap3A, %swap3A_421] {strides = array<i32>} : memref<80x128xf32, #tpu.memory_space<vmem>>, vector<1x16xf32>,
        %swap3A_423 = vector.shape_cast %swap3A_422 : vector<1x16xf32> to vector<16xf32>
        %swap3A_424 = vector.shape_cast %max3A_418 : vector<16xf32> to vector<1x16xf32>
        tpu.vector_store %arg8[%swap3A, %swap3A_421], %swap3A_424 {strides = array<i32>} : memref<80x128xf32, #tpu.memory_space<vmem>>, vector<1x16xf32>,
        %add3A_425 = arith.constant 0 : i32
        %add3A_426 = arith.addi %add3A_404, %add3A_425 : i32
        %get3A_427 = arith.index_cast %add3A_426 : i32 to index
        %get3A_428 = arith.constant 16 : index
        %get3A_429 = tpu.vector_load %arg8[%get3A_427, %get3A_428] {strides = array<i32>} : memref<80x128xf32, #tpu.memory_space<vmem>>, vector<1x16xf32>,
        %get3A_430 = vector.shape_cast %get3A_429 : vector<1x16xf32> to vector<16xf32>
        %add3A_431 = arith.constant 0 : i32
        %add3A_432 = arith.addi %add3A_404, %add3A_431 : i32
        %get3A_433 = arith.index_cast %add3A_432 : i32 to index
        %get3A_434 = arith.constant 16 : index
        %get3A_435 = tpu.vector_load %arg10[%get3A_433, %get3A_434] {strides = array<i32>} : memref<80x128xf32, #tpu.memory_space<vmem>>, vector<1x16xf32>,
        %get3A_436 = vector.shape_cast %get3A_435 : vector<1x16xf32> to vector<16xf32>
        %add3A_437 = arith.addf %get3A_430, %get3A_436 : vector<16xf32>
        %max3A_438 = arith.constant 0.000000e+00 : f32
        %max3A_439 = vector.broadcast %max3A_438 : f32 to vector<16xf32>
        %max3A_440 = arith.maximumf %add3A_437, %max3A_439 : vector<16xf32>
        %add3A_441 = arith.constant 0 : i32
        %add3A_442 = arith.addi %add3A_404, %add3A_441 : i32
        %swap3A_443 = arith.index_cast %add3A_442 : i32 to index
        %swap3A_444 = arith.constant 16 : index
        %swap3A_445 = tpu.vector_load %arg8[%swap3A_443, %swap3A_444] {strides = array<i32>} : memref<80x128xf32, #tpu.memory_space<vmem>>, vector<1x16xf32>,
        %swap3A_446 = vector.shape_cast %swap3A_445 : vector<1x16xf32> to vector<16xf32>
        %swap3A_447 = vector.shape_cast %max3A_440 : vector<16xf32> to vector<1x16xf32>
        tpu.vector_store %arg8[%swap3A_443, %swap3A_444], %swap3A_447 {strides = array<i32>} : memref<80x128xf32, #tpu.memory_space<vmem>>, vector<1x16xf32>,
        %add3A_448 = arith.constant 0 : i32
        %add3A_449 = arith.addi %add3A_404, %add3A_448 : i32
        %get3A_450 = arith.index_cast %add3A_449 : i32 to index
        %get3A_451 = arith.constant 32 : index
        %get3A_452 = tpu.vector_load %arg8[%get3A_450, %get3A_451] {strides = array<i32>} : memref<80x128xf32, #tpu.memory_space<vmem>>, vector<1x16xf32>,
        %get3A_453 = vector.shape_cast %get3A_452 : vector<1x16xf32> to vector<16xf32>
        %add3A_454 = arith.constant 0 : i32
        %add3A_455 = arith.addi %add3A_404, %add3A_454 : i32
        %get3A_456 = arith.index_cast %add3A_455 : i32 to index
        %get3A_457 = arith.constant 32 : index
        %get3A_458 = tpu.vector_load %arg10[%get3A_456, %get3A_457] {strides = array<i32>} : memref<80x128xf32, #tpu.memory_space<vmem>>, vector<1x16xf32>,
        %get3A_459 = vector.shape_cast %get3A_458 : vector<1x16xf32> to vector<16xf32>
        %add3A_460 = arith.addf %get3A_453, %get3A_459 : vector<16xf32>
        %max3A_461 = arith.constant 0.000000e+00 : f32
        %max3A_462 = vector.broadcast %max3A_461 : f32 to vector<16xf32>
        %max3A_463 = arith.maximumf %add3A_460, %max3A_462 : vector<16xf32>
        %add3A_464 = arith.constant 0 : i32
        %add3A_465 = arith.addi %add3A_404, %add3A_464 : i32
        %swap3A_466 = arith.index_cast %add3A_465 : i32 to index
        %swap3A_467 = arith.constant 32 : index
        %swap3A_468 = tpu.vector_load %arg8[%swap3A_466, %swap3A_467] {strides = array<i32>} : memref<80x128xf32, #tpu.memory_space<vmem>>, vector<1x16xf32>,
        %swap3A_469 = vector.shape_cast %swap3A_468 : vector<1x16xf32> to vector<16xf32>
        %swap3A_470 = vector.shape_cast %max3A_463 : vector<16xf32> to vector<1x16xf32>
        tpu.vector_store %arg8[%swap3A_466, %swap3A_467], %swap3A_470 {strides = array<i32>} : memref<80x128xf32, #tpu.memory_space<vmem>>, vector<1x16xf32>,
        %add3A_471 = arith.constant 0 : i32
        %add3A_472 = arith.addi %add3A_404, %add3A_471 : i32
        %get3A_473 = arith.index_cast %add3A_472 : i32 to index
        %get3A_474 = arith.constant 48 : index
        %get3A_475 = tpu.vector_load %arg8[%get3A_473, %get3A_474] {strides = array<i32>} : memref<80x128xf32, #tpu.memory_space<vmem>>, vector<1x16xf32>,
        %get3A_476 = vector.shape_cast %get3A_475 : vector<1x16xf32> to vector<16xf32>
        %add3A_477 = arith.constant 0 : i32
        %add3A_478 = arith.addi %add3A_404, %add3A_477 : i32
        %get3A_479 = arith.index_cast %add3A_478 : i32 to index
        %get3A_480 = arith.constant 48 : index
        %get3A_481 = tpu.vector_load %arg10[%get3A_479, %get3A_480] {strides = array<i32>} : memref<80x128xf32, #tpu.memory_space<vmem>>, vector<1x16xf32>,
        %get3A_482 = vector.shape_cast %get3A_481 : vector<1x16xf32> to vector<16xf32>
        %add3A_483 = arith.addf %get3A_476, %get3A_482 : vector<16xf32>
        %max3A_484 = arith.constant 0.000000e+00 : f32
        %max3A_485 = vector.broadcast %max3A_484 : f32 to vector<16xf32>
        %max3A_486 = arith.maximumf %add3A_483, %max3A_485 : vector<16xf32>
        %add3A_487 = arith.constant 0 : i32
        %add3A_488 = arith.addi %add3A_404, %add3A_487 : i32
        %swap3A_489 = arith.index_cast %add3A_488 : i32 to index
        %swap3A_490 = arith.constant 48 : index
        %swap3A_491 = tpu.vector_load %arg8[%swap3A_489, %swap3A_490] {strides = array<i32>} : memref<80x128xf32, #tpu.memory_space<vmem>>, vector<1x16xf32>,
        %swap3A_492 = vector.shape_cast %swap3A_491 : vector<1x16xf32> to vector<16xf32>
        %swap3A_493 = vector.shape_cast %max3A_486 : vector<16xf32> to vector<1x16xf32>
        tpu.vector_store %arg8[%swap3A_489, %swap3A_490], %swap3A_493 {strides = array<i32>} : memref<80x128xf32, #tpu.memory_space<vmem>>, vector<1x16xf32>,
        %add3A_494 = arith.constant 0 : i32
        %add3A_495 = arith.addi %add3A_404, %add3A_494 : i32
        %get3A_496 = arith.index_cast %add3A_495 : i32 to index
        %get3A_497 = arith.constant 64 : index
        %get3A_498 = tpu.vector_load %arg8[%get3A_496, %get3A_497] {strides = array<i32>} : memref<80x128xf32, #tpu.memory_space<vmem>>, vector<1x16xf32>,
        %get3A_499 = vector.shape_cast %get3A_498 : vector<1x16xf32> to vector<16xf32>
        %add3A_500 = arith.constant 0 : i32
        %add3A_501 = arith.addi %add3A_404, %add3A_500 : i32
        %get3A_502 = arith.index_cast %add3A_501 : i32 to index
        %get3A_503 = arith.constant 64 : index
        %get3A_504 = tpu.vector_load %arg10[%get3A_502, %get3A_503] {strides = array<i32>} : memref<80x128xf32, #tpu.memory_space<vmem>>, vector<1x16xf32>,
        %get3A_505 = vector.shape_cast %get3A_504 : vector<1x16xf32> to vector<16xf32>
        %add3A_506 = arith.addf %get3A_499, %get3A_505 : vector<16xf32>
        %max3A_507 = arith.constant 0.000000e+00 : f32
        %max3A_508 = vector.broadcast %max3A_507 : f32 to vector<16xf32>
        %max3A_509 = arith.maximumf %add3A_506, %max3A_508 : vector<16xf32>
        %add3A_510 = arith.constant 0 : i32
        %add3A_511 = arith.addi %add3A_404, %add3A_510 : i32
        %swap3A_512 = arith.index_cast %add3A_511 : i32 to index
        %swap3A_513 = arith.constant 64 : index
        %swap3A_514 = tpu.vector_load %arg8[%swap3A_512, %swap3A_513] {strides = array<i32>} : memref<80x128xf32, #tpu.memory_space<vmem>>, vector<1x16xf32>,
        %swap3A_515 = vector.shape_cast %swap3A_514 : vector<1x16xf32> to vector<16xf32>
        %swap3A_516 = vector.shape_cast %max3A_509 : vector<16xf32> to vector<1x16xf32>
        tpu.vector_store %arg8[%swap3A_512, %swap3A_513], %swap3A_516 {strides = array<i32>} : memref<80x128xf32, #tpu.memory_space<vmem>>, vector<1x16xf32>,
        %add3A_517 = arith.constant 0 : i32
        %add3A_518 = arith.addi %add3A_404, %add3A_517 : i32
        %get3A_519 = arith.index_cast %add3A_518 : i32 to index
        %get3A_520 = arith.constant 80 : index
        %get3A_521 = tpu.vector_load %arg8[%get3A_519, %get3A_520] {strides = array<i32>} : memref<80x128xf32, #tpu.memory_space<vmem>>, vector<1x16xf32>,
        %get3A_522 = vector.shape_cast %get3A_521 : vector<1x16xf32> to vector<16xf32>
        %add3A_523 = arith.constant 0 : i32
        %add3A_524 = arith.addi %add3A_404, %add3A_523 : i32
        %get3A_525 = arith.index_cast %add3A_524 : i32 to index
        %get3A_526 = arith.constant 80 : index
        %get3A_527 = tpu.vector_load %arg10[%get3A_525, %get3A_526] {strides = array<i32>} : memref<80x128xf32, #tpu.memory_space<vmem>>, vector<1x16xf32>,
        %get3A_528 = vector.shape_cast %get3A_527 : vector<1x16xf32> to vector<16xf32>
        %add3A_529 = arith.addf %get3A_522, %get3A_528 : vector<16xf32>
        %max3A_530 = arith.constant 0.000000e+00 : f32
        %max3A_531 = vector.broadcast %max3A_530 : f32 to vector<16xf32>
        %max3A_532 = arith.maximumf %add3A_529, %max3A_531 : vector<16xf32>
        %add3A_533 = arith.constant 0 : i32
        %add3A_534 = arith.addi %add3A_404, %add3A_533 : i32
        %swap3A_535 = arith.index_cast %add3A_534 : i32 to index
        %swap3A_536 = arith.constant 80 : index
        %swap3A_537 = tpu.vector_load %arg8[%swap3A_535, %swap3A_536] {strides = array<i32>} : memref<80x128xf32, #tpu.memory_space<vmem>>, vector<1x16xf32>,
        %swap3A_538 = vector.shape_cast %swap3A_537 : vector<1x16xf32> to vector<16xf32>
        %swap3A_539 = vector.shape_cast %max3A_532 : vector<16xf32> to vector<1x16xf32>
        tpu.vector_store %arg8[%swap3A_535, %swap3A_536], %swap3A_539 {strides = array<i32>} : memref<80x128xf32, #tpu.memory_space<vmem>>, vector<1x16xf32>,
        %add3A_540 = arith.constant 0 : i32
        %add3A_541 = arith.addi %add3A_404, %add3A_540 : i32
        %get3A_542 = arith.index_cast %add3A_541 : i32 to index
        %get3A_543 = arith.constant 96 : index
        %get3A_544 = tpu.vector_load %arg8[%get3A_542, %get3A_543] {strides = array<i32>} : memref<80x128xf32, #tpu.memory_space<vmem>>, vector<1x16xf32>,
        %get3A_545 = vector.shape_cast %get3A_544 : vector<1x16xf32> to vector<16xf32>
        %add3A_546 = arith.constant 0 : i32
        %add3A_547 = arith.addi %add3A_404, %add3A_546 : i32
        %get3A_548 = arith.index_cast %add3A_547 : i32 to index
        %get3A_549 = arith.constant 96 : index
        %get3A_550 = tpu.vector_load %arg10[%get3A_548, %get3A_549] {strides = array<i32>} : memref<80x128xf32, #tpu.memory_space<vmem>>, vector<1x16xf32>,
        %get3A_551 = vector.shape_cast %get3A_550 : vector<1x16xf32> to vector<16xf32>
        %add3A_552 = arith.addf %get3A_545, %get3A_551 : vector<16xf32>
        %max3A_553 = arith.constant 0.000000e+00 : f32
        %max3A_554 = vector.broadcast %max3A_553 : f32 to vector<16xf32>
        %max3A_555 = arith.maximumf %add3A_552, %max3A_554 : vector<16xf32>
        %add3A_556 = arith.constant 0 : i32
        %add3A_557 = arith.addi %add3A_404, %add3A_556 : i32
        %swap3A_558 = arith.index_cast %add3A_557 : i32 to index
        %swap3A_559 = arith.constant 96 : index
        %swap3A_560 = tpu.vector_load %arg8[%swap3A_558, %swap3A_559] {strides = array<i32>} : memref<80x128xf32, #tpu.memory_space<vmem>>, vector<1x16xf32>,
        %swap3A_561 = vector.shape_cast %swap3A_560 : vector<1x16xf32> to vector<16xf32>
        %swap3A_562 = vector.shape_cast %max3A_555 : vector<16xf32> to vector<1x16xf32>
        tpu.vector_store %arg8[%swap3A_558, %swap3A_559], %swap3A_562 {strides = array<i32>} : memref<80x128xf32, #tpu.memory_space<vmem>>, vector<1x16xf32>,
        %add3A_563 = arith.constant 0 : i32
        %add3A_564 = arith.addi %add3A_404, %add3A_563 : i32
        %get3A_565 = arith.index_cast %add3A_564 : i32 to index
        %get3A_566 = arith.constant 112 : index
        %get3A_567 = tpu.vector_load %arg8[%get3A_565, %get3A_566] {strides = array<i32>} : memref<80x128xf32, #tpu.memory_space<vmem>>, vector<1x16xf32>,
        %get3A_568 = vector.shape_cast %get3A_567 : vector<1x16xf32> to vector<16xf32>
        %add3A_569 = arith.constant 0 : i32
        %add3A_570 = arith.addi %add3A_404, %add3A_569 : i32
        %get3A_571 = arith.index_cast %add3A_570 : i32 to index
        %get3A_572 = arith.constant 112 : index
        %get3A_573 = tpu.vector_load %arg10[%get3A_571, %get3A_572] {strides = array<i32>} : memref<80x128xf32, #tpu.memory_space<vmem>>, vector<1x16xf32>,
        %get3A_574 = vector.shape_cast %get3A_573 : vector<1x16xf32> to vector<16xf32>
        %add3A_575 = arith.addf %get3A_568, %get3A_574 : vector<16xf32>
        %max3A_576 = arith.constant 0.000000e+00 : f32
        %max3A_577 = vector.broadcast %max3A_576 : f32 to vector<16xf32>
        %max3A_578 = arith.maximumf %add3A_575, %max3A_577 : vector<16xf32>
        %add3A_579 = arith.constant 0 : i32
        %add3A_580 = arith.addi %add3A_404, %add3A_579 : i32
        %swap3A_581 = arith.index_cast %add3A_580 : i32 to index
        %swap3A_582 = arith.constant 112 : index
        %swap3A_583 = tpu.vector_load %arg8[%swap3A_581, %swap3A_582] {strides = array<i32>} : memref<80x128xf32, #tpu.memory_space<vmem>>, vector<1x16xf32>,
        %swap3A_584 = vector.shape_cast %swap3A_583 : vector<1x16xf32> to vector<16xf32>
        %swap3A_585 = vector.shape_cast %max3A_578 : vector<16xf32> to vector<1x16xf32>
        tpu.vector_store %arg8[%swap3A_581, %swap3A_582], %swap3A_585 {strides = array<i32>} : memref<80x128xf32, #tpu.memory_space<vmem>>, vector<1x16xf32>,
        %add3A_586 = arith.constant 1 : i32
        %add3A_587 = arith.addi %add3A_404, %add3A_586 : i32
        %get3A_588 = arith.index_cast %add3A_587 : i32 to index
        %get3A_589 = arith.constant 0 : index
        %get3A_590 = tpu.vector_load %arg8[%get3A_588, %get3A_589] {strides = array<i32>} : memref<80x128xf32, #tpu.memory_space<vmem>>, vector<1x16xf32>,
        %get3A_591 = vector.shape_cast %get3A_590 : vector<1x16xf32> to vector<16xf32>
        %add3A_592 = arith.constant 1 : i32
        %add3A_593 = arith.addi %add3A_404, %add3A_592 : i32
        %get3A_594 = arith.index_cast %add3A_593 : i32 to index
        %get3A_595 = arith.constant 0 : index
        %get3A_596 = tpu.vector_load %arg10[%get3A_594, %get3A_595] {strides = array<i32>} : memref<80x128xf32, #tpu.memory_space<vmem>>, vector<1x16xf32>,
        %get3A_597 = vector.shape_cast %get3A_596 : vector<1x16xf32> to vector<16xf32>
        %add3A_598 = arith.addf %get3A_591, %get3A_597 : vector<16xf32>
        %max3A_599 = arith.constant 0.000000e+00 : f32
        %max3A_600 = vector.broadcast %max3A_599 : f32 to vector<16xf32>
        %max3A_601 = arith.maximumf %add3A_598, %max3A_600 : vector<16xf32>
        %add3A_602 = arith.constant 1 : i32
        %add3A_603 = arith.addi %add3A_404, %add3A_602 : i32
        %swap3A_604 = arith.index_cast %add3A_603 : i32 to index
        %swap3A_605 = arith.constant 0 : index
        %swap3A_606 = tpu.vector_load %arg8[%swap3A_604, %swap3A_605] {strides = array<i32>} : memref<80x128xf32, #tpu.memory_space<vmem>>, vector<1x16xf32>,
        %swap3A_607 = vector.shape_cast %swap3A_606 : vector<1x16xf32> to vector<16xf32>
        %swap3A_608 = vector.shape_cast %max3A_601 : vector<16xf32> to vector<1x16xf32>
        tpu.vector_store %arg8[%swap3A_604, %swap3A_605], %swap3A_608 {strides = array<i32>} : memref<80x128xf32, #tpu.memory_space<vmem>>, vector<1x16xf32>,
        %add3A_609 = arith.constant 1 : i32
        %add3A_610 = arith.addi %add3A_404, %add3A_609 : i32
        %get3A_611 = arith.index_cast %add3A_610 : i32 to index
        %get3A_612 = arith.constant 16 : index
        %get3A_613 = tpu.vector_load %arg8[%get3A_611, %get3A_612] {strides = array<i32>} : memref<80x128xf32, #tpu.memory_space<vmem>>, vector<1x16xf32>,
        %get3A_614 = vector.shape_cast %get3A_613 : vector<1x16xf32> to vector<16xf32>
        %add3A_615 = arith.constant 1 : i32
        %add3A_616 = arith.addi %add3A_404, %add3A_615 : i32
        %get3A_617 = arith.index_cast %add3A_616 : i32 to index
        %get3A_618 = arith.constant 16 : index
        %get3A_619 = tpu.vector_load %arg10[%get3A_617, %get3A_618] {strides = array<i32>} : memref<80x128xf32, #tpu.memory_space<vmem>>, vector<1x16xf32>,
        %get3A_620 = vector.shape_cast %get3A_619 : vector<1x16xf32> to vector<16xf32>
        %add3A_621 = arith.addf %get3A_614, %get3A_620 : vector<16xf32>
        %max3A_622 = arith.constant 0.000000e+00 : f32
        %max3A_623 = vector.broadcast %max3A_622 : f32 to vector<16xf32>
        %max3A_624 = arith.maximumf %add3A_621, %max3A_623 : vector<16xf32>
        %add3A_625 = arith.constant 1 : i32
        %add3A_626 = arith.addi %add3A_404, %add3A_625 : i32
        %swap3A_627 = arith.index_cast %add3A_626 : i32 to index
        %swap3A_628 = arith.constant 16 : index
        %swap3A_629 = tpu.vector_load %arg8[%swap3A_627, %swap3A_628] {strides = array<i32>} : memref<80x128xf32, #tpu.memory_space<vmem>>, vector<1x16xf32>,
        %swap3A_630 = vector.shape_cast %swap3A_629 : vector<1x16xf32> to vector<16xf32>
        %swap3A_631 = vector.shape_cast %max3A_624 : vector<16xf32> to vector<1x16xf32>
        tpu.vector_store %arg8[%swap3A_627, %swap3A_628], %swap3A_631 {strides = array<i32>} : memref<80x128xf32, #tpu.memory_space<vmem>>, vector<1x16xf32>,
        %add3A_632 = arith.constant 1 : i32
        %add3A_633 = arith.addi %add3A_404, %add3A_632 : i32
        %get3A_634 = arith.index_cast %add3A_633 : i32 to index
        %get3A_635 = arith.constant 32 : index
        %get3A_636 = tpu.vector_load %arg8[%get3A_634, %get3A_635] {strides = array<i32>} : memref<80x128xf32, #tpu.memory_space<vmem>>, vector<1x16xf32>,
        %get3A_637 = vector.shape_cast %get3A_636 : vector<1x16xf32> to vector<16xf32>
        %add3A_638 = arith.constant 1 : i32
        %add3A_639 = arith.addi %add3A_404, %add3A_638 : i32
        %get3A_640 = arith.index_cast %add3A_639 : i32 to index
        %get3A_641 = arith.constant 32 : index
        %get3A_642 = tpu.vector_load %arg10[%get3A_640, %get3A_641] {strides = array<i32>} : memref<80x128xf32, #tpu.memory_space<vmem>>, vector<1x16xf32>,
        %get3A_643 = vector.shape_cast %get3A_642 : vector<1x16xf32> to vector<16xf32>
        %add3A_644 = arith.addf %get3A_637, %get3A_643 : vector<16xf32>
        %max3A_645 = arith.constant 0.000000e+00 : f32
        %max3A_646 = vector.broadcast %max3A_645 : f32 to vector<16xf32>
        %max3A_647 = arith.maximumf %add3A_644, %max3A_646 : vector<16xf32>
        %add3A_648 = arith.constant 1 : i32
        %add3A_649 = arith.addi %add3A_404, %add3A_648 : i32
        %swap3A_650 = arith.index_cast %add3A_649 : i32 to index
        %swap3A_651 = arith.constant 32 : index
        %swap3A_652 = tpu.vector_load %arg8[%swap3A_650, %swap3A_651] {strides = array<i32>} : memref<80x128xf32, #tpu.memory_space<vmem>>, vector<1x16xf32>,
        %swap3A_653 = vector.shape_cast %swap3A_652 : vector<1x16xf32> to vector<16xf32>
        %swap3A_654 = vector.shape_cast %max3A_647 : vector<16xf32> to vector<1x16xf32>
        tpu.vector_store %arg8[%swap3A_650, %swap3A_651], %swap3A_654 {strides = array<i32>} : memref<80x128xf32, #tpu.memory_space<vmem>>, vector<1x16xf32>,
        %add3A_655 = arith.constant 1 : i32
        %add3A_656 = arith.addi %add3A_404, %add3A_655 : i32
        %get3A_657 = arith.index_cast %add3A_656 : i32 to index
        %get3A_658 = arith.constant 48 : index
        %get3A_659 = tpu.vector_load %arg8[%get3A_657, %get3A_658] {strides = array<i32>} : memref<80x128xf32, #tpu.memory_space<vmem>>, vector<1x16xf32>,
        %get3A_660 = vector.shape_cast %get3A_659 : vector<1x16xf32> to vector<16xf32>
        %add3A_661 = arith.constant 1 : i32
        %add3A_662 = arith.addi %add3A_404, %add3A_661 : i32
        %get3A_663 = arith.index_cast %add3A_662 : i32 to index
        %get3A_664 = arith.constant 48 : index
        %get3A_665 = tpu.vector_load %arg10[%get3A_663, %get3A_664] {strides = array<i32>} : memref<80x128xf32, #tpu.memory_space<vmem>>, vector<1x16xf32>,
        %get3A_666 = vector.shape_cast %get3A_665 : vector<1x16xf32> to vector<16xf32>
        %add3A_667 = arith.addf %get3A_660, %get3A_666 : vector<16xf32>
        %max3A_668 = arith.constant 0.000000e+00 : f32
        %max3A_669 = vector.broadcast %max3A_668 : f32 to vector<16xf32>
        %max3A_670 = arith.maximumf %add3A_667, %max3A_669 : vector<16xf32>
        %add3A_671 = arith.constant 1 : i32
        %add3A_672 = arith.addi %add3A_404, %add3A_671 : i32
        %swap3A_673 = arith.index_cast %add3A_672 : i32 to index
        %swap3A_674 = arith.constant 48 : index
        %swap3A_675 = tpu.vector_load %arg8[%swap3A_673, %swap3A_674] {strides = array<i32>} : memref<80x128xf32, #tpu.memory_space<vmem>>, vector<1x16xf32>,
        %swap3A_676 = vector.shape_cast %swap3A_675 : vector<1x16xf32> to vector<16xf32>
        %swap3A_677 = vector.shape_cast %max3A_670 : vector<16xf32> to vector<1x16xf32>
        tpu.vector_store %arg8[%swap3A_673, %swap3A_674], %swap3A_677 {strides = array<i32>} : memref<80x128xf32, #tpu.memory_space<vmem>>, vector<1x16xf32>,
        %add3A_678 = arith.constant 1 : i32
        %add3A_679 = arith.addi %add3A_404, %add3A_678 : i32
        %get3A_680 = arith.index_cast %add3A_679 : i32 to index
        %get3A_681 = arith.constant 64 : index
        %get3A_682 = tpu.vector_load %arg8[%get3A_680, %get3A_681] {strides = array<i32>} : memref<80x128xf32, #tpu.memory_space<vmem>>, vector<1x16xf32>,
        %get3A_683 = vector.shape_cast %get3A_682 : vector<1x16xf32> to vector<16xf32>
        %add3A_684 = arith.constant 1 : i32
        %add3A_685 = arith.addi %add3A_404, %add3A_684 : i32
        %get3A_686 = arith.index_cast %add3A_685 : i32 to index
        %get3A_687 = arith.constant 64 : index
        %get3A_688 = tpu.vector_load %arg10[%get3A_686, %get3A_687] {strides = array<i32>} : memref<80x128xf32, #tpu.memory_space<vmem>>, vector<1x16xf32>,
        %get3A_689 = vector.shape_cast %get3A_688 : vector<1x16xf32> to vector<16xf32>
        %add3A_690 = arith.addf %get3A_683, %get3A_689 : vector<16xf32>
        %max3A_691 = arith.constant 0.000000e+00 : f32
        %max3A_692 = vector.broadcast %max3A_691 : f32 to vector<16xf32>
        %max3A_693 = arith.maximumf %add3A_690, %max3A_692 : vector<16xf32>
        %add3A_694 = arith.constant 1 : i32
        %add3A_695 = arith.addi %add3A_404, %add3A_694 : i32
        %swap3A_696 = arith.index_cast %add3A_695 : i32 to index
        %swap3A_697 = arith.constant 64 : index
        %swap3A_698 = tpu.vector_load %arg8[%swap3A_696, %swap3A_697] {strides = array<i32>} : memref<80x128xf32, #tpu.memory_space<vmem>>, vector<1x16xf32>,
        %swap3A_699 = vector.shape_cast %swap3A_698 : vector<1x16xf32> to vector<16xf32>
        %swap3A_700 = vector.shape_cast %max3A_693 : vector<16xf32> to vector<1x16xf32>
        tpu.vector_store %arg8[%swap3A_696, %swap3A_697], %swap3A_700 {strides = array<i32>} : memref<80x128xf32, #tpu.memory_space<vmem>>, vector<1x16xf32>,
        %add3A_701 = arith.constant 1 : i32
        %add3A_702 = arith.addi %add3A_404, %add3A_701 : i32
        %get3A_703 = arith.index_cast %add3A_702 : i32 to index
        %get3A_704 = arith.constant 80 : index
        %get3A_705 = tpu.vector_load %arg8[%get3A_703, %get3A_704] {strides = array<i32>} : memref<80x128xf32, #tpu.memory_space<vmem>>, vector<1x16xf32>,
        %get3A_706 = vector.shape_cast %get3A_705 : vector<1x16xf32> to vector<16xf32>
        %add3A_707 = arith.constant 1 : i32
        %add3A_708 = arith.addi %add3A_404, %add3A_707 : i32
        %get3A_709 = arith.index_cast %add3A_708 : i32 to index
        %get3A_710 = arith.constant 80 : index
        %get3A_711 = tpu.vector_load %arg10[%get3A_709, %get3A_710] {strides = array<i32>} : memref<80x128xf32, #tpu.memory_space<vmem>>, vector<1x16xf32>,
        %get3A_712 = vector.shape_cast %get3A_711 : vector<1x16xf32> to vector<16xf32>
        %add3A_713 = arith.addf %get3A_706, %get3A_712 : vector<16xf32>
        %max3A_714 = arith.constant 0.000000e+00 : f32
        %max3A_715 = vector.broadcast %max3A_714 : f32 to vector<16xf32>
        %max3A_716 = arith.maximumf %add3A_713, %max3A_715 : vector<16xf32>
        %add3A_717 = arith.constant 1 : i32
        %add3A_718 = arith.addi %add3A_404, %add3A_717 : i32
        %swap3A_719 = arith.index_cast %add3A_718 : i32 to index
        %swap3A_720 = arith.constant 80 : index
        %swap3A_721 = tpu.vector_load %arg8[%swap3A_719, %swap3A_720] {strides = array<i32>} : memref<80x128xf32, #tpu.memory_space<vmem>>, vector<1x16xf32>,
        %swap3A_722 = vector.shape_cast %swap3A_721 : vector<1x16xf32> to vector<16xf32>
        %swap3A_723 = vector.shape_cast %max3A_716 : vector<16xf32> to vector<1x16xf32>
        tpu.vector_store %arg8[%swap3A_719, %swap3A_720], %swap3A_723 {strides = array<i32>} : memref<80x128xf32, #tpu.memory_space<vmem>>, vector<1x16xf32>,
        %add3A_724 = arith.constant 1 : i32
        %add3A_725 = arith.addi %add3A_404, %add3A_724 : i32
        %get3A_726 = arith.index_cast %add3A_725 : i32 to index
        %get3A_727 = arith.constant 96 : index
        %get3A_728 = tpu.vector_load %arg8[%get3A_726, %get3A_727] {strides = array<i32>} : memref<80x128xf32, #tpu.memory_space<vmem>>, vector<1x16xf32>,
        %get3A_729 = vector.shape_cast %get3A_728 : vector<1x16xf32> to vector<16xf32>
        %add3A_730 = arith.constant 1 : i32
        %add3A_731 = arith.addi %add3A_404, %add3A_730 : i32
        %get3A_732 = arith.index_cast %add3A_731 : i32 to index
        %get3A_733 = arith.constant 96 : index
        %get3A_734 = tpu.vector_load %arg10[%get3A_732, %get3A_733] {strides = array<i32>} : memref<80x128xf32, #tpu.memory_space<vmem>>, vector<1x16xf32>,
        %get3A_735 = vector.shape_cast %get3A_734 : vector<1x16xf32> to vector<16xf32>
        %add3A_736 = arith.addf %get3A_729, %get3A_735 : vector<16xf32>
        %max3A_737 = arith.constant 0.000000e+00 : f32
        %max3A_738 = vector.broadcast %max3A_737 : f32 to vector<16xf32>
        %max3A_739 = arith.maximumf %add3A_736, %max3A_738 : vector<16xf32>
        %add3A_740 = arith.constant 1 : i32
        %add3A_741 = arith.addi %add3A_404, %add3A_740 : i32
        %swap3A_742 = arith.index_cast %add3A_741 : i32 to index
        %swap3A_743 = arith.constant 96 : index
        %swap3A_744 = tpu.vector_load %arg8[%swap3A_742, %swap3A_743] {strides = array<i32>} : memref<80x128xf32, #tpu.memory_space<vmem>>, vector<1x16xf32>,
        %swap3A_745 = vector.shape_cast %swap3A_744 : vector<1x16xf32> to vector<16xf32>
        %swap3A_746 = vector.shape_cast %max3A_739 : vector<16xf32> to vector<1x16xf32>
        tpu.vector_store %arg8[%swap3A_742, %swap3A_743], %swap3A_746 {strides = array<i32>} : memref<80x128xf32, #tpu.memory_space<vmem>>, vector<1x16xf32>,
        %add3A_747 = arith.constant 1 : i32
        %add3A_748 = arith.addi %add3A_404, %add3A_747 : i32
        %get3A_749 = arith.index_cast %add3A_748 : i32 to index
        %get3A_750 = arith.constant 112 : index
        %get3A_751 = tpu.vector_load %arg8[%get3A_749, %get3A_750] {strides = array<i32>} : memref<80x128xf32, #tpu.memory_space<vmem>>, vector<1x16xf32>,
        %get3A_752 = vector.shape_cast %get3A_751 : vector<1x16xf32> to vector<16xf32>
        %add3A_753 = arith.constant 1 : i32
        %add3A_754 = arith.addi %add3A_404, %add3A_753 : i32
        %get3A_755 = arith.index_cast %add3A_754 : i32 to index
        %get3A_756 = arith.constant 112 : index
        %get3A_757 = tpu.vector_load %arg10[%get3A_755, %get3A_756] {strides = array<i32>} : memref<80x128xf32, #tpu.memory_space<vmem>>, vector<1x16xf32>,
        %get3A_758 = vector.shape_cast %get3A_757 : vector<1x16xf32> to vector<16xf32>
        %add3A_759 = arith.addf %get3A_752, %get3A_758 : vector<16xf32>
        %max3A_760 = arith.constant 0.000000e+00 : f32
        %max3A_761 = vector.broadcast %max3A_760 : f32 to vector<16xf32>
        %max3A_762 = arith.maximumf %add3A_759, %max3A_761 : vector<16xf32>
        %add3A_763 = arith.constant 1 : i32
        %add3A_764 = arith.addi %add3A_404, %add3A_763 : i32
        %swap3A_765 = arith.index_cast %add3A_764 : i32 to index
        %swap3A_766 = arith.constant 112 : index
        %swap3A_767 = tpu.vector_load %arg8[%swap3A_765, %swap3A_766] {strides = array<i32>} : memref<80x128xf32, #tpu.memory_space<vmem>>, vector<1x16xf32>,
        %swap3A_768 = vector.shape_cast %swap3A_767 : vector<1x16xf32> to vector<16xf32>
        %swap3A_769 = vector.shape_cast %max3A_762 : vector<16xf32> to vector<1x16xf32>
        tpu.vector_store %arg8[%swap3A_765, %swap3A_766], %swap3A_769 {strides = array<i32>} : memref<80x128xf32, #tpu.memory_space<vmem>>, vector<1x16xf32>,
      }
      %scan3A_214 = arith.constant 40 : i32
      %jit3A_215 = arith.constant 4 : i32
      %eq3A_216 = arith.constant 0 : i32
      %eq3A_217 = arith.cmpi eq, %jit3A_215, %eq3A_216 : i32
      %jit3A_218 = arith.constant 1 : i32
      %select_n3A_219 = arith.select %eq3A_217, %jit3A_218, %jit3A_215 : i32
      %rem3A_220 = arith.remsi %mul3A_80, %select_n3A_219 : i32
      %ne3A_221 = arith.constant 0 : i32
      %ne3A_222 = arith.cmpi ne, %rem3A_220, %ne3A_221 : i32
      %lt3A_223 = arith.constant 0 : i32
      %lt3A_224 = arith.cmpi slt, %rem3A_220, %lt3A_223 : i32
      %lt3A_225 = arith.constant 0 : i32
      %lt3A_226 = arith.cmpi slt, %select_n3A_219, %lt3A_225 : i32
      %ne3A_227 = arith.xori %lt3A_224, %lt3A_226 : i1
      %and3A_228 = arith.andi %ne3A_227, %ne3A_222 : i1
      %add3A_229 = arith.addi %rem3A_220, %select_n3A_219 : i32
      %select_n3A_230 = arith.select %and3A_228, %add3A_229, %rem3A_220 : i32
      %dma_start3A_231 = arith.constant 0 : i32
      %dma_start3A_232 = tpu.memref_slice %arg13[%select_n3A_230, %dma_start3A_231] : memref<4x80xi32, #tpu.memory_space<vmem>> -> memref<1x80xi32, #tpu.memory_space<vmem>>
      %dma_start3A_233 = tpu.memref_squeeze %dma_start3A_232 : memref<1x80xi32, #tpu.memory_space<vmem>> -> memref<80xi32, #tpu.memory_space<vmem>>
      %dma_start3A_234 = arith.constant 0 : i32
      %dma_start3A_235 = arith.constant 0 : i32
      %dma_start3A_236 = tpu.memref_slice %arg7[%dma_start3A_234, %dma_start3A_235] : memref<10240x128xf32, #tpu.memory_space<vmem_shared>> -> memref<10240x128xf32, #tpu.memory_space<vmem_shared>>
      tpu.enqueue_indirect_dma source(%arg8 : memref<80x128xf32, #tpu.memory_space<vmem>>) target(%dma_start3A_236 : memref<10240x128xf32, #tpu.memory_space<vmem_shared>>) offsets(%dma_start3A_233 : memref<80xi32, #tpu.memory_space<vmem>>) semaphore(%arg18 : memref<!tpu.dma_semaphore, #tpu.memory_space<semaphore_mem>>) {add = true}
      %add3A_237 = arith.constant 1 : i32
      %add3A_238 = arith.addi %mul3A_80, %add3A_237 : i32
      %mul3A_239 = arith.constant 80 : i32
      %mul3A_240 = arith.muli %add3A_238, %mul3A_239 : i32
      %add3A_241 = arith.addi %mul3A_2, %mul3A_240 : i32
      %dma_wait3A_242 = arith.constant 0 : i32
      %dma_wait3A_243 = tpu.memref_slice %arg3[%add3A_241, %dma_wait3A_242] : memref<128000x128xf32, #tpu.memory_space<hbm>> -> memref<80x128xf32, #tpu.memory_space<hbm>>
      %dma_wait3A_244 = arith.constant 0 : i32
      %dma_wait3A_245 = tpu.memref_slice %arg3[%add3A_241, %dma_wait3A_244] : memref<128000x128xf32, #tpu.memory_space<hbm>> -> memref<80x128xf32, #tpu.memory_space<hbm>>
      tpu.wait_dma2 semaphore(%arg15 : memref<!tpu.dma_semaphore, #tpu.memory_space<semaphore_mem>>) src(%dma_wait3A_245 : memref<80x128xf32, #tpu.memory_space<hbm>>) dst(%arg9 : memref<80x128xf32, #tpu.memory_space<vmem>>)
      %jit3A_246 = arith.constant 4 : i32
      %eq3A_247 = arith.constant 0 : i32
      %eq3A_248 = arith.cmpi eq, %jit3A_246, %eq3A_247 : i32
      %jit3A_249 = arith.constant 1 : i32
      %select_n3A_250 = arith.select %eq3A_248, %jit3A_249, %jit3A_246 : i32
      %rem3A_251 = arith.remsi %add3A_238, %select_n3A_250 : i32
      %ne3A_252 = arith.constant 0 : i32
      %ne3A_253 = arith.cmpi ne, %rem3A_251, %ne3A_252 : i32
      %lt3A_254 = arith.constant 0 : i32
      %lt3A_255 = arith.cmpi slt, %rem3A_251, %lt3A_254 : i32
      %lt3A_256 = arith.constant 0 : i32
      %lt3A_257 = arith.cmpi slt, %select_n3A_250, %lt3A_256 : i32
      %ne3A_258 = arith.xori %lt3A_255, %lt3A_257 : i1
      %and3A_259 = arith.andi %ne3A_258, %ne3A_253 : i1
      %add3A_260 = arith.addi %rem3A_251, %select_n3A_250 : i32
      %select_n3A_261 = arith.select %and3A_259, %add3A_260, %rem3A_251 : i32
      %dma_wait3A_262 = arith.constant 0 : i32
      %dma_wait3A_263 = tpu.memref_slice %arg12[%select_n3A_261, %dma_wait3A_262] : memref<4x80xi32, #tpu.memory_space<vmem>> -> memref<1x80xi32, #tpu.memory_space<vmem>>
      %dma_wait3A_264 = tpu.memref_squeeze %dma_wait3A_263 : memref<1x80xi32, #tpu.memory_space<vmem>> -> memref<80xi32, #tpu.memory_space<vmem>>
      %dma_wait3A_265 = arith.constant 0 : i32
      %dma_wait3A_266 = arith.constant 0 : i32
      %dma_wait3A_267 = tpu.memref_slice %arg2[%dma_wait3A_265, %dma_wait3A_266] : memref<10000x128xf32, #tpu.memory_space<hbm>> -> memref<10000x128xf32, #tpu.memory_space<hbm>>
      tpu.wait_indirect_dma semaphore(%arg17 : memref<!tpu.dma_semaphore, #tpu.memory_space<semaphore_mem>>) src(%dma_wait3A_267 : memref<10000x128xf32, #tpu.memory_space<hbm>>) dst(%arg11 : memref<80x128xf32, #tpu.memory_space<vmem>>)
      %jit3A_268 = arith.constant 4 : i32
      %eq3A_269 = arith.constant 0 : i32
      %eq3A_270 = arith.cmpi eq, %jit3A_268, %eq3A_269 : i32
      %jit3A_271 = arith.constant 1 : i32
      %select_n3A_272 = arith.select %eq3A_270, %jit3A_271, %jit3A_268 : i32
      %rem3A_273 = arith.remsi %mul3A_80, %select_n3A_272 : i32
      %ne3A_274 = arith.constant 0 : i32
      %ne3A_275 = arith.cmpi ne, %rem3A_273, %ne3A_274 : i32
      %lt3A_276 = arith.constant 0 : i32
      %lt3A_277 = arith.cmpi slt, %rem3A_273, %lt3A_276 : i32
      %lt3A_278 = arith.constant 0 : i32
      %lt3A_279 = arith.cmpi slt, %select_n3A_272, %lt3A_278 : i32
      %ne3A_280 = arith.xori %lt3A_277, %lt3A_279 : i1
      %and3A_281 = arith.andi %ne3A_280, %ne3A_275 : i1
      %add3A_282 = arith.addi %rem3A_273, %select_n3A_272 : i32
      %select_n3A_283 = arith.select %and3A_281, %add3A_282, %rem3A_273 : i32
      %dma_wait3A_284 = arith.constant 0 : i32
      %dma_wait3A_285 = tpu.memref_slice %arg13[%select_n3A_283, %dma_wait3A_284] : memref<4x80xi32, #tpu.memory_space<vmem>> -> memref<1x80xi32, #tpu.memory_space<vmem>>
      %dma_wait3A_286 = tpu.memref_squeeze %dma_wait3A_285 : memref<1x80xi32, #tpu.memory_space<vmem>> -> memref<80xi32, #tpu.memory_space<vmem>>
      %dma_wait3A_287 = arith.constant 0 : i32
      %dma_wait3A_288 = arith.constant 0 : i32
      %dma_wait3A_289 = tpu.memref_slice %arg7[%dma_wait3A_287, %dma_wait3A_288] : memref<10240x128xf32, #tpu.memory_space<vmem_shared>> -> memref<10240x128xf32, #tpu.memory_space<vmem_shared>>
      tpu.wait_indirect_dma semaphore(%arg18 : memref<!tpu.dma_semaphore, #tpu.memory_space<semaphore_mem>>) src(%arg8 : memref<80x128xf32, #tpu.memory_space<vmem>>) dst(%dma_wait3A_289 : memref<10240x128xf32, #tpu.memory_space<vmem_shared>>)
      %add3A_290 = arith.constant 1 : i32
      %add3A_291 = arith.addi %add3A_78, %add3A_290 : i32
      %jit3A_292 = arith.constant 2 : i32
      %eq3A_293 = arith.constant 0 : i32
      %eq3A_294 = arith.cmpi eq, %jit3A_292, %eq3A_293 : i32
      %jit3A_295 = arith.constant 1 : i32
      %select_n3A_296 = arith.select %eq3A_294, %jit3A_295, %jit3A_292 : i32
      %rem3A_297 = arith.remsi %add3A_291, %select_n3A_296 : i32
      %ne3A_298 = arith.constant 0 : i32
      %ne3A_299 = arith.cmpi ne, %rem3A_297, %ne3A_298 : i32
      %lt3A_300 = arith.constant 0 : i32
      %lt3A_301 = arith.cmpi slt, %rem3A_297, %lt3A_300 : i32
      %lt3A_302 = arith.constant 0 : i32
      %lt3A_303 = arith.cmpi slt, %select_n3A_296, %lt3A_302 : i32
      %ne3A_304 = arith.xori %lt3A_301, %lt3A_303 : i1
      %and3A_305 = arith.andi %ne3A_304, %ne3A_299 : i1
      %add3A_306 = arith.addi %rem3A_297, %select_n3A_296 : i32
      %select_n3A_307 = arith.select %and3A_305, %add3A_306, %rem3A_297 : i32
      %mul3A_308 = arith.constant 2 : i32
      %mul3A_309 = arith.muli %mul3A_308, %select_n3A_307 : i32
      %mul3A_310 = arith.constant 2 : i32
      %mul3A_311 = arith.muli %mul3A_310, %add3A_291 : i32
      %add3A_312 = arith.constant 0 : i32
      %add3A_313 = arith.addi %mul3A_311, %add3A_312 : i32
      %mul3A_314 = arith.constant 80 : i32
      %mul3A_315 = arith.muli %add3A_313, %mul3A_314 : i32
      %add3A_316 = arith.addi %add3A_4, %mul3A_315 : i32
      %add3A_317 = arith.constant 0 : i32
      %add3A_318 = arith.addi %mul3A_309, %add3A_317 : i32
      %dma_wait3A_319 = arith.constant 0 : i32
      %dma_wait3A_320 = tpu.memref_slice %arg12[%add3A_318, %dma_wait3A_319] : memref<4x80xi32, #tpu.memory_space<vmem>> -> memref<1x80xi32, #tpu.memory_space<vmem>>
      %dma_wait3A_321 = tpu.memref_squeeze %dma_wait3A_320 : memref<1x80xi32, #tpu.memory_space<vmem>> -> memref<80xi32, #tpu.memory_space<vmem>>
      %dma_wait3A_322 = tpu.memref_slice %arg4[%add3A_316] : memref<320160xi32, #tpu.memory_space<hbm>> -> memref<80xi32, #tpu.memory_space<hbm>>
      %dma_wait3A_323 = arith.constant 0 : i32
      %dma_wait3A_324 = tpu.memref_slice %arg12[%add3A_318, %dma_wait3A_323] : memref<4x80xi32, #tpu.memory_space<vmem>> -> memref<1x80xi32, #tpu.memory_space<vmem>>
      %dma_wait3A_325 = tpu.memref_squeeze %dma_wait3A_324 : memref<1x80xi32, #tpu.memory_space<vmem>> -> memref<80xi32, #tpu.memory_space<vmem>>
      %dma_wait3A_326 = tpu.memref_slice %arg4[%add3A_316] : memref<320160xi32, #tpu.memory_space<hbm>> -> memref<80xi32, #tpu.memory_space<hbm>>
      tpu.wait_dma2 semaphore(%arg20 : memref<!tpu.dma_semaphore, #tpu.memory_space<semaphore_mem>>) src(%dma_wait3A_326 : memref<80xi32, #tpu.memory_space<hbm>>) dst(%dma_wait3A_325 : memref<80xi32, #tpu.memory_space<vmem>>)
      %add3A_327 = arith.constant 0 : i32
      %add3A_328 = arith.addi %mul3A_309, %add3A_327 : i32
      %dma_wait3A_329 = arith.constant 0 : i32
      %dma_wait3A_330 = tpu.memref_slice %arg13[%add3A_328, %dma_wait3A_329] : memref<4x80xi32, #tpu.memory_space<vmem>> -> memref<1x80xi32, #tpu.memory_space<vmem>>
      %dma_wait3A_331 = tpu.memref_squeeze %dma_wait3A_330 : memref<1x80xi32, #tpu.memory_space<vmem>> -> memref<80xi32, #tpu.memory_space<vmem>>
      %dma_wait3A_332 = tpu.memref_slice %arg5[%add3A_316] : memref<320160xi32, #tpu.memory_space<hbm>> -> memref<80xi32, #tpu.memory_space<hbm>>
      %dma_wait3A_333 = arith.constant 0 : i32
      %dma_wait3A_334 = tpu.memref_slice %arg13[%add3A_328, %dma_wait3A_333] : memref<4x80xi32, #tpu.memory_space<vmem>> -> memref<1x80xi32, #tpu.memory_space<vmem>>
      %dma_wait3A_335 = tpu.memref_squeeze %dma_wait3A_334 : memref<1x80xi32, #tpu.memory_space<vmem>> -> memref<80xi32, #tpu.memory_space<vmem>>
      %dma_wait3A_336 = tpu.memref_slice %arg5[%add3A_316] : memref<320160xi32, #tpu.memory_space<hbm>> -> memref<80xi32, #tpu.memory_space<hbm>>
      tpu.wait_dma2 semaphore(%arg20 : memref<!tpu.dma_semaphore, #tpu.memory_space<semaphore_mem>>) src(%dma_wait3A_336 : memref<80xi32, #tpu.memory_space<hbm>>) dst(%dma_wait3A_335 : memref<80xi32, #tpu.memory_space<vmem>>)
      %mul3A_337 = arith.constant 2 : i32
      %mul3A_338 = arith.muli %mul3A_337, %add3A_291 : i32
      %add3A_339 = arith.constant 1 : i32
      %add3A_340 = arith.addi %mul3A_338, %add3A_339 : i32
      %mul3A_341 = arith.constant 80 : i32
      %mul3A_342 = arith.muli %add3A_340, %mul3A_341 : i32
      %add3A_343 = arith.addi %add3A_4, %mul3A_342 : i32
      %add3A_344 = arith.constant 1 : i32
      %add3A_345 = arith.addi %mul3A_309, %add3A_344 : i32
      %dma_wait3A_346 = arith.constant 0 : i32
      %dma_wait3A_347 = tpu.memref_slice %arg12[%add3A_345, %dma_wait3A_346] : memref<4x80xi32, #tpu.memory_space<vmem>> -> memref<1x80xi32, #tpu.memory_space<vmem>>
      %dma_wait3A_348 = tpu.memref_squeeze %dma_wait3A_347 : memref<1x80xi32, #tpu.memory_space<vmem>> -> memref<80xi32, #tpu.memory_space<vmem>>
      %dma_wait3A_349 = tpu.memref_slice %arg4[%add3A_343] : memref<320160xi32, #tpu.memory_space<hbm>> -> memref<80xi32, #tpu.memory_space<hbm>>
      %dma_wait3A_350 = arith.constant 0 : i32
      %dma_wait3A_351 = tpu.memref_slice %arg12[%add3A_345, %dma_wait3A_350] : memref<4x80xi32, #tpu.memory_space<vmem>> -> memref<1x80xi32, #tpu.memory_space<vmem>>
      %dma_wait3A_352 = tpu.memref_squeeze %dma_wait3A_351 : memref<1x80xi32, #tpu.memory_space<vmem>> -> memref<80xi32, #tpu.memory_space<vmem>>
      %dma_wait3A_353 = tpu.memref_slice %arg4[%add3A_343] : memref<320160xi32, #tpu.memory_space<hbm>> -> memref<80xi32, #tpu.memory_space<hbm>>
      tpu.wait_dma2 semaphore(%arg20 : memref<!tpu.dma_semaphore, #tpu.memory_space<semaphore_mem>>) src(%dma_wait3A_353 : memref<80xi32, #tpu.memory_space<hbm>>) dst(%dma_wait3A_352 : memref<80xi32, #tpu.memory_space<vmem>>)
      %add3A_354 = arith.constant 1 : i32
      %add3A_355 = arith.addi %mul3A_309, %add3A_354 : i32
      %dma_wait3A_356 = arith.constant 0 : i32
      %dma_wait3A_357 = tpu.memref_slice %arg13[%add3A_355, %dma_wait3A_356] : memref<4x80xi32, #tpu.memory_space<vmem>> -> memref<1x80xi32, #tpu.memory_space<vmem>>
      %dma_wait3A_358 = tpu.memref_squeeze %dma_wait3A_357 : memref<1x80xi32, #tpu.memory_space<vmem>> -> memref<80xi32, #tpu.memory_space<vmem>>
      %dma_wait3A_359 = tpu.memref_slice %arg5[%add3A_343] : memref<320160xi32, #tpu.memory_space<hbm>> -> memref<80xi32, #tpu.memory_space<hbm>>
      %dma_wait3A_360 = arith.constant 0 : i32
      %dma_wait3A_361 = tpu.memref_slice %arg13[%add3A_355, %dma_wait3A_360] : memref<4x80xi32, #tpu.memory_space<vmem>> -> memref<1x80xi32, #tpu.memory_space<vmem>>
      %dma_wait3A_362 = tpu.memref_squeeze %dma_wait3A_361 : memref<1x80xi32, #tpu.memory_space<vmem>> -> memref<80xi32, #tpu.memory_space<vmem>>
      %dma_wait3A_363 = tpu.memref_slice %arg5[%add3A_343] : memref<320160xi32, #tpu.memory_space<hbm>> -> memref<80xi32, #tpu.memory_space<hbm>>
      tpu.wait_dma2 semaphore(%arg20 : memref<!tpu.dma_semaphore, #tpu.memory_space<semaphore_mem>>) src(%dma_wait3A_363 : memref<80xi32, #tpu.memory_space<hbm>>) dst(%dma_wait3A_362 : memref<80xi32, #tpu.memory_space<vmem>>)
      %add3A_364 = arith.constant 2 : i32
      %add3A_365 = arith.addi %mul3A_80, %add3A_364 : i32
      %lt3A_366 = arith.constant 50 : i32
      %lt3A_367 = arith.cmpi slt, %add3A_365, %lt3A_366 : i32
      %convert_element_type3A_368 = arith.extui %lt3A_367 : i1 to i32
      %cond3A_369 = arith.constant 0 : i32
      %cond3A_370 = arith.cmpi ne, %convert_element_type3A_368, %cond3A_369 : i32
      scf.if %cond3A_370 {
        %add3A_400 = arith.constant 2 : i32
        %add3A_401 = arith.addi %mul3A_80, %add3A_400 : i32
        %mul3A_402 = arith.constant 80 : i32
        %mul3A_403 = arith.muli %add3A_401, %mul3A_402 : i32
        %add3A_404 = arith.addi %mul3A_2, %mul3A_403 : i32
        %dma_start3A_405 = arith.constant 0 : i32
        %dma_start3A_406 = tpu.memref_slice %arg3[%add3A_404, %dma_start3A_405] : memref<128000x128xf32, #tpu.memory_space<hbm>> -> memref<80x128xf32, #tpu.memory_space<hbm>>
        %dma_start3A_407 = arith.constant 0 : i32
        %dma_start3A_408 = tpu.memref_slice %arg3[%add3A_404, %dma_start3A_407] : memref<128000x128xf32, #tpu.memory_space<hbm>> -> memref<80x128xf32, #tpu.memory_space<hbm>>
        tpu.enqueue_dma source(%dma_start3A_408 : memref<80x128xf32, #tpu.memory_space<hbm>>) target(%arg8 : memref<80x128xf32, #tpu.memory_space<vmem>>) target_semaphore(%arg14 : memref<!tpu.dma_semaphore, #tpu.memory_space<semaphore_mem>>)
        %jit3A_409 = arith.constant 4 : i32
        %eq3A_410 = arith.constant 0 : i32
        %eq3A_411 = arith.cmpi eq, %jit3A_409, %eq3A_410 : i32
        %jit3A_412 = arith.constant 1 : i32
        %select_n3A_413 = arith.select %eq3A_411, %jit3A_412, %jit3A_409 : i32
        %rem3A_414 = arith.remsi %add3A_401, %select_n3A_413 : i32
        %ne3A_415 = arith.constant 0 : i32
        %ne3A_416 = arith.cmpi ne, %rem3A_414, %ne3A_415 : i32
        %lt3A_417 = arith.constant 0 : i32
        %lt3A_418 = arith.cmpi slt, %rem3A_414, %lt3A_417 : i32
        %lt3A_419 = arith.constant 0 : i32
        %lt3A_420 = arith.cmpi slt, %select_n3A_413, %lt3A_419 : i32
        %ne3A_421 = arith.xori %lt3A_418, %lt3A_420 : i1
        %and3A_422 = arith.andi %ne3A_421, %ne3A_416 : i1
        %add3A_423 = arith.addi %rem3A_414, %select_n3A_413 : i32
        %select_n3A_424 = arith.select %and3A_422, %add3A_423, %rem3A_414 : i32
        %dma_start3A_425 = arith.constant 0 : i32
        %dma_start3A_426 = tpu.memref_slice %arg12[%select_n3A_424, %dma_start3A_425] : memref<4x80xi32, #tpu.memory_space<vmem>> -> memref<1x80xi32, #tpu.memory_space<vmem>>
        %dma_start3A_427 = tpu.memref_squeeze %dma_start3A_426 : memref<1x80xi32, #tpu.memory_space<vmem>> -> memref<80xi32, #tpu.memory_space<vmem>>
        %dma_start3A_428 = arith.constant 0 : i32
        %dma_start3A_429 = arith.constant 0 : i32
        %dma_start3A_430 = tpu.memref_slice %arg2[%dma_start3A_428, %dma_start3A_429] : memref<10000x128xf32, #tpu.memory_space<hbm>> -> memref<10000x128xf32, #tpu.memory_space<hbm>>
        tpu.enqueue_indirect_dma source(%dma_start3A_430 : memref<10000x128xf32, #tpu.memory_space<hbm>>) target(%arg10 : memref<80x128xf32, #tpu.memory_space<vmem>>) offsets(%dma_start3A_427 : memref<80xi32, #tpu.memory_space<vmem>>) semaphore(%arg16 : memref<!tpu.dma_semaphore, #tpu.memory_space<semaphore_mem>>)
      } else {
      }
      %scan3A_371 = arith.constant 0 : i32
      %scan3A_372 = arith.constant 40 : i32
      %scan3A_373 = arith.addi %scan3A_371, %scan3A_372 : i32
      %scan3A_374 = arith.constant 1 : i32
      scf.for %scan3A_400 = %scan3A_371 to %scan3A_373 step %scan3A_374  : i32 {
        %mul3A_401 = arith.constant 2 : i32
        %mul3A_402 = arith.muli %scan3A_400, %mul3A_401 : i32
        %add3A_403 = arith.constant 0 : i32
        %add3A_404 = arith.addi %add3A_403, %mul3A_402 : i32
        %add3A_405 = arith.constant 0 : i32
        %add3A_406 = arith.addi %add3A_404, %add3A_405 : i32
        %get3A = arith.index_cast %add3A_406 : i32 to index
        %get3A_407 = arith.constant 0 : index
        %get3A_408 = tpu.vector_load %arg9[%get3A, %get3A_407] {strides = array<i32>} : memref<80x128xf32, #tpu.memory_space<vmem>>, vector<1x16xf32>,
        %get3A_409 = vector.shape_cast %get3A_408 : vector<1x16xf32> to vector<16xf32>
        %add3A_410 = arith.constant 0 : i32
        %add3A_411 = arith.addi %add3A_404, %add3A_410 : i32
        %get3A_412 = arith.index_cast %add3A_411 : i32 to index
        %get3A_413 = arith.constant 0 : index
        %get3A_414 = tpu.vector_load %arg11[%get3A_412, %get3A_413] {strides = array<i32>} : memref<80x128xf32, #tpu.memory_space<vmem>>, vector<1x16xf32>,
        %get3A_415 = vector.shape_cast %get3A_414 : vector<1x16xf32> to vector<16xf32>
        %add3A_416 = arith.addf %get3A_409, %get3A_415 : vector<16xf32>
        %max3A = arith.constant 0.000000e+00 : f32
        %max3A_417 = vector.broadcast %max3A : f32 to vector<16xf32>
        %max3A_418 = arith.maximumf %add3A_416, %max3A_417 : vector<16xf32>
        %add3A_419 = arith.constant 0 : i32
        %add3A_420 = arith.addi %add3A_404, %add3A_419 : i32
        %swap3A = arith.index_cast %add3A_420 : i32 to index
        %swap3A_421 = arith.constant 0 : index
        %swap3A_422 = tpu.vector_load %arg9[%swap3A, %swap3A_421] {strides = array<i32>} : memref<80x128xf32, #tpu.memory_space<vmem>>, vector<1x16xf32>,
        %swap3A_423 = vector.shape_cast %swap3A_422 : vector<1x16xf32> to vector<16xf32>
        %swap3A_424 = vector.shape_cast %max3A_418 : vector<16xf32> to vector<1x16xf32>
        tpu.vector_store %arg9[%swap3A, %swap3A_421], %swap3A_424 {strides = array<i32>} : memref<80x128xf32, #tpu.memory_space<vmem>>, vector<1x16xf32>,
        %add3A_425 = arith.constant 0 : i32
        %add3A_426 = arith.addi %add3A_404, %add3A_425 : i32
        %get3A_427 = arith.index_cast %add3A_426 : i32 to index
        %get3A_428 = arith.constant 16 : index
        %get3A_429 = tpu.vector_load %arg9[%get3A_427, %get3A_428] {strides = array<i32>} : memref<80x128xf32, #tpu.memory_space<vmem>>, vector<1x16xf32>,
        %get3A_430 = vector.shape_cast %get3A_429 : vector<1x16xf32> to vector<16xf32>
        %add3A_431 = arith.constant 0 : i32
        %add3A_432 = arith.addi %add3A_404, %add3A_431 : i32
        %get3A_433 = arith.index_cast %add3A_432 : i32 to index
        %get3A_434 = arith.constant 16 : index
        %get3A_435 = tpu.vector_load %arg11[%get3A_433, %get3A_434] {strides = array<i32>} : memref<80x128xf32, #tpu.memory_space<vmem>>, vector<1x16xf32>,
        %get3A_436 = vector.shape_cast %get3A_435 : vector<1x16xf32> to vector<16xf32>
        %add3A_437 = arith.addf %get3A_430, %get3A_436 : vector<16xf32>
        %max3A_438 = arith.constant 0.000000e+00 : f32
        %max3A_439 = vector.broadcast %max3A_438 : f32 to vector<16xf32>
        %max3A_440 = arith.maximumf %add3A_437, %max3A_439 : vector<16xf32>
        %add3A_441 = arith.constant 0 : i32
        %add3A_442 = arith.addi %add3A_404, %add3A_441 : i32
        %swap3A_443 = arith.index_cast %add3A_442 : i32 to index
        %swap3A_444 = arith.constant 16 : index
        %swap3A_445 = tpu.vector_load %arg9[%swap3A_443, %swap3A_444] {strides = array<i32>} : memref<80x128xf32, #tpu.memory_space<vmem>>, vector<1x16xf32>,
        %swap3A_446 = vector.shape_cast %swap3A_445 : vector<1x16xf32> to vector<16xf32>
        %swap3A_447 = vector.shape_cast %max3A_440 : vector<16xf32> to vector<1x16xf32>
        tpu.vector_store %arg9[%swap3A_443, %swap3A_444], %swap3A_447 {strides = array<i32>} : memref<80x128xf32, #tpu.memory_space<vmem>>, vector<1x16xf32>,
        %add3A_448 = arith.constant 0 : i32
        %add3A_449 = arith.addi %add3A_404, %add3A_448 : i32
        %get3A_450 = arith.index_cast %add3A_449 : i32 to index
        %get3A_451 = arith.constant 32 : index
        %get3A_452 = tpu.vector_load %arg9[%get3A_450, %get3A_451] {strides = array<i32>} : memref<80x128xf32, #tpu.memory_space<vmem>>, vector<1x16xf32>,
        %get3A_453 = vector.shape_cast %get3A_452 : vector<1x16xf32> to vector<16xf32>
        %add3A_454 = arith.constant 0 : i32
        %add3A_455 = arith.addi %add3A_404, %add3A_454 : i32
        %get3A_456 = arith.index_cast %add3A_455 : i32 to index
        %get3A_457 = arith.constant 32 : index
        %get3A_458 = tpu.vector_load %arg11[%get3A_456, %get3A_457] {strides = array<i32>} : memref<80x128xf32, #tpu.memory_space<vmem>>, vector<1x16xf32>,
        %get3A_459 = vector.shape_cast %get3A_458 : vector<1x16xf32> to vector<16xf32>
        %add3A_460 = arith.addf %get3A_453, %get3A_459 : vector<16xf32>
        %max3A_461 = arith.constant 0.000000e+00 : f32
        %max3A_462 = vector.broadcast %max3A_461 : f32 to vector<16xf32>
        %max3A_463 = arith.maximumf %add3A_460, %max3A_462 : vector<16xf32>
        %add3A_464 = arith.constant 0 : i32
        %add3A_465 = arith.addi %add3A_404, %add3A_464 : i32
        %swap3A_466 = arith.index_cast %add3A_465 : i32 to index
        %swap3A_467 = arith.constant 32 : index
        %swap3A_468 = tpu.vector_load %arg9[%swap3A_466, %swap3A_467] {strides = array<i32>} : memref<80x128xf32, #tpu.memory_space<vmem>>, vector<1x16xf32>,
        %swap3A_469 = vector.shape_cast %swap3A_468 : vector<1x16xf32> to vector<16xf32>
        %swap3A_470 = vector.shape_cast %max3A_463 : vector<16xf32> to vector<1x16xf32>
        tpu.vector_store %arg9[%swap3A_466, %swap3A_467], %swap3A_470 {strides = array<i32>} : memref<80x128xf32, #tpu.memory_space<vmem>>, vector<1x16xf32>,
        %add3A_471 = arith.constant 0 : i32
        %add3A_472 = arith.addi %add3A_404, %add3A_471 : i32
        %get3A_473 = arith.index_cast %add3A_472 : i32 to index
        %get3A_474 = arith.constant 48 : index
        %get3A_475 = tpu.vector_load %arg9[%get3A_473, %get3A_474] {strides = array<i32>} : memref<80x128xf32, #tpu.memory_space<vmem>>, vector<1x16xf32>,
        %get3A_476 = vector.shape_cast %get3A_475 : vector<1x16xf32> to vector<16xf32>
        %add3A_477 = arith.constant 0 : i32
        %add3A_478 = arith.addi %add3A_404, %add3A_477 : i32
        %get3A_479 = arith.index_cast %add3A_478 : i32 to index
        %get3A_480 = arith.constant 48 : index
        %get3A_481 = tpu.vector_load %arg11[%get3A_479, %get3A_480] {strides = array<i32>} : memref<80x128xf32, #tpu.memory_space<vmem>>, vector<1x16xf32>,
        %get3A_482 = vector.shape_cast %get3A_481 : vector<1x16xf32> to vector<16xf32>
        %add3A_483 = arith.addf %get3A_476, %get3A_482 : vector<16xf32>
        %max3A_484 = arith.constant 0.000000e+00 : f32
        %max3A_485 = vector.broadcast %max3A_484 : f32 to vector<16xf32>
        %max3A_486 = arith.maximumf %add3A_483, %max3A_485 : vector<16xf32>
        %add3A_487 = arith.constant 0 : i32
        %add3A_488 = arith.addi %add3A_404, %add3A_487 : i32
        %swap3A_489 = arith.index_cast %add3A_488 : i32 to index
        %swap3A_490 = arith.constant 48 : index
        %swap3A_491 = tpu.vector_load %arg9[%swap3A_489, %swap3A_490] {strides = array<i32>} : memref<80x128xf32, #tpu.memory_space<vmem>>, vector<1x16xf32>,
        %swap3A_492 = vector.shape_cast %swap3A_491 : vector<1x16xf32> to vector<16xf32>
        %swap3A_493 = vector.shape_cast %max3A_486 : vector<16xf32> to vector<1x16xf32>
        tpu.vector_store %arg9[%swap3A_489, %swap3A_490], %swap3A_493 {strides = array<i32>} : memref<80x128xf32, #tpu.memory_space<vmem>>, vector<1x16xf32>,
        %add3A_494 = arith.constant 0 : i32
        %add3A_495 = arith.addi %add3A_404, %add3A_494 : i32
        %get3A_496 = arith.index_cast %add3A_495 : i32 to index
        %get3A_497 = arith.constant 64 : index
        %get3A_498 = tpu.vector_load %arg9[%get3A_496, %get3A_497] {strides = array<i32>} : memref<80x128xf32, #tpu.memory_space<vmem>>, vector<1x16xf32>,
        %get3A_499 = vector.shape_cast %get3A_498 : vector<1x16xf32> to vector<16xf32>
        %add3A_500 = arith.constant 0 : i32
        %add3A_501 = arith.addi %add3A_404, %add3A_500 : i32
        %get3A_502 = arith.index_cast %add3A_501 : i32 to index
        %get3A_503 = arith.constant 64 : index
        %get3A_504 = tpu.vector_load %arg11[%get3A_502, %get3A_503] {strides = array<i32>} : memref<80x128xf32, #tpu.memory_space<vmem>>, vector<1x16xf32>,
        %get3A_505 = vector.shape_cast %get3A_504 : vector<1x16xf32> to vector<16xf32>
        %add3A_506 = arith.addf %get3A_499, %get3A_505 : vector<16xf32>
        %max3A_507 = arith.constant 0.000000e+00 : f32
        %max3A_508 = vector.broadcast %max3A_507 : f32 to vector<16xf32>
        %max3A_509 = arith.maximumf %add3A_506, %max3A_508 : vector<16xf32>
        %add3A_510 = arith.constant 0 : i32
        %add3A_511 = arith.addi %add3A_404, %add3A_510 : i32
        %swap3A_512 = arith.index_cast %add3A_511 : i32 to index
        %swap3A_513 = arith.constant 64 : index
        %swap3A_514 = tpu.vector_load %arg9[%swap3A_512, %swap3A_513] {strides = array<i32>} : memref<80x128xf32, #tpu.memory_space<vmem>>, vector<1x16xf32>,
        %swap3A_515 = vector.shape_cast %swap3A_514 : vector<1x16xf32> to vector<16xf32>
        %swap3A_516 = vector.shape_cast %max3A_509 : vector<16xf32> to vector<1x16xf32>
        tpu.vector_store %arg9[%swap3A_512, %swap3A_513], %swap3A_516 {strides = array<i32>} : memref<80x128xf32, #tpu.memory_space<vmem>>, vector<1x16xf32>,
        %add3A_517 = arith.constant 0 : i32
        %add3A_518 = arith.addi %add3A_404, %add3A_517 : i32
        %get3A_519 = arith.index_cast %add3A_518 : i32 to index
        %get3A_520 = arith.constant 80 : index
        %get3A_521 = tpu.vector_load %arg9[%get3A_519, %get3A_520] {strides = array<i32>} : memref<80x128xf32, #tpu.memory_space<vmem>>, vector<1x16xf32>,
        %get3A_522 = vector.shape_cast %get3A_521 : vector<1x16xf32> to vector<16xf32>
        %add3A_523 = arith.constant 0 : i32
        %add3A_524 = arith.addi %add3A_404, %add3A_523 : i32
        %get3A_525 = arith.index_cast %add3A_524 : i32 to index
        %get3A_526 = arith.constant 80 : index
        %get3A_527 = tpu.vector_load %arg11[%get3A_525, %get3A_526] {strides = array<i32>} : memref<80x128xf32, #tpu.memory_space<vmem>>, vector<1x16xf32>,
        %get3A_528 = vector.shape_cast %get3A_527 : vector<1x16xf32> to vector<16xf32>
        %add3A_529 = arith.addf %get3A_522, %get3A_528 : vector<16xf32>
        %max3A_530 = arith.constant 0.000000e+00 : f32
        %max3A_531 = vector.broadcast %max3A_530 : f32 to vector<16xf32>
        %max3A_532 = arith.maximumf %add3A_529, %max3A_531 : vector<16xf32>
        %add3A_533 = arith.constant 0 : i32
        %add3A_534 = arith.addi %add3A_404, %add3A_533 : i32
        %swap3A_535 = arith.index_cast %add3A_534 : i32 to index
        %swap3A_536 = arith.constant 80 : index
        %swap3A_537 = tpu.vector_load %arg9[%swap3A_535, %swap3A_536] {strides = array<i32>} : memref<80x128xf32, #tpu.memory_space<vmem>>, vector<1x16xf32>,
        %swap3A_538 = vector.shape_cast %swap3A_537 : vector<1x16xf32> to vector<16xf32>
        %swap3A_539 = vector.shape_cast %max3A_532 : vector<16xf32> to vector<1x16xf32>
        tpu.vector_store %arg9[%swap3A_535, %swap3A_536], %swap3A_539 {strides = array<i32>} : memref<80x128xf32, #tpu.memory_space<vmem>>, vector<1x16xf32>,
        %add3A_540 = arith.constant 0 : i32
        %add3A_541 = arith.addi %add3A_404, %add3A_540 : i32
        %get3A_542 = arith.index_cast %add3A_541 : i32 to index
        %get3A_543 = arith.constant 96 : index
        %get3A_544 = tpu.vector_load %arg9[%get3A_542, %get3A_543] {strides = array<i32>} : memref<80x128xf32, #tpu.memory_space<vmem>>, vector<1x16xf32>,
        %get3A_545 = vector.shape_cast %get3A_544 : vector<1x16xf32> to vector<16xf32>
        %add3A_546 = arith.constant 0 : i32
        %add3A_547 = arith.addi %add3A_404, %add3A_546 : i32
        %get3A_548 = arith.index_cast %add3A_547 : i32 to index
        %get3A_549 = arith.constant 96 : index
        %get3A_550 = tpu.vector_load %arg11[%get3A_548, %get3A_549] {strides = array<i32>} : memref<80x128xf32, #tpu.memory_space<vmem>>, vector<1x16xf32>,
        %get3A_551 = vector.shape_cast %get3A_550 : vector<1x16xf32> to vector<16xf32>
        %add3A_552 = arith.addf %get3A_545, %get3A_551 : vector<16xf32>
        %max3A_553 = arith.constant 0.000000e+00 : f32
        %max3A_554 = vector.broadcast %max3A_553 : f32 to vector<16xf32>
        %max3A_555 = arith.maximumf %add3A_552, %max3A_554 : vector<16xf32>
        %add3A_556 = arith.constant 0 : i32
        %add3A_557 = arith.addi %add3A_404, %add3A_556 : i32
        %swap3A_558 = arith.index_cast %add3A_557 : i32 to index
        %swap3A_559 = arith.constant 96 : index
        %swap3A_560 = tpu.vector_load %arg9[%swap3A_558, %swap3A_559] {strides = array<i32>} : memref<80x128xf32, #tpu.memory_space<vmem>>, vector<1x16xf32>,
        %swap3A_561 = vector.shape_cast %swap3A_560 : vector<1x16xf32> to vector<16xf32>
        %swap3A_562 = vector.shape_cast %max3A_555 : vector<16xf32> to vector<1x16xf32>
        tpu.vector_store %arg9[%swap3A_558, %swap3A_559], %swap3A_562 {strides = array<i32>} : memref<80x128xf32, #tpu.memory_space<vmem>>, vector<1x16xf32>,
        %add3A_563 = arith.constant 0 : i32
        %add3A_564 = arith.addi %add3A_404, %add3A_563 : i32
        %get3A_565 = arith.index_cast %add3A_564 : i32 to index
        %get3A_566 = arith.constant 112 : index
        %get3A_567 = tpu.vector_load %arg9[%get3A_565, %get3A_566] {strides = array<i32>} : memref<80x128xf32, #tpu.memory_space<vmem>>, vector<1x16xf32>,
        %get3A_568 = vector.shape_cast %get3A_567 : vector<1x16xf32> to vector<16xf32>
        %add3A_569 = arith.constant 0 : i32
        %add3A_570 = arith.addi %add3A_404, %add3A_569 : i32
        %get3A_571 = arith.index_cast %add3A_570 : i32 to index
        %get3A_572 = arith.constant 112 : index
        %get3A_573 = tpu.vector_load %arg11[%get3A_571, %get3A_572] {strides = array<i32>} : memref<80x128xf32, #tpu.memory_space<vmem>>, vector<1x16xf32>,
        %get3A_574 = vector.shape_cast %get3A_573 : vector<1x16xf32> to vector<16xf32>
        %add3A_575 = arith.addf %get3A_568, %get3A_574 : vector<16xf32>
        %max3A_576 = arith.constant 0.000000e+00 : f32
        %max3A_577 = vector.broadcast %max3A_576 : f32 to vector<16xf32>
        %max3A_578 = arith.maximumf %add3A_575, %max3A_577 : vector<16xf32>
        %add3A_579 = arith.constant 0 : i32
        %add3A_580 = arith.addi %add3A_404, %add3A_579 : i32
        %swap3A_581 = arith.index_cast %add3A_580 : i32 to index
        %swap3A_582 = arith.constant 112 : index
        %swap3A_583 = tpu.vector_load %arg9[%swap3A_581, %swap3A_582] {strides = array<i32>} : memref<80x128xf32, #tpu.memory_space<vmem>>, vector<1x16xf32>,
        %swap3A_584 = vector.shape_cast %swap3A_583 : vector<1x16xf32> to vector<16xf32>
        %swap3A_585 = vector.shape_cast %max3A_578 : vector<16xf32> to vector<1x16xf32>
        tpu.vector_store %arg9[%swap3A_581, %swap3A_582], %swap3A_585 {strides = array<i32>} : memref<80x128xf32, #tpu.memory_space<vmem>>, vector<1x16xf32>,
        %add3A_586 = arith.constant 1 : i32
        %add3A_587 = arith.addi %add3A_404, %add3A_586 : i32
        %get3A_588 = arith.index_cast %add3A_587 : i32 to index
        %get3A_589 = arith.constant 0 : index
        %get3A_590 = tpu.vector_load %arg9[%get3A_588, %get3A_589] {strides = array<i32>} : memref<80x128xf32, #tpu.memory_space<vmem>>, vector<1x16xf32>,
        %get3A_591 = vector.shape_cast %get3A_590 : vector<1x16xf32> to vector<16xf32>
        %add3A_592 = arith.constant 1 : i32
        %add3A_593 = arith.addi %add3A_404, %add3A_592 : i32
        %get3A_594 = arith.index_cast %add3A_593 : i32 to index
        %get3A_595 = arith.constant 0 : index
        %get3A_596 = tpu.vector_load %arg11[%get3A_594, %get3A_595] {strides = array<i32>} : memref<80x128xf32, #tpu.memory_space<vmem>>, vector<1x16xf32>,
        %get3A_597 = vector.shape_cast %get3A_596 : vector<1x16xf32> to vector<16xf32>
        %add3A_598 = arith.addf %get3A_591, %get3A_597 : vector<16xf32>
        %max3A_599 = arith.constant 0.000000e+00 : f32
        %max3A_600 = vector.broadcast %max3A_599 : f32 to vector<16xf32>
        %max3A_601 = arith.maximumf %add3A_598, %max3A_600 : vector<16xf32>
        %add3A_602 = arith.constant 1 : i32
        %add3A_603 = arith.addi %add3A_404, %add3A_602 : i32
        %swap3A_604 = arith.index_cast %add3A_603 : i32 to index
        %swap3A_605 = arith.constant 0 : index
        %swap3A_606 = tpu.vector_load %arg9[%swap3A_604, %swap3A_605] {strides = array<i32>} : memref<80x128xf32, #tpu.memory_space<vmem>>, vector<1x16xf32>,
        %swap3A_607 = vector.shape_cast %swap3A_606 : vector<1x16xf32> to vector<16xf32>
        %swap3A_608 = vector.shape_cast %max3A_601 : vector<16xf32> to vector<1x16xf32>
        tpu.vector_store %arg9[%swap3A_604, %swap3A_605], %swap3A_608 {strides = array<i32>} : memref<80x128xf32, #tpu.memory_space<vmem>>, vector<1x16xf32>,
        %add3A_609 = arith.constant 1 : i32
        %add3A_610 = arith.addi %add3A_404, %add3A_609 : i32
        %get3A_611 = arith.index_cast %add3A_610 : i32 to index
        %get3A_612 = arith.constant 16 : index
        %get3A_613 = tpu.vector_load %arg9[%get3A_611, %get3A_612] {strides = array<i32>} : memref<80x128xf32, #tpu.memory_space<vmem>>, vector<1x16xf32>,
        %get3A_614 = vector.shape_cast %get3A_613 : vector<1x16xf32> to vector<16xf32>
        %add3A_615 = arith.constant 1 : i32
        %add3A_616 = arith.addi %add3A_404, %add3A_615 : i32
        %get3A_617 = arith.index_cast %add3A_616 : i32 to index
        %get3A_618 = arith.constant 16 : index
        %get3A_619 = tpu.vector_load %arg11[%get3A_617, %get3A_618] {strides = array<i32>} : memref<80x128xf32, #tpu.memory_space<vmem>>, vector<1x16xf32>,
        %get3A_620 = vector.shape_cast %get3A_619 : vector<1x16xf32> to vector<16xf32>
        %add3A_621 = arith.addf %get3A_614, %get3A_620 : vector<16xf32>
        %max3A_622 = arith.constant 0.000000e+00 : f32
        %max3A_623 = vector.broadcast %max3A_622 : f32 to vector<16xf32>
        %max3A_624 = arith.maximumf %add3A_621, %max3A_623 : vector<16xf32>
        %add3A_625 = arith.constant 1 : i32
        %add3A_626 = arith.addi %add3A_404, %add3A_625 : i32
        %swap3A_627 = arith.index_cast %add3A_626 : i32 to index
        %swap3A_628 = arith.constant 16 : index
        %swap3A_629 = tpu.vector_load %arg9[%swap3A_627, %swap3A_628] {strides = array<i32>} : memref<80x128xf32, #tpu.memory_space<vmem>>, vector<1x16xf32>,
        %swap3A_630 = vector.shape_cast %swap3A_629 : vector<1x16xf32> to vector<16xf32>
        %swap3A_631 = vector.shape_cast %max3A_624 : vector<16xf32> to vector<1x16xf32>
        tpu.vector_store %arg9[%swap3A_627, %swap3A_628], %swap3A_631 {strides = array<i32>} : memref<80x128xf32, #tpu.memory_space<vmem>>, vector<1x16xf32>,
        %add3A_632 = arith.constant 1 : i32
        %add3A_633 = arith.addi %add3A_404, %add3A_632 : i32
        %get3A_634 = arith.index_cast %add3A_633 : i32 to index
        %get3A_635 = arith.constant 32 : index
        %get3A_636 = tpu.vector_load %arg9[%get3A_634, %get3A_635] {strides = array<i32>} : memref<80x128xf32, #tpu.memory_space<vmem>>, vector<1x16xf32>,
        %get3A_637 = vector.shape_cast %get3A_636 : vector<1x16xf32> to vector<16xf32>
        %add3A_638 = arith.constant 1 : i32
        %add3A_639 = arith.addi %add3A_404, %add3A_638 : i32
        %get3A_640 = arith.index_cast %add3A_639 : i32 to index
        %get3A_641 = arith.constant 32 : index
        %get3A_642 = tpu.vector_load %arg11[%get3A_640, %get3A_641] {strides = array<i32>} : memref<80x128xf32, #tpu.memory_space<vmem>>, vector<1x16xf32>,
        %get3A_643 = vector.shape_cast %get3A_642 : vector<1x16xf32> to vector<16xf32>
        %add3A_644 = arith.addf %get3A_637, %get3A_643 : vector<16xf32>
        %max3A_645 = arith.constant 0.000000e+00 : f32
        %max3A_646 = vector.broadcast %max3A_645 : f32 to vector<16xf32>
        %max3A_647 = arith.maximumf %add3A_644, %max3A_646 : vector<16xf32>
        %add3A_648 = arith.constant 1 : i32
        %add3A_649 = arith.addi %add3A_404, %add3A_648 : i32
        %swap3A_650 = arith.index_cast %add3A_649 : i32 to index
        %swap3A_651 = arith.constant 32 : index
        %swap3A_652 = tpu.vector_load %arg9[%swap3A_650, %swap3A_651] {strides = array<i32>} : memref<80x128xf32, #tpu.memory_space<vmem>>, vector<1x16xf32>,
        %swap3A_653 = vector.shape_cast %swap3A_652 : vector<1x16xf32> to vector<16xf32>
        %swap3A_654 = vector.shape_cast %max3A_647 : vector<16xf32> to vector<1x16xf32>
        tpu.vector_store %arg9[%swap3A_650, %swap3A_651], %swap3A_654 {strides = array<i32>} : memref<80x128xf32, #tpu.memory_space<vmem>>, vector<1x16xf32>,
        %add3A_655 = arith.constant 1 : i32
        %add3A_656 = arith.addi %add3A_404, %add3A_655 : i32
        %get3A_657 = arith.index_cast %add3A_656 : i32 to index
        %get3A_658 = arith.constant 48 : index
        %get3A_659 = tpu.vector_load %arg9[%get3A_657, %get3A_658] {strides = array<i32>} : memref<80x128xf32, #tpu.memory_space<vmem>>, vector<1x16xf32>,
        %get3A_660 = vector.shape_cast %get3A_659 : vector<1x16xf32> to vector<16xf32>
        %add3A_661 = arith.constant 1 : i32
        %add3A_662 = arith.addi %add3A_404, %add3A_661 : i32
        %get3A_663 = arith.index_cast %add3A_662 : i32 to index
        %get3A_664 = arith.constant 48 : index
        %get3A_665 = tpu.vector_load %arg11[%get3A_663, %get3A_664] {strides = array<i32>} : memref<80x128xf32, #tpu.memory_space<vmem>>, vector<1x16xf32>,
        %get3A_666 = vector.shape_cast %get3A_665 : vector<1x16xf32> to vector<16xf32>
        %add3A_667 = arith.addf %get3A_660, %get3A_666 : vector<16xf32>
        %max3A_668 = arith.constant 0.000000e+00 : f32
        %max3A_669 = vector.broadcast %max3A_668 : f32 to vector<16xf32>
        %max3A_670 = arith.maximumf %add3A_667, %max3A_669 : vector<16xf32>
        %add3A_671 = arith.constant 1 : i32
        %add3A_672 = arith.addi %add3A_404, %add3A_671 : i32
        %swap3A_673 = arith.index_cast %add3A_672 : i32 to index
        %swap3A_674 = arith.constant 48 : index
        %swap3A_675 = tpu.vector_load %arg9[%swap3A_673, %swap3A_674] {strides = array<i32>} : memref<80x128xf32, #tpu.memory_space<vmem>>, vector<1x16xf32>,
        %swap3A_676 = vector.shape_cast %swap3A_675 : vector<1x16xf32> to vector<16xf32>
        %swap3A_677 = vector.shape_cast %max3A_670 : vector<16xf32> to vector<1x16xf32>
        tpu.vector_store %arg9[%swap3A_673, %swap3A_674], %swap3A_677 {strides = array<i32>} : memref<80x128xf32, #tpu.memory_space<vmem>>, vector<1x16xf32>,
        %add3A_678 = arith.constant 1 : i32
        %add3A_679 = arith.addi %add3A_404, %add3A_678 : i32
        %get3A_680 = arith.index_cast %add3A_679 : i32 to index
        %get3A_681 = arith.constant 64 : index
        %get3A_682 = tpu.vector_load %arg9[%get3A_680, %get3A_681] {strides = array<i32>} : memref<80x128xf32, #tpu.memory_space<vmem>>, vector<1x16xf32>,
        %get3A_683 = vector.shape_cast %get3A_682 : vector<1x16xf32> to vector<16xf32>
        %add3A_684 = arith.constant 1 : i32
        %add3A_685 = arith.addi %add3A_404, %add3A_684 : i32
        %get3A_686 = arith.index_cast %add3A_685 : i32 to index
        %get3A_687 = arith.constant 64 : index
        %get3A_688 = tpu.vector_load %arg11[%get3A_686, %get3A_687] {strides = array<i32>} : memref<80x128xf32, #tpu.memory_space<vmem>>, vector<1x16xf32>,
        %get3A_689 = vector.shape_cast %get3A_688 : vector<1x16xf32> to vector<16xf32>
        %add3A_690 = arith.addf %get3A_683, %get3A_689 : vector<16xf32>
        %max3A_691 = arith.constant 0.000000e+00 : f32
        %max3A_692 = vector.broadcast %max3A_691 : f32 to vector<16xf32>
        %max3A_693 = arith.maximumf %add3A_690, %max3A_692 : vector<16xf32>
        %add3A_694 = arith.constant 1 : i32
        %add3A_695 = arith.addi %add3A_404, %add3A_694 : i32
        %swap3A_696 = arith.index_cast %add3A_695 : i32 to index
        %swap3A_697 = arith.constant 64 : index
        %swap3A_698 = tpu.vector_load %arg9[%swap3A_696, %swap3A_697] {strides = array<i32>} : memref<80x128xf32, #tpu.memory_space<vmem>>, vector<1x16xf32>,
        %swap3A_699 = vector.shape_cast %swap3A_698 : vector<1x16xf32> to vector<16xf32>
        %swap3A_700 = vector.shape_cast %max3A_693 : vector<16xf32> to vector<1x16xf32>
        tpu.vector_store %arg9[%swap3A_696, %swap3A_697], %swap3A_700 {strides = array<i32>} : memref<80x128xf32, #tpu.memory_space<vmem>>, vector<1x16xf32>,
        %add3A_701 = arith.constant 1 : i32
        %add3A_702 = arith.addi %add3A_404, %add3A_701 : i32
        %get3A_703 = arith.index_cast %add3A_702 : i32 to index
        %get3A_704 = arith.constant 80 : index
        %get3A_705 = tpu.vector_load %arg9[%get3A_703, %get3A_704] {strides = array<i32>} : memref<80x128xf32, #tpu.memory_space<vmem>>, vector<1x16xf32>,
        %get3A_706 = vector.shape_cast %get3A_705 : vector<1x16xf32> to vector<16xf32>
        %add3A_707 = arith.constant 1 : i32
        %add3A_708 = arith.addi %add3A_404, %add3A_707 : i32
        %get3A_709 = arith.index_cast %add3A_708 : i32 to index
        %get3A_710 = arith.constant 80 : index
        %get3A_711 = tpu.vector_load %arg11[%get3A_709, %get3A_710] {strides = array<i32>} : memref<80x128xf32, #tpu.memory_space<vmem>>, vector<1x16xf32>,
        %get3A_712 = vector.shape_cast %get3A_711 : vector<1x16xf32> to vector<16xf32>
        %add3A_713 = arith.addf %get3A_706, %get3A_712 : vector<16xf32>
        %max3A_714 = arith.constant 0.000000e+00 : f32
        %max3A_715 = vector.broadcast %max3A_714 : f32 to vector<16xf32>
        %max3A_716 = arith.maximumf %add3A_713, %max3A_715 : vector<16xf32>
        %add3A_717 = arith.constant 1 : i32
        %add3A_718 = arith.addi %add3A_404, %add3A_717 : i32
        %swap3A_719 = arith.index_cast %add3A_718 : i32 to index
        %swap3A_720 = arith.constant 80 : index
        %swap3A_721 = tpu.vector_load %arg9[%swap3A_719, %swap3A_720] {strides = array<i32>} : memref<80x128xf32, #tpu.memory_space<vmem>>, vector<1x16xf32>,
        %swap3A_722 = vector.shape_cast %swap3A_721 : vector<1x16xf32> to vector<16xf32>
        %swap3A_723 = vector.shape_cast %max3A_716 : vector<16xf32> to vector<1x16xf32>
        tpu.vector_store %arg9[%swap3A_719, %swap3A_720], %swap3A_723 {strides = array<i32>} : memref<80x128xf32, #tpu.memory_space<vmem>>, vector<1x16xf32>,
        %add3A_724 = arith.constant 1 : i32
        %add3A_725 = arith.addi %add3A_404, %add3A_724 : i32
        %get3A_726 = arith.index_cast %add3A_725 : i32 to index
        %get3A_727 = arith.constant 96 : index
        %get3A_728 = tpu.vector_load %arg9[%get3A_726, %get3A_727] {strides = array<i32>} : memref<80x128xf32, #tpu.memory_space<vmem>>, vector<1x16xf32>,
        %get3A_729 = vector.shape_cast %get3A_728 : vector<1x16xf32> to vector<16xf32>
        %add3A_730 = arith.constant 1 : i32
        %add3A_731 = arith.addi %add3A_404, %add3A_730 : i32
        %get3A_732 = arith.index_cast %add3A_731 : i32 to index
        %get3A_733 = arith.constant 96 : index
        %get3A_734 = tpu.vector_load %arg11[%get3A_732, %get3A_733] {strides = array<i32>} : memref<80x128xf32, #tpu.memory_space<vmem>>, vector<1x16xf32>,
        %get3A_735 = vector.shape_cast %get3A_734 : vector<1x16xf32> to vector<16xf32>
        %add3A_736 = arith.addf %get3A_729, %get3A_735 : vector<16xf32>
        %max3A_737 = arith.constant 0.000000e+00 : f32
        %max3A_738 = vector.broadcast %max3A_737 : f32 to vector<16xf32>
        %max3A_739 = arith.maximumf %add3A_736, %max3A_738 : vector<16xf32>
        %add3A_740 = arith.constant 1 : i32
        %add3A_741 = arith.addi %add3A_404, %add3A_740 : i32
        %swap3A_742 = arith.index_cast %add3A_741 : i32 to index
        %swap3A_743 = arith.constant 96 : index
        %swap3A_744 = tpu.vector_load %arg9[%swap3A_742, %swap3A_743] {strides = array<i32>} : memref<80x128xf32, #tpu.memory_space<vmem>>, vector<1x16xf32>,
        %swap3A_745 = vector.shape_cast %swap3A_744 : vector<1x16xf32> to vector<16xf32>
        %swap3A_746 = vector.shape_cast %max3A_739 : vector<16xf32> to vector<1x16xf32>
        tpu.vector_store %arg9[%swap3A_742, %swap3A_743], %swap3A_746 {strides = array<i32>} : memref<80x128xf32, #tpu.memory_space<vmem>>, vector<1x16xf32>,
        %add3A_747 = arith.constant 1 : i32
        %add3A_748 = arith.addi %add3A_404, %add3A_747 : i32
        %get3A_749 = arith.index_cast %add3A_748 : i32 to index
        %get3A_750 = arith.constant 112 : index
        %get3A_751 = tpu.vector_load %arg9[%get3A_749, %get3A_750] {strides = array<i32>} : memref<80x128xf32, #tpu.memory_space<vmem>>, vector<1x16xf32>,
        %get3A_752 = vector.shape_cast %get3A_751 : vector<1x16xf32> to vector<16xf32>
        %add3A_753 = arith.constant 1 : i32
        %add3A_754 = arith.addi %add3A_404, %add3A_753 : i32
        %get3A_755 = arith.index_cast %add3A_754 : i32 to index
        %get3A_756 = arith.constant 112 : index
        %get3A_757 = tpu.vector_load %arg11[%get3A_755, %get3A_756] {strides = array<i32>} : memref<80x128xf32, #tpu.memory_space<vmem>>, vector<1x16xf32>,
        %get3A_758 = vector.shape_cast %get3A_757 : vector<1x16xf32> to vector<16xf32>
        %add3A_759 = arith.addf %get3A_752, %get3A_758 : vector<16xf32>
        %max3A_760 = arith.constant 0.000000e+00 : f32
        %max3A_761 = vector.broadcast %max3A_760 : f32 to vector<16xf32>
        %max3A_762 = arith.maximumf %add3A_759, %max3A_761 : vector<16xf32>
        %add3A_763 = arith.constant 1 : i32
        %add3A_764 = arith.addi %add3A_404, %add3A_763 : i32
        %swap3A_765 = arith.index_cast %add3A_764 : i32 to index
        %swap3A_766 = arith.constant 112 : index
        %swap3A_767 = tpu.vector_load %arg9[%swap3A_765, %swap3A_766] {strides = array<i32>} : memref<80x128xf32, #tpu.memory_space<vmem>>, vector<1x16xf32>,
        %swap3A_768 = vector.shape_cast %swap3A_767 : vector<1x16xf32> to vector<16xf32>
        %swap3A_769 = vector.shape_cast %max3A_762 : vector<16xf32> to vector<1x16xf32>
        tpu.vector_store %arg9[%swap3A_765, %swap3A_766], %swap3A_769 {strides = array<i32>} : memref<80x128xf32, #tpu.memory_space<vmem>>, vector<1x16xf32>,
      }
      %scan3A_375 = arith.constant 40 : i32
      %add3A_376 = arith.constant 1 : i32
      %add3A_377 = arith.addi %mul3A_80, %add3A_376 : i32
      %jit3A_378 = arith.constant 4 : i32
      %eq3A_379 = arith.constant 0 : i32
      %eq3A_380 = arith.cmpi eq, %jit3A_378, %eq3A_379 : i32
      %jit3A_381 = arith.constant 1 : i32
      %select_n3A_382 = arith.select %eq3A_380, %jit3A_381, %jit3A_378 : i32
      %rem3A_383 = arith.remsi %add3A_377, %select_n3A_382 : i32
      %ne3A_384 = arith.constant 0 : i32
      %ne3A_385 = arith.cmpi ne, %rem3A_383, %ne3A_384 : i32
      %lt3A_386 = arith.constant 0 : i32
      %lt3A_387 = arith.cmpi slt, %rem3A_383, %lt3A_386 : i32
      %lt3A_388 = arith.constant 0 : i32
      %lt3A_389 = arith.cmpi slt, %select_n3A_382, %lt3A_388 : i32
      %ne3A_390 = arith.xori %lt3A_387, %lt3A_389 : i1
      %and3A_391 = arith.andi %ne3A_390, %ne3A_385 : i1
      %add3A_392 = arith.addi %rem3A_383, %select_n3A_382 : i32
      %select_n3A_393 = arith.select %and3A_391, %add3A_392, %rem3A_383 : i32
      %dma_start3A_394 = arith.constant 0 : i32
      %dma_start3A_395 = tpu.memref_slice %arg13[%select_n3A_393, %dma_start3A_394] : memref<4x80xi32, #tpu.memory_space<vmem>> -> memref<1x80xi32, #tpu.memory_space<vmem>>
      %dma_start3A_396 = tpu.memref_squeeze %dma_start3A_395 : memref<1x80xi32, #tpu.memory_space<vmem>> -> memref<80xi32, #tpu.memory_space<vmem>>
      %dma_start3A_397 = arith.constant 0 : i32
      %dma_start3A_398 = arith.constant 0 : i32
      %dma_start3A_399 = tpu.memref_slice %arg7[%dma_start3A_397, %dma_start3A_398] : memref<10240x128xf32, #tpu.memory_space<vmem_shared>> -> memref<10240x128xf32, #tpu.memory_space<vmem_shared>>
      tpu.enqueue_indirect_dma source(%arg9 : memref<80x128xf32, #tpu.memory_space<vmem>>) target(%dma_start3A_399 : memref<10240x128xf32, #tpu.memory_space<vmem_shared>>) offsets(%dma_start3A_396 : memref<80xi32, #tpu.memory_space<vmem>>) semaphore(%arg19 : memref<!tpu.dma_semaphore, #tpu.memory_space<semaphore_mem>>) {add = true}
    }
    %scan3A_50 = arith.constant 25 : i32
    %dma_wait3A = arith.constant 1 : i32
    %dma_wait3A_51 = arith.constant 0 : i32
    %dma_wait3A_52 = tpu.memref_slice %arg13[%dma_wait3A, %dma_wait3A_51] : memref<4x80xi32, #tpu.memory_space<vmem>> -> memref<1x80xi32, #tpu.memory_space<vmem>>
    %dma_wait3A_53 = tpu.memref_squeeze %dma_wait3A_52 : memref<1x80xi32, #tpu.memory_space<vmem>> -> memref<80xi32, #tpu.memory_space<vmem>>
    %dma_wait3A_54 = arith.constant 0 : i32
    %dma_wait3A_55 = arith.constant 0 : i32
    %dma_wait3A_56 = tpu.memref_slice %arg7[%dma_wait3A_54, %dma_wait3A_55] : memref<10240x128xf32, #tpu.memory_space<vmem_shared>> -> memref<10240x128xf32, #tpu.memory_space<vmem_shared>>
    tpu.wait_indirect_dma semaphore(%arg19 : memref<!tpu.dma_semaphore, #tpu.memory_space<semaphore_mem>>) src(%arg9 : memref<80x128xf32, #tpu.memory_space<vmem>>) dst(%dma_wait3A_56 : memref<10240x128xf32, #tpu.memory_space<vmem_shared>>)
    %barrier3A_57 = arith.constant 0 : index
    tpu.barrier barrier_id(%barrier3A_57)
    %add3A_58 = arith.constant 0 : i32
    %add3A_59 = arith.addi %mul3A_6, %add3A_58 : i32
    "tpu.region"() ({
      %run_scoped3A_74 = tpu.sem_alloc : memref<!tpu.dma_semaphore, #tpu.memory_space<semaphore_mem>>
      %dma_start3A_75 = arith.constant 0 : i32
      %dma_start3A_76 = tpu.memref_slice %arg6[%arg0, %add3A_59, %dma_start3A_75] : memref<2x10240x128xf32, #tpu.memory_space<hbm>> -> memref<1x80x128xf32, #tpu.memory_space<hbm>>
      %dma_start3A_77 = tpu.memref_squeeze %dma_start3A_76 : memref<1x80x128xf32, #tpu.memory_space<hbm>> -> memref<80x128xf32, #tpu.memory_space<hbm>>
      %dma_start3A_78 = arith.constant 0 : i32
      %dma_start3A_79 = tpu.memref_slice %arg7[%add3A_59, %dma_start3A_78] : memref<10240x128xf32, #tpu.memory_space<vmem_shared>> -> memref<80x128xf32, #tpu.memory_space<vmem_shared>>
      tpu.enqueue_dma source(%dma_start3A_79 : memref<80x128xf32, #tpu.memory_space<vmem_shared>>) target(%dma_start3A_77 : memref<80x128xf32, #tpu.memory_space<hbm>>) target_semaphore(%run_scoped3A_74 : memref<!tpu.dma_semaphore, #tpu.memory_space<semaphore_mem>>)
      %dma_wait3A_80 = arith.constant 0 : i32
      %dma_wait3A_81 = tpu.memref_slice %arg6[%arg0, %add3A_59, %dma_wait3A_80] : memref<2x10240x128xf32, #tpu.memory_space<hbm>> -> memref<1x80x128xf32, #tpu.memory_space<hbm>>
      %dma_wait3A_82 = tpu.memref_squeeze %dma_wait3A_81 : memref<1x80x128xf32, #tpu.memory_space<hbm>> -> memref<80x128xf32, #tpu.memory_space<hbm>>
      %dma_wait3A_83 = arith.constant 0 : i32
      %dma_wait3A_84 = tpu.memref_slice %arg7[%add3A_59, %dma_wait3A_83] : memref<10240x128xf32, #tpu.memory_space<vmem_shared>> -> memref<80x128xf32, #tpu.memory_space<vmem_shared>>
      tpu.wait_dma2 semaphore(%run_scoped3A_74 : memref<!tpu.dma_semaphore, #tpu.memory_space<semaphore_mem>>) src(%dma_wait3A_84 : memref<80x128xf32, #tpu.memory_space<vmem_shared>>) dst(%dma_wait3A_82 : memref<80x128xf32, #tpu.memory_space<hbm>>)
      tpu.yield
    }) : () -> ()
    %add3A_60 = arith.constant 80 : i32
    %add3A_61 = arith.addi %mul3A_6, %add3A_60 : i32
    "tpu.region"() ({
      %run_scoped3A_74 = tpu.sem_alloc : memref<!tpu.dma_semaphore, #tpu.memory_space<semaphore_mem>>
      %dma_start3A_75 = arith.constant 0 : i32
      %dma_start3A_76 = tpu.memref_slice %arg6[%arg0, %add3A_61, %dma_start3A_75] : memref<2x10240x128xf32, #tpu.memory_space<hbm>> -> memref<1x80x128xf32, #tpu.memory_space<hbm>>
      %dma_start3A_77 = tpu.memref_squeeze %dma_start3A_76 : memref<1x80x128xf32, #tpu.memory_space<hbm>> -> memref<80x128xf32, #tpu.memory_space<hbm>>
      %dma_start3A_78 = arith.constant 0 : i32
      %dma_start3A_79 = tpu.memref_slice %arg7[%add3A_61, %dma_start3A_78] : memref<10240x128xf32, #tpu.memory_space<vmem_shared>> -> memref<80x128xf32, #tpu.memory_space<vmem_shared>>
      tpu.enqueue_dma source(%dma_start3A_79 : memref<80x128xf32, #tpu.memory_space<vmem_shared>>) target(%dma_start3A_77 : memref<80x128xf32, #tpu.memory_space<hbm>>) target_semaphore(%run_scoped3A_74 : memref<!tpu.dma_semaphore, #tpu.memory_space<semaphore_mem>>)
      %dma_wait3A_80 = arith.constant 0 : i32
      %dma_wait3A_81 = tpu.memref_slice %arg6[%arg0, %add3A_61, %dma_wait3A_80] : memref<2x10240x128xf32, #tpu.memory_space<hbm>> -> memref<1x80x128xf32, #tpu.memory_space<hbm>>
      %dma_wait3A_82 = tpu.memref_squeeze %dma_wait3A_81 : memref<1x80x128xf32, #tpu.memory_space<hbm>> -> memref<80x128xf32, #tpu.memory_space<hbm>>
      %dma_wait3A_83 = arith.constant 0 : i32
      %dma_wait3A_84 = tpu.memref_slice %arg7[%add3A_61, %dma_wait3A_83] : memref<10240x128xf32, #tpu.memory_space<vmem_shared>> -> memref<80x128xf32, #tpu.memory_space<vmem_shared>>
      tpu.wait_dma2 semaphore(%run_scoped3A_74 : memref<!tpu.dma_semaphore, #tpu.memory_space<semaphore_mem>>) src(%dma_wait3A_84 : memref<80x128xf32, #tpu.memory_space<vmem_shared>>) dst(%dma_wait3A_82 : memref<80x128xf32, #tpu.memory_space<hbm>>)
      tpu.yield
    }) : () -> ()
    %add3A_62 = arith.constant 160 : i32
    %add3A_63 = arith.addi %mul3A_6, %add3A_62 : i32
    "tpu.region"() ({
      %run_scoped3A_74 = tpu.sem_alloc : memref<!tpu.dma_semaphore, #tpu.memory_space<semaphore_mem>>
      %dma_start3A_75 = arith.constant 0 : i32
      %dma_start3A_76 = tpu.memref_slice %arg6[%arg0, %add3A_63, %dma_start3A_75] : memref<2x10240x128xf32, #tpu.memory_space<hbm>> -> memref<1x80x128xf32, #tpu.memory_space<hbm>>
      %dma_start3A_77 = tpu.memref_squeeze %dma_start3A_76 : memref<1x80x128xf32, #tpu.memory_space<hbm>> -> memref<80x128xf32, #tpu.memory_space<hbm>>
      %dma_start3A_78 = arith.constant 0 : i32
      %dma_start3A_79 = tpu.memref_slice %arg7[%add3A_63, %dma_start3A_78] : memref<10240x128xf32, #tpu.memory_space<vmem_shared>> -> memref<80x128xf32, #tpu.memory_space<vmem_shared>>
      tpu.enqueue_dma source(%dma_start3A_79 : memref<80x128xf32, #tpu.memory_space<vmem_shared>>) target(%dma_start3A_77 : memref<80x128xf32, #tpu.memory_space<hbm>>) target_semaphore(%run_scoped3A_74 : memref<!tpu.dma_semaphore, #tpu.memory_space<semaphore_mem>>)
      %dma_wait3A_80 = arith.constant 0 : i32
      %dma_wait3A_81 = tpu.memref_slice %arg6[%arg0, %add3A_63, %dma_wait3A_80] : memref<2x10240x128xf32, #tpu.memory_space<hbm>> -> memref<1x80x128xf32, #tpu.memory_space<hbm>>
      %dma_wait3A_82 = tpu.memref_squeeze %dma_wait3A_81 : memref<1x80x128xf32, #tpu.memory_space<hbm>> -> memref<80x128xf32, #tpu.memory_space<hbm>>
      %dma_wait3A_83 = arith.constant 0 : i32
      %dma_wait3A_84 = tpu.memref_slice %arg7[%add3A_63, %dma_wait3A_83] : memref<10240x128xf32, #tpu.memory_space<vmem_shared>> -> memref<80x128xf32, #tpu.memory_space<vmem_shared>>
      tpu.wait_dma2 semaphore(%run_scoped3A_74 : memref<!tpu.dma_semaphore, #tpu.memory_space<semaphore_mem>>) src(%dma_wait3A_84 : memref<80x128xf32, #tpu.memory_space<vmem_shared>>) dst(%dma_wait3A_82 : memref<80x128xf32, #tpu.memory_space<hbm>>)
      tpu.yield
    }) : () -> ()
    %add3A_64 = arith.constant 240 : i32
    %add3A_65 = arith.addi %mul3A_6, %add3A_64 : i32
    "tpu.region"() ({
      %run_scoped3A_74 = tpu.sem_alloc : memref<!tpu.dma_semaphore, #tpu.memory_space<semaphore_mem>>
      %dma_start3A_75 = arith.constant 0 : i32
      %dma_start3A_76 = tpu.memref_slice %arg6[%arg0, %add3A_65, %dma_start3A_75] : memref<2x10240x128xf32, #tpu.memory_space<hbm>> -> memref<1x80x128xf32, #tpu.memory_space<hbm>>
      %dma_start3A_77 = tpu.memref_squeeze %dma_start3A_76 : memref<1x80x128xf32, #tpu.memory_space<hbm>> -> memref<80x128xf32, #tpu.memory_space<hbm>>
      %dma_start3A_78 = arith.constant 0 : i32
      %dma_start3A_79 = tpu.memref_slice %arg7[%add3A_65, %dma_start3A_78] : memref<10240x128xf32, #tpu.memory_space<vmem_shared>> -> memref<80x128xf32, #tpu.memory_space<vmem_shared>>
      tpu.enqueue_dma source(%dma_start3A_79 : memref<80x128xf32, #tpu.memory_space<vmem_shared>>) target(%dma_start3A_77 : memref<80x128xf32, #tpu.memory_space<hbm>>) target_semaphore(%run_scoped3A_74 : memref<!tpu.dma_semaphore, #tpu.memory_space<semaphore_mem>>)
      %dma_wait3A_80 = arith.constant 0 : i32
      %dma_wait3A_81 = tpu.memref_slice %arg6[%arg0, %add3A_65, %dma_wait3A_80] : memref<2x10240x128xf32, #tpu.memory_space<hbm>> -> memref<1x80x128xf32, #tpu.memory_space<hbm>>
      %dma_wait3A_82 = tpu.memref_squeeze %dma_wait3A_81 : memref<1x80x128xf32, #tpu.memory_space<hbm>> -> memref<80x128xf32, #tpu.memory_space<hbm>>
      %dma_wait3A_83 = arith.constant 0 : i32
      %dma_wait3A_84 = tpu.memref_slice %arg7[%add3A_65, %dma_wait3A_83] : memref<10240x128xf32, #tpu.memory_space<vmem_shared>> -> memref<80x128xf32, #tpu.memory_space<vmem_shared>>
      tpu.wait_dma2 semaphore(%run_scoped3A_74 : memref<!tpu.dma_semaphore, #tpu.memory_space<semaphore_mem>>) src(%dma_wait3A_84 : memref<80x128xf32, #tpu.memory_space<vmem_shared>>) dst(%dma_wait3A_82 : memref<80x128xf32, #tpu.memory_space<hbm>>)
      tpu.yield
    }) : () -> ()
    %add3A_66 = arith.constant 320 : i32
    %add3A_67 = arith.addi %mul3A_6, %add3A_66 : i32
    "tpu.region"() ({
      %run_scoped3A_74 = tpu.sem_alloc : memref<!tpu.dma_semaphore, #tpu.memory_space<semaphore_mem>>
      %dma_start3A_75 = arith.constant 0 : i32
      %dma_start3A_76 = tpu.memref_slice %arg6[%arg0, %add3A_67, %dma_start3A_75] : memref<2x10240x128xf32, #tpu.memory_space<hbm>> -> memref<1x80x128xf32, #tpu.memory_space<hbm>>
      %dma_start3A_77 = tpu.memref_squeeze %dma_start3A_76 : memref<1x80x128xf32, #tpu.memory_space<hbm>> -> memref<80x128xf32, #tpu.memory_space<hbm>>
      %dma_start3A_78 = arith.constant 0 : i32
      %dma_start3A_79 = tpu.memref_slice %arg7[%add3A_67, %dma_start3A_78] : memref<10240x128xf32, #tpu.memory_space<vmem_shared>> -> memref<80x128xf32, #tpu.memory_space<vmem_shared>>
      tpu.enqueue_dma source(%dma_start3A_79 : memref<80x128xf32, #tpu.memory_space<vmem_shared>>) target(%dma_start3A_77 : memref<80x128xf32, #tpu.memory_space<hbm>>) target_semaphore(%run_scoped3A_74 : memref<!tpu.dma_semaphore, #tpu.memory_space<semaphore_mem>>)
      %dma_wait3A_80 = arith.constant 0 : i32
      %dma_wait3A_81 = tpu.memref_slice %arg6[%arg0, %add3A_67, %dma_wait3A_80] : memref<2x10240x128xf32, #tpu.memory_space<hbm>> -> memref<1x80x128xf32, #tpu.memory_space<hbm>>
      %dma_wait3A_82 = tpu.memref_squeeze %dma_wait3A_81 : memref<1x80x128xf32, #tpu.memory_space<hbm>> -> memref<80x128xf32, #tpu.memory_space<hbm>>
      %dma_wait3A_83 = arith.constant 0 : i32
      %dma_wait3A_84 = tpu.memref_slice %arg7[%add3A_67, %dma_wait3A_83] : memref<10240x128xf32, #tpu.memory_space<vmem_shared>> -> memref<80x128xf32, #tpu.memory_space<vmem_shared>>
      tpu.wait_dma2 semaphore(%run_scoped3A_74 : memref<!tpu.dma_semaphore, #tpu.memory_space<semaphore_mem>>) src(%dma_wait3A_84 : memref<80x128xf32, #tpu.memory_space<vmem_shared>>) dst(%dma_wait3A_82 : memref<80x128xf32, #tpu.memory_space<hbm>>)
      tpu.yield
    }) : () -> ()
    %add3A_68 = arith.constant 400 : i32
    %add3A_69 = arith.addi %mul3A_6, %add3A_68 : i32
    "tpu.region"() ({
      %run_scoped3A_74 = tpu.sem_alloc : memref<!tpu.dma_semaphore, #tpu.memory_space<semaphore_mem>>
      %dma_start3A_75 = arith.constant 0 : i32
      %dma_start3A_76 = tpu.memref_slice %arg6[%arg0, %add3A_69, %dma_start3A_75] : memref<2x10240x128xf32, #tpu.memory_space<hbm>> -> memref<1x80x128xf32, #tpu.memory_space<hbm>>
      %dma_start3A_77 = tpu.memref_squeeze %dma_start3A_76 : memref<1x80x128xf32, #tpu.memory_space<hbm>> -> memref<80x128xf32, #tpu.memory_space<hbm>>
      %dma_start3A_78 = arith.constant 0 : i32
      %dma_start3A_79 = tpu.memref_slice %arg7[%add3A_69, %dma_start3A_78] : memref<10240x128xf32, #tpu.memory_space<vmem_shared>> -> memref<80x128xf32, #tpu.memory_space<vmem_shared>>
      tpu.enqueue_dma source(%dma_start3A_79 : memref<80x128xf32, #tpu.memory_space<vmem_shared>>) target(%dma_start3A_77 : memref<80x128xf32, #tpu.memory_space<hbm>>) target_semaphore(%run_scoped3A_74 : memref<!tpu.dma_semaphore, #tpu.memory_space<semaphore_mem>>)
      %dma_wait3A_80 = arith.constant 0 : i32
      %dma_wait3A_81 = tpu.memref_slice %arg6[%arg0, %add3A_69, %dma_wait3A_80] : memref<2x10240x128xf32, #tpu.memory_space<hbm>> -> memref<1x80x128xf32, #tpu.memory_space<hbm>>
      %dma_wait3A_82 = tpu.memref_squeeze %dma_wait3A_81 : memref<1x80x128xf32, #tpu.memory_space<hbm>> -> memref<80x128xf32, #tpu.memory_space<hbm>>
      %dma_wait3A_83 = arith.constant 0 : i32
      %dma_wait3A_84 = tpu.memref_slice %arg7[%add3A_69, %dma_wait3A_83] : memref<10240x128xf32, #tpu.memory_space<vmem_shared>> -> memref<80x128xf32, #tpu.memory_space<vmem_shared>>
      tpu.wait_dma2 semaphore(%run_scoped3A_74 : memref<!tpu.dma_semaphore, #tpu.memory_space<semaphore_mem>>) src(%dma_wait3A_84 : memref<80x128xf32, #tpu.memory_space<vmem_shared>>) dst(%dma_wait3A_82 : memref<80x128xf32, #tpu.memory_space<hbm>>)
      tpu.yield
    }) : () -> ()
    %add3A_70 = arith.constant 480 : i32
    %add3A_71 = arith.addi %mul3A_6, %add3A_70 : i32
    "tpu.region"() ({
      %run_scoped3A_74 = tpu.sem_alloc : memref<!tpu.dma_semaphore, #tpu.memory_space<semaphore_mem>>
      %dma_start3A_75 = arith.constant 0 : i32
      %dma_start3A_76 = tpu.memref_slice %arg6[%arg0, %add3A_71, %dma_start3A_75] : memref<2x10240x128xf32, #tpu.memory_space<hbm>> -> memref<1x80x128xf32, #tpu.memory_space<hbm>>
      %dma_start3A_77 = tpu.memref_squeeze %dma_start3A_76 : memref<1x80x128xf32, #tpu.memory_space<hbm>> -> memref<80x128xf32, #tpu.memory_space<hbm>>
      %dma_start3A_78 = arith.constant 0 : i32
      %dma_start3A_79 = tpu.memref_slice %arg7[%add3A_71, %dma_start3A_78] : memref<10240x128xf32, #tpu.memory_space<vmem_shared>> -> memref<80x128xf32, #tpu.memory_space<vmem_shared>>
      tpu.enqueue_dma source(%dma_start3A_79 : memref<80x128xf32, #tpu.memory_space<vmem_shared>>) target(%dma_start3A_77 : memref<80x128xf32, #tpu.memory_space<hbm>>) target_semaphore(%run_scoped3A_74 : memref<!tpu.dma_semaphore, #tpu.memory_space<semaphore_mem>>)
      %dma_wait3A_80 = arith.constant 0 : i32
      %dma_wait3A_81 = tpu.memref_slice %arg6[%arg0, %add3A_71, %dma_wait3A_80] : memref<2x10240x128xf32, #tpu.memory_space<hbm>> -> memref<1x80x128xf32, #tpu.memory_space<hbm>>
      %dma_wait3A_82 = tpu.memref_squeeze %dma_wait3A_81 : memref<1x80x128xf32, #tpu.memory_space<hbm>> -> memref<80x128xf32, #tpu.memory_space<hbm>>
      %dma_wait3A_83 = arith.constant 0 : i32
      %dma_wait3A_84 = tpu.memref_slice %arg7[%add3A_71, %dma_wait3A_83] : memref<10240x128xf32, #tpu.memory_space<vmem_shared>> -> memref<80x128xf32, #tpu.memory_space<vmem_shared>>
      tpu.wait_dma2 semaphore(%run_scoped3A_74 : memref<!tpu.dma_semaphore, #tpu.memory_space<semaphore_mem>>) src(%dma_wait3A_84 : memref<80x128xf32, #tpu.memory_space<vmem_shared>>) dst(%dma_wait3A_82 : memref<80x128xf32, #tpu.memory_space<hbm>>)
      tpu.yield
    }) : () -> ()
    %add3A_72 = arith.constant 560 : i32
    %add3A_73 = arith.addi %mul3A_6, %add3A_72 : i32
    "tpu.region"() ({
      %run_scoped3A_74 = tpu.sem_alloc : memref<!tpu.dma_semaphore, #tpu.memory_space<semaphore_mem>>
      %dma_start3A_75 = arith.constant 0 : i32
      %dma_start3A_76 = tpu.memref_slice %arg6[%arg0, %add3A_73, %dma_start3A_75] : memref<2x10240x128xf32, #tpu.memory_space<hbm>> -> memref<1x80x128xf32, #tpu.memory_space<hbm>>
      %dma_start3A_77 = tpu.memref_squeeze %dma_start3A_76 : memref<1x80x128xf32, #tpu.memory_space<hbm>> -> memref<80x128xf32, #tpu.memory_space<hbm>>
      %dma_start3A_78 = arith.constant 0 : i32
      %dma_start3A_79 = tpu.memref_slice %arg7[%add3A_73, %dma_start3A_78] : memref<10240x128xf32, #tpu.memory_space<vmem_shared>> -> memref<80x128xf32, #tpu.memory_space<vmem_shared>>
      tpu.enqueue_dma source(%dma_start3A_79 : memref<80x128xf32, #tpu.memory_space<vmem_shared>>) target(%dma_start3A_77 : memref<80x128xf32, #tpu.memory_space<hbm>>) target_semaphore(%run_scoped3A_74 : memref<!tpu.dma_semaphore, #tpu.memory_space<semaphore_mem>>)
      %dma_wait3A_80 = arith.constant 0 : i32
      %dma_wait3A_81 = tpu.memref_slice %arg6[%arg0, %add3A_73, %dma_wait3A_80] : memref<2x10240x128xf32, #tpu.memory_space<hbm>> -> memref<1x80x128xf32, #tpu.memory_space<hbm>>
      %dma_wait3A_82 = tpu.memref_squeeze %dma_wait3A_81 : memref<1x80x128xf32, #tpu.memory_space<hbm>> -> memref<80x128xf32, #tpu.memory_space<hbm>>
      %dma_wait3A_83 = arith.constant 0 : i32
      %dma_wait3A_84 = tpu.memref_slice %arg7[%add3A_73, %dma_wait3A_83] : memref<10240x128xf32, #tpu.memory_space<vmem_shared>> -> memref<80x128xf32, #tpu.memory_space<vmem_shared>>
      tpu.wait_dma2 semaphore(%run_scoped3A_74 : memref<!tpu.dma_semaphore, #tpu.memory_space<semaphore_mem>>) src(%dma_wait3A_84 : memref<80x128xf32, #tpu.memory_space<vmem_shared>>) dst(%dma_wait3A_82 : memref<80x128xf32, #tpu.memory_space<hbm>>)
      tpu.yield
    }) : () -> ()
    return
  }
}

#map = affine_map<(d0, d1) -> (0, 0)>
#map1 = affine_map<(d0, d1) -> (0)>
#map2 = affine_map<(d0, d1) -> (0, 0, 0)>
module attributes {stable_mosaic.version = 14 : i64} {
  func.func @sc_kernel(%arg0: i32, %arg1: i32, %arg2: memref<10000x128xf32, #tpu.memory_space<hbm>>, %arg3: memref<192000x128xf32, #tpu.memory_space<hbm>>, %arg4: memref<320160xi32, #tpu.memory_space<hbm>>, %arg5: memref<320160xi32, #tpu.memory_space<hbm>>, %arg6: memref<2x10240x128xf32, #tpu.memory_space<hbm>>, %arg7: memref<10240x128xf32, #tpu.memory_space<vmem_shared>>, %arg8: memref<80x128xf32, #tpu.memory_space<vmem>>, %arg9: memref<80x128xf32, #tpu.memory_space<vmem>>, %arg10: memref<80x128xf32, #tpu.memory_space<vmem>>, %arg11: memref<80x128xf32, #tpu.memory_space<vmem>>, %arg12: memref<4x80xi32, #tpu.memory_space<vmem>>, %arg13: memref<4x80xi32, #tpu.memory_space<vmem>>, %arg14: memref<!tpu.dma_semaphore, #tpu.memory_space<semaphore_mem>>, %arg15: memref<!tpu.dma_semaphore, #tpu.memory_space<semaphore_mem>>, %arg16: memref<!tpu.dma_semaphore, #tpu.memory_space<semaphore_mem>>, %arg17: memref<!tpu.dma_semaphore, #tpu.memory_space<semaphore_mem>>, %arg18: memref<!tpu.dma_semaphore, #tpu.memory_space<semaphore_mem>>, %arg19: memref<!tpu.dma_semaphore, #tpu.memory_space<semaphore_mem>>, %arg20: memref<!tpu.dma_semaphore, #tpu.memory_space<semaphore_mem>>) attributes {dimension_semantics = [#tpu.dimension_semantics<core_parallel>, #tpu.dimension_semantics<subcore_parallel>], iteration_bounds = array<i64: 2, 16>, scalar_prefetch = 0 : i64, scratch_operands = 14 : i64, tpu.core_type = #tpu.core_type<sc_vector_subcore>, window_params = [{transform_indices = #map}, {transform_indices = #map}, {transform_indices = #map1}, {transform_indices = #map1}, {transform_indices = #map2}]} {
    %mul3A = arith.constant 16 : i32
    %mul3A_0 = arith.muli %arg0, %mul3A : i32
    %add3A = arith.addi %mul3A_0, %arg1 : i32
    %mul3A_1 = arith.constant 6000 : i32
    %mul3A_2 = arith.muli %add3A, %mul3A_1 : i32
    %add3A_3 = arith.constant 128000 : i32
    %add3A_4 = arith.addi %add3A_3, %mul3A_2 : i32
    %mul3A_5 = arith.constant 640 : i32
    %mul3A_6 = arith.muli %arg1, %mul3A_5 : i32
    %scan3A = arith.constant 0 : i32
    %scan3A_7 = arith.constant 80 : i32
    %scan3A_8 = arith.addi %scan3A, %scan3A_7 : i32
    %scan3A_9 = arith.constant 1 : i32
    scf.for %scan3A_93 = %scan3A to %scan3A_8 step %scan3A_9  : i32 {
      %mul3A_94 = arith.constant 1 : i32
      %mul3A_95 = arith.muli %scan3A_93, %mul3A_94 : i32
      %add3A_96 = arith.constant 0 : i32
      %add3A_97 = arith.addi %add3A_96, %mul3A_95 : i32
      %broadcast_in_dim3A = arith.constant 0.000000e+00 : f32
      %broadcast_in_dim3A_98 = vector.broadcast %broadcast_in_dim3A : f32 to vector<16xf32>
      %swap3A = arith.index_cast %add3A_97 : i32 to index
      %swap3A_99 = arith.constant 0 : index
      %swap3A_100 = tpu.vector_load %arg8[%swap3A, %swap3A_99] {strides = array<i32>} : memref<80x128xf32, #tpu.memory_space<vmem>>, vector<1x16xf32>,
      %swap3A_101 = vector.shape_cast %swap3A_100 : vector<1x16xf32> to vector<16xf32>
      %swap3A_102 = vector.shape_cast %broadcast_in_dim3A_98 : vector<16xf32> to vector<1x16xf32>
      tpu.vector_store %arg8[%swap3A, %swap3A_99], %swap3A_102 {strides = array<i32>} : memref<80x128xf32, #tpu.memory_space<vmem>>, vector<1x16xf32>,
      %broadcast_in_dim3A_103 = arith.constant 0.000000e+00 : f32
      %broadcast_in_dim3A_104 = vector.broadcast %broadcast_in_dim3A_103 : f32 to vector<16xf32>
      %swap3A_105 = arith.index_cast %add3A_97 : i32 to index
      %swap3A_106 = arith.constant 16 : index
      %swap3A_107 = tpu.vector_load %arg8[%swap3A_105, %swap3A_106] {strides = array<i32>} : memref<80x128xf32, #tpu.memory_space<vmem>>, vector<1x16xf32>,
      %swap3A_108 = vector.shape_cast %swap3A_107 : vector<1x16xf32> to vector<16xf32>
      %swap3A_109 = vector.shape_cast %broadcast_in_dim3A_104 : vector<16xf32> to vector<1x16xf32>
      tpu.vector_store %arg8[%swap3A_105, %swap3A_106], %swap3A_109 {strides = array<i32>} : memref<80x128xf32, #tpu.memory_space<vmem>>, vector<1x16xf32>,
      %broadcast_in_dim3A_110 = arith.constant 0.000000e+00 : f32
      %broadcast_in_dim3A_111 = vector.broadcast %broadcast_in_dim3A_110 : f32 to vector<16xf32>
      %swap3A_112 = arith.index_cast %add3A_97 : i32 to index
      %swap3A_113 = arith.constant 32 : index
      %swap3A_114 = tpu.vector_load %arg8[%swap3A_112, %swap3A_113] {strides = array<i32>} : memref<80x128xf32, #tpu.memory_space<vmem>>, vector<1x16xf32>,
      %swap3A_115 = vector.shape_cast %swap3A_114 : vector<1x16xf32> to vector<16xf32>
      %swap3A_116 = vector.shape_cast %broadcast_in_dim3A_111 : vector<16xf32> to vector<1x16xf32>
      tpu.vector_store %arg8[%swap3A_112, %swap3A_113], %swap3A_116 {strides = array<i32>} : memref<80x128xf32, #tpu.memory_space<vmem>>, vector<1x16xf32>,
      %broadcast_in_dim3A_117 = arith.constant 0.000000e+00 : f32
      %broadcast_in_dim3A_118 = vector.broadcast %broadcast_in_dim3A_117 : f32 to vector<16xf32>
      %swap3A_119 = arith.index_cast %add3A_97 : i32 to index
      %swap3A_120 = arith.constant 48 : index
      %swap3A_121 = tpu.vector_load %arg8[%swap3A_119, %swap3A_120] {strides = array<i32>} : memref<80x128xf32, #tpu.memory_space<vmem>>, vector<1x16xf32>,
      %swap3A_122 = vector.shape_cast %swap3A_121 : vector<1x16xf32> to vector<16xf32>
      %swap3A_123 = vector.shape_cast %broadcast_in_dim3A_118 : vector<16xf32> to vector<1x16xf32>
      tpu.vector_store %arg8[%swap3A_119, %swap3A_120], %swap3A_123 {strides = array<i32>} : memref<80x128xf32, #tpu.memory_space<vmem>>, vector<1x16xf32>,
      %broadcast_in_dim3A_124 = arith.constant 0.000000e+00 : f32
      %broadcast_in_dim3A_125 = vector.broadcast %broadcast_in_dim3A_124 : f32 to vector<16xf32>
      %swap3A_126 = arith.index_cast %add3A_97 : i32 to index
      %swap3A_127 = arith.constant 64 : index
      %swap3A_128 = tpu.vector_load %arg8[%swap3A_126, %swap3A_127] {strides = array<i32>} : memref<80x128xf32, #tpu.memory_space<vmem>>, vector<1x16xf32>,
      %swap3A_129 = vector.shape_cast %swap3A_128 : vector<1x16xf32> to vector<16xf32>
      %swap3A_130 = vector.shape_cast %broadcast_in_dim3A_125 : vector<16xf32> to vector<1x16xf32>
      tpu.vector_store %arg8[%swap3A_126, %swap3A_127], %swap3A_130 {strides = array<i32>} : memref<80x128xf32, #tpu.memory_space<vmem>>, vector<1x16xf32>,
      %broadcast_in_dim3A_131 = arith.constant 0.000000e+00 : f32
      %broadcast_in_dim3A_132 = vector.broadcast %broadcast_in_dim3A_131 : f32 to vector<16xf32>
      %swap3A_133 = arith.index_cast %add3A_97 : i32 to index
      %swap3A_134 = arith.constant 80 : index
      %swap3A_135 = tpu.vector_load %arg8[%swap3A_133, %swap3A_134] {strides = array<i32>} : memref<80x128xf32, #tpu.memory_space<vmem>>, vector<1x16xf32>,
      %swap3A_136 = vector.shape_cast %swap3A_135 : vector<1x16xf32> to vector<16xf32>
      %swap3A_137 = vector.shape_cast %broadcast_in_dim3A_132 : vector<16xf32> to vector<1x16xf32>
      tpu.vector_store %arg8[%swap3A_133, %swap3A_134], %swap3A_137 {strides = array<i32>} : memref<80x128xf32, #tpu.memory_space<vmem>>, vector<1x16xf32>,
      %broadcast_in_dim3A_138 = arith.constant 0.000000e+00 : f32
      %broadcast_in_dim3A_139 = vector.broadcast %broadcast_in_dim3A_138 : f32 to vector<16xf32>
      %swap3A_140 = arith.index_cast %add3A_97 : i32 to index
      %swap3A_141 = arith.constant 96 : index
      %swap3A_142 = tpu.vector_load %arg8[%swap3A_140, %swap3A_141] {strides = array<i32>} : memref<80x128xf32, #tpu.memory_space<vmem>>, vector<1x16xf32>,
      %swap3A_143 = vector.shape_cast %swap3A_142 : vector<1x16xf32> to vector<16xf32>
      %swap3A_144 = vector.shape_cast %broadcast_in_dim3A_139 : vector<16xf32> to vector<1x16xf32>
      tpu.vector_store %arg8[%swap3A_140, %swap3A_141], %swap3A_144 {strides = array<i32>} : memref<80x128xf32, #tpu.memory_space<vmem>>, vector<1x16xf32>,
      %broadcast_in_dim3A_145 = arith.constant 0.000000e+00 : f32
      %broadcast_in_dim3A_146 = vector.broadcast %broadcast_in_dim3A_145 : f32 to vector<16xf32>
      %swap3A_147 = arith.index_cast %add3A_97 : i32 to index
      %swap3A_148 = arith.constant 112 : index
      %swap3A_149 = tpu.vector_load %arg8[%swap3A_147, %swap3A_148] {strides = array<i32>} : memref<80x128xf32, #tpu.memory_space<vmem>>, vector<1x16xf32>,
      %swap3A_150 = vector.shape_cast %swap3A_149 : vector<1x16xf32> to vector<16xf32>
      %swap3A_151 = vector.shape_cast %broadcast_in_dim3A_146 : vector<16xf32> to vector<1x16xf32>
      tpu.vector_store %arg8[%swap3A_147, %swap3A_148], %swap3A_151 {strides = array<i32>} : memref<80x128xf32, #tpu.memory_space<vmem>>, vector<1x16xf32>,
    }
    %scan3A_10 = arith.constant 80 : i32
    %add3A_11 = arith.constant 0 : i32
    %add3A_12 = arith.addi %mul3A_6, %add3A_11 : i32
    "tpu.region"() ({
      %run_scoped3A_93 = tpu.sem_alloc : memref<!tpu.dma_semaphore, #tpu.memory_space<semaphore_mem>>
      %dma_start3A_94 = arith.constant 0 : i32
      %dma_start3A_95 = tpu.memref_slice %arg7[%add3A_12, %dma_start3A_94] : memref<10240x128xf32, #tpu.memory_space<vmem_shared>> -> memref<80x128xf32, #tpu.memory_space<vmem_shared>>
      %dma_start3A_96 = arith.constant 0 : i32
      %dma_start3A_97 = tpu.memref_slice %arg7[%add3A_12, %dma_start3A_96] : memref<10240x128xf32, #tpu.memory_space<vmem_shared>> -> memref<80x128xf32, #tpu.memory_space<vmem_shared>>
      tpu.enqueue_dma source(%arg8 : memref<80x128xf32, #tpu.memory_space<vmem>>) target(%dma_start3A_97 : memref<80x128xf32, #tpu.memory_space<vmem_shared>>) target_semaphore(%run_scoped3A_93 : memref<!tpu.dma_semaphore, #tpu.memory_space<semaphore_mem>>)
      %dma_wait3A_98 = arith.constant 0 : i32
      %dma_wait3A_99 = tpu.memref_slice %arg7[%add3A_12, %dma_wait3A_98] : memref<10240x128xf32, #tpu.memory_space<vmem_shared>> -> memref<80x128xf32, #tpu.memory_space<vmem_shared>>
      %dma_wait3A_100 = arith.constant 0 : i32
      %dma_wait3A_101 = tpu.memref_slice %arg7[%add3A_12, %dma_wait3A_100] : memref<10240x128xf32, #tpu.memory_space<vmem_shared>> -> memref<80x128xf32, #tpu.memory_space<vmem_shared>>
      tpu.wait_dma2 semaphore(%run_scoped3A_93 : memref<!tpu.dma_semaphore, #tpu.memory_space<semaphore_mem>>) src(%arg8 : memref<80x128xf32, #tpu.memory_space<vmem>>) dst(%dma_wait3A_101 : memref<80x128xf32, #tpu.memory_space<vmem_shared>>)
      tpu.yield
    }) : () -> ()
    %add3A_13 = arith.constant 80 : i32
    %add3A_14 = arith.addi %mul3A_6, %add3A_13 : i32
    "tpu.region"() ({
      %run_scoped3A_93 = tpu.sem_alloc : memref<!tpu.dma_semaphore, #tpu.memory_space<semaphore_mem>>
      %dma_start3A_94 = arith.constant 0 : i32
      %dma_start3A_95 = tpu.memref_slice %arg7[%add3A_14, %dma_start3A_94] : memref<10240x128xf32, #tpu.memory_space<vmem_shared>> -> memref<80x128xf32, #tpu.memory_space<vmem_shared>>
      %dma_start3A_96 = arith.constant 0 : i32
      %dma_start3A_97 = tpu.memref_slice %arg7[%add3A_14, %dma_start3A_96] : memref<10240x128xf32, #tpu.memory_space<vmem_shared>> -> memref<80x128xf32, #tpu.memory_space<vmem_shared>>
      tpu.enqueue_dma source(%arg8 : memref<80x128xf32, #tpu.memory_space<vmem>>) target(%dma_start3A_97 : memref<80x128xf32, #tpu.memory_space<vmem_shared>>) target_semaphore(%run_scoped3A_93 : memref<!tpu.dma_semaphore, #tpu.memory_space<semaphore_mem>>)
      %dma_wait3A_98 = arith.constant 0 : i32
      %dma_wait3A_99 = tpu.memref_slice %arg7[%add3A_14, %dma_wait3A_98] : memref<10240x128xf32, #tpu.memory_space<vmem_shared>> -> memref<80x128xf32, #tpu.memory_space<vmem_shared>>
      %dma_wait3A_100 = arith.constant 0 : i32
      %dma_wait3A_101 = tpu.memref_slice %arg7[%add3A_14, %dma_wait3A_100] : memref<10240x128xf32, #tpu.memory_space<vmem_shared>> -> memref<80x128xf32, #tpu.memory_space<vmem_shared>>
      tpu.wait_dma2 semaphore(%run_scoped3A_93 : memref<!tpu.dma_semaphore, #tpu.memory_space<semaphore_mem>>) src(%arg8 : memref<80x128xf32, #tpu.memory_space<vmem>>) dst(%dma_wait3A_101 : memref<80x128xf32, #tpu.memory_space<vmem_shared>>)
      tpu.yield
    }) : () -> ()
    %add3A_15 = arith.constant 160 : i32
    %add3A_16 = arith.addi %mul3A_6, %add3A_15 : i32
    "tpu.region"() ({
      %run_scoped3A_93 = tpu.sem_alloc : memref<!tpu.dma_semaphore, #tpu.memory_space<semaphore_mem>>
      %dma_start3A_94 = arith.constant 0 : i32
      %dma_start3A_95 = tpu.memref_slice %arg7[%add3A_16, %dma_start3A_94] : memref<10240x128xf32, #tpu.memory_space<vmem_shared>> -> memref<80x128xf32, #tpu.memory_space<vmem_shared>>
      %dma_start3A_96 = arith.constant 0 : i32
      %dma_start3A_97 = tpu.memref_slice %arg7[%add3A_16, %dma_start3A_96] : memref<10240x128xf32, #tpu.memory_space<vmem_shared>> -> memref<80x128xf32, #tpu.memory_space<vmem_shared>>
      tpu.enqueue_dma source(%arg8 : memref<80x128xf32, #tpu.memory_space<vmem>>) target(%dma_start3A_97 : memref<80x128xf32, #tpu.memory_space<vmem_shared>>) target_semaphore(%run_scoped3A_93 : memref<!tpu.dma_semaphore, #tpu.memory_space<semaphore_mem>>)
      %dma_wait3A_98 = arith.constant 0 : i32
      %dma_wait3A_99 = tpu.memref_slice %arg7[%add3A_16, %dma_wait3A_98] : memref<10240x128xf32, #tpu.memory_space<vmem_shared>> -> memref<80x128xf32, #tpu.memory_space<vmem_shared>>
      %dma_wait3A_100 = arith.constant 0 : i32
      %dma_wait3A_101 = tpu.memref_slice %arg7[%add3A_16, %dma_wait3A_100] : memref<10240x128xf32, #tpu.memory_space<vmem_shared>> -> memref<80x128xf32, #tpu.memory_space<vmem_shared>>
      tpu.wait_dma2 semaphore(%run_scoped3A_93 : memref<!tpu.dma_semaphore, #tpu.memory_space<semaphore_mem>>) src(%arg8 : memref<80x128xf32, #tpu.memory_space<vmem>>) dst(%dma_wait3A_101 : memref<80x128xf32, #tpu.memory_space<vmem_shared>>)
      tpu.yield
    }) : () -> ()
    %add3A_17 = arith.constant 240 : i32
    %add3A_18 = arith.addi %mul3A_6, %add3A_17 : i32
    "tpu.region"() ({
      %run_scoped3A_93 = tpu.sem_alloc : memref<!tpu.dma_semaphore, #tpu.memory_space<semaphore_mem>>
      %dma_start3A_94 = arith.constant 0 : i32
      %dma_start3A_95 = tpu.memref_slice %arg7[%add3A_18, %dma_start3A_94] : memref<10240x128xf32, #tpu.memory_space<vmem_shared>> -> memref<80x128xf32, #tpu.memory_space<vmem_shared>>
      %dma_start3A_96 = arith.constant 0 : i32
      %dma_start3A_97 = tpu.memref_slice %arg7[%add3A_18, %dma_start3A_96] : memref<10240x128xf32, #tpu.memory_space<vmem_shared>> -> memref<80x128xf32, #tpu.memory_space<vmem_shared>>
      tpu.enqueue_dma source(%arg8 : memref<80x128xf32, #tpu.memory_space<vmem>>) target(%dma_start3A_97 : memref<80x128xf32, #tpu.memory_space<vmem_shared>>) target_semaphore(%run_scoped3A_93 : memref<!tpu.dma_semaphore, #tpu.memory_space<semaphore_mem>>)
      %dma_wait3A_98 = arith.constant 0 : i32
      %dma_wait3A_99 = tpu.memref_slice %arg7[%add3A_18, %dma_wait3A_98] : memref<10240x128xf32, #tpu.memory_space<vmem_shared>> -> memref<80x128xf32, #tpu.memory_space<vmem_shared>>
      %dma_wait3A_100 = arith.constant 0 : i32
      %dma_wait3A_101 = tpu.memref_slice %arg7[%add3A_18, %dma_wait3A_100] : memref<10240x128xf32, #tpu.memory_space<vmem_shared>> -> memref<80x128xf32, #tpu.memory_space<vmem_shared>>
      tpu.wait_dma2 semaphore(%run_scoped3A_93 : memref<!tpu.dma_semaphore, #tpu.memory_space<semaphore_mem>>) src(%arg8 : memref<80x128xf32, #tpu.memory_space<vmem>>) dst(%dma_wait3A_101 : memref<80x128xf32, #tpu.memory_space<vmem_shared>>)
      tpu.yield
    }) : () -> ()
    %add3A_19 = arith.constant 320 : i32
    %add3A_20 = arith.addi %mul3A_6, %add3A_19 : i32
    "tpu.region"() ({
      %run_scoped3A_93 = tpu.sem_alloc : memref<!tpu.dma_semaphore, #tpu.memory_space<semaphore_mem>>
      %dma_start3A_94 = arith.constant 0 : i32
      %dma_start3A_95 = tpu.memref_slice %arg7[%add3A_20, %dma_start3A_94] : memref<10240x128xf32, #tpu.memory_space<vmem_shared>> -> memref<80x128xf32, #tpu.memory_space<vmem_shared>>
      %dma_start3A_96 = arith.constant 0 : i32
      %dma_start3A_97 = tpu.memref_slice %arg7[%add3A_20, %dma_start3A_96] : memref<10240x128xf32, #tpu.memory_space<vmem_shared>> -> memref<80x128xf32, #tpu.memory_space<vmem_shared>>
      tpu.enqueue_dma source(%arg8 : memref<80x128xf32, #tpu.memory_space<vmem>>) target(%dma_start3A_97 : memref<80x128xf32, #tpu.memory_space<vmem_shared>>) target_semaphore(%run_scoped3A_93 : memref<!tpu.dma_semaphore, #tpu.memory_space<semaphore_mem>>)
      %dma_wait3A_98 = arith.constant 0 : i32
      %dma_wait3A_99 = tpu.memref_slice %arg7[%add3A_20, %dma_wait3A_98] : memref<10240x128xf32, #tpu.memory_space<vmem_shared>> -> memref<80x128xf32, #tpu.memory_space<vmem_shared>>
      %dma_wait3A_100 = arith.constant 0 : i32
      %dma_wait3A_101 = tpu.memref_slice %arg7[%add3A_20, %dma_wait3A_100] : memref<10240x128xf32, #tpu.memory_space<vmem_shared>> -> memref<80x128xf32, #tpu.memory_space<vmem_shared>>
      tpu.wait_dma2 semaphore(%run_scoped3A_93 : memref<!tpu.dma_semaphore, #tpu.memory_space<semaphore_mem>>) src(%arg8 : memref<80x128xf32, #tpu.memory_space<vmem>>) dst(%dma_wait3A_101 : memref<80x128xf32, #tpu.memory_space<vmem_shared>>)
      tpu.yield
    }) : () -> ()
    %add3A_21 = arith.constant 400 : i32
    %add3A_22 = arith.addi %mul3A_6, %add3A_21 : i32
    "tpu.region"() ({
      %run_scoped3A_93 = tpu.sem_alloc : memref<!tpu.dma_semaphore, #tpu.memory_space<semaphore_mem>>
      %dma_start3A_94 = arith.constant 0 : i32
      %dma_start3A_95 = tpu.memref_slice %arg7[%add3A_22, %dma_start3A_94] : memref<10240x128xf32, #tpu.memory_space<vmem_shared>> -> memref<80x128xf32, #tpu.memory_space<vmem_shared>>
      %dma_start3A_96 = arith.constant 0 : i32
      %dma_start3A_97 = tpu.memref_slice %arg7[%add3A_22, %dma_start3A_96] : memref<10240x128xf32, #tpu.memory_space<vmem_shared>> -> memref<80x128xf32, #tpu.memory_space<vmem_shared>>
      tpu.enqueue_dma source(%arg8 : memref<80x128xf32, #tpu.memory_space<vmem>>) target(%dma_start3A_97 : memref<80x128xf32, #tpu.memory_space<vmem_shared>>) target_semaphore(%run_scoped3A_93 : memref<!tpu.dma_semaphore, #tpu.memory_space<semaphore_mem>>)
      %dma_wait3A_98 = arith.constant 0 : i32
      %dma_wait3A_99 = tpu.memref_slice %arg7[%add3A_22, %dma_wait3A_98] : memref<10240x128xf32, #tpu.memory_space<vmem_shared>> -> memref<80x128xf32, #tpu.memory_space<vmem_shared>>
      %dma_wait3A_100 = arith.constant 0 : i32
      %dma_wait3A_101 = tpu.memref_slice %arg7[%add3A_22, %dma_wait3A_100] : memref<10240x128xf32, #tpu.memory_space<vmem_shared>> -> memref<80x128xf32, #tpu.memory_space<vmem_shared>>
      tpu.wait_dma2 semaphore(%run_scoped3A_93 : memref<!tpu.dma_semaphore, #tpu.memory_space<semaphore_mem>>) src(%arg8 : memref<80x128xf32, #tpu.memory_space<vmem>>) dst(%dma_wait3A_101 : memref<80x128xf32, #tpu.memory_space<vmem_shared>>)
      tpu.yield
    }) : () -> ()
    %add3A_23 = arith.constant 480 : i32
    %add3A_24 = arith.addi %mul3A_6, %add3A_23 : i32
    "tpu.region"() ({
      %run_scoped3A_93 = tpu.sem_alloc : memref<!tpu.dma_semaphore, #tpu.memory_space<semaphore_mem>>
      %dma_start3A_94 = arith.constant 0 : i32
      %dma_start3A_95 = tpu.memref_slice %arg7[%add3A_24, %dma_start3A_94] : memref<10240x128xf32, #tpu.memory_space<vmem_shared>> -> memref<80x128xf32, #tpu.memory_space<vmem_shared>>
      %dma_start3A_96 = arith.constant 0 : i32
      %dma_start3A_97 = tpu.memref_slice %arg7[%add3A_24, %dma_start3A_96] : memref<10240x128xf32, #tpu.memory_space<vmem_shared>> -> memref<80x128xf32, #tpu.memory_space<vmem_shared>>
      tpu.enqueue_dma source(%arg8 : memref<80x128xf32, #tpu.memory_space<vmem>>) target(%dma_start3A_97 : memref<80x128xf32, #tpu.memory_space<vmem_shared>>) target_semaphore(%run_scoped3A_93 : memref<!tpu.dma_semaphore, #tpu.memory_space<semaphore_mem>>)
      %dma_wait3A_98 = arith.constant 0 : i32
      %dma_wait3A_99 = tpu.memref_slice %arg7[%add3A_24, %dma_wait3A_98] : memref<10240x128xf32, #tpu.memory_space<vmem_shared>> -> memref<80x128xf32, #tpu.memory_space<vmem_shared>>
      %dma_wait3A_100 = arith.constant 0 : i32
      %dma_wait3A_101 = tpu.memref_slice %arg7[%add3A_24, %dma_wait3A_100] : memref<10240x128xf32, #tpu.memory_space<vmem_shared>> -> memref<80x128xf32, #tpu.memory_space<vmem_shared>>
      tpu.wait_dma2 semaphore(%run_scoped3A_93 : memref<!tpu.dma_semaphore, #tpu.memory_space<semaphore_mem>>) src(%arg8 : memref<80x128xf32, #tpu.memory_space<vmem>>) dst(%dma_wait3A_101 : memref<80x128xf32, #tpu.memory_space<vmem_shared>>)
      tpu.yield
    }) : () -> ()
    %add3A_25 = arith.constant 560 : i32
    %add3A_26 = arith.addi %mul3A_6, %add3A_25 : i32
    "tpu.region"() ({
      %run_scoped3A_93 = tpu.sem_alloc : memref<!tpu.dma_semaphore, #tpu.memory_space<semaphore_mem>>
      %dma_start3A_94 = arith.constant 0 : i32
      %dma_start3A_95 = tpu.memref_slice %arg7[%add3A_26, %dma_start3A_94] : memref<10240x128xf32, #tpu.memory_space<vmem_shared>> -> memref<80x128xf32, #tpu.memory_space<vmem_shared>>
      %dma_start3A_96 = arith.constant 0 : i32
      %dma_start3A_97 = tpu.memref_slice %arg7[%add3A_26, %dma_start3A_96] : memref<10240x128xf32, #tpu.memory_space<vmem_shared>> -> memref<80x128xf32, #tpu.memory_space<vmem_shared>>
      tpu.enqueue_dma source(%arg8 : memref<80x128xf32, #tpu.memory_space<vmem>>) target(%dma_start3A_97 : memref<80x128xf32, #tpu.memory_space<vmem_shared>>) target_semaphore(%run_scoped3A_93 : memref<!tpu.dma_semaphore, #tpu.memory_space<semaphore_mem>>)
      %dma_wait3A_98 = arith.constant 0 : i32
      %dma_wait3A_99 = tpu.memref_slice %arg7[%add3A_26, %dma_wait3A_98] : memref<10240x128xf32, #tpu.memory_space<vmem_shared>> -> memref<80x128xf32, #tpu.memory_space<vmem_shared>>
      %dma_wait3A_100 = arith.constant 0 : i32
      %dma_wait3A_101 = tpu.memref_slice %arg7[%add3A_26, %dma_wait3A_100] : memref<10240x128xf32, #tpu.memory_space<vmem_shared>> -> memref<80x128xf32, #tpu.memory_space<vmem_shared>>
      tpu.wait_dma2 semaphore(%run_scoped3A_93 : memref<!tpu.dma_semaphore, #tpu.memory_space<semaphore_mem>>) src(%arg8 : memref<80x128xf32, #tpu.memory_space<vmem>>) dst(%dma_wait3A_101 : memref<80x128xf32, #tpu.memory_space<vmem_shared>>)
      tpu.yield
    }) : () -> ()
    %barrier3A = arith.constant 0 : index
    tpu.barrier barrier_id(%barrier3A)
    %add3A_27 = arith.constant 0 : i32
    %add3A_28 = arith.addi %add3A_4, %add3A_27 : i32
    %run_scoped3A = arith.constant 0 : i32
    "tpu.region"() ({
      %run_scoped3A_93 = tpu.sem_alloc : memref<!tpu.dma_semaphore, #tpu.memory_space<semaphore_mem>>
      %dma_start3A_94 = arith.constant 0 : i32
      %dma_start3A_95 = tpu.memref_slice %arg12[%run_scoped3A, %dma_start3A_94] : memref<4x80xi32, #tpu.memory_space<vmem>> -> memref<1x80xi32, #tpu.memory_space<vmem>>
      %dma_start3A_96 = tpu.memref_squeeze %dma_start3A_95 : memref<1x80xi32, #tpu.memory_space<vmem>> -> memref<80xi32, #tpu.memory_space<vmem>>
      %dma_start3A_97 = tpu.memref_slice %arg4[%add3A_28] : memref<320160xi32, #tpu.memory_space<hbm>> -> memref<80xi32, #tpu.memory_space<hbm>>
      %dma_start3A_98 = arith.constant 0 : i32
      %dma_start3A_99 = tpu.memref_slice %arg12[%run_scoped3A, %dma_start3A_98] : memref<4x80xi32, #tpu.memory_space<vmem>> -> memref<1x80xi32, #tpu.memory_space<vmem>>
      %dma_start3A_100 = tpu.memref_squeeze %dma_start3A_99 : memref<1x80xi32, #tpu.memory_space<vmem>> -> memref<80xi32, #tpu.memory_space<vmem>>
      %dma_start3A_101 = tpu.memref_slice %arg4[%add3A_28] : memref<320160xi32, #tpu.memory_space<hbm>> -> memref<80xi32, #tpu.memory_space<hbm>>
      tpu.enqueue_dma source(%dma_start3A_101 : memref<80xi32, #tpu.memory_space<hbm>>) target(%dma_start3A_100 : memref<80xi32, #tpu.memory_space<vmem>>) target_semaphore(%run_scoped3A_93 : memref<!tpu.dma_semaphore, #tpu.memory_space<semaphore_mem>>)
      %dma_wait3A_102 = arith.constant 0 : i32
      %dma_wait3A_103 = tpu.memref_slice %arg12[%run_scoped3A, %dma_wait3A_102] : memref<4x80xi32, #tpu.memory_space<vmem>> -> memref<1x80xi32, #tpu.memory_space<vmem>>
      %dma_wait3A_104 = tpu.memref_squeeze %dma_wait3A_103 : memref<1x80xi32, #tpu.memory_space<vmem>> -> memref<80xi32, #tpu.memory_space<vmem>>
      %dma_wait3A_105 = tpu.memref_slice %arg4[%add3A_28] : memref<320160xi32, #tpu.memory_space<hbm>> -> memref<80xi32, #tpu.memory_space<hbm>>
      %dma_wait3A_106 = arith.constant 0 : i32
      %dma_wait3A_107 = tpu.memref_slice %arg12[%run_scoped3A, %dma_wait3A_106] : memref<4x80xi32, #tpu.memory_space<vmem>> -> memref<1x80xi32, #tpu.memory_space<vmem>>
      %dma_wait3A_108 = tpu.memref_squeeze %dma_wait3A_107 : memref<1x80xi32, #tpu.memory_space<vmem>> -> memref<80xi32, #tpu.memory_space<vmem>>
      %dma_wait3A_109 = tpu.memref_slice %arg4[%add3A_28] : memref<320160xi32, #tpu.memory_space<hbm>> -> memref<80xi32, #tpu.memory_space<hbm>>
      tpu.wait_dma2 semaphore(%run_scoped3A_93 : memref<!tpu.dma_semaphore, #tpu.memory_space<semaphore_mem>>) src(%dma_wait3A_109 : memref<80xi32, #tpu.memory_space<hbm>>) dst(%dma_wait3A_108 : memref<80xi32, #tpu.memory_space<vmem>>)
      tpu.yield
    }) : () -> ()
    %run_scoped3A_29 = arith.constant 0 : i32
    "tpu.region"() ({
      %run_scoped3A_93 = tpu.sem_alloc : memref<!tpu.dma_semaphore, #tpu.memory_space<semaphore_mem>>
      %dma_start3A_94 = arith.constant 0 : i32
      %dma_start3A_95 = tpu.memref_slice %arg13[%run_scoped3A_29, %dma_start3A_94] : memref<4x80xi32, #tpu.memory_space<vmem>> -> memref<1x80xi32, #tpu.memory_space<vmem>>
      %dma_start3A_96 = tpu.memref_squeeze %dma_start3A_95 : memref<1x80xi32, #tpu.memory_space<vmem>> -> memref<80xi32, #tpu.memory_space<vmem>>
      %dma_start3A_97 = tpu.memref_slice %arg5[%add3A_28] : memref<320160xi32, #tpu.memory_space<hbm>> -> memref<80xi32, #tpu.memory_space<hbm>>
      %dma_start3A_98 = arith.constant 0 : i32
      %dma_start3A_99 = tpu.memref_slice %arg13[%run_scoped3A_29, %dma_start3A_98] : memref<4x80xi32, #tpu.memory_space<vmem>> -> memref<1x80xi32, #tpu.memory_space<vmem>>
      %dma_start3A_100 = tpu.memref_squeeze %dma_start3A_99 : memref<1x80xi32, #tpu.memory_space<vmem>> -> memref<80xi32, #tpu.memory_space<vmem>>
      %dma_start3A_101 = tpu.memref_slice %arg5[%add3A_28] : memref<320160xi32, #tpu.memory_space<hbm>> -> memref<80xi32, #tpu.memory_space<hbm>>
      tpu.enqueue_dma source(%dma_start3A_101 : memref<80xi32, #tpu.memory_space<hbm>>) target(%dma_start3A_100 : memref<80xi32, #tpu.memory_space<vmem>>) target_semaphore(%run_scoped3A_93 : memref<!tpu.dma_semaphore, #tpu.memory_space<semaphore_mem>>)
      %dma_wait3A_102 = arith.constant 0 : i32
      %dma_wait3A_103 = tpu.memref_slice %arg13[%run_scoped3A_29, %dma_wait3A_102] : memref<4x80xi32, #tpu.memory_space<vmem>> -> memref<1x80xi32, #tpu.memory_space<vmem>>
      %dma_wait3A_104 = tpu.memref_squeeze %dma_wait3A_103 : memref<1x80xi32, #tpu.memory_space<vmem>> -> memref<80xi32, #tpu.memory_space<vmem>>
      %dma_wait3A_105 = tpu.memref_slice %arg5[%add3A_28] : memref<320160xi32, #tpu.memory_space<hbm>> -> memref<80xi32, #tpu.memory_space<hbm>>
      %dma_wait3A_106 = arith.constant 0 : i32
      %dma_wait3A_107 = tpu.memref_slice %arg13[%run_scoped3A_29, %dma_wait3A_106] : memref<4x80xi32, #tpu.memory_space<vmem>> -> memref<1x80xi32, #tpu.memory_space<vmem>>
      %dma_wait3A_108 = tpu.memref_squeeze %dma_wait3A_107 : memref<1x80xi32, #tpu.memory_space<vmem>> -> memref<80xi32, #tpu.memory_space<vmem>>
      %dma_wait3A_109 = tpu.memref_slice %arg5[%add3A_28] : memref<320160xi32, #tpu.memory_space<hbm>> -> memref<80xi32, #tpu.memory_space<hbm>>
      tpu.wait_dma2 semaphore(%run_scoped3A_93 : memref<!tpu.dma_semaphore, #tpu.memory_space<semaphore_mem>>) src(%dma_wait3A_109 : memref<80xi32, #tpu.memory_space<hbm>>) dst(%dma_wait3A_108 : memref<80xi32, #tpu.memory_space<vmem>>)
      tpu.yield
    }) : () -> ()
    %add3A_30 = arith.constant 80 : i32
    %add3A_31 = arith.addi %add3A_4, %add3A_30 : i32
    %run_scoped3A_32 = arith.constant 1 : i32
    "tpu.region"() ({
      %run_scoped3A_93 = tpu.sem_alloc : memref<!tpu.dma_semaphore, #tpu.memory_space<semaphore_mem>>
      %dma_start3A_94 = arith.constant 0 : i32
      %dma_start3A_95 = tpu.memref_slice %arg12[%run_scoped3A_32, %dma_start3A_94] : memref<4x80xi32, #tpu.memory_space<vmem>> -> memref<1x80xi32, #tpu.memory_space<vmem>>
      %dma_start3A_96 = tpu.memref_squeeze %dma_start3A_95 : memref<1x80xi32, #tpu.memory_space<vmem>> -> memref<80xi32, #tpu.memory_space<vmem>>
      %dma_start3A_97 = tpu.memref_slice %arg4[%add3A_31] : memref<320160xi32, #tpu.memory_space<hbm>> -> memref<80xi32, #tpu.memory_space<hbm>>
      %dma_start3A_98 = arith.constant 0 : i32
      %dma_start3A_99 = tpu.memref_slice %arg12[%run_scoped3A_32, %dma_start3A_98] : memref<4x80xi32, #tpu.memory_space<vmem>> -> memref<1x80xi32, #tpu.memory_space<vmem>>
      %dma_start3A_100 = tpu.memref_squeeze %dma_start3A_99 : memref<1x80xi32, #tpu.memory_space<vmem>> -> memref<80xi32, #tpu.memory_space<vmem>>
      %dma_start3A_101 = tpu.memref_slice %arg4[%add3A_31] : memref<320160xi32, #tpu.memory_space<hbm>> -> memref<80xi32, #tpu.memory_space<hbm>>
      tpu.enqueue_dma source(%dma_start3A_101 : memref<80xi32, #tpu.memory_space<hbm>>) target(%dma_start3A_100 : memref<80xi32, #tpu.memory_space<vmem>>) target_semaphore(%run_scoped3A_93 : memref<!tpu.dma_semaphore, #tpu.memory_space<semaphore_mem>>)
      %dma_wait3A_102 = arith.constant 0 : i32
      %dma_wait3A_103 = tpu.memref_slice %arg12[%run_scoped3A_32, %dma_wait3A_102] : memref<4x80xi32, #tpu.memory_space<vmem>> -> memref<1x80xi32, #tpu.memory_space<vmem>>
      %dma_wait3A_104 = tpu.memref_squeeze %dma_wait3A_103 : memref<1x80xi32, #tpu.memory_space<vmem>> -> memref<80xi32, #tpu.memory_space<vmem>>
      %dma_wait3A_105 = tpu.memref_slice %arg4[%add3A_31] : memref<320160xi32, #tpu.memory_space<hbm>> -> memref<80xi32, #tpu.memory_space<hbm>>
      %dma_wait3A_106 = arith.constant 0 : i32
      %dma_wait3A_107 = tpu.memref_slice %arg12[%run_scoped3A_32, %dma_wait3A_106] : memref<4x80xi32, #tpu.memory_space<vmem>> -> memref<1x80xi32, #tpu.memory_space<vmem>>
      %dma_wait3A_108 = tpu.memref_squeeze %dma_wait3A_107 : memref<1x80xi32, #tpu.memory_space<vmem>> -> memref<80xi32, #tpu.memory_space<vmem>>
      %dma_wait3A_109 = tpu.memref_slice %arg4[%add3A_31] : memref<320160xi32, #tpu.memory_space<hbm>> -> memref<80xi32, #tpu.memory_space<hbm>>
      tpu.wait_dma2 semaphore(%run_scoped3A_93 : memref<!tpu.dma_semaphore, #tpu.memory_space<semaphore_mem>>) src(%dma_wait3A_109 : memref<80xi32, #tpu.memory_space<hbm>>) dst(%dma_wait3A_108 : memref<80xi32, #tpu.memory_space<vmem>>)
      tpu.yield
    }) : () -> ()
    %run_scoped3A_33 = arith.constant 1 : i32
    "tpu.region"() ({
      %run_scoped3A_93 = tpu.sem_alloc : memref<!tpu.dma_semaphore, #tpu.memory_space<semaphore_mem>>
      %dma_start3A_94 = arith.constant 0 : i32
      %dma_start3A_95 = tpu.memref_slice %arg13[%run_scoped3A_33, %dma_start3A_94] : memref<4x80xi32, #tpu.memory_space<vmem>> -> memref<1x80xi32, #tpu.memory_space<vmem>>
      %dma_start3A_96 = tpu.memref_squeeze %dma_start3A_95 : memref<1x80xi32, #tpu.memory_space<vmem>> -> memref<80xi32, #tpu.memory_space<vmem>>
      %dma_start3A_97 = tpu.memref_slice %arg5[%add3A_31] : memref<320160xi32, #tpu.memory_space<hbm>> -> memref<80xi32, #tpu.memory_space<hbm>>
      %dma_start3A_98 = arith.constant 0 : i32
      %dma_start3A_99 = tpu.memref_slice %arg13[%run_scoped3A_33, %dma_start3A_98] : memref<4x80xi32, #tpu.memory_space<vmem>> -> memref<1x80xi32, #tpu.memory_space<vmem>>
      %dma_start3A_100 = tpu.memref_squeeze %dma_start3A_99 : memref<1x80xi32, #tpu.memory_space<vmem>> -> memref<80xi32, #tpu.memory_space<vmem>>
      %dma_start3A_101 = tpu.memref_slice %arg5[%add3A_31] : memref<320160xi32, #tpu.memory_space<hbm>> -> memref<80xi32, #tpu.memory_space<hbm>>
      tpu.enqueue_dma source(%dma_start3A_101 : memref<80xi32, #tpu.memory_space<hbm>>) target(%dma_start3A_100 : memref<80xi32, #tpu.memory_space<vmem>>) target_semaphore(%run_scoped3A_93 : memref<!tpu.dma_semaphore, #tpu.memory_space<semaphore_mem>>)
      %dma_wait3A_102 = arith.constant 0 : i32
      %dma_wait3A_103 = tpu.memref_slice %arg13[%run_scoped3A_33, %dma_wait3A_102] : memref<4x80xi32, #tpu.memory_space<vmem>> -> memref<1x80xi32, #tpu.memory_space<vmem>>
      %dma_wait3A_104 = tpu.memref_squeeze %dma_wait3A_103 : memref<1x80xi32, #tpu.memory_space<vmem>> -> memref<80xi32, #tpu.memory_space<vmem>>
      %dma_wait3A_105 = tpu.memref_slice %arg5[%add3A_31] : memref<320160xi32, #tpu.memory_space<hbm>> -> memref<80xi32, #tpu.memory_space<hbm>>
      %dma_wait3A_106 = arith.constant 0 : i32
      %dma_wait3A_107 = tpu.memref_slice %arg13[%run_scoped3A_33, %dma_wait3A_106] : memref<4x80xi32, #tpu.memory_space<vmem>> -> memref<1x80xi32, #tpu.memory_space<vmem>>
      %dma_wait3A_108 = tpu.memref_squeeze %dma_wait3A_107 : memref<1x80xi32, #tpu.memory_space<vmem>> -> memref<80xi32, #tpu.memory_space<vmem>>
      %dma_wait3A_109 = tpu.memref_slice %arg5[%add3A_31] : memref<320160xi32, #tpu.memory_space<hbm>> -> memref<80xi32, #tpu.memory_space<hbm>>
      tpu.wait_dma2 semaphore(%run_scoped3A_93 : memref<!tpu.dma_semaphore, #tpu.memory_space<semaphore_mem>>) src(%dma_wait3A_109 : memref<80xi32, #tpu.memory_space<hbm>>) dst(%dma_wait3A_108 : memref<80xi32, #tpu.memory_space<vmem>>)
      tpu.yield
    }) : () -> ()
    %add3A_34 = arith.constant 0 : i32
    %add3A_35 = arith.addi %mul3A_2, %add3A_34 : i32
    %dma_start3A = arith.constant 0 : i32
    %dma_start3A_36 = tpu.memref_slice %arg3[%add3A_35, %dma_start3A] : memref<192000x128xf32, #tpu.memory_space<hbm>> -> memref<80x128xf32, #tpu.memory_space<hbm>>
    %dma_start3A_37 = arith.constant 0 : i32
    %dma_start3A_38 = tpu.memref_slice %arg3[%add3A_35, %dma_start3A_37] : memref<192000x128xf32, #tpu.memory_space<hbm>> -> memref<80x128xf32, #tpu.memory_space<hbm>>
    tpu.enqueue_dma source(%dma_start3A_38 : memref<80x128xf32, #tpu.memory_space<hbm>>) target(%arg8 : memref<80x128xf32, #tpu.memory_space<vmem>>) target_semaphore(%arg14 : memref<!tpu.dma_semaphore, #tpu.memory_space<semaphore_mem>>)
    %dma_start3A_39 = arith.constant 0 : i32
    %dma_start3A_40 = arith.constant 0 : i32
    %dma_start3A_41 = tpu.memref_slice %arg12[%dma_start3A_39, %dma_start3A_40] : memref<4x80xi32, #tpu.memory_space<vmem>> -> memref<1x80xi32, #tpu.memory_space<vmem>>
    %dma_start3A_42 = tpu.memref_squeeze %dma_start3A_41 : memref<1x80xi32, #tpu.memory_space<vmem>> -> memref<80xi32, #tpu.memory_space<vmem>>
    %dma_start3A_43 = arith.constant 0 : i32
    %dma_start3A_44 = arith.constant 0 : i32
    %dma_start3A_45 = tpu.memref_slice %arg2[%dma_start3A_43, %dma_start3A_44] : memref<10000x128xf32, #tpu.memory_space<hbm>> -> memref<10000x128xf32, #tpu.memory_space<hbm>>
    tpu.enqueue_indirect_dma source(%dma_start3A_45 : memref<10000x128xf32, #tpu.memory_space<hbm>>) target(%arg10 : memref<80x128xf32, #tpu.memory_space<vmem>>) offsets(%dma_start3A_42 : memref<80xi32, #tpu.memory_space<vmem>>) semaphore(%arg16 : memref<!tpu.dma_semaphore, #tpu.memory_space<semaphore_mem>>)
    %scan3A_46 = arith.constant 0 : i32
    %scan3A_47 = arith.constant 37 : i32
    %scan3A_48 = arith.addi %scan3A_46, %scan3A_47 : i32
    %scan3A_49 = arith.constant 1 : i32
    scf.for %scan3A_93 = %scan3A_46 to %scan3A_48 step %scan3A_49  : i32 {
      %mul3A_94 = arith.constant 1 : i32
      %mul3A_95 = arith.muli %scan3A_93, %mul3A_94 : i32
      %add3A_96 = arith.constant 0 : i32
      %add3A_97 = arith.addi %add3A_96, %mul3A_95 : i32
      %mul3A_98 = arith.constant 2 : i32
      %mul3A_99 = arith.muli %mul3A_98, %add3A_97 : i32
      %mul3A_100 = arith.constant 80 : i32
      %mul3A_101 = arith.muli %mul3A_99, %mul3A_100 : i32
      %add3A_102 = arith.addi %mul3A_2, %mul3A_101 : i32
      %dma_wait3A_103 = arith.constant 0 : i32
      %dma_wait3A_104 = tpu.memref_slice %arg3[%add3A_102, %dma_wait3A_103] : memref<192000x128xf32, #tpu.memory_space<hbm>> -> memref<80x128xf32, #tpu.memory_space<hbm>>
      %dma_wait3A_105 = arith.constant 0 : i32
      %dma_wait3A_106 = tpu.memref_slice %arg3[%add3A_102, %dma_wait3A_105] : memref<192000x128xf32, #tpu.memory_space<hbm>> -> memref<80x128xf32, #tpu.memory_space<hbm>>
      tpu.wait_dma2 semaphore(%arg14 : memref<!tpu.dma_semaphore, #tpu.memory_space<semaphore_mem>>) src(%dma_wait3A_106 : memref<80x128xf32, #tpu.memory_space<hbm>>) dst(%arg8 : memref<80x128xf32, #tpu.memory_space<vmem>>)
      %jit3A = arith.constant 4 : i32
      %eq3A = arith.constant 0 : i32
      %eq3A_107 = arith.cmpi eq, %jit3A, %eq3A : i32
      %jit3A_108 = arith.constant 1 : i32
      %select_n3A = arith.select %eq3A_107, %jit3A_108, %jit3A : i32
      %rem3A = arith.remsi %mul3A_99, %select_n3A : i32
      %ne3A = arith.constant 0 : i32
      %ne3A_109 = arith.cmpi ne, %rem3A, %ne3A : i32
      %lt3A = arith.constant 0 : i32
      %lt3A_110 = arith.cmpi slt, %rem3A, %lt3A : i32
      %lt3A_111 = arith.constant 0 : i32
      %lt3A_112 = arith.cmpi slt, %select_n3A, %lt3A_111 : i32
      %ne3A_113 = arith.xori %lt3A_110, %lt3A_112 : i1
      %and3A = arith.andi %ne3A_113, %ne3A_109 : i1
      %add3A_114 = arith.addi %rem3A, %select_n3A : i32
      %select_n3A_115 = arith.select %and3A, %add3A_114, %rem3A : i32
      %dma_wait3A_116 = arith.constant 0 : i32
      %dma_wait3A_117 = tpu.memref_slice %arg12[%select_n3A_115, %dma_wait3A_116] : memref<4x80xi32, #tpu.memory_space<vmem>> -> memref<1x80xi32, #tpu.memory_space<vmem>>
      %dma_wait3A_118 = tpu.memref_squeeze %dma_wait3A_117 : memref<1x80xi32, #tpu.memory_space<vmem>> -> memref<80xi32, #tpu.memory_space<vmem>>
      %dma_wait3A_119 = arith.constant 0 : i32
      %dma_wait3A_120 = arith.constant 0 : i32
      %dma_wait3A_121 = tpu.memref_slice %arg2[%dma_wait3A_119, %dma_wait3A_120] : memref<10000x128xf32, #tpu.memory_space<hbm>> -> memref<10000x128xf32, #tpu.memory_space<hbm>>
      tpu.wait_indirect_dma semaphore(%arg16 : memref<!tpu.dma_semaphore, #tpu.memory_space<semaphore_mem>>) src(%dma_wait3A_121 : memref<10000x128xf32, #tpu.memory_space<hbm>>) dst(%arg10 : memref<80x128xf32, #tpu.memory_space<vmem>>)
      %gt3A = arith.constant 0 : i32
      %gt3A_122 = arith.cmpi sgt, %add3A_97, %gt3A : i32
      %convert_element_type3A = arith.extui %gt3A_122 : i1 to i32
      %cond3A = arith.constant 0 : i32
      %cond3A_123 = arith.cmpi ne, %convert_element_type3A, %cond3A : i32
      scf.if %cond3A_123 {
        %sub3A = arith.constant 1 : i32
        %sub3A_419 = arith.subi %mul3A_99, %sub3A : i32
        %jit3A_420 = arith.constant 4 : i32
        %eq3A_421 = arith.constant 0 : i32
        %eq3A_422 = arith.cmpi eq, %jit3A_420, %eq3A_421 : i32
        %jit3A_423 = arith.constant 1 : i32
        %select_n3A_424 = arith.select %eq3A_422, %jit3A_423, %jit3A_420 : i32
        %rem3A_425 = arith.remsi %sub3A_419, %select_n3A_424 : i32
        %ne3A_426 = arith.constant 0 : i32
        %ne3A_427 = arith.cmpi ne, %rem3A_425, %ne3A_426 : i32
        %lt3A_428 = arith.constant 0 : i32
        %lt3A_429 = arith.cmpi slt, %rem3A_425, %lt3A_428 : i32
        %lt3A_430 = arith.constant 0 : i32
        %lt3A_431 = arith.cmpi slt, %select_n3A_424, %lt3A_430 : i32
        %ne3A_432 = arith.xori %lt3A_429, %lt3A_431 : i1
        %and3A_433 = arith.andi %ne3A_432, %ne3A_427 : i1
        %add3A_434 = arith.addi %rem3A_425, %select_n3A_424 : i32
        %select_n3A_435 = arith.select %and3A_433, %add3A_434, %rem3A_425 : i32
        %dma_wait3A_436 = arith.constant 0 : i32
        %dma_wait3A_437 = tpu.memref_slice %arg13[%select_n3A_435, %dma_wait3A_436] : memref<4x80xi32, #tpu.memory_space<vmem>> -> memref<1x80xi32, #tpu.memory_space<vmem>>
        %dma_wait3A_438 = tpu.memref_squeeze %dma_wait3A_437 : memref<1x80xi32, #tpu.memory_space<vmem>> -> memref<80xi32, #tpu.memory_space<vmem>>
        %dma_wait3A_439 = arith.constant 0 : i32
        %dma_wait3A_440 = arith.constant 0 : i32
        %dma_wait3A_441 = tpu.memref_slice %arg7[%dma_wait3A_439, %dma_wait3A_440] : memref<10240x128xf32, #tpu.memory_space<vmem_shared>> -> memref<10240x128xf32, #tpu.memory_space<vmem_shared>>
        tpu.wait_indirect_dma semaphore(%arg19 : memref<!tpu.dma_semaphore, #tpu.memory_space<semaphore_mem>>) src(%arg9 : memref<80x128xf32, #tpu.memory_space<vmem>>) dst(%dma_wait3A_441 : memref<10240x128xf32, #tpu.memory_space<vmem_shared>>)
      } else {
      }
      %add3A_124 = arith.constant 1 : i32
      %add3A_125 = arith.addi %add3A_97, %add3A_124 : i32
      %jit3A_126 = arith.constant 2 : i32
      %eq3A_127 = arith.constant 0 : i32
      %eq3A_128 = arith.cmpi eq, %jit3A_126, %eq3A_127 : i32
      %jit3A_129 = arith.constant 1 : i32
      %select_n3A_130 = arith.select %eq3A_128, %jit3A_129, %jit3A_126 : i32
      %rem3A_131 = arith.remsi %add3A_125, %select_n3A_130 : i32
      %ne3A_132 = arith.constant 0 : i32
      %ne3A_133 = arith.cmpi ne, %rem3A_131, %ne3A_132 : i32
      %lt3A_134 = arith.constant 0 : i32
      %lt3A_135 = arith.cmpi slt, %rem3A_131, %lt3A_134 : i32
      %lt3A_136 = arith.constant 0 : i32
      %lt3A_137 = arith.cmpi slt, %select_n3A_130, %lt3A_136 : i32
      %ne3A_138 = arith.xori %lt3A_135, %lt3A_137 : i1
      %and3A_139 = arith.andi %ne3A_138, %ne3A_133 : i1
      %add3A_140 = arith.addi %rem3A_131, %select_n3A_130 : i32
      %select_n3A_141 = arith.select %and3A_139, %add3A_140, %rem3A_131 : i32
      %mul3A_142 = arith.constant 2 : i32
      %mul3A_143 = arith.muli %mul3A_142, %select_n3A_141 : i32
      %mul3A_144 = arith.constant 2 : i32
      %mul3A_145 = arith.muli %mul3A_144, %add3A_125 : i32
      %add3A_146 = arith.constant 0 : i32
      %add3A_147 = arith.addi %mul3A_145, %add3A_146 : i32
      %mul3A_148 = arith.constant 80 : i32
      %mul3A_149 = arith.muli %add3A_147, %mul3A_148 : i32
      %add3A_150 = arith.addi %add3A_4, %mul3A_149 : i32
      %add3A_151 = arith.constant 0 : i32
      %add3A_152 = arith.addi %mul3A_143, %add3A_151 : i32
      %dma_start3A_153 = arith.constant 0 : i32
      %dma_start3A_154 = tpu.memref_slice %arg12[%add3A_152, %dma_start3A_153] : memref<4x80xi32, #tpu.memory_space<vmem>> -> memref<1x80xi32, #tpu.memory_space<vmem>>
      %dma_start3A_155 = tpu.memref_squeeze %dma_start3A_154 : memref<1x80xi32, #tpu.memory_space<vmem>> -> memref<80xi32, #tpu.memory_space<vmem>>
      %dma_start3A_156 = tpu.memref_slice %arg4[%add3A_150] : memref<320160xi32, #tpu.memory_space<hbm>> -> memref<80xi32, #tpu.memory_space<hbm>>
      %dma_start3A_157 = arith.constant 0 : i32
      %dma_start3A_158 = tpu.memref_slice %arg12[%add3A_152, %dma_start3A_157] : memref<4x80xi32, #tpu.memory_space<vmem>> -> memref<1x80xi32, #tpu.memory_space<vmem>>
      %dma_start3A_159 = tpu.memref_squeeze %dma_start3A_158 : memref<1x80xi32, #tpu.memory_space<vmem>> -> memref<80xi32, #tpu.memory_space<vmem>>
      %dma_start3A_160 = tpu.memref_slice %arg4[%add3A_150] : memref<320160xi32, #tpu.memory_space<hbm>> -> memref<80xi32, #tpu.memory_space<hbm>>
      tpu.enqueue_dma source(%dma_start3A_160 : memref<80xi32, #tpu.memory_space<hbm>>) target(%dma_start3A_159 : memref<80xi32, #tpu.memory_space<vmem>>) target_semaphore(%arg20 : memref<!tpu.dma_semaphore, #tpu.memory_space<semaphore_mem>>)
      %add3A_161 = arith.constant 0 : i32
      %add3A_162 = arith.addi %mul3A_143, %add3A_161 : i32
      %dma_start3A_163 = arith.constant 0 : i32
      %dma_start3A_164 = tpu.memref_slice %arg13[%add3A_162, %dma_start3A_163] : memref<4x80xi32, #tpu.memory_space<vmem>> -> memref<1x80xi32, #tpu.memory_space<vmem>>
      %dma_start3A_165 = tpu.memref_squeeze %dma_start3A_164 : memref<1x80xi32, #tpu.memory_space<vmem>> -> memref<80xi32, #tpu.memory_space<vmem>>
      %dma_start3A_166 = tpu.memref_slice %arg5[%add3A_150] : memref<320160xi32, #tpu.memory_space<hbm>> -> memref<80xi32, #tpu.memory_space<hbm>>
      %dma_start3A_167 = arith.constant 0 : i32
      %dma_start3A_168 = tpu.memref_slice %arg13[%add3A_162, %dma_start3A_167] : memref<4x80xi32, #tpu.memory_space<vmem>> -> memref<1x80xi32, #tpu.memory_space<vmem>>
      %dma_start3A_169 = tpu.memref_squeeze %dma_start3A_168 : memref<1x80xi32, #tpu.memory_space<vmem>> -> memref<80xi32, #tpu.memory_space<vmem>>
      %dma_start3A_170 = tpu.memref_slice %arg5[%add3A_150] : memref<320160xi32, #tpu.memory_space<hbm>> -> memref<80xi32, #tpu.memory_space<hbm>>
      tpu.enqueue_dma source(%dma_start3A_170 : memref<80xi32, #tpu.memory_space<hbm>>) target(%dma_start3A_169 : memref<80xi32, #tpu.memory_space<vmem>>) target_semaphore(%arg20 : memref<!tpu.dma_semaphore, #tpu.memory_space<semaphore_mem>>)
      %mul3A_171 = arith.constant 2 : i32
      %mul3A_172 = arith.muli %mul3A_171, %add3A_125 : i32
      %add3A_173 = arith.constant 1 : i32
      %add3A_174 = arith.addi %mul3A_172, %add3A_173 : i32
      %mul3A_175 = arith.constant 80 : i32
      %mul3A_176 = arith.muli %add3A_174, %mul3A_175 : i32
      %add3A_177 = arith.addi %add3A_4, %mul3A_176 : i32
      %add3A_178 = arith.constant 1 : i32
      %add3A_179 = arith.addi %mul3A_143, %add3A_178 : i32
      %dma_start3A_180 = arith.constant 0 : i32
      %dma_start3A_181 = tpu.memref_slice %arg12[%add3A_179, %dma_start3A_180] : memref<4x80xi32, #tpu.memory_space<vmem>> -> memref<1x80xi32, #tpu.memory_space<vmem>>
      %dma_start3A_182 = tpu.memref_squeeze %dma_start3A_181 : memref<1x80xi32, #tpu.memory_space<vmem>> -> memref<80xi32, #tpu.memory_space<vmem>>
      %dma_start3A_183 = tpu.memref_slice %arg4[%add3A_177] : memref<320160xi32, #tpu.memory_space<hbm>> -> memref<80xi32, #tpu.memory_space<hbm>>
      %dma_start3A_184 = arith.constant 0 : i32
      %dma_start3A_185 = tpu.memref_slice %arg12[%add3A_179, %dma_start3A_184] : memref<4x80xi32, #tpu.memory_space<vmem>> -> memref<1x80xi32, #tpu.memory_space<vmem>>
      %dma_start3A_186 = tpu.memref_squeeze %dma_start3A_185 : memref<1x80xi32, #tpu.memory_space<vmem>> -> memref<80xi32, #tpu.memory_space<vmem>>
      %dma_start3A_187 = tpu.memref_slice %arg4[%add3A_177] : memref<320160xi32, #tpu.memory_space<hbm>> -> memref<80xi32, #tpu.memory_space<hbm>>
      tpu.enqueue_dma source(%dma_start3A_187 : memref<80xi32, #tpu.memory_space<hbm>>) target(%dma_start3A_186 : memref<80xi32, #tpu.memory_space<vmem>>) target_semaphore(%arg20 : memref<!tpu.dma_semaphore, #tpu.memory_space<semaphore_mem>>)
      %add3A_188 = arith.constant 1 : i32
      %add3A_189 = arith.addi %mul3A_143, %add3A_188 : i32
      %dma_start3A_190 = arith.constant 0 : i32
      %dma_start3A_191 = tpu.memref_slice %arg13[%add3A_189, %dma_start3A_190] : memref<4x80xi32, #tpu.memory_space<vmem>> -> memref<1x80xi32, #tpu.memory_space<vmem>>
      %dma_start3A_192 = tpu.memref_squeeze %dma_start3A_191 : memref<1x80xi32, #tpu.memory_space<vmem>> -> memref<80xi32, #tpu.memory_space<vmem>>
      %dma_start3A_193 = tpu.memref_slice %arg5[%add3A_177] : memref<320160xi32, #tpu.memory_space<hbm>> -> memref<80xi32, #tpu.memory_space<hbm>>
      %dma_start3A_194 = arith.constant 0 : i32
      %dma_start3A_195 = tpu.memref_slice %arg13[%add3A_189, %dma_start3A_194] : memref<4x80xi32, #tpu.memory_space<vmem>> -> memref<1x80xi32, #tpu.memory_space<vmem>>
      %dma_start3A_196 = tpu.memref_squeeze %dma_start3A_195 : memref<1x80xi32, #tpu.memory_space<vmem>> -> memref<80xi32, #tpu.memory_space<vmem>>
      %dma_start3A_197 = tpu.memref_slice %arg5[%add3A_177] : memref<320160xi32, #tpu.memory_space<hbm>> -> memref<80xi32, #tpu.memory_space<hbm>>
      tpu.enqueue_dma source(%dma_start3A_197 : memref<80xi32, #tpu.memory_space<hbm>>) target(%dma_start3A_196 : memref<80xi32, #tpu.memory_space<vmem>>) target_semaphore(%arg20 : memref<!tpu.dma_semaphore, #tpu.memory_space<semaphore_mem>>)
      %add3A_198 = arith.constant 1 : i32
      %add3A_199 = arith.addi %mul3A_99, %add3A_198 : i32
      %mul3A_200 = arith.constant 80 : i32
      %mul3A_201 = arith.muli %add3A_199, %mul3A_200 : i32
      %add3A_202 = arith.addi %mul3A_2, %mul3A_201 : i32
      %dma_start3A_203 = arith.constant 0 : i32
      %dma_start3A_204 = tpu.memref_slice %arg3[%add3A_202, %dma_start3A_203] : memref<192000x128xf32, #tpu.memory_space<hbm>> -> memref<80x128xf32, #tpu.memory_space<hbm>>
      %dma_start3A_205 = arith.constant 0 : i32
      %dma_start3A_206 = tpu.memref_slice %arg3[%add3A_202, %dma_start3A_205] : memref<192000x128xf32, #tpu.memory_space<hbm>> -> memref<80x128xf32, #tpu.memory_space<hbm>>
      tpu.enqueue_dma source(%dma_start3A_206 : memref<80x128xf32, #tpu.memory_space<hbm>>) target(%arg9 : memref<80x128xf32, #tpu.memory_space<vmem>>) target_semaphore(%arg15 : memref<!tpu.dma_semaphore, #tpu.memory_space<semaphore_mem>>)
      %jit3A_207 = arith.constant 4 : i32
      %eq3A_208 = arith.constant 0 : i32
      %eq3A_209 = arith.cmpi eq, %jit3A_207, %eq3A_208 : i32
      %jit3A_210 = arith.constant 1 : i32
      %select_n3A_211 = arith.select %eq3A_209, %jit3A_210, %jit3A_207 : i32
      %rem3A_212 = arith.remsi %add3A_199, %select_n3A_211 : i32
      %ne3A_213 = arith.constant 0 : i32
      %ne3A_214 = arith.cmpi ne, %rem3A_212, %ne3A_213 : i32
      %lt3A_215 = arith.constant 0 : i32
      %lt3A_216 = arith.cmpi slt, %rem3A_212, %lt3A_215 : i32
      %lt3A_217 = arith.constant 0 : i32
      %lt3A_218 = arith.cmpi slt, %select_n3A_211, %lt3A_217 : i32
      %ne3A_219 = arith.xori %lt3A_216, %lt3A_218 : i1
      %and3A_220 = arith.andi %ne3A_219, %ne3A_214 : i1
      %add3A_221 = arith.addi %rem3A_212, %select_n3A_211 : i32
      %select_n3A_222 = arith.select %and3A_220, %add3A_221, %rem3A_212 : i32
      %dma_start3A_223 = arith.constant 0 : i32
      %dma_start3A_224 = tpu.memref_slice %arg12[%select_n3A_222, %dma_start3A_223] : memref<4x80xi32, #tpu.memory_space<vmem>> -> memref<1x80xi32, #tpu.memory_space<vmem>>
      %dma_start3A_225 = tpu.memref_squeeze %dma_start3A_224 : memref<1x80xi32, #tpu.memory_space<vmem>> -> memref<80xi32, #tpu.memory_space<vmem>>
      %dma_start3A_226 = arith.constant 0 : i32
      %dma_start3A_227 = arith.constant 0 : i32
      %dma_start3A_228 = tpu.memref_slice %arg2[%dma_start3A_226, %dma_start3A_227] : memref<10000x128xf32, #tpu.memory_space<hbm>> -> memref<10000x128xf32, #tpu.memory_space<hbm>>
      tpu.enqueue_indirect_dma source(%dma_start3A_228 : memref<10000x128xf32, #tpu.memory_space<hbm>>) target(%arg11 : memref<80x128xf32, #tpu.memory_space<vmem>>) offsets(%dma_start3A_225 : memref<80xi32, #tpu.memory_space<vmem>>) semaphore(%arg17 : memref<!tpu.dma_semaphore, #tpu.memory_space<semaphore_mem>>)
      %scan3A_229 = arith.constant 0 : i32
      %scan3A_230 = arith.constant 40 : i32
      %scan3A_231 = arith.addi %scan3A_229, %scan3A_230 : i32
      %scan3A_232 = arith.constant 1 : i32
      scf.for %scan3A_419 = %scan3A_229 to %scan3A_231 step %scan3A_232  : i32 {
        %mul3A_420 = arith.constant 2 : i32
        %mul3A_421 = arith.muli %scan3A_419, %mul3A_420 : i32
        %add3A_422 = arith.constant 0 : i32
        %add3A_423 = arith.addi %add3A_422, %mul3A_421 : i32
        %add3A_424 = arith.constant 0 : i32
        %add3A_425 = arith.addi %add3A_423, %add3A_424 : i32
        %get3A = arith.index_cast %add3A_425 : i32 to index
        %get3A_426 = arith.constant 0 : index
        %get3A_427 = tpu.vector_load %arg8[%get3A, %get3A_426] {strides = array<i32>} : memref<80x128xf32, #tpu.memory_space<vmem>>, vector<1x16xf32>,
        %get3A_428 = vector.shape_cast %get3A_427 : vector<1x16xf32> to vector<16xf32>
        %add3A_429 = arith.constant 0 : i32
        %add3A_430 = arith.addi %add3A_423, %add3A_429 : i32
        %get3A_431 = arith.index_cast %add3A_430 : i32 to index
        %get3A_432 = arith.constant 0 : index
        %get3A_433 = tpu.vector_load %arg10[%get3A_431, %get3A_432] {strides = array<i32>} : memref<80x128xf32, #tpu.memory_space<vmem>>, vector<1x16xf32>,
        %get3A_434 = vector.shape_cast %get3A_433 : vector<1x16xf32> to vector<16xf32>
        %add3A_435 = arith.addf %get3A_428, %get3A_434 : vector<16xf32>
        %max3A = arith.constant 0.000000e+00 : f32
        %max3A_436 = vector.broadcast %max3A : f32 to vector<16xf32>
        %max3A_437 = arith.maximumf %add3A_435, %max3A_436 : vector<16xf32>
        %add3A_438 = arith.constant 0 : i32
        %add3A_439 = arith.addi %add3A_423, %add3A_438 : i32
        %swap3A = arith.index_cast %add3A_439 : i32 to index
        %swap3A_440 = arith.constant 0 : index
        %swap3A_441 = tpu.vector_load %arg8[%swap3A, %swap3A_440] {strides = array<i32>} : memref<80x128xf32, #tpu.memory_space<vmem>>, vector<1x16xf32>,
        %swap3A_442 = vector.shape_cast %swap3A_441 : vector<1x16xf32> to vector<16xf32>
        %swap3A_443 = vector.shape_cast %max3A_437 : vector<16xf32> to vector<1x16xf32>
        tpu.vector_store %arg8[%swap3A, %swap3A_440], %swap3A_443 {strides = array<i32>} : memref<80x128xf32, #tpu.memory_space<vmem>>, vector<1x16xf32>,
        %add3A_444 = arith.constant 0 : i32
        %add3A_445 = arith.addi %add3A_423, %add3A_444 : i32
        %get3A_446 = arith.index_cast %add3A_445 : i32 to index
        %get3A_447 = arith.constant 16 : index
        %get3A_448 = tpu.vector_load %arg8[%get3A_446, %get3A_447] {strides = array<i32>} : memref<80x128xf32, #tpu.memory_space<vmem>>, vector<1x16xf32>,
        %get3A_449 = vector.shape_cast %get3A_448 : vector<1x16xf32> to vector<16xf32>
        %add3A_450 = arith.constant 0 : i32
        %add3A_451 = arith.addi %add3A_423, %add3A_450 : i32
        %get3A_452 = arith.index_cast %add3A_451 : i32 to index
        %get3A_453 = arith.constant 16 : index
        %get3A_454 = tpu.vector_load %arg10[%get3A_452, %get3A_453] {strides = array<i32>} : memref<80x128xf32, #tpu.memory_space<vmem>>, vector<1x16xf32>,
        %get3A_455 = vector.shape_cast %get3A_454 : vector<1x16xf32> to vector<16xf32>
        %add3A_456 = arith.addf %get3A_449, %get3A_455 : vector<16xf32>
        %max3A_457 = arith.constant 0.000000e+00 : f32
        %max3A_458 = vector.broadcast %max3A_457 : f32 to vector<16xf32>
        %max3A_459 = arith.maximumf %add3A_456, %max3A_458 : vector<16xf32>
        %add3A_460 = arith.constant 0 : i32
        %add3A_461 = arith.addi %add3A_423, %add3A_460 : i32
        %swap3A_462 = arith.index_cast %add3A_461 : i32 to index
        %swap3A_463 = arith.constant 16 : index
        %swap3A_464 = tpu.vector_load %arg8[%swap3A_462, %swap3A_463] {strides = array<i32>} : memref<80x128xf32, #tpu.memory_space<vmem>>, vector<1x16xf32>,
        %swap3A_465 = vector.shape_cast %swap3A_464 : vector<1x16xf32> to vector<16xf32>
        %swap3A_466 = vector.shape_cast %max3A_459 : vector<16xf32> to vector<1x16xf32>
        tpu.vector_store %arg8[%swap3A_462, %swap3A_463], %swap3A_466 {strides = array<i32>} : memref<80x128xf32, #tpu.memory_space<vmem>>, vector<1x16xf32>,
        %add3A_467 = arith.constant 0 : i32
        %add3A_468 = arith.addi %add3A_423, %add3A_467 : i32
        %get3A_469 = arith.index_cast %add3A_468 : i32 to index
        %get3A_470 = arith.constant 32 : index
        %get3A_471 = tpu.vector_load %arg8[%get3A_469, %get3A_470] {strides = array<i32>} : memref<80x128xf32, #tpu.memory_space<vmem>>, vector<1x16xf32>,
        %get3A_472 = vector.shape_cast %get3A_471 : vector<1x16xf32> to vector<16xf32>
        %add3A_473 = arith.constant 0 : i32
        %add3A_474 = arith.addi %add3A_423, %add3A_473 : i32
        %get3A_475 = arith.index_cast %add3A_474 : i32 to index
        %get3A_476 = arith.constant 32 : index
        %get3A_477 = tpu.vector_load %arg10[%get3A_475, %get3A_476] {strides = array<i32>} : memref<80x128xf32, #tpu.memory_space<vmem>>, vector<1x16xf32>,
        %get3A_478 = vector.shape_cast %get3A_477 : vector<1x16xf32> to vector<16xf32>
        %add3A_479 = arith.addf %get3A_472, %get3A_478 : vector<16xf32>
        %max3A_480 = arith.constant 0.000000e+00 : f32
        %max3A_481 = vector.broadcast %max3A_480 : f32 to vector<16xf32>
        %max3A_482 = arith.maximumf %add3A_479, %max3A_481 : vector<16xf32>
        %add3A_483 = arith.constant 0 : i32
        %add3A_484 = arith.addi %add3A_423, %add3A_483 : i32
        %swap3A_485 = arith.index_cast %add3A_484 : i32 to index
        %swap3A_486 = arith.constant 32 : index
        %swap3A_487 = tpu.vector_load %arg8[%swap3A_485, %swap3A_486] {strides = array<i32>} : memref<80x128xf32, #tpu.memory_space<vmem>>, vector<1x16xf32>,
        %swap3A_488 = vector.shape_cast %swap3A_487 : vector<1x16xf32> to vector<16xf32>
        %swap3A_489 = vector.shape_cast %max3A_482 : vector<16xf32> to vector<1x16xf32>
        tpu.vector_store %arg8[%swap3A_485, %swap3A_486], %swap3A_489 {strides = array<i32>} : memref<80x128xf32, #tpu.memory_space<vmem>>, vector<1x16xf32>,
        %add3A_490 = arith.constant 0 : i32
        %add3A_491 = arith.addi %add3A_423, %add3A_490 : i32
        %get3A_492 = arith.index_cast %add3A_491 : i32 to index
        %get3A_493 = arith.constant 48 : index
        %get3A_494 = tpu.vector_load %arg8[%get3A_492, %get3A_493] {strides = array<i32>} : memref<80x128xf32, #tpu.memory_space<vmem>>, vector<1x16xf32>,
        %get3A_495 = vector.shape_cast %get3A_494 : vector<1x16xf32> to vector<16xf32>
        %add3A_496 = arith.constant 0 : i32
        %add3A_497 = arith.addi %add3A_423, %add3A_496 : i32
        %get3A_498 = arith.index_cast %add3A_497 : i32 to index
        %get3A_499 = arith.constant 48 : index
        %get3A_500 = tpu.vector_load %arg10[%get3A_498, %get3A_499] {strides = array<i32>} : memref<80x128xf32, #tpu.memory_space<vmem>>, vector<1x16xf32>,
        %get3A_501 = vector.shape_cast %get3A_500 : vector<1x16xf32> to vector<16xf32>
        %add3A_502 = arith.addf %get3A_495, %get3A_501 : vector<16xf32>
        %max3A_503 = arith.constant 0.000000e+00 : f32
        %max3A_504 = vector.broadcast %max3A_503 : f32 to vector<16xf32>
        %max3A_505 = arith.maximumf %add3A_502, %max3A_504 : vector<16xf32>
        %add3A_506 = arith.constant 0 : i32
        %add3A_507 = arith.addi %add3A_423, %add3A_506 : i32
        %swap3A_508 = arith.index_cast %add3A_507 : i32 to index
        %swap3A_509 = arith.constant 48 : index
        %swap3A_510 = tpu.vector_load %arg8[%swap3A_508, %swap3A_509] {strides = array<i32>} : memref<80x128xf32, #tpu.memory_space<vmem>>, vector<1x16xf32>,
        %swap3A_511 = vector.shape_cast %swap3A_510 : vector<1x16xf32> to vector<16xf32>
        %swap3A_512 = vector.shape_cast %max3A_505 : vector<16xf32> to vector<1x16xf32>
        tpu.vector_store %arg8[%swap3A_508, %swap3A_509], %swap3A_512 {strides = array<i32>} : memref<80x128xf32, #tpu.memory_space<vmem>>, vector<1x16xf32>,
        %add3A_513 = arith.constant 0 : i32
        %add3A_514 = arith.addi %add3A_423, %add3A_513 : i32
        %get3A_515 = arith.index_cast %add3A_514 : i32 to index
        %get3A_516 = arith.constant 64 : index
        %get3A_517 = tpu.vector_load %arg8[%get3A_515, %get3A_516] {strides = array<i32>} : memref<80x128xf32, #tpu.memory_space<vmem>>, vector<1x16xf32>,
        %get3A_518 = vector.shape_cast %get3A_517 : vector<1x16xf32> to vector<16xf32>
        %add3A_519 = arith.constant 0 : i32
        %add3A_520 = arith.addi %add3A_423, %add3A_519 : i32
        %get3A_521 = arith.index_cast %add3A_520 : i32 to index
        %get3A_522 = arith.constant 64 : index
        %get3A_523 = tpu.vector_load %arg10[%get3A_521, %get3A_522] {strides = array<i32>} : memref<80x128xf32, #tpu.memory_space<vmem>>, vector<1x16xf32>,
        %get3A_524 = vector.shape_cast %get3A_523 : vector<1x16xf32> to vector<16xf32>
        %add3A_525 = arith.addf %get3A_518, %get3A_524 : vector<16xf32>
        %max3A_526 = arith.constant 0.000000e+00 : f32
        %max3A_527 = vector.broadcast %max3A_526 : f32 to vector<16xf32>
        %max3A_528 = arith.maximumf %add3A_525, %max3A_527 : vector<16xf32>
        %add3A_529 = arith.constant 0 : i32
        %add3A_530 = arith.addi %add3A_423, %add3A_529 : i32
        %swap3A_531 = arith.index_cast %add3A_530 : i32 to index
        %swap3A_532 = arith.constant 64 : index
        %swap3A_533 = tpu.vector_load %arg8[%swap3A_531, %swap3A_532] {strides = array<i32>} : memref<80x128xf32, #tpu.memory_space<vmem>>, vector<1x16xf32>,
        %swap3A_534 = vector.shape_cast %swap3A_533 : vector<1x16xf32> to vector<16xf32>
        %swap3A_535 = vector.shape_cast %max3A_528 : vector<16xf32> to vector<1x16xf32>
        tpu.vector_store %arg8[%swap3A_531, %swap3A_532], %swap3A_535 {strides = array<i32>} : memref<80x128xf32, #tpu.memory_space<vmem>>, vector<1x16xf32>,
        %add3A_536 = arith.constant 0 : i32
        %add3A_537 = arith.addi %add3A_423, %add3A_536 : i32
        %get3A_538 = arith.index_cast %add3A_537 : i32 to index
        %get3A_539 = arith.constant 80 : index
        %get3A_540 = tpu.vector_load %arg8[%get3A_538, %get3A_539] {strides = array<i32>} : memref<80x128xf32, #tpu.memory_space<vmem>>, vector<1x16xf32>,
        %get3A_541 = vector.shape_cast %get3A_540 : vector<1x16xf32> to vector<16xf32>
        %add3A_542 = arith.constant 0 : i32
        %add3A_543 = arith.addi %add3A_423, %add3A_542 : i32
        %get3A_544 = arith.index_cast %add3A_543 : i32 to index
        %get3A_545 = arith.constant 80 : index
        %get3A_546 = tpu.vector_load %arg10[%get3A_544, %get3A_545] {strides = array<i32>} : memref<80x128xf32, #tpu.memory_space<vmem>>, vector<1x16xf32>,
        %get3A_547 = vector.shape_cast %get3A_546 : vector<1x16xf32> to vector<16xf32>
        %add3A_548 = arith.addf %get3A_541, %get3A_547 : vector<16xf32>
        %max3A_549 = arith.constant 0.000000e+00 : f32
        %max3A_550 = vector.broadcast %max3A_549 : f32 to vector<16xf32>
        %max3A_551 = arith.maximumf %add3A_548, %max3A_550 : vector<16xf32>
        %add3A_552 = arith.constant 0 : i32
        %add3A_553 = arith.addi %add3A_423, %add3A_552 : i32
        %swap3A_554 = arith.index_cast %add3A_553 : i32 to index
        %swap3A_555 = arith.constant 80 : index
        %swap3A_556 = tpu.vector_load %arg8[%swap3A_554, %swap3A_555] {strides = array<i32>} : memref<80x128xf32, #tpu.memory_space<vmem>>, vector<1x16xf32>,
        %swap3A_557 = vector.shape_cast %swap3A_556 : vector<1x16xf32> to vector<16xf32>
        %swap3A_558 = vector.shape_cast %max3A_551 : vector<16xf32> to vector<1x16xf32>
        tpu.vector_store %arg8[%swap3A_554, %swap3A_555], %swap3A_558 {strides = array<i32>} : memref<80x128xf32, #tpu.memory_space<vmem>>, vector<1x16xf32>,
        %add3A_559 = arith.constant 0 : i32
        %add3A_560 = arith.addi %add3A_423, %add3A_559 : i32
        %get3A_561 = arith.index_cast %add3A_560 : i32 to index
        %get3A_562 = arith.constant 96 : index
        %get3A_563 = tpu.vector_load %arg8[%get3A_561, %get3A_562] {strides = array<i32>} : memref<80x128xf32, #tpu.memory_space<vmem>>, vector<1x16xf32>,
        %get3A_564 = vector.shape_cast %get3A_563 : vector<1x16xf32> to vector<16xf32>
        %add3A_565 = arith.constant 0 : i32
        %add3A_566 = arith.addi %add3A_423, %add3A_565 : i32
        %get3A_567 = arith.index_cast %add3A_566 : i32 to index
        %get3A_568 = arith.constant 96 : index
        %get3A_569 = tpu.vector_load %arg10[%get3A_567, %get3A_568] {strides = array<i32>} : memref<80x128xf32, #tpu.memory_space<vmem>>, vector<1x16xf32>,
        %get3A_570 = vector.shape_cast %get3A_569 : vector<1x16xf32> to vector<16xf32>
        %add3A_571 = arith.addf %get3A_564, %get3A_570 : vector<16xf32>
        %max3A_572 = arith.constant 0.000000e+00 : f32
        %max3A_573 = vector.broadcast %max3A_572 : f32 to vector<16xf32>
        %max3A_574 = arith.maximumf %add3A_571, %max3A_573 : vector<16xf32>
        %add3A_575 = arith.constant 0 : i32
        %add3A_576 = arith.addi %add3A_423, %add3A_575 : i32
        %swap3A_577 = arith.index_cast %add3A_576 : i32 to index
        %swap3A_578 = arith.constant 96 : index
        %swap3A_579 = tpu.vector_load %arg8[%swap3A_577, %swap3A_578] {strides = array<i32>} : memref<80x128xf32, #tpu.memory_space<vmem>>, vector<1x16xf32>,
        %swap3A_580 = vector.shape_cast %swap3A_579 : vector<1x16xf32> to vector<16xf32>
        %swap3A_581 = vector.shape_cast %max3A_574 : vector<16xf32> to vector<1x16xf32>
        tpu.vector_store %arg8[%swap3A_577, %swap3A_578], %swap3A_581 {strides = array<i32>} : memref<80x128xf32, #tpu.memory_space<vmem>>, vector<1x16xf32>,
        %add3A_582 = arith.constant 0 : i32
        %add3A_583 = arith.addi %add3A_423, %add3A_582 : i32
        %get3A_584 = arith.index_cast %add3A_583 : i32 to index
        %get3A_585 = arith.constant 112 : index
        %get3A_586 = tpu.vector_load %arg8[%get3A_584, %get3A_585] {strides = array<i32>} : memref<80x128xf32, #tpu.memory_space<vmem>>, vector<1x16xf32>,
        %get3A_587 = vector.shape_cast %get3A_586 : vector<1x16xf32> to vector<16xf32>
        %add3A_588 = arith.constant 0 : i32
        %add3A_589 = arith.addi %add3A_423, %add3A_588 : i32
        %get3A_590 = arith.index_cast %add3A_589 : i32 to index
        %get3A_591 = arith.constant 112 : index
        %get3A_592 = tpu.vector_load %arg10[%get3A_590, %get3A_591] {strides = array<i32>} : memref<80x128xf32, #tpu.memory_space<vmem>>, vector<1x16xf32>,
        %get3A_593 = vector.shape_cast %get3A_592 : vector<1x16xf32> to vector<16xf32>
        %add3A_594 = arith.addf %get3A_587, %get3A_593 : vector<16xf32>
        %max3A_595 = arith.constant 0.000000e+00 : f32
        %max3A_596 = vector.broadcast %max3A_595 : f32 to vector<16xf32>
        %max3A_597 = arith.maximumf %add3A_594, %max3A_596 : vector<16xf32>
        %add3A_598 = arith.constant 0 : i32
        %add3A_599 = arith.addi %add3A_423, %add3A_598 : i32
        %swap3A_600 = arith.index_cast %add3A_599 : i32 to index
        %swap3A_601 = arith.constant 112 : index
        %swap3A_602 = tpu.vector_load %arg8[%swap3A_600, %swap3A_601] {strides = array<i32>} : memref<80x128xf32, #tpu.memory_space<vmem>>, vector<1x16xf32>,
        %swap3A_603 = vector.shape_cast %swap3A_602 : vector<1x16xf32> to vector<16xf32>
        %swap3A_604 = vector.shape_cast %max3A_597 : vector<16xf32> to vector<1x16xf32>
        tpu.vector_store %arg8[%swap3A_600, %swap3A_601], %swap3A_604 {strides = array<i32>} : memref<80x128xf32, #tpu.memory_space<vmem>>, vector<1x16xf32>,
        %add3A_605 = arith.constant 1 : i32
        %add3A_606 = arith.addi %add3A_423, %add3A_605 : i32
        %get3A_607 = arith.index_cast %add3A_606 : i32 to index
        %get3A_608 = arith.constant 0 : index
        %get3A_609 = tpu.vector_load %arg8[%get3A_607, %get3A_608] {strides = array<i32>} : memref<80x128xf32, #tpu.memory_space<vmem>>, vector<1x16xf32>,
        %get3A_610 = vector.shape_cast %get3A_609 : vector<1x16xf32> to vector<16xf32>
        %add3A_611 = arith.constant 1 : i32
        %add3A_612 = arith.addi %add3A_423, %add3A_611 : i32
        %get3A_613 = arith.index_cast %add3A_612 : i32 to index
        %get3A_614 = arith.constant 0 : index
        %get3A_615 = tpu.vector_load %arg10[%get3A_613, %get3A_614] {strides = array<i32>} : memref<80x128xf32, #tpu.memory_space<vmem>>, vector<1x16xf32>,
        %get3A_616 = vector.shape_cast %get3A_615 : vector<1x16xf32> to vector<16xf32>
        %add3A_617 = arith.addf %get3A_610, %get3A_616 : vector<16xf32>
        %max3A_618 = arith.constant 0.000000e+00 : f32
        %max3A_619 = vector.broadcast %max3A_618 : f32 to vector<16xf32>
        %max3A_620 = arith.maximumf %add3A_617, %max3A_619 : vector<16xf32>
        %add3A_621 = arith.constant 1 : i32
        %add3A_622 = arith.addi %add3A_423, %add3A_621 : i32
        %swap3A_623 = arith.index_cast %add3A_622 : i32 to index
        %swap3A_624 = arith.constant 0 : index
        %swap3A_625 = tpu.vector_load %arg8[%swap3A_623, %swap3A_624] {strides = array<i32>} : memref<80x128xf32, #tpu.memory_space<vmem>>, vector<1x16xf32>,
        %swap3A_626 = vector.shape_cast %swap3A_625 : vector<1x16xf32> to vector<16xf32>
        %swap3A_627 = vector.shape_cast %max3A_620 : vector<16xf32> to vector<1x16xf32>
        tpu.vector_store %arg8[%swap3A_623, %swap3A_624], %swap3A_627 {strides = array<i32>} : memref<80x128xf32, #tpu.memory_space<vmem>>, vector<1x16xf32>,
        %add3A_628 = arith.constant 1 : i32
        %add3A_629 = arith.addi %add3A_423, %add3A_628 : i32
        %get3A_630 = arith.index_cast %add3A_629 : i32 to index
        %get3A_631 = arith.constant 16 : index
        %get3A_632 = tpu.vector_load %arg8[%get3A_630, %get3A_631] {strides = array<i32>} : memref<80x128xf32, #tpu.memory_space<vmem>>, vector<1x16xf32>,
        %get3A_633 = vector.shape_cast %get3A_632 : vector<1x16xf32> to vector<16xf32>
        %add3A_634 = arith.constant 1 : i32
        %add3A_635 = arith.addi %add3A_423, %add3A_634 : i32
        %get3A_636 = arith.index_cast %add3A_635 : i32 to index
        %get3A_637 = arith.constant 16 : index
        %get3A_638 = tpu.vector_load %arg10[%get3A_636, %get3A_637] {strides = array<i32>} : memref<80x128xf32, #tpu.memory_space<vmem>>, vector<1x16xf32>,
        %get3A_639 = vector.shape_cast %get3A_638 : vector<1x16xf32> to vector<16xf32>
        %add3A_640 = arith.addf %get3A_633, %get3A_639 : vector<16xf32>
        %max3A_641 = arith.constant 0.000000e+00 : f32
        %max3A_642 = vector.broadcast %max3A_641 : f32 to vector<16xf32>
        %max3A_643 = arith.maximumf %add3A_640, %max3A_642 : vector<16xf32>
        %add3A_644 = arith.constant 1 : i32
        %add3A_645 = arith.addi %add3A_423, %add3A_644 : i32
        %swap3A_646 = arith.index_cast %add3A_645 : i32 to index
        %swap3A_647 = arith.constant 16 : index
        %swap3A_648 = tpu.vector_load %arg8[%swap3A_646, %swap3A_647] {strides = array<i32>} : memref<80x128xf32, #tpu.memory_space<vmem>>, vector<1x16xf32>,
        %swap3A_649 = vector.shape_cast %swap3A_648 : vector<1x16xf32> to vector<16xf32>
        %swap3A_650 = vector.shape_cast %max3A_643 : vector<16xf32> to vector<1x16xf32>
        tpu.vector_store %arg8[%swap3A_646, %swap3A_647], %swap3A_650 {strides = array<i32>} : memref<80x128xf32, #tpu.memory_space<vmem>>, vector<1x16xf32>,
        %add3A_651 = arith.constant 1 : i32
        %add3A_652 = arith.addi %add3A_423, %add3A_651 : i32
        %get3A_653 = arith.index_cast %add3A_652 : i32 to index
        %get3A_654 = arith.constant 32 : index
        %get3A_655 = tpu.vector_load %arg8[%get3A_653, %get3A_654] {strides = array<i32>} : memref<80x128xf32, #tpu.memory_space<vmem>>, vector<1x16xf32>,
        %get3A_656 = vector.shape_cast %get3A_655 : vector<1x16xf32> to vector<16xf32>
        %add3A_657 = arith.constant 1 : i32
        %add3A_658 = arith.addi %add3A_423, %add3A_657 : i32
        %get3A_659 = arith.index_cast %add3A_658 : i32 to index
        %get3A_660 = arith.constant 32 : index
        %get3A_661 = tpu.vector_load %arg10[%get3A_659, %get3A_660] {strides = array<i32>} : memref<80x128xf32, #tpu.memory_space<vmem>>, vector<1x16xf32>,
        %get3A_662 = vector.shape_cast %get3A_661 : vector<1x16xf32> to vector<16xf32>
        %add3A_663 = arith.addf %get3A_656, %get3A_662 : vector<16xf32>
        %max3A_664 = arith.constant 0.000000e+00 : f32
        %max3A_665 = vector.broadcast %max3A_664 : f32 to vector<16xf32>
        %max3A_666 = arith.maximumf %add3A_663, %max3A_665 : vector<16xf32>
        %add3A_667 = arith.constant 1 : i32
        %add3A_668 = arith.addi %add3A_423, %add3A_667 : i32
        %swap3A_669 = arith.index_cast %add3A_668 : i32 to index
        %swap3A_670 = arith.constant 32 : index
        %swap3A_671 = tpu.vector_load %arg8[%swap3A_669, %swap3A_670] {strides = array<i32>} : memref<80x128xf32, #tpu.memory_space<vmem>>, vector<1x16xf32>,
        %swap3A_672 = vector.shape_cast %swap3A_671 : vector<1x16xf32> to vector<16xf32>
        %swap3A_673 = vector.shape_cast %max3A_666 : vector<16xf32> to vector<1x16xf32>
        tpu.vector_store %arg8[%swap3A_669, %swap3A_670], %swap3A_673 {strides = array<i32>} : memref<80x128xf32, #tpu.memory_space<vmem>>, vector<1x16xf32>,
        %add3A_674 = arith.constant 1 : i32
        %add3A_675 = arith.addi %add3A_423, %add3A_674 : i32
        %get3A_676 = arith.index_cast %add3A_675 : i32 to index
        %get3A_677 = arith.constant 48 : index
        %get3A_678 = tpu.vector_load %arg8[%get3A_676, %get3A_677] {strides = array<i32>} : memref<80x128xf32, #tpu.memory_space<vmem>>, vector<1x16xf32>,
        %get3A_679 = vector.shape_cast %get3A_678 : vector<1x16xf32> to vector<16xf32>
        %add3A_680 = arith.constant 1 : i32
        %add3A_681 = arith.addi %add3A_423, %add3A_680 : i32
        %get3A_682 = arith.index_cast %add3A_681 : i32 to index
        %get3A_683 = arith.constant 48 : index
        %get3A_684 = tpu.vector_load %arg10[%get3A_682, %get3A_683] {strides = array<i32>} : memref<80x128xf32, #tpu.memory_space<vmem>>, vector<1x16xf32>,
        %get3A_685 = vector.shape_cast %get3A_684 : vector<1x16xf32> to vector<16xf32>
        %add3A_686 = arith.addf %get3A_679, %get3A_685 : vector<16xf32>
        %max3A_687 = arith.constant 0.000000e+00 : f32
        %max3A_688 = vector.broadcast %max3A_687 : f32 to vector<16xf32>
        %max3A_689 = arith.maximumf %add3A_686, %max3A_688 : vector<16xf32>
        %add3A_690 = arith.constant 1 : i32
        %add3A_691 = arith.addi %add3A_423, %add3A_690 : i32
        %swap3A_692 = arith.index_cast %add3A_691 : i32 to index
        %swap3A_693 = arith.constant 48 : index
        %swap3A_694 = tpu.vector_load %arg8[%swap3A_692, %swap3A_693] {strides = array<i32>} : memref<80x128xf32, #tpu.memory_space<vmem>>, vector<1x16xf32>,
        %swap3A_695 = vector.shape_cast %swap3A_694 : vector<1x16xf32> to vector<16xf32>
        %swap3A_696 = vector.shape_cast %max3A_689 : vector<16xf32> to vector<1x16xf32>
        tpu.vector_store %arg8[%swap3A_692, %swap3A_693], %swap3A_696 {strides = array<i32>} : memref<80x128xf32, #tpu.memory_space<vmem>>, vector<1x16xf32>,
        %add3A_697 = arith.constant 1 : i32
        %add3A_698 = arith.addi %add3A_423, %add3A_697 : i32
        %get3A_699 = arith.index_cast %add3A_698 : i32 to index
        %get3A_700 = arith.constant 64 : index
        %get3A_701 = tpu.vector_load %arg8[%get3A_699, %get3A_700] {strides = array<i32>} : memref<80x128xf32, #tpu.memory_space<vmem>>, vector<1x16xf32>,
        %get3A_702 = vector.shape_cast %get3A_701 : vector<1x16xf32> to vector<16xf32>
        %add3A_703 = arith.constant 1 : i32
        %add3A_704 = arith.addi %add3A_423, %add3A_703 : i32
        %get3A_705 = arith.index_cast %add3A_704 : i32 to index
        %get3A_706 = arith.constant 64 : index
        %get3A_707 = tpu.vector_load %arg10[%get3A_705, %get3A_706] {strides = array<i32>} : memref<80x128xf32, #tpu.memory_space<vmem>>, vector<1x16xf32>,
        %get3A_708 = vector.shape_cast %get3A_707 : vector<1x16xf32> to vector<16xf32>
        %add3A_709 = arith.addf %get3A_702, %get3A_708 : vector<16xf32>
        %max3A_710 = arith.constant 0.000000e+00 : f32
        %max3A_711 = vector.broadcast %max3A_710 : f32 to vector<16xf32>
        %max3A_712 = arith.maximumf %add3A_709, %max3A_711 : vector<16xf32>
        %add3A_713 = arith.constant 1 : i32
        %add3A_714 = arith.addi %add3A_423, %add3A_713 : i32
        %swap3A_715 = arith.index_cast %add3A_714 : i32 to index
        %swap3A_716 = arith.constant 64 : index
        %swap3A_717 = tpu.vector_load %arg8[%swap3A_715, %swap3A_716] {strides = array<i32>} : memref<80x128xf32, #tpu.memory_space<vmem>>, vector<1x16xf32>,
        %swap3A_718 = vector.shape_cast %swap3A_717 : vector<1x16xf32> to vector<16xf32>
        %swap3A_719 = vector.shape_cast %max3A_712 : vector<16xf32> to vector<1x16xf32>
        tpu.vector_store %arg8[%swap3A_715, %swap3A_716], %swap3A_719 {strides = array<i32>} : memref<80x128xf32, #tpu.memory_space<vmem>>, vector<1x16xf32>,
        %add3A_720 = arith.constant 1 : i32
        %add3A_721 = arith.addi %add3A_423, %add3A_720 : i32
        %get3A_722 = arith.index_cast %add3A_721 : i32 to index
        %get3A_723 = arith.constant 80 : index
        %get3A_724 = tpu.vector_load %arg8[%get3A_722, %get3A_723] {strides = array<i32>} : memref<80x128xf32, #tpu.memory_space<vmem>>, vector<1x16xf32>,
        %get3A_725 = vector.shape_cast %get3A_724 : vector<1x16xf32> to vector<16xf32>
        %add3A_726 = arith.constant 1 : i32
        %add3A_727 = arith.addi %add3A_423, %add3A_726 : i32
        %get3A_728 = arith.index_cast %add3A_727 : i32 to index
        %get3A_729 = arith.constant 80 : index
        %get3A_730 = tpu.vector_load %arg10[%get3A_728, %get3A_729] {strides = array<i32>} : memref<80x128xf32, #tpu.memory_space<vmem>>, vector<1x16xf32>,
        %get3A_731 = vector.shape_cast %get3A_730 : vector<1x16xf32> to vector<16xf32>
        %add3A_732 = arith.addf %get3A_725, %get3A_731 : vector<16xf32>
        %max3A_733 = arith.constant 0.000000e+00 : f32
        %max3A_734 = vector.broadcast %max3A_733 : f32 to vector<16xf32>
        %max3A_735 = arith.maximumf %add3A_732, %max3A_734 : vector<16xf32>
        %add3A_736 = arith.constant 1 : i32
        %add3A_737 = arith.addi %add3A_423, %add3A_736 : i32
        %swap3A_738 = arith.index_cast %add3A_737 : i32 to index
        %swap3A_739 = arith.constant 80 : index
        %swap3A_740 = tpu.vector_load %arg8[%swap3A_738, %swap3A_739] {strides = array<i32>} : memref<80x128xf32, #tpu.memory_space<vmem>>, vector<1x16xf32>,
        %swap3A_741 = vector.shape_cast %swap3A_740 : vector<1x16xf32> to vector<16xf32>
        %swap3A_742 = vector.shape_cast %max3A_735 : vector<16xf32> to vector<1x16xf32>
        tpu.vector_store %arg8[%swap3A_738, %swap3A_739], %swap3A_742 {strides = array<i32>} : memref<80x128xf32, #tpu.memory_space<vmem>>, vector<1x16xf32>,
        %add3A_743 = arith.constant 1 : i32
        %add3A_744 = arith.addi %add3A_423, %add3A_743 : i32
        %get3A_745 = arith.index_cast %add3A_744 : i32 to index
        %get3A_746 = arith.constant 96 : index
        %get3A_747 = tpu.vector_load %arg8[%get3A_745, %get3A_746] {strides = array<i32>} : memref<80x128xf32, #tpu.memory_space<vmem>>, vector<1x16xf32>,
        %get3A_748 = vector.shape_cast %get3A_747 : vector<1x16xf32> to vector<16xf32>
        %add3A_749 = arith.constant 1 : i32
        %add3A_750 = arith.addi %add3A_423, %add3A_749 : i32
        %get3A_751 = arith.index_cast %add3A_750 : i32 to index
        %get3A_752 = arith.constant 96 : index
        %get3A_753 = tpu.vector_load %arg10[%get3A_751, %get3A_752] {strides = array<i32>} : memref<80x128xf32, #tpu.memory_space<vmem>>, vector<1x16xf32>,
        %get3A_754 = vector.shape_cast %get3A_753 : vector<1x16xf32> to vector<16xf32>
        %add3A_755 = arith.addf %get3A_748, %get3A_754 : vector<16xf32>
        %max3A_756 = arith.constant 0.000000e+00 : f32
        %max3A_757 = vector.broadcast %max3A_756 : f32 to vector<16xf32>
        %max3A_758 = arith.maximumf %add3A_755, %max3A_757 : vector<16xf32>
        %add3A_759 = arith.constant 1 : i32
        %add3A_760 = arith.addi %add3A_423, %add3A_759 : i32
        %swap3A_761 = arith.index_cast %add3A_760 : i32 to index
        %swap3A_762 = arith.constant 96 : index
        %swap3A_763 = tpu.vector_load %arg8[%swap3A_761, %swap3A_762] {strides = array<i32>} : memref<80x128xf32, #tpu.memory_space<vmem>>, vector<1x16xf32>,
        %swap3A_764 = vector.shape_cast %swap3A_763 : vector<1x16xf32> to vector<16xf32>
        %swap3A_765 = vector.shape_cast %max3A_758 : vector<16xf32> to vector<1x16xf32>
        tpu.vector_store %arg8[%swap3A_761, %swap3A_762], %swap3A_765 {strides = array<i32>} : memref<80x128xf32, #tpu.memory_space<vmem>>, vector<1x16xf32>,
        %add3A_766 = arith.constant 1 : i32
        %add3A_767 = arith.addi %add3A_423, %add3A_766 : i32
        %get3A_768 = arith.index_cast %add3A_767 : i32 to index
        %get3A_769 = arith.constant 112 : index
        %get3A_770 = tpu.vector_load %arg8[%get3A_768, %get3A_769] {strides = array<i32>} : memref<80x128xf32, #tpu.memory_space<vmem>>, vector<1x16xf32>,
        %get3A_771 = vector.shape_cast %get3A_770 : vector<1x16xf32> to vector<16xf32>
        %add3A_772 = arith.constant 1 : i32
        %add3A_773 = arith.addi %add3A_423, %add3A_772 : i32
        %get3A_774 = arith.index_cast %add3A_773 : i32 to index
        %get3A_775 = arith.constant 112 : index
        %get3A_776 = tpu.vector_load %arg10[%get3A_774, %get3A_775] {strides = array<i32>} : memref<80x128xf32, #tpu.memory_space<vmem>>, vector<1x16xf32>,
        %get3A_777 = vector.shape_cast %get3A_776 : vector<1x16xf32> to vector<16xf32>
        %add3A_778 = arith.addf %get3A_771, %get3A_777 : vector<16xf32>
        %max3A_779 = arith.constant 0.000000e+00 : f32
        %max3A_780 = vector.broadcast %max3A_779 : f32 to vector<16xf32>
        %max3A_781 = arith.maximumf %add3A_778, %max3A_780 : vector<16xf32>
        %add3A_782 = arith.constant 1 : i32
        %add3A_783 = arith.addi %add3A_423, %add3A_782 : i32
        %swap3A_784 = arith.index_cast %add3A_783 : i32 to index
        %swap3A_785 = arith.constant 112 : index
        %swap3A_786 = tpu.vector_load %arg8[%swap3A_784, %swap3A_785] {strides = array<i32>} : memref<80x128xf32, #tpu.memory_space<vmem>>, vector<1x16xf32>,
        %swap3A_787 = vector.shape_cast %swap3A_786 : vector<1x16xf32> to vector<16xf32>
        %swap3A_788 = vector.shape_cast %max3A_781 : vector<16xf32> to vector<1x16xf32>
        tpu.vector_store %arg8[%swap3A_784, %swap3A_785], %swap3A_788 {strides = array<i32>} : memref<80x128xf32, #tpu.memory_space<vmem>>, vector<1x16xf32>,
      }
      %scan3A_233 = arith.constant 40 : i32
      %jit3A_234 = arith.constant 4 : i32
      %eq3A_235 = arith.constant 0 : i32
      %eq3A_236 = arith.cmpi eq, %jit3A_234, %eq3A_235 : i32
      %jit3A_237 = arith.constant 1 : i32
      %select_n3A_238 = arith.select %eq3A_236, %jit3A_237, %jit3A_234 : i32
      %rem3A_239 = arith.remsi %mul3A_99, %select_n3A_238 : i32
      %ne3A_240 = arith.constant 0 : i32
      %ne3A_241 = arith.cmpi ne, %rem3A_239, %ne3A_240 : i32
      %lt3A_242 = arith.constant 0 : i32
      %lt3A_243 = arith.cmpi slt, %rem3A_239, %lt3A_242 : i32
      %lt3A_244 = arith.constant 0 : i32
      %lt3A_245 = arith.cmpi slt, %select_n3A_238, %lt3A_244 : i32
      %ne3A_246 = arith.xori %lt3A_243, %lt3A_245 : i1
      %and3A_247 = arith.andi %ne3A_246, %ne3A_241 : i1
      %add3A_248 = arith.addi %rem3A_239, %select_n3A_238 : i32
      %select_n3A_249 = arith.select %and3A_247, %add3A_248, %rem3A_239 : i32
      %dma_start3A_250 = arith.constant 0 : i32
      %dma_start3A_251 = tpu.memref_slice %arg13[%select_n3A_249, %dma_start3A_250] : memref<4x80xi32, #tpu.memory_space<vmem>> -> memref<1x80xi32, #tpu.memory_space<vmem>>
      %dma_start3A_252 = tpu.memref_squeeze %dma_start3A_251 : memref<1x80xi32, #tpu.memory_space<vmem>> -> memref<80xi32, #tpu.memory_space<vmem>>
      %dma_start3A_253 = arith.constant 0 : i32
      %dma_start3A_254 = arith.constant 0 : i32
      %dma_start3A_255 = tpu.memref_slice %arg7[%dma_start3A_253, %dma_start3A_254] : memref<10240x128xf32, #tpu.memory_space<vmem_shared>> -> memref<10240x128xf32, #tpu.memory_space<vmem_shared>>
      tpu.enqueue_indirect_dma source(%arg8 : memref<80x128xf32, #tpu.memory_space<vmem>>) target(%dma_start3A_255 : memref<10240x128xf32, #tpu.memory_space<vmem_shared>>) offsets(%dma_start3A_252 : memref<80xi32, #tpu.memory_space<vmem>>) semaphore(%arg18 : memref<!tpu.dma_semaphore, #tpu.memory_space<semaphore_mem>>) {add = true}
      %add3A_256 = arith.constant 1 : i32
      %add3A_257 = arith.addi %mul3A_99, %add3A_256 : i32
      %mul3A_258 = arith.constant 80 : i32
      %mul3A_259 = arith.muli %add3A_257, %mul3A_258 : i32
      %add3A_260 = arith.addi %mul3A_2, %mul3A_259 : i32
      %dma_wait3A_261 = arith.constant 0 : i32
      %dma_wait3A_262 = tpu.memref_slice %arg3[%add3A_260, %dma_wait3A_261] : memref<192000x128xf32, #tpu.memory_space<hbm>> -> memref<80x128xf32, #tpu.memory_space<hbm>>
      %dma_wait3A_263 = arith.constant 0 : i32
      %dma_wait3A_264 = tpu.memref_slice %arg3[%add3A_260, %dma_wait3A_263] : memref<192000x128xf32, #tpu.memory_space<hbm>> -> memref<80x128xf32, #tpu.memory_space<hbm>>
      tpu.wait_dma2 semaphore(%arg15 : memref<!tpu.dma_semaphore, #tpu.memory_space<semaphore_mem>>) src(%dma_wait3A_264 : memref<80x128xf32, #tpu.memory_space<hbm>>) dst(%arg9 : memref<80x128xf32, #tpu.memory_space<vmem>>)
      %jit3A_265 = arith.constant 4 : i32
      %eq3A_266 = arith.constant 0 : i32
      %eq3A_267 = arith.cmpi eq, %jit3A_265, %eq3A_266 : i32
      %jit3A_268 = arith.constant 1 : i32
      %select_n3A_269 = arith.select %eq3A_267, %jit3A_268, %jit3A_265 : i32
      %rem3A_270 = arith.remsi %add3A_257, %select_n3A_269 : i32
      %ne3A_271 = arith.constant 0 : i32
      %ne3A_272 = arith.cmpi ne, %rem3A_270, %ne3A_271 : i32
      %lt3A_273 = arith.constant 0 : i32
      %lt3A_274 = arith.cmpi slt, %rem3A_270, %lt3A_273 : i32
      %lt3A_275 = arith.constant 0 : i32
      %lt3A_276 = arith.cmpi slt, %select_n3A_269, %lt3A_275 : i32
      %ne3A_277 = arith.xori %lt3A_274, %lt3A_276 : i1
      %and3A_278 = arith.andi %ne3A_277, %ne3A_272 : i1
      %add3A_279 = arith.addi %rem3A_270, %select_n3A_269 : i32
      %select_n3A_280 = arith.select %and3A_278, %add3A_279, %rem3A_270 : i32
      %dma_wait3A_281 = arith.constant 0 : i32
      %dma_wait3A_282 = tpu.memref_slice %arg12[%select_n3A_280, %dma_wait3A_281] : memref<4x80xi32, #tpu.memory_space<vmem>> -> memref<1x80xi32, #tpu.memory_space<vmem>>
      %dma_wait3A_283 = tpu.memref_squeeze %dma_wait3A_282 : memref<1x80xi32, #tpu.memory_space<vmem>> -> memref<80xi32, #tpu.memory_space<vmem>>
      %dma_wait3A_284 = arith.constant 0 : i32
      %dma_wait3A_285 = arith.constant 0 : i32
      %dma_wait3A_286 = tpu.memref_slice %arg2[%dma_wait3A_284, %dma_wait3A_285] : memref<10000x128xf32, #tpu.memory_space<hbm>> -> memref<10000x128xf32, #tpu.memory_space<hbm>>
      tpu.wait_indirect_dma semaphore(%arg17 : memref<!tpu.dma_semaphore, #tpu.memory_space<semaphore_mem>>) src(%dma_wait3A_286 : memref<10000x128xf32, #tpu.memory_space<hbm>>) dst(%arg11 : memref<80x128xf32, #tpu.memory_space<vmem>>)
      %jit3A_287 = arith.constant 4 : i32
      %eq3A_288 = arith.constant 0 : i32
      %eq3A_289 = arith.cmpi eq, %jit3A_287, %eq3A_288 : i32
      %jit3A_290 = arith.constant 1 : i32
      %select_n3A_291 = arith.select %eq3A_289, %jit3A_290, %jit3A_287 : i32
      %rem3A_292 = arith.remsi %mul3A_99, %select_n3A_291 : i32
      %ne3A_293 = arith.constant 0 : i32
      %ne3A_294 = arith.cmpi ne, %rem3A_292, %ne3A_293 : i32
      %lt3A_295 = arith.constant 0 : i32
      %lt3A_296 = arith.cmpi slt, %rem3A_292, %lt3A_295 : i32
      %lt3A_297 = arith.constant 0 : i32
      %lt3A_298 = arith.cmpi slt, %select_n3A_291, %lt3A_297 : i32
      %ne3A_299 = arith.xori %lt3A_296, %lt3A_298 : i1
      %and3A_300 = arith.andi %ne3A_299, %ne3A_294 : i1
      %add3A_301 = arith.addi %rem3A_292, %select_n3A_291 : i32
      %select_n3A_302 = arith.select %and3A_300, %add3A_301, %rem3A_292 : i32
      %dma_wait3A_303 = arith.constant 0 : i32
      %dma_wait3A_304 = tpu.memref_slice %arg13[%select_n3A_302, %dma_wait3A_303] : memref<4x80xi32, #tpu.memory_space<vmem>> -> memref<1x80xi32, #tpu.memory_space<vmem>>
      %dma_wait3A_305 = tpu.memref_squeeze %dma_wait3A_304 : memref<1x80xi32, #tpu.memory_space<vmem>> -> memref<80xi32, #tpu.memory_space<vmem>>
      %dma_wait3A_306 = arith.constant 0 : i32
      %dma_wait3A_307 = arith.constant 0 : i32
      %dma_wait3A_308 = tpu.memref_slice %arg7[%dma_wait3A_306, %dma_wait3A_307] : memref<10240x128xf32, #tpu.memory_space<vmem_shared>> -> memref<10240x128xf32, #tpu.memory_space<vmem_shared>>
      tpu.wait_indirect_dma semaphore(%arg18 : memref<!tpu.dma_semaphore, #tpu.memory_space<semaphore_mem>>) src(%arg8 : memref<80x128xf32, #tpu.memory_space<vmem>>) dst(%dma_wait3A_308 : memref<10240x128xf32, #tpu.memory_space<vmem_shared>>)
      %add3A_309 = arith.constant 1 : i32
      %add3A_310 = arith.addi %add3A_97, %add3A_309 : i32
      %jit3A_311 = arith.constant 2 : i32
      %eq3A_312 = arith.constant 0 : i32
      %eq3A_313 = arith.cmpi eq, %jit3A_311, %eq3A_312 : i32
      %jit3A_314 = arith.constant 1 : i32
      %select_n3A_315 = arith.select %eq3A_313, %jit3A_314, %jit3A_311 : i32
      %rem3A_316 = arith.remsi %add3A_310, %select_n3A_315 : i32
      %ne3A_317 = arith.constant 0 : i32
      %ne3A_318 = arith.cmpi ne, %rem3A_316, %ne3A_317 : i32
      %lt3A_319 = arith.constant 0 : i32
      %lt3A_320 = arith.cmpi slt, %rem3A_316, %lt3A_319 : i32
      %lt3A_321 = arith.constant 0 : i32
      %lt3A_322 = arith.cmpi slt, %select_n3A_315, %lt3A_321 : i32
      %ne3A_323 = arith.xori %lt3A_320, %lt3A_322 : i1
      %and3A_324 = arith.andi %ne3A_323, %ne3A_318 : i1
      %add3A_325 = arith.addi %rem3A_316, %select_n3A_315 : i32
      %select_n3A_326 = arith.select %and3A_324, %add3A_325, %rem3A_316 : i32
      %mul3A_327 = arith.constant 2 : i32
      %mul3A_328 = arith.muli %mul3A_327, %select_n3A_326 : i32
      %mul3A_329 = arith.constant 2 : i32
      %mul3A_330 = arith.muli %mul3A_329, %add3A_310 : i32
      %add3A_331 = arith.constant 0 : i32
      %add3A_332 = arith.addi %mul3A_330, %add3A_331 : i32
      %mul3A_333 = arith.constant 80 : i32
      %mul3A_334 = arith.muli %add3A_332, %mul3A_333 : i32
      %add3A_335 = arith.addi %add3A_4, %mul3A_334 : i32
      %add3A_336 = arith.constant 0 : i32
      %add3A_337 = arith.addi %mul3A_328, %add3A_336 : i32
      %dma_wait3A_338 = arith.constant 0 : i32
      %dma_wait3A_339 = tpu.memref_slice %arg12[%add3A_337, %dma_wait3A_338] : memref<4x80xi32, #tpu.memory_space<vmem>> -> memref<1x80xi32, #tpu.memory_space<vmem>>
      %dma_wait3A_340 = tpu.memref_squeeze %dma_wait3A_339 : memref<1x80xi32, #tpu.memory_space<vmem>> -> memref<80xi32, #tpu.memory_space<vmem>>
      %dma_wait3A_341 = tpu.memref_slice %arg4[%add3A_335] : memref<320160xi32, #tpu.memory_space<hbm>> -> memref<80xi32, #tpu.memory_space<hbm>>
      %dma_wait3A_342 = arith.constant 0 : i32
      %dma_wait3A_343 = tpu.memref_slice %arg12[%add3A_337, %dma_wait3A_342] : memref<4x80xi32, #tpu.memory_space<vmem>> -> memref<1x80xi32, #tpu.memory_space<vmem>>
      %dma_wait3A_344 = tpu.memref_squeeze %dma_wait3A_343 : memref<1x80xi32, #tpu.memory_space<vmem>> -> memref<80xi32, #tpu.memory_space<vmem>>
      %dma_wait3A_345 = tpu.memref_slice %arg4[%add3A_335] : memref<320160xi32, #tpu.memory_space<hbm>> -> memref<80xi32, #tpu.memory_space<hbm>>
      tpu.wait_dma2 semaphore(%arg20 : memref<!tpu.dma_semaphore, #tpu.memory_space<semaphore_mem>>) src(%dma_wait3A_345 : memref<80xi32, #tpu.memory_space<hbm>>) dst(%dma_wait3A_344 : memref<80xi32, #tpu.memory_space<vmem>>)
      %add3A_346 = arith.constant 0 : i32
      %add3A_347 = arith.addi %mul3A_328, %add3A_346 : i32
      %dma_wait3A_348 = arith.constant 0 : i32
      %dma_wait3A_349 = tpu.memref_slice %arg13[%add3A_347, %dma_wait3A_348] : memref<4x80xi32, #tpu.memory_space<vmem>> -> memref<1x80xi32, #tpu.memory_space<vmem>>
      %dma_wait3A_350 = tpu.memref_squeeze %dma_wait3A_349 : memref<1x80xi32, #tpu.memory_space<vmem>> -> memref<80xi32, #tpu.memory_space<vmem>>
      %dma_wait3A_351 = tpu.memref_slice %arg5[%add3A_335] : memref<320160xi32, #tpu.memory_space<hbm>> -> memref<80xi32, #tpu.memory_space<hbm>>
      %dma_wait3A_352 = arith.constant 0 : i32
      %dma_wait3A_353 = tpu.memref_slice %arg13[%add3A_347, %dma_wait3A_352] : memref<4x80xi32, #tpu.memory_space<vmem>> -> memref<1x80xi32, #tpu.memory_space<vmem>>
      %dma_wait3A_354 = tpu.memref_squeeze %dma_wait3A_353 : memref<1x80xi32, #tpu.memory_space<vmem>> -> memref<80xi32, #tpu.memory_space<vmem>>
      %dma_wait3A_355 = tpu.memref_slice %arg5[%add3A_335] : memref<320160xi32, #tpu.memory_space<hbm>> -> memref<80xi32, #tpu.memory_space<hbm>>
      tpu.wait_dma2 semaphore(%arg20 : memref<!tpu.dma_semaphore, #tpu.memory_space<semaphore_mem>>) src(%dma_wait3A_355 : memref<80xi32, #tpu.memory_space<hbm>>) dst(%dma_wait3A_354 : memref<80xi32, #tpu.memory_space<vmem>>)
      %mul3A_356 = arith.constant 2 : i32
      %mul3A_357 = arith.muli %mul3A_356, %add3A_310 : i32
      %add3A_358 = arith.constant 1 : i32
      %add3A_359 = arith.addi %mul3A_357, %add3A_358 : i32
      %mul3A_360 = arith.constant 80 : i32
      %mul3A_361 = arith.muli %add3A_359, %mul3A_360 : i32
      %add3A_362 = arith.addi %add3A_4, %mul3A_361 : i32
      %add3A_363 = arith.constant 1 : i32
      %add3A_364 = arith.addi %mul3A_328, %add3A_363 : i32
      %dma_wait3A_365 = arith.constant 0 : i32
      %dma_wait3A_366 = tpu.memref_slice %arg12[%add3A_364, %dma_wait3A_365] : memref<4x80xi32, #tpu.memory_space<vmem>> -> memref<1x80xi32, #tpu.memory_space<vmem>>
      %dma_wait3A_367 = tpu.memref_squeeze %dma_wait3A_366 : memref<1x80xi32, #tpu.memory_space<vmem>> -> memref<80xi32, #tpu.memory_space<vmem>>
      %dma_wait3A_368 = tpu.memref_slice %arg4[%add3A_362] : memref<320160xi32, #tpu.memory_space<hbm>> -> memref<80xi32, #tpu.memory_space<hbm>>
      %dma_wait3A_369 = arith.constant 0 : i32
      %dma_wait3A_370 = tpu.memref_slice %arg12[%add3A_364, %dma_wait3A_369] : memref<4x80xi32, #tpu.memory_space<vmem>> -> memref<1x80xi32, #tpu.memory_space<vmem>>
      %dma_wait3A_371 = tpu.memref_squeeze %dma_wait3A_370 : memref<1x80xi32, #tpu.memory_space<vmem>> -> memref<80xi32, #tpu.memory_space<vmem>>
      %dma_wait3A_372 = tpu.memref_slice %arg4[%add3A_362] : memref<320160xi32, #tpu.memory_space<hbm>> -> memref<80xi32, #tpu.memory_space<hbm>>
      tpu.wait_dma2 semaphore(%arg20 : memref<!tpu.dma_semaphore, #tpu.memory_space<semaphore_mem>>) src(%dma_wait3A_372 : memref<80xi32, #tpu.memory_space<hbm>>) dst(%dma_wait3A_371 : memref<80xi32, #tpu.memory_space<vmem>>)
      %add3A_373 = arith.constant 1 : i32
      %add3A_374 = arith.addi %mul3A_328, %add3A_373 : i32
      %dma_wait3A_375 = arith.constant 0 : i32
      %dma_wait3A_376 = tpu.memref_slice %arg13[%add3A_374, %dma_wait3A_375] : memref<4x80xi32, #tpu.memory_space<vmem>> -> memref<1x80xi32, #tpu.memory_space<vmem>>
      %dma_wait3A_377 = tpu.memref_squeeze %dma_wait3A_376 : memref<1x80xi32, #tpu.memory_space<vmem>> -> memref<80xi32, #tpu.memory_space<vmem>>
      %dma_wait3A_378 = tpu.memref_slice %arg5[%add3A_362] : memref<320160xi32, #tpu.memory_space<hbm>> -> memref<80xi32, #tpu.memory_space<hbm>>
      %dma_wait3A_379 = arith.constant 0 : i32
      %dma_wait3A_380 = tpu.memref_slice %arg13[%add3A_374, %dma_wait3A_379] : memref<4x80xi32, #tpu.memory_space<vmem>> -> memref<1x80xi32, #tpu.memory_space<vmem>>
      %dma_wait3A_381 = tpu.memref_squeeze %dma_wait3A_380 : memref<1x80xi32, #tpu.memory_space<vmem>> -> memref<80xi32, #tpu.memory_space<vmem>>
      %dma_wait3A_382 = tpu.memref_slice %arg5[%add3A_362] : memref<320160xi32, #tpu.memory_space<hbm>> -> memref<80xi32, #tpu.memory_space<hbm>>
      tpu.wait_dma2 semaphore(%arg20 : memref<!tpu.dma_semaphore, #tpu.memory_space<semaphore_mem>>) src(%dma_wait3A_382 : memref<80xi32, #tpu.memory_space<hbm>>) dst(%dma_wait3A_381 : memref<80xi32, #tpu.memory_space<vmem>>)
      %add3A_383 = arith.constant 2 : i32
      %add3A_384 = arith.addi %mul3A_99, %add3A_383 : i32
      %lt3A_385 = arith.constant 75 : i32
      %lt3A_386 = arith.cmpi slt, %add3A_384, %lt3A_385 : i32
      %convert_element_type3A_387 = arith.extui %lt3A_386 : i1 to i32
      %cond3A_388 = arith.constant 0 : i32
      %cond3A_389 = arith.cmpi ne, %convert_element_type3A_387, %cond3A_388 : i32
      scf.if %cond3A_389 {
        %add3A_419 = arith.constant 2 : i32
        %add3A_420 = arith.addi %mul3A_99, %add3A_419 : i32
        %mul3A_421 = arith.constant 80 : i32
        %mul3A_422 = arith.muli %add3A_420, %mul3A_421 : i32
        %add3A_423 = arith.addi %mul3A_2, %mul3A_422 : i32
        %dma_start3A_424 = arith.constant 0 : i32
        %dma_start3A_425 = tpu.memref_slice %arg3[%add3A_423, %dma_start3A_424] : memref<192000x128xf32, #tpu.memory_space<hbm>> -> memref<80x128xf32, #tpu.memory_space<hbm>>
        %dma_start3A_426 = arith.constant 0 : i32
        %dma_start3A_427 = tpu.memref_slice %arg3[%add3A_423, %dma_start3A_426] : memref<192000x128xf32, #tpu.memory_space<hbm>> -> memref<80x128xf32, #tpu.memory_space<hbm>>
        tpu.enqueue_dma source(%dma_start3A_427 : memref<80x128xf32, #tpu.memory_space<hbm>>) target(%arg8 : memref<80x128xf32, #tpu.memory_space<vmem>>) target_semaphore(%arg14 : memref<!tpu.dma_semaphore, #tpu.memory_space<semaphore_mem>>)
        %jit3A_428 = arith.constant 4 : i32
        %eq3A_429 = arith.constant 0 : i32
        %eq3A_430 = arith.cmpi eq, %jit3A_428, %eq3A_429 : i32
        %jit3A_431 = arith.constant 1 : i32
        %select_n3A_432 = arith.select %eq3A_430, %jit3A_431, %jit3A_428 : i32
        %rem3A_433 = arith.remsi %add3A_420, %select_n3A_432 : i32
        %ne3A_434 = arith.constant 0 : i32
        %ne3A_435 = arith.cmpi ne, %rem3A_433, %ne3A_434 : i32
        %lt3A_436 = arith.constant 0 : i32
        %lt3A_437 = arith.cmpi slt, %rem3A_433, %lt3A_436 : i32
        %lt3A_438 = arith.constant 0 : i32
        %lt3A_439 = arith.cmpi slt, %select_n3A_432, %lt3A_438 : i32
        %ne3A_440 = arith.xori %lt3A_437, %lt3A_439 : i1
        %and3A_441 = arith.andi %ne3A_440, %ne3A_435 : i1
        %add3A_442 = arith.addi %rem3A_433, %select_n3A_432 : i32
        %select_n3A_443 = arith.select %and3A_441, %add3A_442, %rem3A_433 : i32
        %dma_start3A_444 = arith.constant 0 : i32
        %dma_start3A_445 = tpu.memref_slice %arg12[%select_n3A_443, %dma_start3A_444] : memref<4x80xi32, #tpu.memory_space<vmem>> -> memref<1x80xi32, #tpu.memory_space<vmem>>
        %dma_start3A_446 = tpu.memref_squeeze %dma_start3A_445 : memref<1x80xi32, #tpu.memory_space<vmem>> -> memref<80xi32, #tpu.memory_space<vmem>>
        %dma_start3A_447 = arith.constant 0 : i32
        %dma_start3A_448 = arith.constant 0 : i32
        %dma_start3A_449 = tpu.memref_slice %arg2[%dma_start3A_447, %dma_start3A_448] : memref<10000x128xf32, #tpu.memory_space<hbm>> -> memref<10000x128xf32, #tpu.memory_space<hbm>>
        tpu.enqueue_indirect_dma source(%dma_start3A_449 : memref<10000x128xf32, #tpu.memory_space<hbm>>) target(%arg10 : memref<80x128xf32, #tpu.memory_space<vmem>>) offsets(%dma_start3A_446 : memref<80xi32, #tpu.memory_space<vmem>>) semaphore(%arg16 : memref<!tpu.dma_semaphore, #tpu.memory_space<semaphore_mem>>)
      } else {
      }
      %scan3A_390 = arith.constant 0 : i32
      %scan3A_391 = arith.constant 40 : i32
      %scan3A_392 = arith.addi %scan3A_390, %scan3A_391 : i32
      %scan3A_393 = arith.constant 1 : i32
      scf.for %scan3A_419 = %scan3A_390 to %scan3A_392 step %scan3A_393  : i32 {
        %mul3A_420 = arith.constant 2 : i32
        %mul3A_421 = arith.muli %scan3A_419, %mul3A_420 : i32
        %add3A_422 = arith.constant 0 : i32
        %add3A_423 = arith.addi %add3A_422, %mul3A_421 : i32
        %add3A_424 = arith.constant 0 : i32
        %add3A_425 = arith.addi %add3A_423, %add3A_424 : i32
        %get3A = arith.index_cast %add3A_425 : i32 to index
        %get3A_426 = arith.constant 0 : index
        %get3A_427 = tpu.vector_load %arg9[%get3A, %get3A_426] {strides = array<i32>} : memref<80x128xf32, #tpu.memory_space<vmem>>, vector<1x16xf32>,
        %get3A_428 = vector.shape_cast %get3A_427 : vector<1x16xf32> to vector<16xf32>
        %add3A_429 = arith.constant 0 : i32
        %add3A_430 = arith.addi %add3A_423, %add3A_429 : i32
        %get3A_431 = arith.index_cast %add3A_430 : i32 to index
        %get3A_432 = arith.constant 0 : index
        %get3A_433 = tpu.vector_load %arg11[%get3A_431, %get3A_432] {strides = array<i32>} : memref<80x128xf32, #tpu.memory_space<vmem>>, vector<1x16xf32>,
        %get3A_434 = vector.shape_cast %get3A_433 : vector<1x16xf32> to vector<16xf32>
        %add3A_435 = arith.addf %get3A_428, %get3A_434 : vector<16xf32>
        %max3A = arith.constant 0.000000e+00 : f32
        %max3A_436 = vector.broadcast %max3A : f32 to vector<16xf32>
        %max3A_437 = arith.maximumf %add3A_435, %max3A_436 : vector<16xf32>
        %add3A_438 = arith.constant 0 : i32
        %add3A_439 = arith.addi %add3A_423, %add3A_438 : i32
        %swap3A = arith.index_cast %add3A_439 : i32 to index
        %swap3A_440 = arith.constant 0 : index
        %swap3A_441 = tpu.vector_load %arg9[%swap3A, %swap3A_440] {strides = array<i32>} : memref<80x128xf32, #tpu.memory_space<vmem>>, vector<1x16xf32>,
        %swap3A_442 = vector.shape_cast %swap3A_441 : vector<1x16xf32> to vector<16xf32>
        %swap3A_443 = vector.shape_cast %max3A_437 : vector<16xf32> to vector<1x16xf32>
        tpu.vector_store %arg9[%swap3A, %swap3A_440], %swap3A_443 {strides = array<i32>} : memref<80x128xf32, #tpu.memory_space<vmem>>, vector<1x16xf32>,
        %add3A_444 = arith.constant 0 : i32
        %add3A_445 = arith.addi %add3A_423, %add3A_444 : i32
        %get3A_446 = arith.index_cast %add3A_445 : i32 to index
        %get3A_447 = arith.constant 16 : index
        %get3A_448 = tpu.vector_load %arg9[%get3A_446, %get3A_447] {strides = array<i32>} : memref<80x128xf32, #tpu.memory_space<vmem>>, vector<1x16xf32>,
        %get3A_449 = vector.shape_cast %get3A_448 : vector<1x16xf32> to vector<16xf32>
        %add3A_450 = arith.constant 0 : i32
        %add3A_451 = arith.addi %add3A_423, %add3A_450 : i32
        %get3A_452 = arith.index_cast %add3A_451 : i32 to index
        %get3A_453 = arith.constant 16 : index
        %get3A_454 = tpu.vector_load %arg11[%get3A_452, %get3A_453] {strides = array<i32>} : memref<80x128xf32, #tpu.memory_space<vmem>>, vector<1x16xf32>,
        %get3A_455 = vector.shape_cast %get3A_454 : vector<1x16xf32> to vector<16xf32>
        %add3A_456 = arith.addf %get3A_449, %get3A_455 : vector<16xf32>
        %max3A_457 = arith.constant 0.000000e+00 : f32
        %max3A_458 = vector.broadcast %max3A_457 : f32 to vector<16xf32>
        %max3A_459 = arith.maximumf %add3A_456, %max3A_458 : vector<16xf32>
        %add3A_460 = arith.constant 0 : i32
        %add3A_461 = arith.addi %add3A_423, %add3A_460 : i32
        %swap3A_462 = arith.index_cast %add3A_461 : i32 to index
        %swap3A_463 = arith.constant 16 : index
        %swap3A_464 = tpu.vector_load %arg9[%swap3A_462, %swap3A_463] {strides = array<i32>} : memref<80x128xf32, #tpu.memory_space<vmem>>, vector<1x16xf32>,
        %swap3A_465 = vector.shape_cast %swap3A_464 : vector<1x16xf32> to vector<16xf32>
        %swap3A_466 = vector.shape_cast %max3A_459 : vector<16xf32> to vector<1x16xf32>
        tpu.vector_store %arg9[%swap3A_462, %swap3A_463], %swap3A_466 {strides = array<i32>} : memref<80x128xf32, #tpu.memory_space<vmem>>, vector<1x16xf32>,
        %add3A_467 = arith.constant 0 : i32
        %add3A_468 = arith.addi %add3A_423, %add3A_467 : i32
        %get3A_469 = arith.index_cast %add3A_468 : i32 to index
        %get3A_470 = arith.constant 32 : index
        %get3A_471 = tpu.vector_load %arg9[%get3A_469, %get3A_470] {strides = array<i32>} : memref<80x128xf32, #tpu.memory_space<vmem>>, vector<1x16xf32>,
        %get3A_472 = vector.shape_cast %get3A_471 : vector<1x16xf32> to vector<16xf32>
        %add3A_473 = arith.constant 0 : i32
        %add3A_474 = arith.addi %add3A_423, %add3A_473 : i32
        %get3A_475 = arith.index_cast %add3A_474 : i32 to index
        %get3A_476 = arith.constant 32 : index
        %get3A_477 = tpu.vector_load %arg11[%get3A_475, %get3A_476] {strides = array<i32>} : memref<80x128xf32, #tpu.memory_space<vmem>>, vector<1x16xf32>,
        %get3A_478 = vector.shape_cast %get3A_477 : vector<1x16xf32> to vector<16xf32>
        %add3A_479 = arith.addf %get3A_472, %get3A_478 : vector<16xf32>
        %max3A_480 = arith.constant 0.000000e+00 : f32
        %max3A_481 = vector.broadcast %max3A_480 : f32 to vector<16xf32>
        %max3A_482 = arith.maximumf %add3A_479, %max3A_481 : vector<16xf32>
        %add3A_483 = arith.constant 0 : i32
        %add3A_484 = arith.addi %add3A_423, %add3A_483 : i32
        %swap3A_485 = arith.index_cast %add3A_484 : i32 to index
        %swap3A_486 = arith.constant 32 : index
        %swap3A_487 = tpu.vector_load %arg9[%swap3A_485, %swap3A_486] {strides = array<i32>} : memref<80x128xf32, #tpu.memory_space<vmem>>, vector<1x16xf32>,
        %swap3A_488 = vector.shape_cast %swap3A_487 : vector<1x16xf32> to vector<16xf32>
        %swap3A_489 = vector.shape_cast %max3A_482 : vector<16xf32> to vector<1x16xf32>
        tpu.vector_store %arg9[%swap3A_485, %swap3A_486], %swap3A_489 {strides = array<i32>} : memref<80x128xf32, #tpu.memory_space<vmem>>, vector<1x16xf32>,
        %add3A_490 = arith.constant 0 : i32
        %add3A_491 = arith.addi %add3A_423, %add3A_490 : i32
        %get3A_492 = arith.index_cast %add3A_491 : i32 to index
        %get3A_493 = arith.constant 48 : index
        %get3A_494 = tpu.vector_load %arg9[%get3A_492, %get3A_493] {strides = array<i32>} : memref<80x128xf32, #tpu.memory_space<vmem>>, vector<1x16xf32>,
        %get3A_495 = vector.shape_cast %get3A_494 : vector<1x16xf32> to vector<16xf32>
        %add3A_496 = arith.constant 0 : i32
        %add3A_497 = arith.addi %add3A_423, %add3A_496 : i32
        %get3A_498 = arith.index_cast %add3A_497 : i32 to index
        %get3A_499 = arith.constant 48 : index
        %get3A_500 = tpu.vector_load %arg11[%get3A_498, %get3A_499] {strides = array<i32>} : memref<80x128xf32, #tpu.memory_space<vmem>>, vector<1x16xf32>,
        %get3A_501 = vector.shape_cast %get3A_500 : vector<1x16xf32> to vector<16xf32>
        %add3A_502 = arith.addf %get3A_495, %get3A_501 : vector<16xf32>
        %max3A_503 = arith.constant 0.000000e+00 : f32
        %max3A_504 = vector.broadcast %max3A_503 : f32 to vector<16xf32>
        %max3A_505 = arith.maximumf %add3A_502, %max3A_504 : vector<16xf32>
        %add3A_506 = arith.constant 0 : i32
        %add3A_507 = arith.addi %add3A_423, %add3A_506 : i32
        %swap3A_508 = arith.index_cast %add3A_507 : i32 to index
        %swap3A_509 = arith.constant 48 : index
        %swap3A_510 = tpu.vector_load %arg9[%swap3A_508, %swap3A_509] {strides = array<i32>} : memref<80x128xf32, #tpu.memory_space<vmem>>, vector<1x16xf32>,
        %swap3A_511 = vector.shape_cast %swap3A_510 : vector<1x16xf32> to vector<16xf32>
        %swap3A_512 = vector.shape_cast %max3A_505 : vector<16xf32> to vector<1x16xf32>
        tpu.vector_store %arg9[%swap3A_508, %swap3A_509], %swap3A_512 {strides = array<i32>} : memref<80x128xf32, #tpu.memory_space<vmem>>, vector<1x16xf32>,
        %add3A_513 = arith.constant 0 : i32
        %add3A_514 = arith.addi %add3A_423, %add3A_513 : i32
        %get3A_515 = arith.index_cast %add3A_514 : i32 to index
        %get3A_516 = arith.constant 64 : index
        %get3A_517 = tpu.vector_load %arg9[%get3A_515, %get3A_516] {strides = array<i32>} : memref<80x128xf32, #tpu.memory_space<vmem>>, vector<1x16xf32>,
        %get3A_518 = vector.shape_cast %get3A_517 : vector<1x16xf32> to vector<16xf32>
        %add3A_519 = arith.constant 0 : i32
        %add3A_520 = arith.addi %add3A_423, %add3A_519 : i32
        %get3A_521 = arith.index_cast %add3A_520 : i32 to index
        %get3A_522 = arith.constant 64 : index
        %get3A_523 = tpu.vector_load %arg11[%get3A_521, %get3A_522] {strides = array<i32>} : memref<80x128xf32, #tpu.memory_space<vmem>>, vector<1x16xf32>,
        %get3A_524 = vector.shape_cast %get3A_523 : vector<1x16xf32> to vector<16xf32>
        %add3A_525 = arith.addf %get3A_518, %get3A_524 : vector<16xf32>
        %max3A_526 = arith.constant 0.000000e+00 : f32
        %max3A_527 = vector.broadcast %max3A_526 : f32 to vector<16xf32>
        %max3A_528 = arith.maximumf %add3A_525, %max3A_527 : vector<16xf32>
        %add3A_529 = arith.constant 0 : i32
        %add3A_530 = arith.addi %add3A_423, %add3A_529 : i32
        %swap3A_531 = arith.index_cast %add3A_530 : i32 to index
        %swap3A_532 = arith.constant 64 : index
        %swap3A_533 = tpu.vector_load %arg9[%swap3A_531, %swap3A_532] {strides = array<i32>} : memref<80x128xf32, #tpu.memory_space<vmem>>, vector<1x16xf32>,
        %swap3A_534 = vector.shape_cast %swap3A_533 : vector<1x16xf32> to vector<16xf32>
        %swap3A_535 = vector.shape_cast %max3A_528 : vector<16xf32> to vector<1x16xf32>
        tpu.vector_store %arg9[%swap3A_531, %swap3A_532], %swap3A_535 {strides = array<i32>} : memref<80x128xf32, #tpu.memory_space<vmem>>, vector<1x16xf32>,
        %add3A_536 = arith.constant 0 : i32
        %add3A_537 = arith.addi %add3A_423, %add3A_536 : i32
        %get3A_538 = arith.index_cast %add3A_537 : i32 to index
        %get3A_539 = arith.constant 80 : index
        %get3A_540 = tpu.vector_load %arg9[%get3A_538, %get3A_539] {strides = array<i32>} : memref<80x128xf32, #tpu.memory_space<vmem>>, vector<1x16xf32>,
        %get3A_541 = vector.shape_cast %get3A_540 : vector<1x16xf32> to vector<16xf32>
        %add3A_542 = arith.constant 0 : i32
        %add3A_543 = arith.addi %add3A_423, %add3A_542 : i32
        %get3A_544 = arith.index_cast %add3A_543 : i32 to index
        %get3A_545 = arith.constant 80 : index
        %get3A_546 = tpu.vector_load %arg11[%get3A_544, %get3A_545] {strides = array<i32>} : memref<80x128xf32, #tpu.memory_space<vmem>>, vector<1x16xf32>,
        %get3A_547 = vector.shape_cast %get3A_546 : vector<1x16xf32> to vector<16xf32>
        %add3A_548 = arith.addf %get3A_541, %get3A_547 : vector<16xf32>
        %max3A_549 = arith.constant 0.000000e+00 : f32
        %max3A_550 = vector.broadcast %max3A_549 : f32 to vector<16xf32>
        %max3A_551 = arith.maximumf %add3A_548, %max3A_550 : vector<16xf32>
        %add3A_552 = arith.constant 0 : i32
        %add3A_553 = arith.addi %add3A_423, %add3A_552 : i32
        %swap3A_554 = arith.index_cast %add3A_553 : i32 to index
        %swap3A_555 = arith.constant 80 : index
        %swap3A_556 = tpu.vector_load %arg9[%swap3A_554, %swap3A_555] {strides = array<i32>} : memref<80x128xf32, #tpu.memory_space<vmem>>, vector<1x16xf32>,
        %swap3A_557 = vector.shape_cast %swap3A_556 : vector<1x16xf32> to vector<16xf32>
        %swap3A_558 = vector.shape_cast %max3A_551 : vector<16xf32> to vector<1x16xf32>
        tpu.vector_store %arg9[%swap3A_554, %swap3A_555], %swap3A_558 {strides = array<i32>} : memref<80x128xf32, #tpu.memory_space<vmem>>, vector<1x16xf32>,
        %add3A_559 = arith.constant 0 : i32
        %add3A_560 = arith.addi %add3A_423, %add3A_559 : i32
        %get3A_561 = arith.index_cast %add3A_560 : i32 to index
        %get3A_562 = arith.constant 96 : index
        %get3A_563 = tpu.vector_load %arg9[%get3A_561, %get3A_562] {strides = array<i32>} : memref<80x128xf32, #tpu.memory_space<vmem>>, vector<1x16xf32>,
        %get3A_564 = vector.shape_cast %get3A_563 : vector<1x16xf32> to vector<16xf32>
        %add3A_565 = arith.constant 0 : i32
        %add3A_566 = arith.addi %add3A_423, %add3A_565 : i32
        %get3A_567 = arith.index_cast %add3A_566 : i32 to index
        %get3A_568 = arith.constant 96 : index
        %get3A_569 = tpu.vector_load %arg11[%get3A_567, %get3A_568] {strides = array<i32>} : memref<80x128xf32, #tpu.memory_space<vmem>>, vector<1x16xf32>,
        %get3A_570 = vector.shape_cast %get3A_569 : vector<1x16xf32> to vector<16xf32>
        %add3A_571 = arith.addf %get3A_564, %get3A_570 : vector<16xf32>
        %max3A_572 = arith.constant 0.000000e+00 : f32
        %max3A_573 = vector.broadcast %max3A_572 : f32 to vector<16xf32>
        %max3A_574 = arith.maximumf %add3A_571, %max3A_573 : vector<16xf32>
        %add3A_575 = arith.constant 0 : i32
        %add3A_576 = arith.addi %add3A_423, %add3A_575 : i32
        %swap3A_577 = arith.index_cast %add3A_576 : i32 to index
        %swap3A_578 = arith.constant 96 : index
        %swap3A_579 = tpu.vector_load %arg9[%swap3A_577, %swap3A_578] {strides = array<i32>} : memref<80x128xf32, #tpu.memory_space<vmem>>, vector<1x16xf32>,
        %swap3A_580 = vector.shape_cast %swap3A_579 : vector<1x16xf32> to vector<16xf32>
        %swap3A_581 = vector.shape_cast %max3A_574 : vector<16xf32> to vector<1x16xf32>
        tpu.vector_store %arg9[%swap3A_577, %swap3A_578], %swap3A_581 {strides = array<i32>} : memref<80x128xf32, #tpu.memory_space<vmem>>, vector<1x16xf32>,
        %add3A_582 = arith.constant 0 : i32
        %add3A_583 = arith.addi %add3A_423, %add3A_582 : i32
        %get3A_584 = arith.index_cast %add3A_583 : i32 to index
        %get3A_585 = arith.constant 112 : index
        %get3A_586 = tpu.vector_load %arg9[%get3A_584, %get3A_585] {strides = array<i32>} : memref<80x128xf32, #tpu.memory_space<vmem>>, vector<1x16xf32>,
        %get3A_587 = vector.shape_cast %get3A_586 : vector<1x16xf32> to vector<16xf32>
        %add3A_588 = arith.constant 0 : i32
        %add3A_589 = arith.addi %add3A_423, %add3A_588 : i32
        %get3A_590 = arith.index_cast %add3A_589 : i32 to index
        %get3A_591 = arith.constant 112 : index
        %get3A_592 = tpu.vector_load %arg11[%get3A_590, %get3A_591] {strides = array<i32>} : memref<80x128xf32, #tpu.memory_space<vmem>>, vector<1x16xf32>,
        %get3A_593 = vector.shape_cast %get3A_592 : vector<1x16xf32> to vector<16xf32>
        %add3A_594 = arith.addf %get3A_587, %get3A_593 : vector<16xf32>
        %max3A_595 = arith.constant 0.000000e+00 : f32
        %max3A_596 = vector.broadcast %max3A_595 : f32 to vector<16xf32>
        %max3A_597 = arith.maximumf %add3A_594, %max3A_596 : vector<16xf32>
        %add3A_598 = arith.constant 0 : i32
        %add3A_599 = arith.addi %add3A_423, %add3A_598 : i32
        %swap3A_600 = arith.index_cast %add3A_599 : i32 to index
        %swap3A_601 = arith.constant 112 : index
        %swap3A_602 = tpu.vector_load %arg9[%swap3A_600, %swap3A_601] {strides = array<i32>} : memref<80x128xf32, #tpu.memory_space<vmem>>, vector<1x16xf32>,
        %swap3A_603 = vector.shape_cast %swap3A_602 : vector<1x16xf32> to vector<16xf32>
        %swap3A_604 = vector.shape_cast %max3A_597 : vector<16xf32> to vector<1x16xf32>
        tpu.vector_store %arg9[%swap3A_600, %swap3A_601], %swap3A_604 {strides = array<i32>} : memref<80x128xf32, #tpu.memory_space<vmem>>, vector<1x16xf32>,
        %add3A_605 = arith.constant 1 : i32
        %add3A_606 = arith.addi %add3A_423, %add3A_605 : i32
        %get3A_607 = arith.index_cast %add3A_606 : i32 to index
        %get3A_608 = arith.constant 0 : index
        %get3A_609 = tpu.vector_load %arg9[%get3A_607, %get3A_608] {strides = array<i32>} : memref<80x128xf32, #tpu.memory_space<vmem>>, vector<1x16xf32>,
        %get3A_610 = vector.shape_cast %get3A_609 : vector<1x16xf32> to vector<16xf32>
        %add3A_611 = arith.constant 1 : i32
        %add3A_612 = arith.addi %add3A_423, %add3A_611 : i32
        %get3A_613 = arith.index_cast %add3A_612 : i32 to index
        %get3A_614 = arith.constant 0 : index
        %get3A_615 = tpu.vector_load %arg11[%get3A_613, %get3A_614] {strides = array<i32>} : memref<80x128xf32, #tpu.memory_space<vmem>>, vector<1x16xf32>,
        %get3A_616 = vector.shape_cast %get3A_615 : vector<1x16xf32> to vector<16xf32>
        %add3A_617 = arith.addf %get3A_610, %get3A_616 : vector<16xf32>
        %max3A_618 = arith.constant 0.000000e+00 : f32
        %max3A_619 = vector.broadcast %max3A_618 : f32 to vector<16xf32>
        %max3A_620 = arith.maximumf %add3A_617, %max3A_619 : vector<16xf32>
        %add3A_621 = arith.constant 1 : i32
        %add3A_622 = arith.addi %add3A_423, %add3A_621 : i32
        %swap3A_623 = arith.index_cast %add3A_622 : i32 to index
        %swap3A_624 = arith.constant 0 : index
        %swap3A_625 = tpu.vector_load %arg9[%swap3A_623, %swap3A_624] {strides = array<i32>} : memref<80x128xf32, #tpu.memory_space<vmem>>, vector<1x16xf32>,
        %swap3A_626 = vector.shape_cast %swap3A_625 : vector<1x16xf32> to vector<16xf32>
        %swap3A_627 = vector.shape_cast %max3A_620 : vector<16xf32> to vector<1x16xf32>
        tpu.vector_store %arg9[%swap3A_623, %swap3A_624], %swap3A_627 {strides = array<i32>} : memref<80x128xf32, #tpu.memory_space<vmem>>, vector<1x16xf32>,
        %add3A_628 = arith.constant 1 : i32
        %add3A_629 = arith.addi %add3A_423, %add3A_628 : i32
        %get3A_630 = arith.index_cast %add3A_629 : i32 to index
        %get3A_631 = arith.constant 16 : index
        %get3A_632 = tpu.vector_load %arg9[%get3A_630, %get3A_631] {strides = array<i32>} : memref<80x128xf32, #tpu.memory_space<vmem>>, vector<1x16xf32>,
        %get3A_633 = vector.shape_cast %get3A_632 : vector<1x16xf32> to vector<16xf32>
        %add3A_634 = arith.constant 1 : i32
        %add3A_635 = arith.addi %add3A_423, %add3A_634 : i32
        %get3A_636 = arith.index_cast %add3A_635 : i32 to index
        %get3A_637 = arith.constant 16 : index
        %get3A_638 = tpu.vector_load %arg11[%get3A_636, %get3A_637] {strides = array<i32>} : memref<80x128xf32, #tpu.memory_space<vmem>>, vector<1x16xf32>,
        %get3A_639 = vector.shape_cast %get3A_638 : vector<1x16xf32> to vector<16xf32>
        %add3A_640 = arith.addf %get3A_633, %get3A_639 : vector<16xf32>
        %max3A_641 = arith.constant 0.000000e+00 : f32
        %max3A_642 = vector.broadcast %max3A_641 : f32 to vector<16xf32>
        %max3A_643 = arith.maximumf %add3A_640, %max3A_642 : vector<16xf32>
        %add3A_644 = arith.constant 1 : i32
        %add3A_645 = arith.addi %add3A_423, %add3A_644 : i32
        %swap3A_646 = arith.index_cast %add3A_645 : i32 to index
        %swap3A_647 = arith.constant 16 : index
        %swap3A_648 = tpu.vector_load %arg9[%swap3A_646, %swap3A_647] {strides = array<i32>} : memref<80x128xf32, #tpu.memory_space<vmem>>, vector<1x16xf32>,
        %swap3A_649 = vector.shape_cast %swap3A_648 : vector<1x16xf32> to vector<16xf32>
        %swap3A_650 = vector.shape_cast %max3A_643 : vector<16xf32> to vector<1x16xf32>
        tpu.vector_store %arg9[%swap3A_646, %swap3A_647], %swap3A_650 {strides = array<i32>} : memref<80x128xf32, #tpu.memory_space<vmem>>, vector<1x16xf32>,
        %add3A_651 = arith.constant 1 : i32
        %add3A_652 = arith.addi %add3A_423, %add3A_651 : i32
        %get3A_653 = arith.index_cast %add3A_652 : i32 to index
        %get3A_654 = arith.constant 32 : index
        %get3A_655 = tpu.vector_load %arg9[%get3A_653, %get3A_654] {strides = array<i32>} : memref<80x128xf32, #tpu.memory_space<vmem>>, vector<1x16xf32>,
        %get3A_656 = vector.shape_cast %get3A_655 : vector<1x16xf32> to vector<16xf32>
        %add3A_657 = arith.constant 1 : i32
        %add3A_658 = arith.addi %add3A_423, %add3A_657 : i32
        %get3A_659 = arith.index_cast %add3A_658 : i32 to index
        %get3A_660 = arith.constant 32 : index
        %get3A_661 = tpu.vector_load %arg11[%get3A_659, %get3A_660] {strides = array<i32>} : memref<80x128xf32, #tpu.memory_space<vmem>>, vector<1x16xf32>,
        %get3A_662 = vector.shape_cast %get3A_661 : vector<1x16xf32> to vector<16xf32>
        %add3A_663 = arith.addf %get3A_656, %get3A_662 : vector<16xf32>
        %max3A_664 = arith.constant 0.000000e+00 : f32
        %max3A_665 = vector.broadcast %max3A_664 : f32 to vector<16xf32>
        %max3A_666 = arith.maximumf %add3A_663, %max3A_665 : vector<16xf32>
        %add3A_667 = arith.constant 1 : i32
        %add3A_668 = arith.addi %add3A_423, %add3A_667 : i32
        %swap3A_669 = arith.index_cast %add3A_668 : i32 to index
        %swap3A_670 = arith.constant 32 : index
        %swap3A_671 = tpu.vector_load %arg9[%swap3A_669, %swap3A_670] {strides = array<i32>} : memref<80x128xf32, #tpu.memory_space<vmem>>, vector<1x16xf32>,
        %swap3A_672 = vector.shape_cast %swap3A_671 : vector<1x16xf32> to vector<16xf32>
        %swap3A_673 = vector.shape_cast %max3A_666 : vector<16xf32> to vector<1x16xf32>
        tpu.vector_store %arg9[%swap3A_669, %swap3A_670], %swap3A_673 {strides = array<i32>} : memref<80x128xf32, #tpu.memory_space<vmem>>, vector<1x16xf32>,
        %add3A_674 = arith.constant 1 : i32
        %add3A_675 = arith.addi %add3A_423, %add3A_674 : i32
        %get3A_676 = arith.index_cast %add3A_675 : i32 to index
        %get3A_677 = arith.constant 48 : index
        %get3A_678 = tpu.vector_load %arg9[%get3A_676, %get3A_677] {strides = array<i32>} : memref<80x128xf32, #tpu.memory_space<vmem>>, vector<1x16xf32>,
        %get3A_679 = vector.shape_cast %get3A_678 : vector<1x16xf32> to vector<16xf32>
        %add3A_680 = arith.constant 1 : i32
        %add3A_681 = arith.addi %add3A_423, %add3A_680 : i32
        %get3A_682 = arith.index_cast %add3A_681 : i32 to index
        %get3A_683 = arith.constant 48 : index
        %get3A_684 = tpu.vector_load %arg11[%get3A_682, %get3A_683] {strides = array<i32>} : memref<80x128xf32, #tpu.memory_space<vmem>>, vector<1x16xf32>,
        %get3A_685 = vector.shape_cast %get3A_684 : vector<1x16xf32> to vector<16xf32>
        %add3A_686 = arith.addf %get3A_679, %get3A_685 : vector<16xf32>
        %max3A_687 = arith.constant 0.000000e+00 : f32
        %max3A_688 = vector.broadcast %max3A_687 : f32 to vector<16xf32>
        %max3A_689 = arith.maximumf %add3A_686, %max3A_688 : vector<16xf32>
        %add3A_690 = arith.constant 1 : i32
        %add3A_691 = arith.addi %add3A_423, %add3A_690 : i32
        %swap3A_692 = arith.index_cast %add3A_691 : i32 to index
        %swap3A_693 = arith.constant 48 : index
        %swap3A_694 = tpu.vector_load %arg9[%swap3A_692, %swap3A_693] {strides = array<i32>} : memref<80x128xf32, #tpu.memory_space<vmem>>, vector<1x16xf32>,
        %swap3A_695 = vector.shape_cast %swap3A_694 : vector<1x16xf32> to vector<16xf32>
        %swap3A_696 = vector.shape_cast %max3A_689 : vector<16xf32> to vector<1x16xf32>
        tpu.vector_store %arg9[%swap3A_692, %swap3A_693], %swap3A_696 {strides = array<i32>} : memref<80x128xf32, #tpu.memory_space<vmem>>, vector<1x16xf32>,
        %add3A_697 = arith.constant 1 : i32
        %add3A_698 = arith.addi %add3A_423, %add3A_697 : i32
        %get3A_699 = arith.index_cast %add3A_698 : i32 to index
        %get3A_700 = arith.constant 64 : index
        %get3A_701 = tpu.vector_load %arg9[%get3A_699, %get3A_700] {strides = array<i32>} : memref<80x128xf32, #tpu.memory_space<vmem>>, vector<1x16xf32>,
        %get3A_702 = vector.shape_cast %get3A_701 : vector<1x16xf32> to vector<16xf32>
        %add3A_703 = arith.constant 1 : i32
        %add3A_704 = arith.addi %add3A_423, %add3A_703 : i32
        %get3A_705 = arith.index_cast %add3A_704 : i32 to index
        %get3A_706 = arith.constant 64 : index
        %get3A_707 = tpu.vector_load %arg11[%get3A_705, %get3A_706] {strides = array<i32>} : memref<80x128xf32, #tpu.memory_space<vmem>>, vector<1x16xf32>,
        %get3A_708 = vector.shape_cast %get3A_707 : vector<1x16xf32> to vector<16xf32>
        %add3A_709 = arith.addf %get3A_702, %get3A_708 : vector<16xf32>
        %max3A_710 = arith.constant 0.000000e+00 : f32
        %max3A_711 = vector.broadcast %max3A_710 : f32 to vector<16xf32>
        %max3A_712 = arith.maximumf %add3A_709, %max3A_711 : vector<16xf32>
        %add3A_713 = arith.constant 1 : i32
        %add3A_714 = arith.addi %add3A_423, %add3A_713 : i32
        %swap3A_715 = arith.index_cast %add3A_714 : i32 to index
        %swap3A_716 = arith.constant 64 : index
        %swap3A_717 = tpu.vector_load %arg9[%swap3A_715, %swap3A_716] {strides = array<i32>} : memref<80x128xf32, #tpu.memory_space<vmem>>, vector<1x16xf32>,
        %swap3A_718 = vector.shape_cast %swap3A_717 : vector<1x16xf32> to vector<16xf32>
        %swap3A_719 = vector.shape_cast %max3A_712 : vector<16xf32> to vector<1x16xf32>
        tpu.vector_store %arg9[%swap3A_715, %swap3A_716], %swap3A_719 {strides = array<i32>} : memref<80x128xf32, #tpu.memory_space<vmem>>, vector<1x16xf32>,
        %add3A_720 = arith.constant 1 : i32
        %add3A_721 = arith.addi %add3A_423, %add3A_720 : i32
        %get3A_722 = arith.index_cast %add3A_721 : i32 to index
        %get3A_723 = arith.constant 80 : index
        %get3A_724 = tpu.vector_load %arg9[%get3A_722, %get3A_723] {strides = array<i32>} : memref<80x128xf32, #tpu.memory_space<vmem>>, vector<1x16xf32>,
        %get3A_725 = vector.shape_cast %get3A_724 : vector<1x16xf32> to vector<16xf32>
        %add3A_726 = arith.constant 1 : i32
        %add3A_727 = arith.addi %add3A_423, %add3A_726 : i32
        %get3A_728 = arith.index_cast %add3A_727 : i32 to index
        %get3A_729 = arith.constant 80 : index
        %get3A_730 = tpu.vector_load %arg11[%get3A_728, %get3A_729] {strides = array<i32>} : memref<80x128xf32, #tpu.memory_space<vmem>>, vector<1x16xf32>,
        %get3A_731 = vector.shape_cast %get3A_730 : vector<1x16xf32> to vector<16xf32>
        %add3A_732 = arith.addf %get3A_725, %get3A_731 : vector<16xf32>
        %max3A_733 = arith.constant 0.000000e+00 : f32
        %max3A_734 = vector.broadcast %max3A_733 : f32 to vector<16xf32>
        %max3A_735 = arith.maximumf %add3A_732, %max3A_734 : vector<16xf32>
        %add3A_736 = arith.constant 1 : i32
        %add3A_737 = arith.addi %add3A_423, %add3A_736 : i32
        %swap3A_738 = arith.index_cast %add3A_737 : i32 to index
        %swap3A_739 = arith.constant 80 : index
        %swap3A_740 = tpu.vector_load %arg9[%swap3A_738, %swap3A_739] {strides = array<i32>} : memref<80x128xf32, #tpu.memory_space<vmem>>, vector<1x16xf32>,
        %swap3A_741 = vector.shape_cast %swap3A_740 : vector<1x16xf32> to vector<16xf32>
        %swap3A_742 = vector.shape_cast %max3A_735 : vector<16xf32> to vector<1x16xf32>
        tpu.vector_store %arg9[%swap3A_738, %swap3A_739], %swap3A_742 {strides = array<i32>} : memref<80x128xf32, #tpu.memory_space<vmem>>, vector<1x16xf32>,
        %add3A_743 = arith.constant 1 : i32
        %add3A_744 = arith.addi %add3A_423, %add3A_743 : i32
        %get3A_745 = arith.index_cast %add3A_744 : i32 to index
        %get3A_746 = arith.constant 96 : index
        %get3A_747 = tpu.vector_load %arg9[%get3A_745, %get3A_746] {strides = array<i32>} : memref<80x128xf32, #tpu.memory_space<vmem>>, vector<1x16xf32>,
        %get3A_748 = vector.shape_cast %get3A_747 : vector<1x16xf32> to vector<16xf32>
        %add3A_749 = arith.constant 1 : i32
        %add3A_750 = arith.addi %add3A_423, %add3A_749 : i32
        %get3A_751 = arith.index_cast %add3A_750 : i32 to index
        %get3A_752 = arith.constant 96 : index
        %get3A_753 = tpu.vector_load %arg11[%get3A_751, %get3A_752] {strides = array<i32>} : memref<80x128xf32, #tpu.memory_space<vmem>>, vector<1x16xf32>,
        %get3A_754 = vector.shape_cast %get3A_753 : vector<1x16xf32> to vector<16xf32>
        %add3A_755 = arith.addf %get3A_748, %get3A_754 : vector<16xf32>
        %max3A_756 = arith.constant 0.000000e+00 : f32
        %max3A_757 = vector.broadcast %max3A_756 : f32 to vector<16xf32>
        %max3A_758 = arith.maximumf %add3A_755, %max3A_757 : vector<16xf32>
        %add3A_759 = arith.constant 1 : i32
        %add3A_760 = arith.addi %add3A_423, %add3A_759 : i32
        %swap3A_761 = arith.index_cast %add3A_760 : i32 to index
        %swap3A_762 = arith.constant 96 : index
        %swap3A_763 = tpu.vector_load %arg9[%swap3A_761, %swap3A_762] {strides = array<i32>} : memref<80x128xf32, #tpu.memory_space<vmem>>, vector<1x16xf32>,
        %swap3A_764 = vector.shape_cast %swap3A_763 : vector<1x16xf32> to vector<16xf32>
        %swap3A_765 = vector.shape_cast %max3A_758 : vector<16xf32> to vector<1x16xf32>
        tpu.vector_store %arg9[%swap3A_761, %swap3A_762], %swap3A_765 {strides = array<i32>} : memref<80x128xf32, #tpu.memory_space<vmem>>, vector<1x16xf32>,
        %add3A_766 = arith.constant 1 : i32
        %add3A_767 = arith.addi %add3A_423, %add3A_766 : i32
        %get3A_768 = arith.index_cast %add3A_767 : i32 to index
        %get3A_769 = arith.constant 112 : index
        %get3A_770 = tpu.vector_load %arg9[%get3A_768, %get3A_769] {strides = array<i32>} : memref<80x128xf32, #tpu.memory_space<vmem>>, vector<1x16xf32>,
        %get3A_771 = vector.shape_cast %get3A_770 : vector<1x16xf32> to vector<16xf32>
        %add3A_772 = arith.constant 1 : i32
        %add3A_773 = arith.addi %add3A_423, %add3A_772 : i32
        %get3A_774 = arith.index_cast %add3A_773 : i32 to index
        %get3A_775 = arith.constant 112 : index
        %get3A_776 = tpu.vector_load %arg11[%get3A_774, %get3A_775] {strides = array<i32>} : memref<80x128xf32, #tpu.memory_space<vmem>>, vector<1x16xf32>,
        %get3A_777 = vector.shape_cast %get3A_776 : vector<1x16xf32> to vector<16xf32>
        %add3A_778 = arith.addf %get3A_771, %get3A_777 : vector<16xf32>
        %max3A_779 = arith.constant 0.000000e+00 : f32
        %max3A_780 = vector.broadcast %max3A_779 : f32 to vector<16xf32>
        %max3A_781 = arith.maximumf %add3A_778, %max3A_780 : vector<16xf32>
        %add3A_782 = arith.constant 1 : i32
        %add3A_783 = arith.addi %add3A_423, %add3A_782 : i32
        %swap3A_784 = arith.index_cast %add3A_783 : i32 to index
        %swap3A_785 = arith.constant 112 : index
        %swap3A_786 = tpu.vector_load %arg9[%swap3A_784, %swap3A_785] {strides = array<i32>} : memref<80x128xf32, #tpu.memory_space<vmem>>, vector<1x16xf32>,
        %swap3A_787 = vector.shape_cast %swap3A_786 : vector<1x16xf32> to vector<16xf32>
        %swap3A_788 = vector.shape_cast %max3A_781 : vector<16xf32> to vector<1x16xf32>
        tpu.vector_store %arg9[%swap3A_784, %swap3A_785], %swap3A_788 {strides = array<i32>} : memref<80x128xf32, #tpu.memory_space<vmem>>, vector<1x16xf32>,
      }
      %scan3A_394 = arith.constant 40 : i32
      %add3A_395 = arith.constant 1 : i32
      %add3A_396 = arith.addi %mul3A_99, %add3A_395 : i32
      %jit3A_397 = arith.constant 4 : i32
      %eq3A_398 = arith.constant 0 : i32
      %eq3A_399 = arith.cmpi eq, %jit3A_397, %eq3A_398 : i32
      %jit3A_400 = arith.constant 1 : i32
      %select_n3A_401 = arith.select %eq3A_399, %jit3A_400, %jit3A_397 : i32
      %rem3A_402 = arith.remsi %add3A_396, %select_n3A_401 : i32
      %ne3A_403 = arith.constant 0 : i32
      %ne3A_404 = arith.cmpi ne, %rem3A_402, %ne3A_403 : i32
      %lt3A_405 = arith.constant 0 : i32
      %lt3A_406 = arith.cmpi slt, %rem3A_402, %lt3A_405 : i32
      %lt3A_407 = arith.constant 0 : i32
      %lt3A_408 = arith.cmpi slt, %select_n3A_401, %lt3A_407 : i32
      %ne3A_409 = arith.xori %lt3A_406, %lt3A_408 : i1
      %and3A_410 = arith.andi %ne3A_409, %ne3A_404 : i1
      %add3A_411 = arith.addi %rem3A_402, %select_n3A_401 : i32
      %select_n3A_412 = arith.select %and3A_410, %add3A_411, %rem3A_402 : i32
      %dma_start3A_413 = arith.constant 0 : i32
      %dma_start3A_414 = tpu.memref_slice %arg13[%select_n3A_412, %dma_start3A_413] : memref<4x80xi32, #tpu.memory_space<vmem>> -> memref<1x80xi32, #tpu.memory_space<vmem>>
      %dma_start3A_415 = tpu.memref_squeeze %dma_start3A_414 : memref<1x80xi32, #tpu.memory_space<vmem>> -> memref<80xi32, #tpu.memory_space<vmem>>
      %dma_start3A_416 = arith.constant 0 : i32
      %dma_start3A_417 = arith.constant 0 : i32
      %dma_start3A_418 = tpu.memref_slice %arg7[%dma_start3A_416, %dma_start3A_417] : memref<10240x128xf32, #tpu.memory_space<vmem_shared>> -> memref<10240x128xf32, #tpu.memory_space<vmem_shared>>
      tpu.enqueue_indirect_dma source(%arg9 : memref<80x128xf32, #tpu.memory_space<vmem>>) target(%dma_start3A_418 : memref<10240x128xf32, #tpu.memory_space<vmem_shared>>) offsets(%dma_start3A_415 : memref<80xi32, #tpu.memory_space<vmem>>) semaphore(%arg19 : memref<!tpu.dma_semaphore, #tpu.memory_space<semaphore_mem>>) {add = true}
    }
    %scan3A_50 = arith.constant 37 : i32
    %add3A_51 = arith.constant 5920 : i32
    %add3A_52 = arith.addi %mul3A_2, %add3A_51 : i32
    %dma_wait3A = arith.constant 0 : i32
    %dma_wait3A_53 = tpu.memref_slice %arg3[%add3A_52, %dma_wait3A] : memref<192000x128xf32, #tpu.memory_space<hbm>> -> memref<80x128xf32, #tpu.memory_space<hbm>>
    %dma_wait3A_54 = arith.constant 0 : i32
    %dma_wait3A_55 = tpu.memref_slice %arg3[%add3A_52, %dma_wait3A_54] : memref<192000x128xf32, #tpu.memory_space<hbm>> -> memref<80x128xf32, #tpu.memory_space<hbm>>
    tpu.wait_dma2 semaphore(%arg14 : memref<!tpu.dma_semaphore, #tpu.memory_space<semaphore_mem>>) src(%dma_wait3A_55 : memref<80x128xf32, #tpu.memory_space<hbm>>) dst(%arg8 : memref<80x128xf32, #tpu.memory_space<vmem>>)
    %dma_wait3A_56 = arith.constant 2 : i32
    %dma_wait3A_57 = arith.constant 0 : i32
    %dma_wait3A_58 = tpu.memref_slice %arg12[%dma_wait3A_56, %dma_wait3A_57] : memref<4x80xi32, #tpu.memory_space<vmem>> -> memref<1x80xi32, #tpu.memory_space<vmem>>
    %dma_wait3A_59 = tpu.memref_squeeze %dma_wait3A_58 : memref<1x80xi32, #tpu.memory_space<vmem>> -> memref<80xi32, #tpu.memory_space<vmem>>
    %dma_wait3A_60 = arith.constant 0 : i32
    %dma_wait3A_61 = arith.constant 0 : i32
    %dma_wait3A_62 = tpu.memref_slice %arg2[%dma_wait3A_60, %dma_wait3A_61] : memref<10000x128xf32, #tpu.memory_space<hbm>> -> memref<10000x128xf32, #tpu.memory_space<hbm>>
    tpu.wait_indirect_dma semaphore(%arg16 : memref<!tpu.dma_semaphore, #tpu.memory_space<semaphore_mem>>) src(%dma_wait3A_62 : memref<10000x128xf32, #tpu.memory_space<hbm>>) dst(%arg10 : memref<80x128xf32, #tpu.memory_space<vmem>>)
    %dma_wait3A_63 = arith.constant 1 : i32
    %dma_wait3A_64 = arith.constant 0 : i32
    %dma_wait3A_65 = tpu.memref_slice %arg13[%dma_wait3A_63, %dma_wait3A_64] : memref<4x80xi32, #tpu.memory_space<vmem>> -> memref<1x80xi32, #tpu.memory_space<vmem>>
    %dma_wait3A_66 = tpu.memref_squeeze %dma_wait3A_65 : memref<1x80xi32, #tpu.memory_space<vmem>> -> memref<80xi32, #tpu.memory_space<vmem>>
    %dma_wait3A_67 = arith.constant 0 : i32
    %dma_wait3A_68 = arith.constant 0 : i32
    %dma_wait3A_69 = tpu.memref_slice %arg7[%dma_wait3A_67, %dma_wait3A_68] : memref<10240x128xf32, #tpu.memory_space<vmem_shared>> -> memref<10240x128xf32, #tpu.memory_space<vmem_shared>>
    tpu.wait_indirect_dma semaphore(%arg19 : memref<!tpu.dma_semaphore, #tpu.memory_space<semaphore_mem>>) src(%arg9 : memref<80x128xf32, #tpu.memory_space<vmem>>) dst(%dma_wait3A_69 : memref<10240x128xf32, #tpu.memory_space<vmem_shared>>)
    %scan3A_70 = arith.constant 0 : i32
    %scan3A_71 = arith.constant 40 : i32
    %scan3A_72 = arith.addi %scan3A_70, %scan3A_71 : i32
    %scan3A_73 = arith.constant 1 : i32
    scf.for %scan3A_93 = %scan3A_70 to %scan3A_72 step %scan3A_73  : i32 {
      %mul3A_94 = arith.constant 2 : i32
      %mul3A_95 = arith.muli %scan3A_93, %mul3A_94 : i32
      %add3A_96 = arith.constant 0 : i32
      %add3A_97 = arith.addi %add3A_96, %mul3A_95 : i32
      %add3A_98 = arith.constant 0 : i32
      %add3A_99 = arith.addi %add3A_97, %add3A_98 : i32
      %get3A = arith.index_cast %add3A_99 : i32 to index
      %get3A_100 = arith.constant 0 : index
      %get3A_101 = tpu.vector_load %arg8[%get3A, %get3A_100] {strides = array<i32>} : memref<80x128xf32, #tpu.memory_space<vmem>>, vector<1x16xf32>,
      %get3A_102 = vector.shape_cast %get3A_101 : vector<1x16xf32> to vector<16xf32>
      %add3A_103 = arith.constant 0 : i32
      %add3A_104 = arith.addi %add3A_97, %add3A_103 : i32
      %get3A_105 = arith.index_cast %add3A_104 : i32 to index
      %get3A_106 = arith.constant 0 : index
      %get3A_107 = tpu.vector_load %arg10[%get3A_105, %get3A_106] {strides = array<i32>} : memref<80x128xf32, #tpu.memory_space<vmem>>, vector<1x16xf32>,
      %get3A_108 = vector.shape_cast %get3A_107 : vector<1x16xf32> to vector<16xf32>
      %add3A_109 = arith.addf %get3A_102, %get3A_108 : vector<16xf32>
      %max3A = arith.constant 0.000000e+00 : f32
      %max3A_110 = vector.broadcast %max3A : f32 to vector<16xf32>
      %max3A_111 = arith.maximumf %add3A_109, %max3A_110 : vector<16xf32>
      %add3A_112 = arith.constant 0 : i32
      %add3A_113 = arith.addi %add3A_97, %add3A_112 : i32
      %swap3A = arith.index_cast %add3A_113 : i32 to index
      %swap3A_114 = arith.constant 0 : index
      %swap3A_115 = tpu.vector_load %arg8[%swap3A, %swap3A_114] {strides = array<i32>} : memref<80x128xf32, #tpu.memory_space<vmem>>, vector<1x16xf32>,
      %swap3A_116 = vector.shape_cast %swap3A_115 : vector<1x16xf32> to vector<16xf32>
      %swap3A_117 = vector.shape_cast %max3A_111 : vector<16xf32> to vector<1x16xf32>
      tpu.vector_store %arg8[%swap3A, %swap3A_114], %swap3A_117 {strides = array<i32>} : memref<80x128xf32, #tpu.memory_space<vmem>>, vector<1x16xf32>,
      %add3A_118 = arith.constant 0 : i32
      %add3A_119 = arith.addi %add3A_97, %add3A_118 : i32
      %get3A_120 = arith.index_cast %add3A_119 : i32 to index
      %get3A_121 = arith.constant 16 : index
      %get3A_122 = tpu.vector_load %arg8[%get3A_120, %get3A_121] {strides = array<i32>} : memref<80x128xf32, #tpu.memory_space<vmem>>, vector<1x16xf32>,
      %get3A_123 = vector.shape_cast %get3A_122 : vector<1x16xf32> to vector<16xf32>
      %add3A_124 = arith.constant 0 : i32
      %add3A_125 = arith.addi %add3A_97, %add3A_124 : i32
      %get3A_126 = arith.index_cast %add3A_125 : i32 to index
      %get3A_127 = arith.constant 16 : index
      %get3A_128 = tpu.vector_load %arg10[%get3A_126, %get3A_127] {strides = array<i32>} : memref<80x128xf32, #tpu.memory_space<vmem>>, vector<1x16xf32>,
      %get3A_129 = vector.shape_cast %get3A_128 : vector<1x16xf32> to vector<16xf32>
      %add3A_130 = arith.addf %get3A_123, %get3A_129 : vector<16xf32>
      %max3A_131 = arith.constant 0.000000e+00 : f32
      %max3A_132 = vector.broadcast %max3A_131 : f32 to vector<16xf32>
      %max3A_133 = arith.maximumf %add3A_130, %max3A_132 : vector<16xf32>
      %add3A_134 = arith.constant 0 : i32
      %add3A_135 = arith.addi %add3A_97, %add3A_134 : i32
      %swap3A_136 = arith.index_cast %add3A_135 : i32 to index
      %swap3A_137 = arith.constant 16 : index
      %swap3A_138 = tpu.vector_load %arg8[%swap3A_136, %swap3A_137] {strides = array<i32>} : memref<80x128xf32, #tpu.memory_space<vmem>>, vector<1x16xf32>,
      %swap3A_139 = vector.shape_cast %swap3A_138 : vector<1x16xf32> to vector<16xf32>
      %swap3A_140 = vector.shape_cast %max3A_133 : vector<16xf32> to vector<1x16xf32>
      tpu.vector_store %arg8[%swap3A_136, %swap3A_137], %swap3A_140 {strides = array<i32>} : memref<80x128xf32, #tpu.memory_space<vmem>>, vector<1x16xf32>,
      %add3A_141 = arith.constant 0 : i32
      %add3A_142 = arith.addi %add3A_97, %add3A_141 : i32
      %get3A_143 = arith.index_cast %add3A_142 : i32 to index
      %get3A_144 = arith.constant 32 : index
      %get3A_145 = tpu.vector_load %arg8[%get3A_143, %get3A_144] {strides = array<i32>} : memref<80x128xf32, #tpu.memory_space<vmem>>, vector<1x16xf32>,
      %get3A_146 = vector.shape_cast %get3A_145 : vector<1x16xf32> to vector<16xf32>
      %add3A_147 = arith.constant 0 : i32
      %add3A_148 = arith.addi %add3A_97, %add3A_147 : i32
      %get3A_149 = arith.index_cast %add3A_148 : i32 to index
      %get3A_150 = arith.constant 32 : index
      %get3A_151 = tpu.vector_load %arg10[%get3A_149, %get3A_150] {strides = array<i32>} : memref<80x128xf32, #tpu.memory_space<vmem>>, vector<1x16xf32>,
      %get3A_152 = vector.shape_cast %get3A_151 : vector<1x16xf32> to vector<16xf32>
      %add3A_153 = arith.addf %get3A_146, %get3A_152 : vector<16xf32>
      %max3A_154 = arith.constant 0.000000e+00 : f32
      %max3A_155 = vector.broadcast %max3A_154 : f32 to vector<16xf32>
      %max3A_156 = arith.maximumf %add3A_153, %max3A_155 : vector<16xf32>
      %add3A_157 = arith.constant 0 : i32
      %add3A_158 = arith.addi %add3A_97, %add3A_157 : i32
      %swap3A_159 = arith.index_cast %add3A_158 : i32 to index
      %swap3A_160 = arith.constant 32 : index
      %swap3A_161 = tpu.vector_load %arg8[%swap3A_159, %swap3A_160] {strides = array<i32>} : memref<80x128xf32, #tpu.memory_space<vmem>>, vector<1x16xf32>,
      %swap3A_162 = vector.shape_cast %swap3A_161 : vector<1x16xf32> to vector<16xf32>
      %swap3A_163 = vector.shape_cast %max3A_156 : vector<16xf32> to vector<1x16xf32>
      tpu.vector_store %arg8[%swap3A_159, %swap3A_160], %swap3A_163 {strides = array<i32>} : memref<80x128xf32, #tpu.memory_space<vmem>>, vector<1x16xf32>,
      %add3A_164 = arith.constant 0 : i32
      %add3A_165 = arith.addi %add3A_97, %add3A_164 : i32
      %get3A_166 = arith.index_cast %add3A_165 : i32 to index
      %get3A_167 = arith.constant 48 : index
      %get3A_168 = tpu.vector_load %arg8[%get3A_166, %get3A_167] {strides = array<i32>} : memref<80x128xf32, #tpu.memory_space<vmem>>, vector<1x16xf32>,
      %get3A_169 = vector.shape_cast %get3A_168 : vector<1x16xf32> to vector<16xf32>
      %add3A_170 = arith.constant 0 : i32
      %add3A_171 = arith.addi %add3A_97, %add3A_170 : i32
      %get3A_172 = arith.index_cast %add3A_171 : i32 to index
      %get3A_173 = arith.constant 48 : index
      %get3A_174 = tpu.vector_load %arg10[%get3A_172, %get3A_173] {strides = array<i32>} : memref<80x128xf32, #tpu.memory_space<vmem>>, vector<1x16xf32>,
      %get3A_175 = vector.shape_cast %get3A_174 : vector<1x16xf32> to vector<16xf32>
      %add3A_176 = arith.addf %get3A_169, %get3A_175 : vector<16xf32>
      %max3A_177 = arith.constant 0.000000e+00 : f32
      %max3A_178 = vector.broadcast %max3A_177 : f32 to vector<16xf32>
      %max3A_179 = arith.maximumf %add3A_176, %max3A_178 : vector<16xf32>
      %add3A_180 = arith.constant 0 : i32
      %add3A_181 = arith.addi %add3A_97, %add3A_180 : i32
      %swap3A_182 = arith.index_cast %add3A_181 : i32 to index
      %swap3A_183 = arith.constant 48 : index
      %swap3A_184 = tpu.vector_load %arg8[%swap3A_182, %swap3A_183] {strides = array<i32>} : memref<80x128xf32, #tpu.memory_space<vmem>>, vector<1x16xf32>,
      %swap3A_185 = vector.shape_cast %swap3A_184 : vector<1x16xf32> to vector<16xf32>
      %swap3A_186 = vector.shape_cast %max3A_179 : vector<16xf32> to vector<1x16xf32>
      tpu.vector_store %arg8[%swap3A_182, %swap3A_183], %swap3A_186 {strides = array<i32>} : memref<80x128xf32, #tpu.memory_space<vmem>>, vector<1x16xf32>,
      %add3A_187 = arith.constant 0 : i32
      %add3A_188 = arith.addi %add3A_97, %add3A_187 : i32
      %get3A_189 = arith.index_cast %add3A_188 : i32 to index
      %get3A_190 = arith.constant 64 : index
      %get3A_191 = tpu.vector_load %arg8[%get3A_189, %get3A_190] {strides = array<i32>} : memref<80x128xf32, #tpu.memory_space<vmem>>, vector<1x16xf32>,
      %get3A_192 = vector.shape_cast %get3A_191 : vector<1x16xf32> to vector<16xf32>
      %add3A_193 = arith.constant 0 : i32
      %add3A_194 = arith.addi %add3A_97, %add3A_193 : i32
      %get3A_195 = arith.index_cast %add3A_194 : i32 to index
      %get3A_196 = arith.constant 64 : index
      %get3A_197 = tpu.vector_load %arg10[%get3A_195, %get3A_196] {strides = array<i32>} : memref<80x128xf32, #tpu.memory_space<vmem>>, vector<1x16xf32>,
      %get3A_198 = vector.shape_cast %get3A_197 : vector<1x16xf32> to vector<16xf32>
      %add3A_199 = arith.addf %get3A_192, %get3A_198 : vector<16xf32>
      %max3A_200 = arith.constant 0.000000e+00 : f32
      %max3A_201 = vector.broadcast %max3A_200 : f32 to vector<16xf32>
      %max3A_202 = arith.maximumf %add3A_199, %max3A_201 : vector<16xf32>
      %add3A_203 = arith.constant 0 : i32
      %add3A_204 = arith.addi %add3A_97, %add3A_203 : i32
      %swap3A_205 = arith.index_cast %add3A_204 : i32 to index
      %swap3A_206 = arith.constant 64 : index
      %swap3A_207 = tpu.vector_load %arg8[%swap3A_205, %swap3A_206] {strides = array<i32>} : memref<80x128xf32, #tpu.memory_space<vmem>>, vector<1x16xf32>,
      %swap3A_208 = vector.shape_cast %swap3A_207 : vector<1x16xf32> to vector<16xf32>
      %swap3A_209 = vector.shape_cast %max3A_202 : vector<16xf32> to vector<1x16xf32>
      tpu.vector_store %arg8[%swap3A_205, %swap3A_206], %swap3A_209 {strides = array<i32>} : memref<80x128xf32, #tpu.memory_space<vmem>>, vector<1x16xf32>,
      %add3A_210 = arith.constant 0 : i32
      %add3A_211 = arith.addi %add3A_97, %add3A_210 : i32
      %get3A_212 = arith.index_cast %add3A_211 : i32 to index
      %get3A_213 = arith.constant 80 : index
      %get3A_214 = tpu.vector_load %arg8[%get3A_212, %get3A_213] {strides = array<i32>} : memref<80x128xf32, #tpu.memory_space<vmem>>, vector<1x16xf32>,
      %get3A_215 = vector.shape_cast %get3A_214 : vector<1x16xf32> to vector<16xf32>
      %add3A_216 = arith.constant 0 : i32
      %add3A_217 = arith.addi %add3A_97, %add3A_216 : i32
      %get3A_218 = arith.index_cast %add3A_217 : i32 to index
      %get3A_219 = arith.constant 80 : index
      %get3A_220 = tpu.vector_load %arg10[%get3A_218, %get3A_219] {strides = array<i32>} : memref<80x128xf32, #tpu.memory_space<vmem>>, vector<1x16xf32>,
      %get3A_221 = vector.shape_cast %get3A_220 : vector<1x16xf32> to vector<16xf32>
      %add3A_222 = arith.addf %get3A_215, %get3A_221 : vector<16xf32>
      %max3A_223 = arith.constant 0.000000e+00 : f32
      %max3A_224 = vector.broadcast %max3A_223 : f32 to vector<16xf32>
      %max3A_225 = arith.maximumf %add3A_222, %max3A_224 : vector<16xf32>
      %add3A_226 = arith.constant 0 : i32
      %add3A_227 = arith.addi %add3A_97, %add3A_226 : i32
      %swap3A_228 = arith.index_cast %add3A_227 : i32 to index
      %swap3A_229 = arith.constant 80 : index
      %swap3A_230 = tpu.vector_load %arg8[%swap3A_228, %swap3A_229] {strides = array<i32>} : memref<80x128xf32, #tpu.memory_space<vmem>>, vector<1x16xf32>,
      %swap3A_231 = vector.shape_cast %swap3A_230 : vector<1x16xf32> to vector<16xf32>
      %swap3A_232 = vector.shape_cast %max3A_225 : vector<16xf32> to vector<1x16xf32>
      tpu.vector_store %arg8[%swap3A_228, %swap3A_229], %swap3A_232 {strides = array<i32>} : memref<80x128xf32, #tpu.memory_space<vmem>>, vector<1x16xf32>,
      %add3A_233 = arith.constant 0 : i32
      %add3A_234 = arith.addi %add3A_97, %add3A_233 : i32
      %get3A_235 = arith.index_cast %add3A_234 : i32 to index
      %get3A_236 = arith.constant 96 : index
      %get3A_237 = tpu.vector_load %arg8[%get3A_235, %get3A_236] {strides = array<i32>} : memref<80x128xf32, #tpu.memory_space<vmem>>, vector<1x16xf32>,
      %get3A_238 = vector.shape_cast %get3A_237 : vector<1x16xf32> to vector<16xf32>
      %add3A_239 = arith.constant 0 : i32
      %add3A_240 = arith.addi %add3A_97, %add3A_239 : i32
      %get3A_241 = arith.index_cast %add3A_240 : i32 to index
      %get3A_242 = arith.constant 96 : index
      %get3A_243 = tpu.vector_load %arg10[%get3A_241, %get3A_242] {strides = array<i32>} : memref<80x128xf32, #tpu.memory_space<vmem>>, vector<1x16xf32>,
      %get3A_244 = vector.shape_cast %get3A_243 : vector<1x16xf32> to vector<16xf32>
      %add3A_245 = arith.addf %get3A_238, %get3A_244 : vector<16xf32>
      %max3A_246 = arith.constant 0.000000e+00 : f32
      %max3A_247 = vector.broadcast %max3A_246 : f32 to vector<16xf32>
      %max3A_248 = arith.maximumf %add3A_245, %max3A_247 : vector<16xf32>
      %add3A_249 = arith.constant 0 : i32
      %add3A_250 = arith.addi %add3A_97, %add3A_249 : i32
      %swap3A_251 = arith.index_cast %add3A_250 : i32 to index
      %swap3A_252 = arith.constant 96 : index
      %swap3A_253 = tpu.vector_load %arg8[%swap3A_251, %swap3A_252] {strides = array<i32>} : memref<80x128xf32, #tpu.memory_space<vmem>>, vector<1x16xf32>,
      %swap3A_254 = vector.shape_cast %swap3A_253 : vector<1x16xf32> to vector<16xf32>
      %swap3A_255 = vector.shape_cast %max3A_248 : vector<16xf32> to vector<1x16xf32>
      tpu.vector_store %arg8[%swap3A_251, %swap3A_252], %swap3A_255 {strides = array<i32>} : memref<80x128xf32, #tpu.memory_space<vmem>>, vector<1x16xf32>,
      %add3A_256 = arith.constant 0 : i32
      %add3A_257 = arith.addi %add3A_97, %add3A_256 : i32
      %get3A_258 = arith.index_cast %add3A_257 : i32 to index
      %get3A_259 = arith.constant 112 : index
      %get3A_260 = tpu.vector_load %arg8[%get3A_258, %get3A_259] {strides = array<i32>} : memref<80x128xf32, #tpu.memory_space<vmem>>, vector<1x16xf32>,
      %get3A_261 = vector.shape_cast %get3A_260 : vector<1x16xf32> to vector<16xf32>
      %add3A_262 = arith.constant 0 : i32
      %add3A_263 = arith.addi %add3A_97, %add3A_262 : i32
      %get3A_264 = arith.index_cast %add3A_263 : i32 to index
      %get3A_265 = arith.constant 112 : index
      %get3A_266 = tpu.vector_load %arg10[%get3A_264, %get3A_265] {strides = array<i32>} : memref<80x128xf32, #tpu.memory_space<vmem>>, vector<1x16xf32>,
      %get3A_267 = vector.shape_cast %get3A_266 : vector<1x16xf32> to vector<16xf32>
      %add3A_268 = arith.addf %get3A_261, %get3A_267 : vector<16xf32>
      %max3A_269 = arith.constant 0.000000e+00 : f32
      %max3A_270 = vector.broadcast %max3A_269 : f32 to vector<16xf32>
      %max3A_271 = arith.maximumf %add3A_268, %max3A_270 : vector<16xf32>
      %add3A_272 = arith.constant 0 : i32
      %add3A_273 = arith.addi %add3A_97, %add3A_272 : i32
      %swap3A_274 = arith.index_cast %add3A_273 : i32 to index
      %swap3A_275 = arith.constant 112 : index
      %swap3A_276 = tpu.vector_load %arg8[%swap3A_274, %swap3A_275] {strides = array<i32>} : memref<80x128xf32, #tpu.memory_space<vmem>>, vector<1x16xf32>,
      %swap3A_277 = vector.shape_cast %swap3A_276 : vector<1x16xf32> to vector<16xf32>
      %swap3A_278 = vector.shape_cast %max3A_271 : vector<16xf32> to vector<1x16xf32>
      tpu.vector_store %arg8[%swap3A_274, %swap3A_275], %swap3A_278 {strides = array<i32>} : memref<80x128xf32, #tpu.memory_space<vmem>>, vector<1x16xf32>,
      %add3A_279 = arith.constant 1 : i32
      %add3A_280 = arith.addi %add3A_97, %add3A_279 : i32
      %get3A_281 = arith.index_cast %add3A_280 : i32 to index
      %get3A_282 = arith.constant 0 : index
      %get3A_283 = tpu.vector_load %arg8[%get3A_281, %get3A_282] {strides = array<i32>} : memref<80x128xf32, #tpu.memory_space<vmem>>, vector<1x16xf32>,
      %get3A_284 = vector.shape_cast %get3A_283 : vector<1x16xf32> to vector<16xf32>
      %add3A_285 = arith.constant 1 : i32
      %add3A_286 = arith.addi %add3A_97, %add3A_285 : i32
      %get3A_287 = arith.index_cast %add3A_286 : i32 to index
      %get3A_288 = arith.constant 0 : index
      %get3A_289 = tpu.vector_load %arg10[%get3A_287, %get3A_288] {strides = array<i32>} : memref<80x128xf32, #tpu.memory_space<vmem>>, vector<1x16xf32>,
      %get3A_290 = vector.shape_cast %get3A_289 : vector<1x16xf32> to vector<16xf32>
      %add3A_291 = arith.addf %get3A_284, %get3A_290 : vector<16xf32>
      %max3A_292 = arith.constant 0.000000e+00 : f32
      %max3A_293 = vector.broadcast %max3A_292 : f32 to vector<16xf32>
      %max3A_294 = arith.maximumf %add3A_291, %max3A_293 : vector<16xf32>
      %add3A_295 = arith.constant 1 : i32
      %add3A_296 = arith.addi %add3A_97, %add3A_295 : i32
      %swap3A_297 = arith.index_cast %add3A_296 : i32 to index
      %swap3A_298 = arith.constant 0 : index
      %swap3A_299 = tpu.vector_load %arg8[%swap3A_297, %swap3A_298] {strides = array<i32>} : memref<80x128xf32, #tpu.memory_space<vmem>>, vector<1x16xf32>,
      %swap3A_300 = vector.shape_cast %swap3A_299 : vector<1x16xf32> to vector<16xf32>
      %swap3A_301 = vector.shape_cast %max3A_294 : vector<16xf32> to vector<1x16xf32>
      tpu.vector_store %arg8[%swap3A_297, %swap3A_298], %swap3A_301 {strides = array<i32>} : memref<80x128xf32, #tpu.memory_space<vmem>>, vector<1x16xf32>,
      %add3A_302 = arith.constant 1 : i32
      %add3A_303 = arith.addi %add3A_97, %add3A_302 : i32
      %get3A_304 = arith.index_cast %add3A_303 : i32 to index
      %get3A_305 = arith.constant 16 : index
      %get3A_306 = tpu.vector_load %arg8[%get3A_304, %get3A_305] {strides = array<i32>} : memref<80x128xf32, #tpu.memory_space<vmem>>, vector<1x16xf32>,
      %get3A_307 = vector.shape_cast %get3A_306 : vector<1x16xf32> to vector<16xf32>
      %add3A_308 = arith.constant 1 : i32
      %add3A_309 = arith.addi %add3A_97, %add3A_308 : i32
      %get3A_310 = arith.index_cast %add3A_309 : i32 to index
      %get3A_311 = arith.constant 16 : index
      %get3A_312 = tpu.vector_load %arg10[%get3A_310, %get3A_311] {strides = array<i32>} : memref<80x128xf32, #tpu.memory_space<vmem>>, vector<1x16xf32>,
      %get3A_313 = vector.shape_cast %get3A_312 : vector<1x16xf32> to vector<16xf32>
      %add3A_314 = arith.addf %get3A_307, %get3A_313 : vector<16xf32>
      %max3A_315 = arith.constant 0.000000e+00 : f32
      %max3A_316 = vector.broadcast %max3A_315 : f32 to vector<16xf32>
      %max3A_317 = arith.maximumf %add3A_314, %max3A_316 : vector<16xf32>
      %add3A_318 = arith.constant 1 : i32
      %add3A_319 = arith.addi %add3A_97, %add3A_318 : i32
      %swap3A_320 = arith.index_cast %add3A_319 : i32 to index
      %swap3A_321 = arith.constant 16 : index
      %swap3A_322 = tpu.vector_load %arg8[%swap3A_320, %swap3A_321] {strides = array<i32>} : memref<80x128xf32, #tpu.memory_space<vmem>>, vector<1x16xf32>,
      %swap3A_323 = vector.shape_cast %swap3A_322 : vector<1x16xf32> to vector<16xf32>
      %swap3A_324 = vector.shape_cast %max3A_317 : vector<16xf32> to vector<1x16xf32>
      tpu.vector_store %arg8[%swap3A_320, %swap3A_321], %swap3A_324 {strides = array<i32>} : memref<80x128xf32, #tpu.memory_space<vmem>>, vector<1x16xf32>,
      %add3A_325 = arith.constant 1 : i32
      %add3A_326 = arith.addi %add3A_97, %add3A_325 : i32
      %get3A_327 = arith.index_cast %add3A_326 : i32 to index
      %get3A_328 = arith.constant 32 : index
      %get3A_329 = tpu.vector_load %arg8[%get3A_327, %get3A_328] {strides = array<i32>} : memref<80x128xf32, #tpu.memory_space<vmem>>, vector<1x16xf32>,
      %get3A_330 = vector.shape_cast %get3A_329 : vector<1x16xf32> to vector<16xf32>
      %add3A_331 = arith.constant 1 : i32
      %add3A_332 = arith.addi %add3A_97, %add3A_331 : i32
      %get3A_333 = arith.index_cast %add3A_332 : i32 to index
      %get3A_334 = arith.constant 32 : index
      %get3A_335 = tpu.vector_load %arg10[%get3A_333, %get3A_334] {strides = array<i32>} : memref<80x128xf32, #tpu.memory_space<vmem>>, vector<1x16xf32>,
      %get3A_336 = vector.shape_cast %get3A_335 : vector<1x16xf32> to vector<16xf32>
      %add3A_337 = arith.addf %get3A_330, %get3A_336 : vector<16xf32>
      %max3A_338 = arith.constant 0.000000e+00 : f32
      %max3A_339 = vector.broadcast %max3A_338 : f32 to vector<16xf32>
      %max3A_340 = arith.maximumf %add3A_337, %max3A_339 : vector<16xf32>
      %add3A_341 = arith.constant 1 : i32
      %add3A_342 = arith.addi %add3A_97, %add3A_341 : i32
      %swap3A_343 = arith.index_cast %add3A_342 : i32 to index
      %swap3A_344 = arith.constant 32 : index
      %swap3A_345 = tpu.vector_load %arg8[%swap3A_343, %swap3A_344] {strides = array<i32>} : memref<80x128xf32, #tpu.memory_space<vmem>>, vector<1x16xf32>,
      %swap3A_346 = vector.shape_cast %swap3A_345 : vector<1x16xf32> to vector<16xf32>
      %swap3A_347 = vector.shape_cast %max3A_340 : vector<16xf32> to vector<1x16xf32>
      tpu.vector_store %arg8[%swap3A_343, %swap3A_344], %swap3A_347 {strides = array<i32>} : memref<80x128xf32, #tpu.memory_space<vmem>>, vector<1x16xf32>,
      %add3A_348 = arith.constant 1 : i32
      %add3A_349 = arith.addi %add3A_97, %add3A_348 : i32
      %get3A_350 = arith.index_cast %add3A_349 : i32 to index
      %get3A_351 = arith.constant 48 : index
      %get3A_352 = tpu.vector_load %arg8[%get3A_350, %get3A_351] {strides = array<i32>} : memref<80x128xf32, #tpu.memory_space<vmem>>, vector<1x16xf32>,
      %get3A_353 = vector.shape_cast %get3A_352 : vector<1x16xf32> to vector<16xf32>
      %add3A_354 = arith.constant 1 : i32
      %add3A_355 = arith.addi %add3A_97, %add3A_354 : i32
      %get3A_356 = arith.index_cast %add3A_355 : i32 to index
      %get3A_357 = arith.constant 48 : index
      %get3A_358 = tpu.vector_load %arg10[%get3A_356, %get3A_357] {strides = array<i32>} : memref<80x128xf32, #tpu.memory_space<vmem>>, vector<1x16xf32>,
      %get3A_359 = vector.shape_cast %get3A_358 : vector<1x16xf32> to vector<16xf32>
      %add3A_360 = arith.addf %get3A_353, %get3A_359 : vector<16xf32>
      %max3A_361 = arith.constant 0.000000e+00 : f32
      %max3A_362 = vector.broadcast %max3A_361 : f32 to vector<16xf32>
      %max3A_363 = arith.maximumf %add3A_360, %max3A_362 : vector<16xf32>
      %add3A_364 = arith.constant 1 : i32
      %add3A_365 = arith.addi %add3A_97, %add3A_364 : i32
      %swap3A_366 = arith.index_cast %add3A_365 : i32 to index
      %swap3A_367 = arith.constant 48 : index
      %swap3A_368 = tpu.vector_load %arg8[%swap3A_366, %swap3A_367] {strides = array<i32>} : memref<80x128xf32, #tpu.memory_space<vmem>>, vector<1x16xf32>,
      %swap3A_369 = vector.shape_cast %swap3A_368 : vector<1x16xf32> to vector<16xf32>
      %swap3A_370 = vector.shape_cast %max3A_363 : vector<16xf32> to vector<1x16xf32>
      tpu.vector_store %arg8[%swap3A_366, %swap3A_367], %swap3A_370 {strides = array<i32>} : memref<80x128xf32, #tpu.memory_space<vmem>>, vector<1x16xf32>,
      %add3A_371 = arith.constant 1 : i32
      %add3A_372 = arith.addi %add3A_97, %add3A_371 : i32
      %get3A_373 = arith.index_cast %add3A_372 : i32 to index
      %get3A_374 = arith.constant 64 : index
      %get3A_375 = tpu.vector_load %arg8[%get3A_373, %get3A_374] {strides = array<i32>} : memref<80x128xf32, #tpu.memory_space<vmem>>, vector<1x16xf32>,
      %get3A_376 = vector.shape_cast %get3A_375 : vector<1x16xf32> to vector<16xf32>
      %add3A_377 = arith.constant 1 : i32
      %add3A_378 = arith.addi %add3A_97, %add3A_377 : i32
      %get3A_379 = arith.index_cast %add3A_378 : i32 to index
      %get3A_380 = arith.constant 64 : index
      %get3A_381 = tpu.vector_load %arg10[%get3A_379, %get3A_380] {strides = array<i32>} : memref<80x128xf32, #tpu.memory_space<vmem>>, vector<1x16xf32>,
      %get3A_382 = vector.shape_cast %get3A_381 : vector<1x16xf32> to vector<16xf32>
      %add3A_383 = arith.addf %get3A_376, %get3A_382 : vector<16xf32>
      %max3A_384 = arith.constant 0.000000e+00 : f32
      %max3A_385 = vector.broadcast %max3A_384 : f32 to vector<16xf32>
      %max3A_386 = arith.maximumf %add3A_383, %max3A_385 : vector<16xf32>
      %add3A_387 = arith.constant 1 : i32
      %add3A_388 = arith.addi %add3A_97, %add3A_387 : i32
      %swap3A_389 = arith.index_cast %add3A_388 : i32 to index
      %swap3A_390 = arith.constant 64 : index
      %swap3A_391 = tpu.vector_load %arg8[%swap3A_389, %swap3A_390] {strides = array<i32>} : memref<80x128xf32, #tpu.memory_space<vmem>>, vector<1x16xf32>,
      %swap3A_392 = vector.shape_cast %swap3A_391 : vector<1x16xf32> to vector<16xf32>
      %swap3A_393 = vector.shape_cast %max3A_386 : vector<16xf32> to vector<1x16xf32>
      tpu.vector_store %arg8[%swap3A_389, %swap3A_390], %swap3A_393 {strides = array<i32>} : memref<80x128xf32, #tpu.memory_space<vmem>>, vector<1x16xf32>,
      %add3A_394 = arith.constant 1 : i32
      %add3A_395 = arith.addi %add3A_97, %add3A_394 : i32
      %get3A_396 = arith.index_cast %add3A_395 : i32 to index
      %get3A_397 = arith.constant 80 : index
      %get3A_398 = tpu.vector_load %arg8[%get3A_396, %get3A_397] {strides = array<i32>} : memref<80x128xf32, #tpu.memory_space<vmem>>, vector<1x16xf32>,
      %get3A_399 = vector.shape_cast %get3A_398 : vector<1x16xf32> to vector<16xf32>
      %add3A_400 = arith.constant 1 : i32
      %add3A_401 = arith.addi %add3A_97, %add3A_400 : i32
      %get3A_402 = arith.index_cast %add3A_401 : i32 to index
      %get3A_403 = arith.constant 80 : index
      %get3A_404 = tpu.vector_load %arg10[%get3A_402, %get3A_403] {strides = array<i32>} : memref<80x128xf32, #tpu.memory_space<vmem>>, vector<1x16xf32>,
      %get3A_405 = vector.shape_cast %get3A_404 : vector<1x16xf32> to vector<16xf32>
      %add3A_406 = arith.addf %get3A_399, %get3A_405 : vector<16xf32>
      %max3A_407 = arith.constant 0.000000e+00 : f32
      %max3A_408 = vector.broadcast %max3A_407 : f32 to vector<16xf32>
      %max3A_409 = arith.maximumf %add3A_406, %max3A_408 : vector<16xf32>
      %add3A_410 = arith.constant 1 : i32
      %add3A_411 = arith.addi %add3A_97, %add3A_410 : i32
      %swap3A_412 = arith.index_cast %add3A_411 : i32 to index
      %swap3A_413 = arith.constant 80 : index
      %swap3A_414 = tpu.vector_load %arg8[%swap3A_412, %swap3A_413] {strides = array<i32>} : memref<80x128xf32, #tpu.memory_space<vmem>>, vector<1x16xf32>,
      %swap3A_415 = vector.shape_cast %swap3A_414 : vector<1x16xf32> to vector<16xf32>
      %swap3A_416 = vector.shape_cast %max3A_409 : vector<16xf32> to vector<1x16xf32>
      tpu.vector_store %arg8[%swap3A_412, %swap3A_413], %swap3A_416 {strides = array<i32>} : memref<80x128xf32, #tpu.memory_space<vmem>>, vector<1x16xf32>,
      %add3A_417 = arith.constant 1 : i32
      %add3A_418 = arith.addi %add3A_97, %add3A_417 : i32
      %get3A_419 = arith.index_cast %add3A_418 : i32 to index
      %get3A_420 = arith.constant 96 : index
      %get3A_421 = tpu.vector_load %arg8[%get3A_419, %get3A_420] {strides = array<i32>} : memref<80x128xf32, #tpu.memory_space<vmem>>, vector<1x16xf32>,
      %get3A_422 = vector.shape_cast %get3A_421 : vector<1x16xf32> to vector<16xf32>
      %add3A_423 = arith.constant 1 : i32
      %add3A_424 = arith.addi %add3A_97, %add3A_423 : i32
      %get3A_425 = arith.index_cast %add3A_424 : i32 to index
      %get3A_426 = arith.constant 96 : index
      %get3A_427 = tpu.vector_load %arg10[%get3A_425, %get3A_426] {strides = array<i32>} : memref<80x128xf32, #tpu.memory_space<vmem>>, vector<1x16xf32>,
      %get3A_428 = vector.shape_cast %get3A_427 : vector<1x16xf32> to vector<16xf32>
      %add3A_429 = arith.addf %get3A_422, %get3A_428 : vector<16xf32>
      %max3A_430 = arith.constant 0.000000e+00 : f32
      %max3A_431 = vector.broadcast %max3A_430 : f32 to vector<16xf32>
      %max3A_432 = arith.maximumf %add3A_429, %max3A_431 : vector<16xf32>
      %add3A_433 = arith.constant 1 : i32
      %add3A_434 = arith.addi %add3A_97, %add3A_433 : i32
      %swap3A_435 = arith.index_cast %add3A_434 : i32 to index
      %swap3A_436 = arith.constant 96 : index
      %swap3A_437 = tpu.vector_load %arg8[%swap3A_435, %swap3A_436] {strides = array<i32>} : memref<80x128xf32, #tpu.memory_space<vmem>>, vector<1x16xf32>,
      %swap3A_438 = vector.shape_cast %swap3A_437 : vector<1x16xf32> to vector<16xf32>
      %swap3A_439 = vector.shape_cast %max3A_432 : vector<16xf32> to vector<1x16xf32>
      tpu.vector_store %arg8[%swap3A_435, %swap3A_436], %swap3A_439 {strides = array<i32>} : memref<80x128xf32, #tpu.memory_space<vmem>>, vector<1x16xf32>,
      %add3A_440 = arith.constant 1 : i32
      %add3A_441 = arith.addi %add3A_97, %add3A_440 : i32
      %get3A_442 = arith.index_cast %add3A_441 : i32 to index
      %get3A_443 = arith.constant 112 : index
      %get3A_444 = tpu.vector_load %arg8[%get3A_442, %get3A_443] {strides = array<i32>} : memref<80x128xf32, #tpu.memory_space<vmem>>, vector<1x16xf32>,
      %get3A_445 = vector.shape_cast %get3A_444 : vector<1x16xf32> to vector<16xf32>
      %add3A_446 = arith.constant 1 : i32
      %add3A_447 = arith.addi %add3A_97, %add3A_446 : i32
      %get3A_448 = arith.index_cast %add3A_447 : i32 to index
      %get3A_449 = arith.constant 112 : index
      %get3A_450 = tpu.vector_load %arg10[%get3A_448, %get3A_449] {strides = array<i32>} : memref<80x128xf32, #tpu.memory_space<vmem>>, vector<1x16xf32>,
      %get3A_451 = vector.shape_cast %get3A_450 : vector<1x16xf32> to vector<16xf32>
      %add3A_452 = arith.addf %get3A_445, %get3A_451 : vector<16xf32>
      %max3A_453 = arith.constant 0.000000e+00 : f32
      %max3A_454 = vector.broadcast %max3A_453 : f32 to vector<16xf32>
      %max3A_455 = arith.maximumf %add3A_452, %max3A_454 : vector<16xf32>
      %add3A_456 = arith.constant 1 : i32
      %add3A_457 = arith.addi %add3A_97, %add3A_456 : i32
      %swap3A_458 = arith.index_cast %add3A_457 : i32 to index
      %swap3A_459 = arith.constant 112 : index
      %swap3A_460 = tpu.vector_load %arg8[%swap3A_458, %swap3A_459] {strides = array<i32>} : memref<80x128xf32, #tpu.memory_space<vmem>>, vector<1x16xf32>,
      %swap3A_461 = vector.shape_cast %swap3A_460 : vector<1x16xf32> to vector<16xf32>
      %swap3A_462 = vector.shape_cast %max3A_455 : vector<16xf32> to vector<1x16xf32>
      tpu.vector_store %arg8[%swap3A_458, %swap3A_459], %swap3A_462 {strides = array<i32>} : memref<80x128xf32, #tpu.memory_space<vmem>>, vector<1x16xf32>,
    }
    %scan3A_74 = arith.constant 40 : i32
    %run_scoped3A_75 = arith.constant 2 : i32
    "tpu.region"() ({
      %run_scoped3A_93 = tpu.sem_alloc : memref<!tpu.dma_semaphore, #tpu.memory_space<semaphore_mem>>
      %dma_start3A_94 = arith.constant 0 : i32
      %dma_start3A_95 = tpu.memref_slice %arg13[%run_scoped3A_75, %dma_start3A_94] : memref<4x80xi32, #tpu.memory_space<vmem>> -> memref<1x80xi32, #tpu.memory_space<vmem>>
      %dma_start3A_96 = tpu.memref_squeeze %dma_start3A_95 : memref<1x80xi32, #tpu.memory_space<vmem>> -> memref<80xi32, #tpu.memory_space<vmem>>
      %dma_start3A_97 = arith.constant 0 : i32
      %dma_start3A_98 = arith.constant 0 : i32
      %dma_start3A_99 = tpu.memref_slice %arg7[%dma_start3A_97, %dma_start3A_98] : memref<10240x128xf32, #tpu.memory_space<vmem_shared>> -> memref<10240x128xf32, #tpu.memory_space<vmem_shared>>
      tpu.enqueue_indirect_dma source(%arg8 : memref<80x128xf32, #tpu.memory_space<vmem>>) target(%dma_start3A_99 : memref<10240x128xf32, #tpu.memory_space<vmem_shared>>) offsets(%dma_start3A_96 : memref<80xi32, #tpu.memory_space<vmem>>) semaphore(%run_scoped3A_93 : memref<!tpu.dma_semaphore, #tpu.memory_space<semaphore_mem>>) {add = true}
      %dma_wait3A_100 = arith.constant 0 : i32
      %dma_wait3A_101 = tpu.memref_slice %arg13[%run_scoped3A_75, %dma_wait3A_100] : memref<4x80xi32, #tpu.memory_space<vmem>> -> memref<1x80xi32, #tpu.memory_space<vmem>>
      %dma_wait3A_102 = tpu.memref_squeeze %dma_wait3A_101 : memref<1x80xi32, #tpu.memory_space<vmem>> -> memref<80xi32, #tpu.memory_space<vmem>>
      %dma_wait3A_103 = arith.constant 0 : i32
      %dma_wait3A_104 = arith.constant 0 : i32
      %dma_wait3A_105 = tpu.memref_slice %arg7[%dma_wait3A_103, %dma_wait3A_104] : memref<10240x128xf32, #tpu.memory_space<vmem_shared>> -> memref<10240x128xf32, #tpu.memory_space<vmem_shared>>
      tpu.wait_indirect_dma semaphore(%run_scoped3A_93 : memref<!tpu.dma_semaphore, #tpu.memory_space<semaphore_mem>>) src(%arg8 : memref<80x128xf32, #tpu.memory_space<vmem>>) dst(%dma_wait3A_105 : memref<10240x128xf32, #tpu.memory_space<vmem_shared>>)
      tpu.yield
    }) : () -> ()
    %barrier3A_76 = arith.constant 0 : index
    tpu.barrier barrier_id(%barrier3A_76)
    %add3A_77 = arith.constant 0 : i32
    %add3A_78 = arith.addi %mul3A_6, %add3A_77 : i32
    "tpu.region"() ({
      %run_scoped3A_93 = tpu.sem_alloc : memref<!tpu.dma_semaphore, #tpu.memory_space<semaphore_mem>>
      %dma_start3A_94 = arith.constant 0 : i32
      %dma_start3A_95 = tpu.memref_slice %arg6[%arg0, %add3A_78, %dma_start3A_94] : memref<2x10240x128xf32, #tpu.memory_space<hbm>> -> memref<1x80x128xf32, #tpu.memory_space<hbm>>
      %dma_start3A_96 = tpu.memref_squeeze %dma_start3A_95 : memref<1x80x128xf32, #tpu.memory_space<hbm>> -> memref<80x128xf32, #tpu.memory_space<hbm>>
      %dma_start3A_97 = arith.constant 0 : i32
      %dma_start3A_98 = tpu.memref_slice %arg7[%add3A_78, %dma_start3A_97] : memref<10240x128xf32, #tpu.memory_space<vmem_shared>> -> memref<80x128xf32, #tpu.memory_space<vmem_shared>>
      tpu.enqueue_dma source(%dma_start3A_98 : memref<80x128xf32, #tpu.memory_space<vmem_shared>>) target(%dma_start3A_96 : memref<80x128xf32, #tpu.memory_space<hbm>>) target_semaphore(%run_scoped3A_93 : memref<!tpu.dma_semaphore, #tpu.memory_space<semaphore_mem>>)
      %dma_wait3A_99 = arith.constant 0 : i32
      %dma_wait3A_100 = tpu.memref_slice %arg6[%arg0, %add3A_78, %dma_wait3A_99] : memref<2x10240x128xf32, #tpu.memory_space<hbm>> -> memref<1x80x128xf32, #tpu.memory_space<hbm>>
      %dma_wait3A_101 = tpu.memref_squeeze %dma_wait3A_100 : memref<1x80x128xf32, #tpu.memory_space<hbm>> -> memref<80x128xf32, #tpu.memory_space<hbm>>
      %dma_wait3A_102 = arith.constant 0 : i32
      %dma_wait3A_103 = tpu.memref_slice %arg7[%add3A_78, %dma_wait3A_102] : memref<10240x128xf32, #tpu.memory_space<vmem_shared>> -> memref<80x128xf32, #tpu.memory_space<vmem_shared>>
      tpu.wait_dma2 semaphore(%run_scoped3A_93 : memref<!tpu.dma_semaphore, #tpu.memory_space<semaphore_mem>>) src(%dma_wait3A_103 : memref<80x128xf32, #tpu.memory_space<vmem_shared>>) dst(%dma_wait3A_101 : memref<80x128xf32, #tpu.memory_space<hbm>>)
      tpu.yield
    }) : () -> ()
    %add3A_79 = arith.constant 80 : i32
    %add3A_80 = arith.addi %mul3A_6, %add3A_79 : i32
    "tpu.region"() ({
      %run_scoped3A_93 = tpu.sem_alloc : memref<!tpu.dma_semaphore, #tpu.memory_space<semaphore_mem>>
      %dma_start3A_94 = arith.constant 0 : i32
      %dma_start3A_95 = tpu.memref_slice %arg6[%arg0, %add3A_80, %dma_start3A_94] : memref<2x10240x128xf32, #tpu.memory_space<hbm>> -> memref<1x80x128xf32, #tpu.memory_space<hbm>>
      %dma_start3A_96 = tpu.memref_squeeze %dma_start3A_95 : memref<1x80x128xf32, #tpu.memory_space<hbm>> -> memref<80x128xf32, #tpu.memory_space<hbm>>
      %dma_start3A_97 = arith.constant 0 : i32
      %dma_start3A_98 = tpu.memref_slice %arg7[%add3A_80, %dma_start3A_97] : memref<10240x128xf32, #tpu.memory_space<vmem_shared>> -> memref<80x128xf32, #tpu.memory_space<vmem_shared>>
      tpu.enqueue_dma source(%dma_start3A_98 : memref<80x128xf32, #tpu.memory_space<vmem_shared>>) target(%dma_start3A_96 : memref<80x128xf32, #tpu.memory_space<hbm>>) target_semaphore(%run_scoped3A_93 : memref<!tpu.dma_semaphore, #tpu.memory_space<semaphore_mem>>)
      %dma_wait3A_99 = arith.constant 0 : i32
      %dma_wait3A_100 = tpu.memref_slice %arg6[%arg0, %add3A_80, %dma_wait3A_99] : memref<2x10240x128xf32, #tpu.memory_space<hbm>> -> memref<1x80x128xf32, #tpu.memory_space<hbm>>
      %dma_wait3A_101 = tpu.memref_squeeze %dma_wait3A_100 : memref<1x80x128xf32, #tpu.memory_space<hbm>> -> memref<80x128xf32, #tpu.memory_space<hbm>>
      %dma_wait3A_102 = arith.constant 0 : i32
      %dma_wait3A_103 = tpu.memref_slice %arg7[%add3A_80, %dma_wait3A_102] : memref<10240x128xf32, #tpu.memory_space<vmem_shared>> -> memref<80x128xf32, #tpu.memory_space<vmem_shared>>
      tpu.wait_dma2 semaphore(%run_scoped3A_93 : memref<!tpu.dma_semaphore, #tpu.memory_space<semaphore_mem>>) src(%dma_wait3A_103 : memref<80x128xf32, #tpu.memory_space<vmem_shared>>) dst(%dma_wait3A_101 : memref<80x128xf32, #tpu.memory_space<hbm>>)
      tpu.yield
    }) : () -> ()
    %add3A_81 = arith.constant 160 : i32
    %add3A_82 = arith.addi %mul3A_6, %add3A_81 : i32
    "tpu.region"() ({
      %run_scoped3A_93 = tpu.sem_alloc : memref<!tpu.dma_semaphore, #tpu.memory_space<semaphore_mem>>
      %dma_start3A_94 = arith.constant 0 : i32
      %dma_start3A_95 = tpu.memref_slice %arg6[%arg0, %add3A_82, %dma_start3A_94] : memref<2x10240x128xf32, #tpu.memory_space<hbm>> -> memref<1x80x128xf32, #tpu.memory_space<hbm>>
      %dma_start3A_96 = tpu.memref_squeeze %dma_start3A_95 : memref<1x80x128xf32, #tpu.memory_space<hbm>> -> memref<80x128xf32, #tpu.memory_space<hbm>>
      %dma_start3A_97 = arith.constant 0 : i32
      %dma_start3A_98 = tpu.memref_slice %arg7[%add3A_82, %dma_start3A_97] : memref<10240x128xf32, #tpu.memory_space<vmem_shared>> -> memref<80x128xf32, #tpu.memory_space<vmem_shared>>
      tpu.enqueue_dma source(%dma_start3A_98 : memref<80x128xf32, #tpu.memory_space<vmem_shared>>) target(%dma_start3A_96 : memref<80x128xf32, #tpu.memory_space<hbm>>) target_semaphore(%run_scoped3A_93 : memref<!tpu.dma_semaphore, #tpu.memory_space<semaphore_mem>>)
      %dma_wait3A_99 = arith.constant 0 : i32
      %dma_wait3A_100 = tpu.memref_slice %arg6[%arg0, %add3A_82, %dma_wait3A_99] : memref<2x10240x128xf32, #tpu.memory_space<hbm>> -> memref<1x80x128xf32, #tpu.memory_space<hbm>>
      %dma_wait3A_101 = tpu.memref_squeeze %dma_wait3A_100 : memref<1x80x128xf32, #tpu.memory_space<hbm>> -> memref<80x128xf32, #tpu.memory_space<hbm>>
      %dma_wait3A_102 = arith.constant 0 : i32
      %dma_wait3A_103 = tpu.memref_slice %arg7[%add3A_82, %dma_wait3A_102] : memref<10240x128xf32, #tpu.memory_space<vmem_shared>> -> memref<80x128xf32, #tpu.memory_space<vmem_shared>>
      tpu.wait_dma2 semaphore(%run_scoped3A_93 : memref<!tpu.dma_semaphore, #tpu.memory_space<semaphore_mem>>) src(%dma_wait3A_103 : memref<80x128xf32, #tpu.memory_space<vmem_shared>>) dst(%dma_wait3A_101 : memref<80x128xf32, #tpu.memory_space<hbm>>)
      tpu.yield
    }) : () -> ()
    %add3A_83 = arith.constant 240 : i32
    %add3A_84 = arith.addi %mul3A_6, %add3A_83 : i32
    "tpu.region"() ({
      %run_scoped3A_93 = tpu.sem_alloc : memref<!tpu.dma_semaphore, #tpu.memory_space<semaphore_mem>>
      %dma_start3A_94 = arith.constant 0 : i32
      %dma_start3A_95 = tpu.memref_slice %arg6[%arg0, %add3A_84, %dma_start3A_94] : memref<2x10240x128xf32, #tpu.memory_space<hbm>> -> memref<1x80x128xf32, #tpu.memory_space<hbm>>
      %dma_start3A_96 = tpu.memref_squeeze %dma_start3A_95 : memref<1x80x128xf32, #tpu.memory_space<hbm>> -> memref<80x128xf32, #tpu.memory_space<hbm>>
      %dma_start3A_97 = arith.constant 0 : i32
      %dma_start3A_98 = tpu.memref_slice %arg7[%add3A_84, %dma_start3A_97] : memref<10240x128xf32, #tpu.memory_space<vmem_shared>> -> memref<80x128xf32, #tpu.memory_space<vmem_shared>>
      tpu.enqueue_dma source(%dma_start3A_98 : memref<80x128xf32, #tpu.memory_space<vmem_shared>>) target(%dma_start3A_96 : memref<80x128xf32, #tpu.memory_space<hbm>>) target_semaphore(%run_scoped3A_93 : memref<!tpu.dma_semaphore, #tpu.memory_space<semaphore_mem>>)
      %dma_wait3A_99 = arith.constant 0 : i32
      %dma_wait3A_100 = tpu.memref_slice %arg6[%arg0, %add3A_84, %dma_wait3A_99] : memref<2x10240x128xf32, #tpu.memory_space<hbm>> -> memref<1x80x128xf32, #tpu.memory_space<hbm>>
      %dma_wait3A_101 = tpu.memref_squeeze %dma_wait3A_100 : memref<1x80x128xf32, #tpu.memory_space<hbm>> -> memref<80x128xf32, #tpu.memory_space<hbm>>
      %dma_wait3A_102 = arith.constant 0 : i32
      %dma_wait3A_103 = tpu.memref_slice %arg7[%add3A_84, %dma_wait3A_102] : memref<10240x128xf32, #tpu.memory_space<vmem_shared>> -> memref<80x128xf32, #tpu.memory_space<vmem_shared>>
      tpu.wait_dma2 semaphore(%run_scoped3A_93 : memref<!tpu.dma_semaphore, #tpu.memory_space<semaphore_mem>>) src(%dma_wait3A_103 : memref<80x128xf32, #tpu.memory_space<vmem_shared>>) dst(%dma_wait3A_101 : memref<80x128xf32, #tpu.memory_space<hbm>>)
      tpu.yield
    }) : () -> ()
    %add3A_85 = arith.constant 320 : i32
    %add3A_86 = arith.addi %mul3A_6, %add3A_85 : i32
    "tpu.region"() ({
      %run_scoped3A_93 = tpu.sem_alloc : memref<!tpu.dma_semaphore, #tpu.memory_space<semaphore_mem>>
      %dma_start3A_94 = arith.constant 0 : i32
      %dma_start3A_95 = tpu.memref_slice %arg6[%arg0, %add3A_86, %dma_start3A_94] : memref<2x10240x128xf32, #tpu.memory_space<hbm>> -> memref<1x80x128xf32, #tpu.memory_space<hbm>>
      %dma_start3A_96 = tpu.memref_squeeze %dma_start3A_95 : memref<1x80x128xf32, #tpu.memory_space<hbm>> -> memref<80x128xf32, #tpu.memory_space<hbm>>
      %dma_start3A_97 = arith.constant 0 : i32
      %dma_start3A_98 = tpu.memref_slice %arg7[%add3A_86, %dma_start3A_97] : memref<10240x128xf32, #tpu.memory_space<vmem_shared>> -> memref<80x128xf32, #tpu.memory_space<vmem_shared>>
      tpu.enqueue_dma source(%dma_start3A_98 : memref<80x128xf32, #tpu.memory_space<vmem_shared>>) target(%dma_start3A_96 : memref<80x128xf32, #tpu.memory_space<hbm>>) target_semaphore(%run_scoped3A_93 : memref<!tpu.dma_semaphore, #tpu.memory_space<semaphore_mem>>)
      %dma_wait3A_99 = arith.constant 0 : i32
      %dma_wait3A_100 = tpu.memref_slice %arg6[%arg0, %add3A_86, %dma_wait3A_99] : memref<2x10240x128xf32, #tpu.memory_space<hbm>> -> memref<1x80x128xf32, #tpu.memory_space<hbm>>
      %dma_wait3A_101 = tpu.memref_squeeze %dma_wait3A_100 : memref<1x80x128xf32, #tpu.memory_space<hbm>> -> memref<80x128xf32, #tpu.memory_space<hbm>>
      %dma_wait3A_102 = arith.constant 0 : i32
      %dma_wait3A_103 = tpu.memref_slice %arg7[%add3A_86, %dma_wait3A_102] : memref<10240x128xf32, #tpu.memory_space<vmem_shared>> -> memref<80x128xf32, #tpu.memory_space<vmem_shared>>
      tpu.wait_dma2 semaphore(%run_scoped3A_93 : memref<!tpu.dma_semaphore, #tpu.memory_space<semaphore_mem>>) src(%dma_wait3A_103 : memref<80x128xf32, #tpu.memory_space<vmem_shared>>) dst(%dma_wait3A_101 : memref<80x128xf32, #tpu.memory_space<hbm>>)
      tpu.yield
    }) : () -> ()
    %add3A_87 = arith.constant 400 : i32
    %add3A_88 = arith.addi %mul3A_6, %add3A_87 : i32
    "tpu.region"() ({
      %run_scoped3A_93 = tpu.sem_alloc : memref<!tpu.dma_semaphore, #tpu.memory_space<semaphore_mem>>
      %dma_start3A_94 = arith.constant 0 : i32
      %dma_start3A_95 = tpu.memref_slice %arg6[%arg0, %add3A_88, %dma_start3A_94] : memref<2x10240x128xf32, #tpu.memory_space<hbm>> -> memref<1x80x128xf32, #tpu.memory_space<hbm>>
      %dma_start3A_96 = tpu.memref_squeeze %dma_start3A_95 : memref<1x80x128xf32, #tpu.memory_space<hbm>> -> memref<80x128xf32, #tpu.memory_space<hbm>>
      %dma_start3A_97 = arith.constant 0 : i32
      %dma_start3A_98 = tpu.memref_slice %arg7[%add3A_88, %dma_start3A_97] : memref<10240x128xf32, #tpu.memory_space<vmem_shared>> -> memref<80x128xf32, #tpu.memory_space<vmem_shared>>
      tpu.enqueue_dma source(%dma_start3A_98 : memref<80x128xf32, #tpu.memory_space<vmem_shared>>) target(%dma_start3A_96 : memref<80x128xf32, #tpu.memory_space<hbm>>) target_semaphore(%run_scoped3A_93 : memref<!tpu.dma_semaphore, #tpu.memory_space<semaphore_mem>>)
      %dma_wait3A_99 = arith.constant 0 : i32
      %dma_wait3A_100 = tpu.memref_slice %arg6[%arg0, %add3A_88, %dma_wait3A_99] : memref<2x10240x128xf32, #tpu.memory_space<hbm>> -> memref<1x80x128xf32, #tpu.memory_space<hbm>>
      %dma_wait3A_101 = tpu.memref_squeeze %dma_wait3A_100 : memref<1x80x128xf32, #tpu.memory_space<hbm>> -> memref<80x128xf32, #tpu.memory_space<hbm>>
      %dma_wait3A_102 = arith.constant 0 : i32
      %dma_wait3A_103 = tpu.memref_slice %arg7[%add3A_88, %dma_wait3A_102] : memref<10240x128xf32, #tpu.memory_space<vmem_shared>> -> memref<80x128xf32, #tpu.memory_space<vmem_shared>>
      tpu.wait_dma2 semaphore(%run_scoped3A_93 : memref<!tpu.dma_semaphore, #tpu.memory_space<semaphore_mem>>) src(%dma_wait3A_103 : memref<80x128xf32, #tpu.memory_space<vmem_shared>>) dst(%dma_wait3A_101 : memref<80x128xf32, #tpu.memory_space<hbm>>)
      tpu.yield
    }) : () -> ()
    %add3A_89 = arith.constant 480 : i32
    %add3A_90 = arith.addi %mul3A_6, %add3A_89 : i32
    "tpu.region"() ({
      %run_scoped3A_93 = tpu.sem_alloc : memref<!tpu.dma_semaphore, #tpu.memory_space<semaphore_mem>>
      %dma_start3A_94 = arith.constant 0 : i32
      %dma_start3A_95 = tpu.memref_slice %arg6[%arg0, %add3A_90, %dma_start3A_94] : memref<2x10240x128xf32, #tpu.memory_space<hbm>> -> memref<1x80x128xf32, #tpu.memory_space<hbm>>
      %dma_start3A_96 = tpu.memref_squeeze %dma_start3A_95 : memref<1x80x128xf32, #tpu.memory_space<hbm>> -> memref<80x128xf32, #tpu.memory_space<hbm>>
      %dma_start3A_97 = arith.constant 0 : i32
      %dma_start3A_98 = tpu.memref_slice %arg7[%add3A_90, %dma_start3A_97] : memref<10240x128xf32, #tpu.memory_space<vmem_shared>> -> memref<80x128xf32, #tpu.memory_space<vmem_shared>>
      tpu.enqueue_dma source(%dma_start3A_98 : memref<80x128xf32, #tpu.memory_space<vmem_shared>>) target(%dma_start3A_96 : memref<80x128xf32, #tpu.memory_space<hbm>>) target_semaphore(%run_scoped3A_93 : memref<!tpu.dma_semaphore, #tpu.memory_space<semaphore_mem>>)
      %dma_wait3A_99 = arith.constant 0 : i32
      %dma_wait3A_100 = tpu.memref_slice %arg6[%arg0, %add3A_90, %dma_wait3A_99] : memref<2x10240x128xf32, #tpu.memory_space<hbm>> -> memref<1x80x128xf32, #tpu.memory_space<hbm>>
      %dma_wait3A_101 = tpu.memref_squeeze %dma_wait3A_100 : memref<1x80x128xf32, #tpu.memory_space<hbm>> -> memref<80x128xf32, #tpu.memory_space<hbm>>
      %dma_wait3A_102 = arith.constant 0 : i32
      %dma_wait3A_103 = tpu.memref_slice %arg7[%add3A_90, %dma_wait3A_102] : memref<10240x128xf32, #tpu.memory_space<vmem_shared>> -> memref<80x128xf32, #tpu.memory_space<vmem_shared>>
      tpu.wait_dma2 semaphore(%run_scoped3A_93 : memref<!tpu.dma_semaphore, #tpu.memory_space<semaphore_mem>>) src(%dma_wait3A_103 : memref<80x128xf32, #tpu.memory_space<vmem_shared>>) dst(%dma_wait3A_101 : memref<80x128xf32, #tpu.memory_space<hbm>>)
      tpu.yield
    }) : () -> ()
    %add3A_91 = arith.constant 560 : i32
    %add3A_92 = arith.addi %mul3A_6, %add3A_91 : i32
    "tpu.region"() ({
      %run_scoped3A_93 = tpu.sem_alloc : memref<!tpu.dma_semaphore, #tpu.memory_space<semaphore_mem>>
      %dma_start3A_94 = arith.constant 0 : i32
      %dma_start3A_95 = tpu.memref_slice %arg6[%arg0, %add3A_92, %dma_start3A_94] : memref<2x10240x128xf32, #tpu.memory_space<hbm>> -> memref<1x80x128xf32, #tpu.memory_space<hbm>>
      %dma_start3A_96 = tpu.memref_squeeze %dma_start3A_95 : memref<1x80x128xf32, #tpu.memory_space<hbm>> -> memref<80x128xf32, #tpu.memory_space<hbm>>
      %dma_start3A_97 = arith.constant 0 : i32
      %dma_start3A_98 = tpu.memref_slice %arg7[%add3A_92, %dma_start3A_97] : memref<10240x128xf32, #tpu.memory_space<vmem_shared>> -> memref<80x128xf32, #tpu.memory_space<vmem_shared>>
      tpu.enqueue_dma source(%dma_start3A_98 : memref<80x128xf32, #tpu.memory_space<vmem_shared>>) target(%dma_start3A_96 : memref<80x128xf32, #tpu.memory_space<hbm>>) target_semaphore(%run_scoped3A_93 : memref<!tpu.dma_semaphore, #tpu.memory_space<semaphore_mem>>)
      %dma_wait3A_99 = arith.constant 0 : i32
      %dma_wait3A_100 = tpu.memref_slice %arg6[%arg0, %add3A_92, %dma_wait3A_99] : memref<2x10240x128xf32, #tpu.memory_space<hbm>> -> memref<1x80x128xf32, #tpu.memory_space<hbm>>
      %dma_wait3A_101 = tpu.memref_squeeze %dma_wait3A_100 : memref<1x80x128xf32, #tpu.memory_space<hbm>> -> memref<80x128xf32, #tpu.memory_space<hbm>>
      %dma_wait3A_102 = arith.constant 0 : i32
      %dma_wait3A_103 = tpu.memref_slice %arg7[%add3A_92, %dma_wait3A_102] : memref<10240x128xf32, #tpu.memory_space<vmem_shared>> -> memref<80x128xf32, #tpu.memory_space<vmem_shared>>
      tpu.wait_dma2 semaphore(%run_scoped3A_93 : memref<!tpu.dma_semaphore, #tpu.memory_space<semaphore_mem>>) src(%dma_wait3A_103 : memref<80x128xf32, #tpu.memory_space<vmem_shared>>) dst(%dma_wait3A_101 : memref<80x128xf32, #tpu.memory_space<hbm>>)
      tpu.yield
    }) : () -> ()
    return
  }
}

module attributes {stable_mosaic.version = 14 : i64} {
  func.func @_edge_lin_body(%arg0: i32, %arg1: memref<4000x128xf32, #tpu.memory_space<vmem>>, %arg2: memref<128x128xf32, #tpu.memory_space<vmem>>, %arg3: memref<1x128xf32, #tpu.memory_space<vmem>>, %arg4: memref<4000x128xf32, #tpu.memory_space<vmem>>) attributes {dimension_semantics = [#tpu.dimension_semantics<arbitrary>], iteration_bounds = array<i64: 32>, scalar_prefetch = 0 : i64, scratch_operands = 0 : i64, tpu.core_type = #tpu.core_type<tc>, window_params = [{transform_indices = @transform_0, window_bounds = array<i64: 4000, 128>}, {pipeline_mode = #tpu.pipeline_mode<synchronous>, transform_indices = @transform_1, window_bounds = array<i64: 128, 128>}, {pipeline_mode = #tpu.pipeline_mode<synchronous>, transform_indices = @transform_2, window_bounds = array<i64: 1, 128>}, {transform_indices = @transform_3, window_bounds = array<i64: 4000, 128>}]} {
    %get3A = arith.constant 0 : index
    %get3A_0 = arith.constant 0 : index
    %get3A_1 = vector.load %arg1[%get3A, %get3A_0] : memref<4000x128xf32, #tpu.memory_space<vmem>>, vector<4000x128xf32>
    %convert_element_type3A = arith.truncf %get3A_1 : vector<4000x128xf32> to vector<4000x128xbf16>
    %get3A_2 = arith.constant 0 : index
    %get3A_3 = arith.constant 0 : index
    %get3A_4 = vector.load %arg2[%get3A_2, %get3A_3] : memref<128x128xf32, #tpu.memory_space<vmem>>, vector<128x128xf32>
    %convert_element_type3A_5 = arith.truncf %get3A_4 : vector<128x128xf32> to vector<128x128xbf16>
    %dot_general3A = arith.constant dense<0.000000e+00> : vector<4000x128xf32>
    %dot_general3A_6 = tpu.matmul %convert_element_type3A, %convert_element_type3A_5, %dot_general3A {dimension_numbers = #tpu.dot_dimension_numbers<[1], [0], [0], [1], [0, 0, 1, 1], [], []>, transpose_lhs_hint = false} : vector<4000x128xbf16>, vector<128x128xbf16>, vector<4000x128xf32> -> vector<4000x128xf32>
    %get3A_7 = arith.constant 0 : index
    %get3A_8 = arith.constant 0 : index
    %get3A_9 = vector.load %arg3[%get3A_7, %get3A_8] : memref<1x128xf32, #tpu.memory_space<vmem>>, vector<1x128xf32>
    %add3A = vector.broadcast %get3A_9 : vector<1x128xf32> to vector<4000x128xf32>
    %add3A_10 = arith.addf %dot_general3A_6, %add3A : vector<4000x128xf32>
    %swap3A = arith.constant 0 : index
    %swap3A_11 = arith.constant 0 : index
    %swap3A_12 = vector.load %arg4[%swap3A, %swap3A_11] : memref<4000x128xf32, #tpu.memory_space<vmem>>, vector<4000x128xf32>
    tpu.vector_store %arg4[%swap3A, %swap3A_11], %add3A_10 {strides = array<i32>} : memref<4000x128xf32, #tpu.memory_space<vmem>>, vector<4000x128xf32>,
    return
  }
  func.func @transform_0(%arg0: i32) -> (i32, i32) {
    %add3A = arith.constant 0 : i32
    %add3A_0 = arith.addi %add3A, %arg0 : i32
    %c0_i32 = arith.constant 0 : i32
    %c0_i32_1 = arith.constant 0 : i32
    return %add3A_0, %c0_i32 : i32, i32
  }
  func.func @transform_1(%arg0: i32) -> (i32, i32) {
    %c0_i32 = arith.constant 0 : i32
    %c0_i32_0 = arith.constant 0 : i32
    %c0_i32_1 = arith.constant 0 : i32
    return %c0_i32, %c0_i32_0 : i32, i32
  }
  func.func @transform_2(%arg0: i32) -> (i32, i32) {
    %c0_i32 = arith.constant 0 : i32
    %c0_i32_0 = arith.constant 0 : i32
    %c0_i32_1 = arith.constant 0 : i32
    return %c0_i32, %c0_i32_0 : i32, i32
  }
  func.func @transform_3(%arg0: i32) -> (i32, i32) {
    %c0_i32 = arith.constant 0 : i32
    %c0_i32_0 = arith.constant 0 : i32
    return %arg0, %c0_i32 : i32, i32
  }
}

module attributes {stable_mosaic.version = 14 : i64} {
  func.func @_edge_lin_body(%arg0: i32, %arg1: memref<4000x128xf32, #tpu.memory_space<vmem>>, %arg2: memref<128x128xf32, #tpu.memory_space<vmem>>, %arg3: memref<1x128xf32, #tpu.memory_space<vmem>>, %arg4: memref<4000x128xf32, #tpu.memory_space<vmem>>) attributes {dimension_semantics = [#tpu.dimension_semantics<arbitrary>], iteration_bounds = array<i64: 48>, scalar_prefetch = 0 : i64, scratch_operands = 0 : i64, tpu.core_type = #tpu.core_type<tc>, window_params = [{transform_indices = @transform_0, window_bounds = array<i64: 4000, 128>}, {pipeline_mode = #tpu.pipeline_mode<synchronous>, transform_indices = @transform_1, window_bounds = array<i64: 128, 128>}, {pipeline_mode = #tpu.pipeline_mode<synchronous>, transform_indices = @transform_2, window_bounds = array<i64: 1, 128>}, {transform_indices = @transform_3, window_bounds = array<i64: 4000, 128>}]} {
    %get3A = arith.constant 0 : index
    %get3A_0 = arith.constant 0 : index
    %get3A_1 = vector.load %arg1[%get3A, %get3A_0] : memref<4000x128xf32, #tpu.memory_space<vmem>>, vector<4000x128xf32>
    %convert_element_type3A = arith.truncf %get3A_1 : vector<4000x128xf32> to vector<4000x128xbf16>
    %get3A_2 = arith.constant 0 : index
    %get3A_3 = arith.constant 0 : index
    %get3A_4 = vector.load %arg2[%get3A_2, %get3A_3] : memref<128x128xf32, #tpu.memory_space<vmem>>, vector<128x128xf32>
    %convert_element_type3A_5 = arith.truncf %get3A_4 : vector<128x128xf32> to vector<128x128xbf16>
    %dot_general3A = arith.constant dense<0.000000e+00> : vector<4000x128xf32>
    %dot_general3A_6 = tpu.matmul %convert_element_type3A, %convert_element_type3A_5, %dot_general3A {dimension_numbers = #tpu.dot_dimension_numbers<[1], [0], [0], [1], [0, 0, 1, 1], [], []>, transpose_lhs_hint = false} : vector<4000x128xbf16>, vector<128x128xbf16>, vector<4000x128xf32> -> vector<4000x128xf32>
    %get3A_7 = arith.constant 0 : index
    %get3A_8 = arith.constant 0 : index
    %get3A_9 = vector.load %arg3[%get3A_7, %get3A_8] : memref<1x128xf32, #tpu.memory_space<vmem>>, vector<1x128xf32>
    %add3A = vector.broadcast %get3A_9 : vector<1x128xf32> to vector<4000x128xf32>
    %add3A_10 = arith.addf %dot_general3A_6, %add3A : vector<4000x128xf32>
    %swap3A = arith.constant 0 : index
    %swap3A_11 = arith.constant 0 : index
    %swap3A_12 = vector.load %arg4[%swap3A, %swap3A_11] : memref<4000x128xf32, #tpu.memory_space<vmem>>, vector<4000x128xf32>
    tpu.vector_store %arg4[%swap3A, %swap3A_11], %add3A_10 {strides = array<i32>} : memref<4000x128xf32, #tpu.memory_space<vmem>>, vector<4000x128xf32>,
    return
  }
  func.func @transform_0(%arg0: i32) -> (i32, i32) {
    %add3A = arith.constant 32 : i32
    %add3A_0 = arith.addi %add3A, %arg0 : i32
    %c0_i32 = arith.constant 0 : i32
    %c0_i32_1 = arith.constant 0 : i32
    return %add3A_0, %c0_i32 : i32, i32
  }
  func.func @transform_1(%arg0: i32) -> (i32, i32) {
    %c0_i32 = arith.constant 0 : i32
    %c0_i32_0 = arith.constant 0 : i32
    %c0_i32_1 = arith.constant 0 : i32
    return %c0_i32, %c0_i32_0 : i32, i32
  }
  func.func @transform_2(%arg0: i32) -> (i32, i32) {
    %c0_i32 = arith.constant 0 : i32
    %c0_i32_0 = arith.constant 0 : i32
    %c0_i32_1 = arith.constant 0 : i32
    return %c0_i32, %c0_i32_0 : i32, i32
  }
  func.func @transform_3(%arg0: i32) -> (i32, i32) {
    %c0_i32 = arith.constant 0 : i32
    %c0_i32_0 = arith.constant 0 : i32
    return %arg0, %c0_i32 : i32, i32
  }
}

module attributes {stable_mosaic.version = 14 : i64} {
  func.func @body(%arg0: i32, %arg1: memref<2000x128xf32, #tpu.memory_space<vmem>>, %arg2: memref<2x2000x128xf32, #tpu.memory_space<vmem>>, %arg3: memref<2x2000x128xf32, #tpu.memory_space<vmem>>, %arg4: memref<128x512xf32, #tpu.memory_space<vmem>>, %arg5: memref<512x128xf32, #tpu.memory_space<vmem>>, %arg6: memref<1x128xf32, #tpu.memory_space<vmem>>, %arg7: memref<1x128xf32, #tpu.memory_space<vmem>>, %arg8: memref<2000x128xf32, #tpu.memory_space<vmem>>) attributes {dimension_semantics = [#tpu.dimension_semantics<arbitrary>], iteration_bounds = array<i64: 5>, scalar_prefetch = 0 : i64, scratch_operands = 0 : i64, tpu.core_type = #tpu.core_type<tc>, window_params = [{transform_indices = @transform_0, window_bounds = array<i64: 2000, 128>}, {transform_indices = @transform_1, window_bounds = array<i64: 2, 2000, 128>}, {transform_indices = @transform_2, window_bounds = array<i64: 2, 2000, 128>}, {pipeline_mode = #tpu.pipeline_mode<synchronous>, transform_indices = @transform_3, window_bounds = array<i64: 128, 512>}, {pipeline_mode = #tpu.pipeline_mode<synchronous>, transform_indices = @transform_4, window_bounds = array<i64: 512, 128>}, {pipeline_mode = #tpu.pipeline_mode<synchronous>, transform_indices = @transform_5, window_bounds = array<i64: 1, 128>}, {pipeline_mode = #tpu.pipeline_mode<synchronous>, transform_indices = @transform_6, window_bounds = array<i64: 1, 128>}, {transform_indices = @transform_7, window_bounds = array<i64: 2000, 128>}]} {
    %get3A = arith.constant 0 : index
    %get3A_0 = arith.constant 0 : index
    %get3A_1 = vector.load %arg1[%get3A, %get3A_0] : memref<2000x128xf32, #tpu.memory_space<vmem>>, vector<2000x128xf32>
    %get3A_2 = arith.constant 0 : index
    %get3A_3 = arith.constant 0 : index
    %get3A_4 = arith.constant 0 : index
    %get3A_5 = vector.load %arg2[%get3A_2, %get3A_3, %get3A_4] : memref<2x2000x128xf32, #tpu.memory_space<vmem>>, vector<1x2000x128xf32>
    %get3A_6 = vector.shape_cast %get3A_5 : vector<1x2000x128xf32> to vector<2000x128xf32>
    %add3A = arith.addf %get3A_1, %get3A_6 : vector<2000x128xf32>
    %get3A_7 = arith.constant 1 : index
    %get3A_8 = arith.constant 0 : index
    %get3A_9 = arith.constant 0 : index
    %get3A_10 = vector.load %arg2[%get3A_7, %get3A_8, %get3A_9] : memref<2x2000x128xf32, #tpu.memory_space<vmem>>, vector<1x2000x128xf32>
    %get3A_11 = vector.shape_cast %get3A_10 : vector<1x2000x128xf32> to vector<2000x128xf32>
    %add3A_12 = arith.addf %add3A, %get3A_11 : vector<2000x128xf32>
    %get3A_13 = arith.constant 0 : index
    %get3A_14 = arith.constant 0 : index
    %get3A_15 = arith.constant 0 : index
    %get3A_16 = vector.load %arg3[%get3A_13, %get3A_14, %get3A_15] : memref<2x2000x128xf32, #tpu.memory_space<vmem>>, vector<1x2000x128xf32>
    %get3A_17 = vector.shape_cast %get3A_16 : vector<1x2000x128xf32> to vector<2000x128xf32>
    %add3A_18 = arith.addf %add3A_12, %get3A_17 : vector<2000x128xf32>
    %get3A_19 = arith.constant 1 : index
    %get3A_20 = arith.constant 0 : index
    %get3A_21 = arith.constant 0 : index
    %get3A_22 = vector.load %arg3[%get3A_19, %get3A_20, %get3A_21] : memref<2x2000x128xf32, #tpu.memory_space<vmem>>, vector<1x2000x128xf32>
    %get3A_23 = vector.shape_cast %get3A_22 : vector<1x2000x128xf32> to vector<2000x128xf32>
    %add3A_24 = arith.addf %add3A_18, %get3A_23 : vector<2000x128xf32>
    %convert_element_type3A = arith.truncf %add3A_24 : vector<2000x128xf32> to vector<2000x128xbf16>
    %get3A_25 = arith.constant 0 : index
    %get3A_26 = arith.constant 0 : index
    %get3A_27 = vector.load %arg4[%get3A_25, %get3A_26] : memref<128x512xf32, #tpu.memory_space<vmem>>, vector<128x512xf32>
    %convert_element_type3A_28 = arith.truncf %get3A_27 : vector<128x512xf32> to vector<128x512xbf16>
    %dot_general3A = arith.constant dense<0.000000e+00> : vector<2000x512xf32>
    %dot_general3A_29 = tpu.matmul %convert_element_type3A, %convert_element_type3A_28, %dot_general3A {dimension_numbers = #tpu.dot_dimension_numbers<[1], [0], [0], [1], [0, 0, 1, 1], [], []>, transpose_lhs_hint = false} : vector<2000x128xbf16>, vector<128x512xbf16>, vector<2000x512xf32> -> vector<2000x512xf32>
    %mul3A = arith.constant 5.000000e-01 : f32
    %mul3A_30 = vector.broadcast %mul3A : f32 to vector<2000x512xf32>
    %mul3A_31 = arith.mulf %mul3A_30, %dot_general3A_29 : vector<2000x512xf32>
    %mul3A_32 = arith.constant 0.707106769 : f32
    %mul3A_33 = vector.broadcast %mul3A_32 : f32 to vector<2000x512xf32>
    %mul3A_34 = arith.mulf %dot_general3A_29, %mul3A_33 : vector<2000x512xf32>
    %erf3A = math.erf %mul3A_34 : vector<2000x512xf32>
    %add3A_35 = arith.constant 1.000000e+00 : f32
    %add3A_36 = vector.broadcast %add3A_35 : f32 to vector<2000x512xf32>
    %add3A_37 = arith.addf %add3A_36, %erf3A : vector<2000x512xf32>
    %mul3A_38 = arith.mulf %mul3A_31, %add3A_37 : vector<2000x512xf32>
    %convert_element_type3A_39 = arith.truncf %mul3A_38 : vector<2000x512xf32> to vector<2000x512xbf16>
    %get3A_40 = arith.constant 0 : index
    %get3A_41 = arith.constant 0 : index
    %get3A_42 = vector.load %arg5[%get3A_40, %get3A_41] : memref<512x128xf32, #tpu.memory_space<vmem>>, vector<512x128xf32>
    %convert_element_type3A_43 = arith.truncf %get3A_42 : vector<512x128xf32> to vector<512x128xbf16>
    %dot_general3A_44 = arith.constant dense<0.000000e+00> : vector<2000x128xf32>
    %dot_general3A_45 = tpu.matmul %convert_element_type3A_39, %convert_element_type3A_43, %dot_general3A_44 {dimension_numbers = #tpu.dot_dimension_numbers<[1], [0], [0], [1], [0, 0, 1, 1], [], []>, transpose_lhs_hint = false} : vector<2000x512xbf16>, vector<512x128xbf16>, vector<2000x128xf32> -> vector<2000x128xf32>
    %add3A_46 = arith.addf %get3A_1, %dot_general3A_45 : vector<2000x128xf32>
    %reduce_sum3A = arith.constant dense<0.000000e+00> : vector<2000xf32>
    %reduce_sum3A_47 = vector.multi_reduction <add>, %add3A_46, %reduce_sum3A [1] : vector<2000x128xf32> to vector<2000xf32>
    %broadcast_in_dim3A = vector.shape_cast %reduce_sum3A_47 : vector<2000xf32> to vector<2000x1xf32>
    %div3A = arith.constant 1.280000e+02 : f32
    %div3A_48 = vector.broadcast %div3A : f32 to vector<2000x1xf32>
    %div3A_49 = arith.divf %broadcast_in_dim3A, %div3A_48 : vector<2000x1xf32>
    %sub3A = vector.broadcast %div3A_49 : vector<2000x1xf32> to vector<2000x128xf32>
    %sub3A_50 = arith.subf %add3A_46, %sub3A : vector<2000x128xf32>
    %mul3A_51 = arith.mulf %sub3A_50, %sub3A_50 : vector<2000x128xf32>
    %reduce_sum3A_52 = arith.constant dense<0.000000e+00> : vector<2000xf32>
    %reduce_sum3A_53 = vector.multi_reduction <add>, %mul3A_51, %reduce_sum3A_52 [1] : vector<2000x128xf32> to vector<2000xf32>
    %broadcast_in_dim3A_54 = vector.shape_cast %reduce_sum3A_53 : vector<2000xf32> to vector<2000x1xf32>
    %div3A_55 = arith.constant 1.280000e+02 : f32
    %div3A_56 = vector.broadcast %div3A_55 : f32 to vector<2000x1xf32>
    %div3A_57 = arith.divf %broadcast_in_dim3A_54, %div3A_56 : vector<2000x1xf32>
    %add3A_58 = arith.constant 9.99999974E-6 : f32
    %add3A_59 = vector.broadcast %add3A_58 : f32 to vector<2000x1xf32>
    %add3A_60 = arith.addf %div3A_57, %add3A_59 : vector<2000x1xf32>
    %rsqrt3A = math.rsqrt %add3A_60 : vector<2000x1xf32>
    %mul3A_61 = vector.broadcast %rsqrt3A : vector<2000x1xf32> to vector<2000x128xf32>
    %mul3A_62 = arith.mulf %sub3A_50, %mul3A_61 : vector<2000x128xf32>
    %get3A_63 = arith.constant 0 : index
    %get3A_64 = arith.constant 0 : index
    %get3A_65 = vector.load %arg6[%get3A_63, %get3A_64] : memref<1x128xf32, #tpu.memory_space<vmem>>, vector<1x128xf32>
    %mul3A_66 = vector.broadcast %get3A_65 : vector<1x128xf32> to vector<2000x128xf32>
    %mul3A_67 = arith.mulf %mul3A_62, %mul3A_66 : vector<2000x128xf32>
    %get3A_68 = arith.constant 0 : index
    %get3A_69 = arith.constant 0 : index
    %get3A_70 = vector.load %arg7[%get3A_68, %get3A_69] : memref<1x128xf32, #tpu.memory_space<vmem>>, vector<1x128xf32>
    %add3A_71 = vector.broadcast %get3A_70 : vector<1x128xf32> to vector<2000x128xf32>
    %add3A_72 = arith.addf %mul3A_67, %add3A_71 : vector<2000x128xf32>
    %swap3A = arith.constant 0 : index
    %swap3A_73 = arith.constant 0 : index
    %swap3A_74 = vector.load %arg8[%swap3A, %swap3A_73] : memref<2000x128xf32, #tpu.memory_space<vmem>>, vector<2000x128xf32>
    tpu.vector_store %arg8[%swap3A, %swap3A_73], %add3A_72 {strides = array<i32>} : memref<2000x128xf32, #tpu.memory_space<vmem>>, vector<2000x128xf32>,
    return
  }
  func.func @transform_0(%arg0: i32) -> (i32, i32) {
    %c0_i32 = arith.constant 0 : i32
    %c0_i32_0 = arith.constant 0 : i32
    return %arg0, %c0_i32 : i32, i32
  }
  func.func @transform_1(%arg0: i32) -> (i32, i32, i32) {
    %c0_i32 = arith.constant 0 : i32
    %c0_i32_0 = arith.constant 0 : i32
    %c0_i32_1 = arith.constant 0 : i32
    return %c0_i32, %arg0, %c0_i32_0 : i32, i32, i32
  }
  func.func @transform_2(%arg0: i32) -> (i32, i32, i32) {
    %c0_i32 = arith.constant 0 : i32
    %c0_i32_0 = arith.constant 0 : i32
    %c0_i32_1 = arith.constant 0 : i32
    return %c0_i32, %arg0, %c0_i32_0 : i32, i32, i32
  }
  func.func @transform_3(%arg0: i32) -> (i32, i32) {
    %c0_i32 = arith.constant 0 : i32
    %c0_i32_0 = arith.constant 0 : i32
    %c0_i32_1 = arith.constant 0 : i32
    return %c0_i32, %c0_i32_0 : i32, i32
  }
  func.func @transform_4(%arg0: i32) -> (i32, i32) {
    %c0_i32 = arith.constant 0 : i32
    %c0_i32_0 = arith.constant 0 : i32
    %c0_i32_1 = arith.constant 0 : i32
    return %c0_i32, %c0_i32_0 : i32, i32
  }
  func.func @transform_5(%arg0: i32) -> (i32, i32) {
    %c0_i32 = arith.constant 0 : i32
    %c0_i32_0 = arith.constant 0 : i32
    %c0_i32_1 = arith.constant 0 : i32
    return %c0_i32, %c0_i32_0 : i32, i32
  }
  func.func @transform_6(%arg0: i32) -> (i32, i32) {
    %c0_i32 = arith.constant 0 : i32
    %c0_i32_0 = arith.constant 0 : i32
    %c0_i32_1 = arith.constant 0 : i32
    return %c0_i32, %c0_i32_0 : i32, i32
  }
  func.func @transform_7(%arg0: i32) -> (i32, i32) {
    %c0_i32 = arith.constant 0 : i32
    %c0_i32_0 = arith.constant 0 : i32
    return %arg0, %c0_i32 : i32, i32
  }
}

</mosaic_0001>

<sc_bundles>
// kernel: kernel.10.cloned.1.call-start
scs
__scs_entry_jumppad:
0x0: {  	(pc) =	sbr.rel $0x88, $3  }
0x1: {  	(tag) =	ssettag $0x0;
	lr =	simm.s32 $0x1  }
0x2: {  	[smem:$0x3F98] =	sst lr;
	_ =	strace $0xD0000000  }
0x3: {  	_ = 	snop  }
0x4: {  	_ = 	snop  }
0x5: {  	_ = 	snop  }
0x6: {  	_ = 	snop  }
0x7: {  	_ = 	snop  }
__scs_overlays_trampoline_lowered:
0x8: {  	[smem:$0x3FA7] =	sst s0  }
0x9: {  	[smem:$0x3FA8] =	sst s1  }
0xa: {  	[smem:$0x3FA9] =	sst s2  }
0xb: {  	[smem:$0x3FAA] =	sst s3  }
0xc: {  	[smem:$0x3FAB] =	sst s4  }
0xd: {  	[smem:$0x3FAC] =	sst s5  }
0xe: {  	[smem:$0x3FAD] =	sst s6  }
0xf: {  	[smem:$0x3FAE] =	sst s7  }
0x10: {  	[smem:$0x3FAF] =	sst s8  }
0x11: {  	[smem:$0x3FB0] =	sst s9;
	s0 =	simm.s32 @!p0 $0x0  }
0x12: {  	s1 =	sld [smem:$0x3F96];
	s0 =	simm.s32 @p0 $0x1  }
0x13: {  	[smem:$0x3FB1] =	sst s0;
	s0 =	simm.s32 @!p1 $0x0  }
0x14: {  	s2 =	sld [smem:$0x3F95];
	s0 =	simm.s32 @p1 $0x1  }
0x15: {  	[smem:$0x3FB2] =	sst s0;
	s0 =	simm.s32 @!p2 $0x0  }
0x16: {  	s3 =	sld [smem:$0x3FDB];
	s0 =	simm.s32 @p2 $0x1  }
0x17: {  	s4 =	simm.s32 $0x1BF5;
	[smem:$0x3FB4] =	sst s0  }
0x18: {  	s0 =	sld [smem:$0x3F97];
	_ =	swait.ge [sflag:s4], $0x0  }
0x19: {  	s7 =	sld [smem:$0x3F98]  }
0x1a: {  	s8 =	sadd.s32 $0xFFFFE003, lr  }
0x1b: {  	s9 =	sadd.s32 $0xFFFFFEF7, lr;
	s5 =	simm.s32 $0xFFFFFFFF;
	p2 =	slt.u32 s8, $0xFFFFF086  }
0x1c: {  	p1 =	slt.u32 s9, $0xF7A;
	s5 =	simm.s32 @!p2 $0x0  }
0x1d: {  	s5 =	simm.s32 @p1 $0x1;
	p0 =	seq.s32 s7, s2  }
0x1e: {  	s7 =	smul.u32 @!p0 $0xF7A, s2;
	p2 =	seq.s32 @!p0 s5, $0x0  }
0x1f: {  	s9 =	smul.u32 $0xF7A, s1;
	s8 =	simm.s32 @!p0 $0x1BF5;
	p2 =	por !p2, p0  }
0x20: {  	[sflag:s8] =	ssyncset.s32 @!p0 $0xFFFFF086;
	s6 =	sadd.s32 @!p0 s3, s7;
	s7 =	simm.s32 @!p0 $0x108  }
0x21: {  	s3 =	sadd.s32 s3, s9;
	s6 =	sadd.s32 @!p0 $0x88, s6;
	s7 =	simm.s32 @p2 $0x1082  }
0x22: {  	[simem:s7], [sflag:s8] =	dma.local @!p0 [hbm:s6], $0xF7A  }
0x23: {  	s9 =	sor.u32 $0xD0000000, s2;
	s6 =	simm.s32 $0x108;
	_ =	swait.ge @!p0 [sflag:s8], $0x0  }
0x24: {  	s3 =	sadd.s32 $0x88, s3;
	s6 =	simm.s32 @!p1 $0x1082;
	[sflag:s4] =	ssyncset.s32 $0xFFFFF086  }
0x25: {  	[simem:s6], [sflag:s4] =	dma.local [hbm:s3], $0xF7A  }
0x26: {  	[smem:$0x3F98] =	sst s1;
	(tag) =	ssettag s2;
	_ =	strace s9  }
0x27: {  	s1 =	sld [smem:$0x3FA8]  }
0x28: {  	s2 =	sld [smem:$0x3FA9]  }
0x29: {  	s4 =	sld [smem:$0x3FAB]  }
0x2a: {  	p0 =	seq.s32 s5, $0x0;
	s5 =	sld [smem:$0x3FAC]  }
0x2b: {  	s6 =	sld [smem:$0x3FAD]  }
0x2c: {  	s7 =	sld [smem:$0x3FAE]  }
0x2d: {  	s3 =	simm.s32 $0x108;
	s8 =	sld [smem:$0x3FAF]  }
0x2e: {  	s3 =	simm.s32 @!p0 $0x1082;
	s9 =	sld [smem:$0x3FB0]  }
0x2f: {  	lr =	sadd.s32 s0, s3;
	s0 =	sld [smem:$0x3FA7]  }
0x30: {  	s3 =	sld [smem:$0x3FAA]  }
0x31: {  	[smem:$0x3FB3] =	sst s10  }
0x32: {  	s10 =	sld [smem:$0x3FB1];
	_ =	sdelay $0x3  }
0x33: {  	p0 =	seq.s32 s10, $0x1;
	s10 =	sld [smem:$0x3FB3];
	_ =	sdelay $0x3  }
0x34: {  	[smem:$0x3FB3] =	sst s10  }
0x35: {  	s10 =	sld [smem:$0x3FB2];
	_ =	sdelay $0x3  }
0x36: {  	p1 =	seq.s32 s10, $0x1;
	s10 =	sld [smem:$0x3FB3];
	_ =	sdelay $0x3  }
0x37: {  	[smem:$0x3FB3] =	sst s10  }
0x38: {  	s10 =	sld [smem:$0x3FB4]  }
0x39: {  	_ = 	snop;
	(pc) =	sbr.ind lr, $3  }
0x3a: {  	_ = 	snop  }
0x3b: {  	_ = 	snop  }
0x3c: {  	p2 =	seq.s32 s10, $0x1;
	s10 =	sld [smem:$0x3FB3]  }
0x3d: {  	_ =	shalt  }
0x3e: {  	_ =	shalt  }
0x3f: {  	_ =	shalt  }
0x40: {  	_ =	shalt  }
0x41: {  	_ =	shalt  }
0x42: {  	_ =	shalt  }
0x43: {  	_ =	shalt  }
0x44: {  	_ =	shalt  }
0x45: {  	_ =	shalt  }
0x46: {  	_ =	shalt  }
0x47: {  	_ =	shalt  }
0x48: {  	_ =	shalt  }
0x49: {  	_ =	shalt  }
0x4a: {  	_ =	shalt  }
0x4b: {  	_ =	shalt  }
0x4c: {  	_ =	shalt  }
0x4d: {  	_ =	shalt  }
0x4e: {  	_ =	shalt  }
0x4f: {  	_ =	shalt  }
0x50: {  	_ =	shalt  }
0x51: {  	_ =	shalt  }
0x52: {  	_ =	shalt  }
0x53: {  	_ =	shalt  }
0x54: {  	_ =	shalt  }
0x55: {  	_ =	shalt  }
0x56: {  	_ =	shalt  }
0x57: {  	_ =	shalt  }
0x58: {  	_ =	shalt  }
0x59: {  	_ =	shalt  }
0x5a: {  	_ =	shalt  }
0x5b: {  	_ =	shalt  }
0x5c: {  	_ =	shalt  }
0x5d: {  	_ =	shalt  }
0x5e: {  	_ =	shalt  }
0x5f: {  	_ =	shalt  }
0x60: {  	_ =	shalt  }
0x61: {  	_ =	shalt  }
0x62: {  	_ =	shalt  }
0x63: {  	_ =	shalt  }
0x64: {  	_ =	shalt  }
0x65: {  	_ =	shalt  }
0x66: {  	_ =	shalt  }
0x67: {  	_ =	shalt  }
0x68: {  	_ =	shalt  }
0x69: {  	_ =	shalt  }
0x6a: {  	_ =	shalt  }
0x6b: {  	_ =	shalt  }
0x6c: {  	_ =	shalt  }
0x6d: {  	_ =	shalt  }
0x6e: {  	_ =	shalt  }
0x6f: {  	_ =	shalt  }
0x70: {  	_ =	shalt  }
0x71: {  	_ =	shalt  }
0x72: {  	_ =	shalt  }
0x73: {  	_ =	shalt  }
0x74: {  	_ =	shalt  }
0x75: {  	_ =	shalt  }
0x76: {  	_ =	shalt  }
0x77: {  	_ =	shalt  }
0x78: {  	_ =	shalt  }
0x79: {  	_ =	shalt  }
0x7a: {  	_ =	shalt  }
0x7b: {  	_ =	shalt  }
0x7c: {  	_ =	shalt  }
0x7d: {  	_ =	shalt  }
0x7e: {  	_ =	shalt  }
0x7f: {  	_ =	shalt  }
0x80: {  	_ =	shalt  }
0x81: {  	_ =	shalt  }
0x82: {  	_ =	shalt  }
0x83: {  	_ =	shalt  }
0x84: {  	_ =	shalt  }
0x85: {  	_ =	shalt  }
0x86: {  	_ =	shalt  }
0x87: {  	_ =	shalt  }
.Lfunc_end0:
.L_simem_size_0:
called_computation.1_lowered:
.L_overlay_start_0:
0x88: {  	s2 =	sld [smem:$0x3FD9]  }
0x89: {  	s3 =	sld [smem:$0x3FFE];
	_ =	sdelay $0x1  }
0x8a: {  	s1 =	srdreg.scid  }
0x8b: {  	s0 =	sand.u32 $0x1, s1  }
0x8c: {  	s17 =	sshll.u32 s0, $0xA;
	s2 =	sadd.s32 s3, s2  }
0x8d: {  	s2 =	sadd.s32 s2, s17  }
0x8e: {  	[smem:$0x3FBF] =	sst s2  }
0x8f: {  	_ = 	snop  }
0x90: {  	s2 =	sld [smem:$0x3FC9]  }
0x91: {  	s18 =	sld [smem:$0x3FD0];
	(tm) =	ssettm $0x1  }
0x92: {  	s4 =	sld [smem:$0x3FFB];
	_ =	sdelay $0x3  }
0x93: {  	_ =	strace s4  }
0x94: {  	s4 =	sld [smem:$0x3FFC];
	_ =	sdelay $0x3  }
0x95: {  	_ =	strace s4  }
0x96: {  	s4 =	sld [smem:$0x3FFD];
	_ =	sdelay $0x3  }
0x97: {  	_ =	strace s4  }
0x98: {  	_ =	strace $0x8FFFFFFF  }
0x99: {  	s19 =	sld [smem:$0x3FDB];
	_ =	sdelay $0x1  }
0x9a: {  	s5 =	simm.s32 $_scs_section_size  }
0x9b: {  	s6 =	simm.s32 $_size__tile_overlayer_lowered;
	s7 =	simm.s32 $_tile_overlayer_lowered  }
0x9c: {  	s22 =	simm.s32 $0x1BFF;
	s21 =	sshll.u32 s7, $0x1;
	s4 =	sadd.s32 s5, s19  }
0x9d: {  	s8 =	simm.s32 $0x0;
	s20 =	sshll.u32 s6, $0x1;
	s6 =	sadd.s32 s21, s4  }
0x9e: {  	[timem:s8], [sflag:s22] =	dma.local [hbm:s6], s20  }
0x9f: {  	_ =	swait.ge [sflag:s22], s20  }
0xa0: {  	s5 =	ssub.s32 $0x0, s20;
	[sflag:s22] =	ssyncset.done $0x0  }
0xa1: {  	[sflag:s22] =	ssyncadd.s32 s5;
	_ =	sdelay $0x1  }
0xa2: {  	s23 =	simm.s32 $0x1B8B  }
0xa3: {  	_ =	swait.ge [sflag:s23], $0x1  }
0xa4: {  	[sflag:s23] =	ssyncset.done $0x0  }
0xa5: {  	s25 =	simm.s32 $0x1B8E;
	s24 =	sld [smem:$0x3FFE];
	[sflag:s23] =	ssyncadd.s32 $0xFFFFFFFF  }
0xa6: {  	s26 =	simm.s32 $execute0_lowered;
	[smem:$0x3FD2] =	sst s25  }
0xa7: {  	s6 =	sshll.u32 s26, $0x1;
	_ =	strace $0x80000046;
	[dreg:$0x1] =	wrdreg $0xFFFFFFFF  }
0xa8: {  	s28 =	simm.s32 $_size_execute0_lowered;
	s4 =	sadd.s32 s4, s6;
	[dreg:$0x0] =	wrdreg $0x0  }
0xa9: {  	s6 =	sshll.u32 s28, $0x1;
	[dreg:$0x2] =	wrdreg s4  }
0xaa: {  	[dreg:$0x3] =	wrdreg s6  }
0xab: {  	[dreg:$0x4] =	wrdreg $0xC0  }
0xac: {  	_ =	task [dreg:s8], $0x5FFFF  }
0xad: {  	[dreg:$0x1] =	wrdreg $0xFFFFFFFF  }
0xae: {  	[dreg:$0x0] =	wrdreg $0x60  }
0xaf: {  	[dreg:$0x2] =	wrdreg s2  }
0xb0: {  	[dreg:$0x3] =	wrdreg s24  }
0xb1: {  	[dreg:$0x4] =	wrdreg s18  }
0xb2: {  	[dreg:$0x5] =	wrdreg $0x0  }
0xb3: {  	[dreg:$0x6] =	wrdreg $0xA  }
0xb4: {  	_ =	task.clear_ibuf [dreg:s8], $0x7FFFF;
	_ =	strace $0x90000046  }
0xb5: {  	s29 =	simm.s32 $0xA;
	_ =	strace $0x80000048  }
0xb6: {  	_ =	swait.ge [sflag:s29], $0x1  }
0xb7: {  	[sflag:s29] =	ssyncadd.s32 $0xFFFFFFFF  }
0xb8: {  	_ =	strace $0x90000048  }
0xb9: {  	_ =	sfence  }
0xba: {  	s30 =	sld [smem:$0x0];
	_ =	sdelay $0x2  }
0xbb: {  	s31 =	sshll.u32 s1, $0xD;
	s1 =	sshrl.u32 s1, $0x2  }
0xbc: {  	s3 =	sand.u32 $0x4000, s31;
	s1 =	sadd.s32 s1, s30  }
0xbd: {  	s0 =	sor.u32 s3, s0;
	s1 =	sshll.u32 s1, $0x11  }
0xbe: {  	s0 =	sor.u32 s1, s0  }
0xbf: {  	s0 =	sadd.s32 $0x8F2B, s0  }
0xc0: {  	[sflag:s0] =	ssyncadd.remote.s32 $0x1  }
0xc1: {  	_ =	sfence.sel $0xFFFF  }
0xc2: {  	[dreg:$0x0] =	wrdreg $0xFFFFFFFF;
	(pc) =	sbr.abs _section_cstart, $3  }
0xc3: {  	[dreg:$0x1] =	wrdreg $0xFFFFFFFF  }
0xc4: {  	_ =	task.clear_ibuf [dreg:s8], $0x2FFFF;
	_ =	strace $0x9FFFFFFF  }
0xc5: {  	(tm) =	ssettm $0x7FFFFFFF  }
tec
execute0_lowered:
.L_overlay_start_1:
0x0: {  	(tag) =	ssettag $0x1  }
0x1: {  	s1 =	rddreg [dreg:$0x0]  }
0x2: {  	s0 =	rddreg [dreg:$0x1]  }
0x3: {  	s2 =	rddreg [dreg:$0x2]  }
0x4: {  	s4 =	rddreg [dreg:$0x3]  }
0x5: {  	s3 =	srdreg.scid;
	s5 =	simm.s32 $0x0;
	s20 =	stileid.u32  }
0x6: {  	s28 =	simm.s32 $0x2;
	s29 =	simm.s32 $0x4;
	s30 =	simm.s32 $0x5  }
0x7: {  	s31 =	simm.s32 $0x7;
	s3 =	sand.u32 $0x1, s3;
	s7 =	smul.u32 $0x50000, s20  }
0x8: {  	[smem:$0x7FF] =	sst s5;
	s9 =	smul.u32 $0x14000, s20;
	s6 =	ssub.s32 $0x2, s3  }
0x9: {  	s10 =	sadd.s32 $0x2F9400, s0;
	_ =	strace $0x80000047;
	s8 =	sshrl.u32 s6, $0x1  }
0xa: {  	s11 =	sor.u32 $0x2800, s9;
	s12 =	sadd.s32 $0x5000, s9;
	s13 =	sadd.s32 $0x7800, s9  }
0xb: {  	s16 =	sadd.s32 $0xA000, s9;
	s6 =	ssub.s32 s6, s8;
	s8 =	smul.u32 $0x140000, s3  }
0xc: {  	s17 =	sadd.s32 $0xC800, s9;
	s19 =	sadd.s32 $0xF000, s9;
	s3 =	sshll.u32 s3, $0x4  }
0xd: {  	s14 =	sadd.s32 s9, s8;
	s15 =	sadd.s32 s8, s11;
	s9 =	sadd.s32 $0x11800, s9  }
0xe: {  	s25 =	sadd.s32 s8, s12;
	s26 =	sadd.s32 s8, s13;
	s18 =	sadd.s32 s8, s16  }
0xf: {  	s22 =	sadd.s32 s8, s17;
	s23 =	sadd.s32 s8, s19;
	s19 =	sadd.s32 s19, s4  }
0x10: {  	s14 =	sshrl.u32 s14, $0x3;
	s24 =	sshrl.u32 s15, $0x3;
	s15 =	sshrl.u32 s26, $0x3  }
0x11: {  	s21 =	sshrl.u32 s18, $0x3;
	s8 =	sadd.s32 s8, s9;
	s26 =	sshrl.u32 s7, $0x2  }
0x12: {  	s7 =	sadd.s32 s13, s4;
	[dreg:$0x11] =	wrdreg s19;
	s14 =	sadd.s32 s10, s14  }
0x13: {  	s15 =	sadd.s32 s10, s15;
	s8 =	sshrl.u32 s8, $0x3;
	[dreg:$0xe] =	wrdreg s7  }
0x14: {  	s7 =	simm.s32 $0x8;
	[dreg:$0x5] =	wrdreg s14;
	s14 =	sadd.s32 s10, s24  }
0x15: {  	[dreg:$0x8] =	wrdreg s15;
	s15 =	sshrl.u32 s23, $0x3;
	s8 =	sadd.s32 s10, s8  }
0x16: {  	[dreg:$0x6] =	wrdreg s14;
	s14 =	sshrl.u32 s25, $0x3;
	s24 =	sadd.s32 s10, s15  }
0x17: {  	[dreg:$0xc] =	wrdreg s8;
	s15 =	sadd.s32 $0x1600, s0;
	s25 =	sor.u32 s20, s3  }
0x18: {  	s20 =	sadd.s32 s26, s4;
	s8 =	sadd.s32 s16, s4;
	[dreg:$0xb] =	wrdreg s24  }
0x19: {  	s14 =	sadd.s32 s10, s14;
	s18 =	smul.u32 $0x1770, s25;
	[dreg:$0xf] =	wrdreg s8  }
0x1a: {  	s8 =	simm.s32 $0x1B800;
	[dreg:$0x7] =	wrdreg s14;
	s14 =	sadd.s32 s10, s21  }
0x1b: {  	s21 =	sadd.s32 s11, s4;
	s11 =	sadd.s32 s9, s4;
	s9 =	simm.s32 $0x50  }
0x1c: {  	[dreg:$0x9] =	wrdreg s14;
	s14 =	sshrl.u32 s22, $0x3;
	s22 =	sadd.s32 s12, s4  }
0x1d: {  	s24 =	sadd.s32 $0x1F400, s18;
	[dreg:$0x12] =	wrdreg s11;
	s26 =	sadd.s32 $0x1F450, s18  }
0x1e: {  	s11 =	simm.s32 $0x1;
	s14 =	sadd.s32 s10, s14;
	[dreg:$0xd] =	wrdreg s22  }
0x1f: {  	s10 =	sadd.s32 s17, s4;
	s12 =	sshrl.u32 s24, $0x3;
	[dreg:$0xa] =	wrdreg s14  }
0x20: {  	s16 =	sshrl.u32 s26, $0x3;
	[dreg:$0x10] =	wrdreg s10;
	s13 =	sadd.s32 s15, s12  }
0x21: {  	s14 =	sadd.s32 $0xB400, s0;
	s3 =	sadd.s32 s2, s12;
	[dreg:$0x13] =	wrdreg s13  }
0x22: {  	s0 =	smul.u32 $0x17700, s25;
	s17 =	sadd.s32 s15, s16;
	[dreg:$0x14] =	wrdreg s3  }
0x23: {  	s23 =	sadd.s32 s2, s16;
	s25 =	smax.u32 s6, $0x1;
	[dreg:$0x15] =	wrdreg s17  }
0x24: {  	s6 =	simm.s32 $0x14000;
	s10 =	simm.s32 $0x19000;
	[dreg:$0x16] =	wrdreg s23  }
0x25: {  	s12 =	simm.s32 $0x3;
	[dreg:$0x18] =	wrdreg s25;
	s0 =	sadd.s32 s14, s0  }
0x26: {  	v0 =	vimm.f32 $0.0e+00;
	s13 =	simm.s32 $0x16800;
	s3 =	simm.s32 $0x0;
	[dreg:$0x17] =	wrdreg s0  }
.LBB2_1:
0x27: {  	s0 =	simm.s32 $0x0;
	s16 =	simm.s32 $0x200  }
.LBB2_2:
0x28: {  	p0 =	sne.s32 s16, $0x9E00;
	[tilespmem:s0+$0x14070] =	vst v0  }
0x29: {  	[tilespmem:s0+$0x14000] =	vst v0  }
0x2a: {  	[tilespmem:s0+$0x14010] =	vst v0  }
.Ltmp0:
0x2b: {  	[tilespmem:s0+$0x14020] =	vst v0;
	(pc) =	sbr.rel @p0 .LBB2_2-.Ltmp0, $4  }
0x2c: {  	[tilespmem:s0+$0x14030] =	vst v0  }
0x2d: {  	[tilespmem:s0+$0x14040] =	vst v0  }
0x2e: {  	[tilespmem:s0+$0x14050] =	vst v0  }
0x2f: {  	[tilespmem:s0+$0x14060] =	vst v0;
	s0 =	sshra.s32 s16, $0x2;
	s16 =	sadd.s32 $0x200, s16  }
0x30: {  	[tilespmem:s0+$0x14070] =	vst v0  }
0x31: {  	[tilespmem:s0+$0x14000] =	vst v0  }
0x32: {  	[tilespmem:s0+$0x14010] =	vst v0  }
0x33: {  	[tilespmem:s0+$0x14020] =	vst v0  }
0x34: {  	[tilespmem:s0+$0x14030] =	vst v0  }
0x35: {  	[tilespmem:s0+$0x14040] =	vst v0  }
0x36: {  	[tilespmem:s0+$0x14050] =	vst v0  }
0x37: {  	[tilespmem:s0+$0x14060] =	vst v0  }
0x38: {  	[spmem:s20] =	stream.linear.scatter [tilespmem:s6], [sflag:$0x8], $0x2800, $0x38;
	[tilespmem:$0x1E400] =	vst v63  }
0x39: {  	_ =	swait.ge [sflag:s7], $0x2800  }
0x3a: {  	[sflag:s7] =	ssyncset.done $0x0  }
0x3b: {  	[sflag:s7] =	ssyncadd.s32 $0xFFFFD800  }
0x3c: {  	[spmem:s21] =	stream.linear.scatter [tilespmem:s6], [sflag:$0x8], $0x2800, $0x38;
	[tilespmem:$0x1E400] =	vst v63  }
0x3d: {  	_ =	swait.ge [sflag:s7], $0x2800  }
0x3e: {  	[sflag:s7] =	ssyncset.done $0x0  }
0x3f: {  	[sflag:s7] =	ssyncadd.s32 $0xFFFFD800  }
0x40: {  	[spmem:s22] =	stream.linear.scatter [tilespmem:s6], [sflag:$0x8], $0x2800, $0x38;
	[tilespmem:$0x1E400] =	vst v63  }
0x41: {  	_ =	swait.ge [sflag:s7], $0x2800  }
0x42: {  	[sflag:s7] =	ssyncset.done $0x0  }
0x43: {  	s25 =	smov.u32 s21;
	s21 =	rddreg [dreg:$0xe];
	[sflag:s7] =	ssyncadd.s32 $0xFFFFD800  }
0x44: {  	[spmem:s21] =	stream.linear.scatter [tilespmem:s6], [sflag:$0x8], $0x2800, $0x38;
	[tilespmem:$0x1E400] =	vst v63  }
0x45: {  	_ =	swait.ge [sflag:s7], $0x2800  }
0x46: {  	[sflag:s7] =	ssyncset.done $0x0  }
0x47: {  	s22 =	rddreg [dreg:$0xf];
	[sflag:s7] =	ssyncadd.s32 $0xFFFFD800  }
0x48: {  	[spmem:s22] =	stream.linear.scatter [tilespmem:s6], [sflag:$0x8], $0x2800, $0x38;
	[tilespmem:$0x1E400] =	vst v63  }
0x49: {  	_ =	swait.ge [sflag:s7], $0x2800  }
0x4a: {  	[sflag:s7] =	ssyncset.done $0x0  }
0x4b: {  	s16 =	rddreg [dreg:$0x10];
	[sflag:s7] =	ssyncadd.s32 $0xFFFFD800  }
0x4c: {  	[spmem:s16] =	stream.linear.scatter [tilespmem:s6], [sflag:$0x8], $0x2800, $0x38;
	[tilespmem:$0x1E400] =	vst v63  }
0x4d: {  	_ =	swait.ge [sflag:s7], $0x2800  }
0x4e: {  	[sflag:s7] =	ssyncset.done $0x0  }
0x4f: {  	[sflag:s7] =	ssyncadd.s32 $0xFFFFD800  }
0x50: {  	[spmem:s19] =	stream.linear.scatter [tilespmem:s6], [sflag:$0x8], $0x2800, $0x38;
	[tilespmem:$0x1E400] =	vst v63  }
0x51: {  	_ =	swait.ge [sflag:s7], $0x2800  }
0x52: {  	[sflag:s7] =	ssyncset.done $0x0  }
0x53: {  	s17 =	rddreg [dreg:$0x12];
	[sflag:s7] =	ssyncadd.s32 $0xFFFFD800  }
0x54: {  	[spmem:s17] =	stream.linear.scatter [tilespmem:s6], [sflag:$0x8], $0x2800, $0x38;
	[tilespmem:$0x1E400] =	vst v63  }
0x55: {  	_ =	swait.ge [sflag:s7], $0x2800  }
0x56: {  	[sflag:s7] =	ssyncset.done $0x0  }
0x57: {  	[sflag:s7] =	ssyncadd.s32 $0xFFFFD800  }
0x58: {  	[bflag:$0x0] =	sbarrier.arrive $0xFFFF  }
0x59: {  	s0 =	simm.s32 $0x0;
	s17 =	simm.s32 $0x1E000;
	s16 =	rddreg [dreg:$0x13]  }
0x5a: {  	[tilespmem:s17], [sflag:$0x8] =	stream.linear.gather [hbm4b:s16+s0], $0x50, $0x38;
	[tilespmem:$0x1E400] =	vst v63  }
0x5b: {  	_ =	swait.ge [sflag:s7], $0x50  }
0x5c: {  	s23 =	smov.u32 s20;
	[sflag:s7] =	ssyncset.done $0x0  }
0x5d: {  	s20 =	simm.s32 $0x1E200;
	s19 =	rddreg [dreg:$0x14];
	[sflag:s7] =	ssyncadd.s32 $0xFFFFFFB0  }
0x5e: {  	[tilespmem:s20], [sflag:$0x8] =	stream.linear.gather [hbm4b:s19+s0], $0x50, $0x38;
	[tilespmem:$0x1E400] =	vst v63  }
0x5f: {  	_ =	swait.ge [sflag:s7], $0x50  }
0x60: {  	[sflag:s7] =	ssyncset.done $0x0  }
0x61: {  	s22 =	simm.s32 $0x1E080;
	s21 =	rddreg [dreg:$0x15];
	[sflag:s7] =	ssyncadd.s32 $0xFFFFFFB0  }
0x62: {  	[tilespmem:s22], [sflag:$0x8] =	stream.linear.gather [hbm4b:s21+s0], $0x50, $0x38;
	[tilespmem:$0x1E400] =	vst v63  }
0x63: {  	_ =	swait.ge [sflag:s7], $0x50  }
0x64: {  	[sflag:s7] =	ssyncset.done $0x0  }
0x65: {  	s21 =	simm.s32 $0x1E280;
	s20 =	rddreg [dreg:$0x16];
	[sflag:s7] =	ssyncadd.s32 $0xFFFFFFB0  }
0x66: {  	[tilespmem:s21], [sflag:$0x8] =	stream.linear.gather [hbm4b:s20+s0], $0x50, $0x38;
	[tilespmem:$0x1E400] =	vst v63  }
0x67: {  	_ =	swait.ge [sflag:s7], $0x50  }
0x68: {  	[sflag:s7] =	ssyncset.done $0x0  }
0x69: {  	s22 =	rddreg [dreg:$0x17];
	[sflag:s7] =	ssyncadd.s32 $0xFFFFFFB0  }
0x6a: {  	[tilespmem:s6], [sflag:$0x1] =	stream.linear.gather [hbm4b:s22+s0], $0x2800, $0x38;
	[tilespmem:$0x1E400] =	vst v63  }
0x6b: {  	_ = 	snop  }
0x6c: {  	[tilespmem:s10], [sflag:$0x3] =	stream.indirect.gather [hbm4b:s1+s9], $0x80, s17, s9, $0xb8;
	[tilespmem:$0x1E400] =	vst v63  }
.LBB2_4:
0x6d: {  	_ =	swait.ge [sflag:s11], $0x2800  }
0x6e: {  	[sflag:s11] =	ssyncset.done $0x0  }
0x6f: {  	[sflag:s11] =	ssyncadd.s32 $0xFFFFD800  }
0x70: {  	s17 =	sadd.s32 $0x1, s0;
	_ =	swait.ge [sflag:s12], $0x2800  }
0x71: {  	p0 =	seq.s32 s0, $0x0;
	s16 =	smul.u32 $0xA0, s17;
	[sflag:s12] =	ssyncset.done $0x0  }
0x72: {  	s19 =	simm.s32 @!p0 $0x6;
	s20 =	sshll.u32 s17, $0x8;
	[sflag:s12] =	ssyncadd.s32 $0xFFFFD800  }
0x73: {  	s20 =	sand.u32 $0x100, s20;
	s21 =	sadd.s32 s24, s16;
	_ =	swait.ge @!p0 [sflag:s19], $0x2800  }
0x74: {  	s16 =	sadd.s32 s16, s26;
	s21 =	sshrl.u32 s21, $0x3;
	[sflag:s19] =	ssyncset.done @!p0 $0x0  }
0x75: {  	s22 =	sadd.s32 s15, s21;
	[sflag:s19] =	ssyncadd.s32 @!p0 $0xFFFFD800;
	s19 =	sor.u32 $0x1E000, s20  }
0x76: {  	[tilespmem:s19], [sflag:$0x7] =	stream.linear.gather [hbm4b:s22+s5], $0x50, $0x38;
	[tilespmem:$0x1E400] =	vst v63  }
0x77: {  	s16 =	sshrl.u32 s16, $0x3;
	s21 =	sadd.s32 s2, s21;
	s22 =	sor.u32 $0x1E200, s20  }
0x78: {  	[tilespmem:s22], [sflag:$0x7] =	stream.linear.gather [hbm4b:s21+s5], $0x50, $0x38;
	[tilespmem:$0x1E400] =	vst v63  }
0x79: {  	s19 =	sshll.u32 s0, $0x1;
	s21 =	sor.u32 $0x1E080, s20;
	s22 =	sadd.s32 s15, s16  }
0x7a: {  	[tilespmem:s21], [sflag:$0x7] =	stream.linear.gather [hbm4b:s22+s5], $0x50, $0x38;
	[tilespmem:$0x1E400] =	vst v63  }
0x7b: {  	s21 =	sor.u32 $0x1, s19  }
0x7c: {  	s20 =	sor.u32 $0x1E280, s20;
	s16 =	sadd.s32 s2, s16;
	s22 =	smul.u32 $0x50, s21  }
0x7d: {  	[tilespmem:s20], [sflag:$0x7] =	stream.linear.gather [hbm4b:s16+s5], $0x50, $0x38;
	[tilespmem:$0x1E400] =	vst v63  }
0x7e: {  	s20 =	sadd.s32 s18, s22  }
0x7f: {  	s16 =	sshll.u32 s20, $0x4  }
0x80: {  	s21 =	sshll.u32 s21, $0x7;
	s16 =	sadd.s32 s14, s16  }
0x81: {  	[tilespmem:s13], [sflag:$0x2] =	stream.linear.gather [hbm4b:s16+s5], $0x2800, $0x38;
	[tilespmem:$0x1E400] =	vst v63  }
0x82: {  	s16 =	sand.u32 $0x180, s21  }
0x83: {  	s20 =	simm.s32 $0xF0;
	s22 =	sor.u32 $0x1E000, s16  }
0x84: {  	[tilespmem:s8], [sflag:$0x4] =	stream.indirect.gather [hbm4b:s1+s9], $0x80, s22, s9, $0xb8;
	[tilespmem:$0x1E400] =	vst v63  }
0x85: {  	v7 =	vld [tilespmem:s20+$0x18F10]  }
0x86: {  	v8 =	vld [tilespmem:s20+$0x18F20]  }
0x87: {  	v9 =	vld [tilespmem:s20+$0x18F30]  }
0x88: {  	v10 =	vld [tilespmem:s20+$0x18F40]  }
0x89: {  	v11 =	vld [tilespmem:s20+$0x18F50]  }
0x8a: {  	v12 =	vld [tilespmem:s20+$0x18F60]  }
0x8b: {  	v13 =	vld [tilespmem:s20+$0x18F70]  }
0x8c: {  	v14 =	vld [tilespmem:s20+$0x18F80]  }
0x8d: {  	v15 =	vld [tilespmem:s20+$0x18F90]  }
0x8e: {  	v16 =	vld [tilespmem:s20+$0x18FA0]  }
0x8f: {  	v6 =	vld [tilespmem:s20+$0x18FB0]  }
0x90: {  	v5 =	vld [tilespmem:s20+$0x18FC0]  }
0x91: {  	v4 =	vld [tilespmem:s20+$0x18FD0]  }
0x92: {  	v17 =	vld [tilespmem:s20+$0x13F10]  }
0x93: {  	v18 =	vld [tilespmem:s20+$0x13F20]  }
0x94: {  	v3 =	vld [tilespmem:s20+$0x18FE0]  }
0x95: {  	v19 =	vld [tilespmem:s20+$0x13F30]  }
0x96: {  	v20 =	vld [tilespmem:s20+$0x13F40]  }
0x97: {  	v2 =	vld [tilespmem:s20+$0x18FF0];
	v7 =	vadd.f32 v7, v17  }
0x98: {  	v21 =	vld [tilespmem:s20+$0x13F50];
	v8 =	vadd.f32 v8, v18  }
0x99: {  	v60 =	vld [tilespmem:s20+$0x13F60];
	v7 =	vmax.f32 v7, $0.0e+00  }
0x9a: {  	v1 =	vld [tilespmem:s20+$0x19000];
	v8 =	vmax.f32 v8, $0.0e+00;
	[tilespmem:s20+$0x13F10] =	vst v7;
	v7 =	vadd.f32 v9, v19  }
0x9b: {  	v22 =	vld [tilespmem:s20+$0x13F70];
	[tilespmem:s20+$0x13F20] =	vst v8;
	v8 =	vadd.f32 v10, v20  }
0x9c: {  	v61 =	vld [tilespmem:s20+$0x13F80];
	v7 =	vmax.f32 v7, $0.0e+00  }
0x9d: {  	v62 =	vld [tilespmem:s20+$0x13F90];
	v9 =	vmax.f32 v8, $0.0e+00;
	[tilespmem:s20+$0x13F30] =	vst v7;
	v7 =	vadd.f32 v11, v21  }
0x9e: {  	v63 =	vld [tilespmem:s20+$0x13FA0];
	[tilespmem:s20+$0x13F40] =	vst v9;
	v9 =	vadd.f32 v12, v60  }
0x9f: {  	v8 =	vld [tilespmem:s20+$0x13FB0];
	v10 =	vmax.f32 v7, $0.0e+00  }
0xa0: {  	v7 =	vld [tilespmem:s20+$0x13FC0];
	v11 =	vmax.f32 v9, $0.0e+00;
	[tilespmem:s20+$0x13F50] =	vst v10;
	v10 =	vadd.f32 v13, v22  }
0xa1: {  	v9 =	vld [tilespmem:s20+$0x13FD0];
	[tilespmem:s20+$0x13F60] =	vst v11;
	v11 =	vadd.f32 v14, v61  }
0xa2: {  	v13 =	vadd.f32 v15, v62;
	v12 =	vmax.f32 v10, $0.0e+00;
	v10 =	vld [tilespmem:s20+$0x13FE0]  }
0xa3: {  	s21 =	simm.s32 $0x7C0;
	v14 =	vmax.f32 v11, $0.0e+00;
	v11 =	vld [tilespmem:s20+$0x13FF0];
	[tilespmem:s20+$0x13F70] =	vst v12;
	v12 =	vadd.f32 v16, v63  }
.LBB2_5:
0xa4: {  	s22 =	sshra.s32 s21, $0x2;
	p0 =	sne.s32 s21, $0x9FC0;
	[tilespmem:s20+$0x13F80] =	vst v14;
	v13 =	vmax.f32 v13, $0.0e+00;
	v6 =	vadd.f32 v6, v8;
	v8 =	vld [tilespmem:s20+$0x14000]  }
0xa5: {  	v14 =	vld [tilespmem:s22+$0x18F10];
	[tilespmem:s20+$0x13F90] =	vst v13;
	v12 =	vmax.f32 v12, $0.0e+00;
	v5 =	vadd.f32 v5, v7  }
0xa6: {  	v7 =	vld [tilespmem:s22+$0x18F20];
	[tilespmem:s20+$0x13FA0] =	vst v12;
	v6 =	vmax.f32 v6, $0.0e+00;
	v4 =	vadd.f32 v4, v9  }
0xa7: {  	v9 =	vld [tilespmem:s22+$0x18F30];
	[tilespmem:s20+$0x13FB0] =	vst v6;
	v5 =	vmax.f32 v5, $0.0e+00;
	v3 =	vadd.f32 v3, v10  }
0xa8: {  	v10 =	vld [tilespmem:s22+$0x18F40];
	[tilespmem:s20+$0x13FC0] =	vst v5;
	v4 =	vmax.f32 v4, $0.0e+00;
	v2 =	vadd.f32 v2, v11  }
0xa9: {  	v11 =	vld [tilespmem:s22+$0x18F50];
	[tilespmem:s20+$0x13FD0] =	vst v4;
	v3 =	vmax.f32 v3, $0.0e+00;
	v1 =	vadd.f32 v1, v8  }
0xaa: {  	v8 =	vld [tilespmem:s22+$0x18F60];
	[tilespmem:s20+$0x13FE0] =	vst v3;
	v2 =	vmax.f32 v2, $0.0e+00  }
0xab: {  	v12 =	vld [tilespmem:s22+$0x18F70];
	[tilespmem:s20+$0x13FF0] =	vst v2;
	v1 =	vmax.f32 v1, $0.0e+00  }
0xac: {  	v13 =	vld [tilespmem:s22+$0x18F80];
	[tilespmem:s20+$0x14000] =	vst v1;
	s20 =	smov.u32 s22  }
0xad: {  	v15 =	vld [tilespmem:s20+$0x18F90]  }
0xae: {  	v16 =	vld [tilespmem:s20+$0x18FA0]  }
0xaf: {  	v6 =	vld [tilespmem:s20+$0x18FB0]  }
0xb0: {  	v5 =	vld [tilespmem:s20+$0x18FC0]  }
0xb1: {  	v4 =	vld [tilespmem:s20+$0x18FD0]  }
0xb2: {  	v3 =	vld [tilespmem:s20+$0x18FE0]  }
0xb3: {  	v2 =	vld [tilespmem:s20+$0x18FF0]  }
0xb4: {  	v1 =	vld [tilespmem:s20+$0x19000]  }
0xb5: {  	v17 =	vld [tilespmem:s20+$0x13F10]  }
0xb6: {  	v18 =	vld [tilespmem:s20+$0x13F20]  }
0xb7: {  	v19 =	vld [tilespmem:s20+$0x13F30]  }
0xb8: {  	v20 =	vld [tilespmem:s20+$0x13F40]  }
0xb9: {  	v21 =	vld [tilespmem:s20+$0x13F50]  }
0xba: {  	v14 =	vadd.f32 v14, v17;
	v17 =	vld [tilespmem:s20+$0x13F60]  }
0xbb: {  	v7 =	vadd.f32 v7, v18;
	v18 =	vld [tilespmem:s20+$0x13F70]  }
0xbc: {  	v14 =	vmax.f32 v14, $0.0e+00;
	v9 =	vadd.f32 v9, v19;
	v19 =	vld [tilespmem:s20+$0x13F80]  }
0xbd: {  	[tilespmem:s20+$0x13F10] =	vst v14;
	v7 =	vmax.f32 v7, $0.0e+00;
	v10 =	vadd.f32 v10, v20;
	v14 =	vld [tilespmem:s20+$0x13F90]  }
0xbe: {  	[tilespmem:s20+$0x13F20] =	vst v7;
	v7 =	vmax.f32 v9, $0.0e+00;
	v9 =	vadd.f32 v11, v21;
	v11 =	vld [tilespmem:s20+$0x13FA0]  }
.Ltmp1:
0xbf: {  	[tilespmem:s20+$0x13F30] =	vst v7;
	v7 =	vmax.f32 v10, $0.0e+00;
	v10 =	vadd.f32 v8, v17;
	v8 =	vld [tilespmem:s20+$0x13FB0];
	(pc) =	sbr.rel @p0 .LBB2_5-.Ltmp1, $4  }
0xc0: {  	[tilespmem:s20+$0x13F40] =	vst v7;
	v9 =	vmax.f32 v9, $0.0e+00;
	v12 =	vadd.f32 v12, v18;
	v7 =	vld [tilespmem:s20+$0x13FC0]  }
0xc1: {  	[tilespmem:s20+$0x13F50] =	vst v9;
	v10 =	vmax.f32 v10, $0.0e+00;
	v17 =	vadd.f32 v13, v19;
	v9 =	vld [tilespmem:s20+$0x13FD0]  }
0xc2: {  	[tilespmem:s20+$0x13F60] =	vst v10;
	v12 =	vmax.f32 v12, $0.0e+00;
	v13 =	vadd.f32 v15, v14;
	v10 =	vld [tilespmem:s20+$0x13FE0]  }
0xc3: {  	s21 =	sadd.s32 $0x400, s21;
	[tilespmem:s20+$0x13F70] =	vst v12;
	v14 =	vmax.f32 v17, $0.0e+00;
	v12 =	vadd.f32 v16, v11;
	v11 =	vld [tilespmem:s20+$0x13FF0]  }
0xc4: {  	[tilespmem:s20+$0x13F80] =	vst v14;
	v13 =	vmax.f32 v13, $0.0e+00;
	v6 =	vadd.f32 v6, v8;
	v8 =	vld [tilespmem:s20+$0x14000]  }
0xc5: {  	[tilespmem:s20+$0x13F90] =	vst v13;
	v12 =	vmax.f32 v12, $0.0e+00;
	v5 =	vadd.f32 v5, v7  }
0xc6: {  	[tilespmem:s20+$0x13FA0] =	vst v12;
	v6 =	vmax.f32 v6, $0.0e+00;
	v4 =	vadd.f32 v4, v9  }
0xc7: {  	[tilespmem:s20+$0x13FB0] =	vst v6;
	v5 =	vmax.f32 v5, $0.0e+00;
	v3 =	vadd.f32 v3, v10  }
0xc8: {  	[tilespmem:s20+$0x13FC0] =	vst v5;
	v4 =	vmax.f32 v4, $0.0e+00;
	v2 =	vadd.f32 v2, v11  }
0xc9: {  	[tilespmem:s20+$0x13FD0] =	vst v4;
	v3 =	vmax.f32 v3, $0.0e+00;
	v1 =	vadd.f32 v1, v8  }
0xca: {  	s0 =	sshll.u32 s0, $0x8;
	[tilespmem:s20+$0x13FE0] =	vst v3;
	v2 =	vmax.f32 v2, $0.0e+00  }
0xcb: {  	s0 =	sand.u32 $0x100, s0;
	[tilespmem:s20+$0x13FF0] =	vst v2;
	v1 =	vmax.f32 v1, $0.0e+00  }
0xcc: {  	s0 =	sor.u32 $0x1E200, s0;
	[tilespmem:s20+$0x14000] =	vst v1  }
0xcd: {  	[spmem:s4] =	stream.indirect.scatter.add.f32 [tilespmem:s6], [sflag:$0x5], $0x80, s0, s9, $0xb8;
	[tilespmem:$0x1E400] =	vst v63  }
0xce: {  	_ =	swait.ge [sflag:s28], $0x2800  }
0xcf: {  	[sflag:s28] =	ssyncset.done $0x0  }
0xd0: {  	[sflag:s28] =	ssyncadd.s32 $0xFFFFD800  }
0xd1: {  	_ =	swait.ge [sflag:s29], $0x2800  }
0xd2: {  	[sflag:s29] =	ssyncset.done $0x0  }
0xd3: {  	[sflag:s29] =	ssyncadd.s32 $0xFFFFD800  }
0xd4: {  	_ =	swait.ge [sflag:s30], $0x2800  }
0xd5: {  	[sflag:s30] =	ssyncset.done $0x0  }
0xd6: {  	[sflag:s30] =	ssyncadd.s32 $0xFFFFD800  }
0xd7: {  	_ =	swait.ge [sflag:s31], $0x50  }
0xd8: {  	[sflag:s31] =	ssyncset.done $0x0  }
0xd9: {  	[sflag:s31] =	ssyncadd.s32 $0xFFFFFFB0  }
0xda: {  	_ =	swait.ge [sflag:s31], $0x50  }
0xdb: {  	[sflag:s31] =	ssyncset.done $0x0  }
0xdc: {  	[sflag:s31] =	ssyncadd.s32 $0xFFFFFFB0  }
0xdd: {  	s22 =	sadd.s32 $0x2, s19;
	_ =	swait.ge [sflag:s31], $0x50  }
0xde: {  	s19 =	smul.u32 $0x50, s22;
	[sflag:s31] =	ssyncset.done $0x0  }
0xdf: {  	[sflag:s31] =	ssyncadd.s32 $0xFFFFFFB0  }
0xe0: {  	s19 =	sadd.s32 s18, s19;
	_ =	swait.ge [sflag:s31], $0x50  }
0xe1: {  	s19 =	sshll.u32 s19, $0x4;
	s0 =	sshll.u32 s22, $0x7;
	[sflag:s31] =	ssyncset.done $0x0  }
0xe2: {  	s19 =	sadd.s32 s14, s19;
	s0 =	sand.u32 $0x100, s0;
	[sflag:s31] =	ssyncadd.s32 $0xFFFFFFB0  }
0xe3: {  	[tilespmem:s6], [sflag:$0x1] =	stream.linear.gather [hbm4b:s19+s5], $0x2800, $0x38;
	[tilespmem:$0x1E400] =	vst v63  }
0xe4: {  	s0 =	sor.u32 $0x1E000, s0  }
0xe5: {  	[tilespmem:s10], [sflag:$0x3] =	stream.indirect.gather [hbm4b:s1+s9], $0x80, s0, s9, $0xb8;
	[tilespmem:$0x1E400] =	vst v63  }
0xe6: {  	s0 =	simm.s32 $0xF0  }
0xe7: {  	v7 =	vld [tilespmem:s0+$0x1B710]  }
0xe8: {  	v8 =	vld [tilespmem:s0+$0x1B720]  }
0xe9: {  	v9 =	vld [tilespmem:s0+$0x1B730]  }
0xea: {  	v10 =	vld [tilespmem:s0+$0x1B740]  }
0xeb: {  	v11 =	vld [tilespmem:s0+$0x1B750]  }
0xec: {  	v12 =	vld [tilespmem:s0+$0x1B760]  }
0xed: {  	v13 =	vld [tilespmem:s0+$0x1B770]  }
0xee: {  	v14 =	vld [tilespmem:s0+$0x1B780]  }
0xef: {  	v15 =	vld [tilespmem:s0+$0x1B790]  }
0xf0: {  	v16 =	vld [tilespmem:s0+$0x1B7A0]  }
0xf1: {  	v6 =	vld [tilespmem:s0+$0x1B7B0]  }
0xf2: {  	v5 =	vld [tilespmem:s0+$0x1B7C0]  }
0xf3: {  	v4 =	vld [tilespmem:s0+$0x1B7D0]  }
0xf4: {  	v17 =	vld [tilespmem:s0+$0x16710]  }
0xf5: {  	v18 =	vld [tilespmem:s0+$0x16720]  }
0xf6: {  	v3 =	vld [tilespmem:s0+$0x1B7E0]  }
0xf7: {  	v19 =	vld [tilespmem:s0+$0x16730]  }
0xf8: {  	v20 =	vld [tilespmem:s0+$0x16740]  }
0xf9: {  	v2 =	vld [tilespmem:s0+$0x1B7F0];
	v7 =	vadd.f32 v7, v17  }
0xfa: {  	v21 =	vld [tilespmem:s0+$0x16750];
	v8 =	vadd.f32 v8, v18  }
0xfb: {  	v60 =	vld [tilespmem:s0+$0x16760];
	v7 =	vmax.f32 v7, $0.0e+00  }
0xfc: {  	v1 =	vld [tilespmem:s0+$0x1B800];
	v8 =	vmax.f32 v8, $0.0e+00;
	[tilespmem:s0+$0x16710] =	vst v7;
	v7 =	vadd.f32 v9, v19  }
0xfd: {  	v22 =	vld [tilespmem:s0+$0x16770];
	[tilespmem:s0+$0x16720] =	vst v8;
	v8 =	vadd.f32 v10, v20  }
0xfe: {  	v61 =	vld [tilespmem:s0+$0x16780];
	v7 =	vmax.f32 v7, $0.0e+00  }
0xff: {  	v62 =	vld [tilespmem:s0+$0x16790];
	v9 =	vmax.f32 v8, $0.0e+00;
	[tilespmem:s0+$0x16730] =	vst v7;
	v7 =	vadd.f32 v11, v21  }
0x100: {  	v63 =	vld [tilespmem:s0+$0x167A0];
	[tilespmem:s0+$0x16740] =	vst v9;
	v9 =	vadd.f32 v12, v60  }
0x101: {  	v8 =	vld [tilespmem:s0+$0x167B0];
	v10 =	vmax.f32 v7, $0.0e+00  }
0x102: {  	v7 =	vld [tilespmem:s0+$0x167C0];
	v11 =	vmax.f32 v9, $0.0e+00;
	[tilespmem:s0+$0x16750] =	vst v10;
	v10 =	vadd.f32 v13, v22  }
0x103: {  	v9 =	vld [tilespmem:s0+$0x167D0];
	[tilespmem:s0+$0x16760] =	vst v11;
	v11 =	vadd.f32 v14, v61  }
0x104: {  	v13 =	vadd.f32 v15, v62;
	v12 =	vmax.f32 v10, $0.0e+00;
	v10 =	vld [tilespmem:s0+$0x167E0]  }
0x105: {  	s19 =	simm.s32 $0x7C0;
	v14 =	vmax.f32 v11, $0.0e+00;
	v11 =	vld [tilespmem:s0+$0x167F0];
	[tilespmem:s0+$0x16770] =	vst v12;
	v12 =	vadd.f32 v16, v63  }
.LBB2_7:
0x106: {  	s20 =	sshra.s32 s19, $0x2;
	p0 =	sne.s32 s19, $0x9FC0;
	[tilespmem:s0+$0x16780] =	vst v14;
	v13 =	vmax.f32 v13, $0.0e+00;
	v6 =	vadd.f32 v6, v8;
	v8 =	vld [tilespmem:s0+$0x16800]  }
0x107: {  	v14 =	vld [tilespmem:s20+$0x1B710];
	[tilespmem:s0+$0x16790] =	vst v13;
	v12 =	vmax.f32 v12, $0.0e+00;
	v5 =	vadd.f32 v5, v7  }
0x108: {  	v7 =	vld [tilespmem:s20+$0x1B720];
	[tilespmem:s0+$0x167A0] =	vst v12;
	v6 =	vmax.f32 v6, $0.0e+00;
	v4 =	vadd.f32 v4, v9  }
0x109: {  	v9 =	vld [tilespmem:s20+$0x1B730];
	[tilespmem:s0+$0x167B0] =	vst v6;
	v5 =	vmax.f32 v5, $0.0e+00;
	v3 =	vadd.f32 v3, v10  }
0x10a: {  	v10 =	vld [tilespmem:s20+$0x1B740];
	[tilespmem:s0+$0x167C0] =	vst v5;
	v4 =	vmax.f32 v4, $0.0e+00;
	v2 =	vadd.f32 v2, v11  }
0x10b: {  	v11 =	vld [tilespmem:s20+$0x1B750];
	[tilespmem:s0+$0x167D0] =	vst v4;
	v3 =	vmax.f32 v3, $0.0e+00;
	v1 =	vadd.f32 v1, v8  }
0x10c: {  	v8 =	vld [tilespmem:s20+$0x1B760];
	[tilespmem:s0+$0x167E0] =	vst v3;
	v2 =	vmax.f32 v2, $0.0e+00  }
0x10d: {  	v12 =	vld [tilespmem:s20+$0x1B770];
	[tilespmem:s0+$0x167F0] =	vst v2;
	v1 =	vmax.f32 v1, $0.0e+00  }
0x10e: {  	v13 =	vld [tilespmem:s20+$0x1B780];
	[tilespmem:s0+$0x16800] =	vst v1;
	s0 =	smov.u32 s20  }
0x10f: {  	v15 =	vld [tilespmem:s0+$0x1B790]  }
0x110: {  	v16 =	vld [tilespmem:s0+$0x1B7A0]  }
0x111: {  	v6 =	vld [tilespmem:s0+$0x1B7B0]  }
0x112: {  	v5 =	vld [tilespmem:s0+$0x1B7C0]  }
0x113: {  	v4 =	vld [tilespmem:s0+$0x1B7D0]  }
0x114: {  	v3 =	vld [tilespmem:s0+$0x1B7E0]  }
0x115: {  	v2 =	vld [tilespmem:s0+$0x1B7F0]  }
0x116: {  	v1 =	vld [tilespmem:s0+$0x1B800]  }
0x117: {  	v17 =	vld [tilespmem:s0+$0x16710]  }
0x118: {  	v18 =	vld [tilespmem:s0+$0x16720]  }
0x119: {  	v19 =	vld [tilespmem:s0+$0x16730]  }
0x11a: {  	v20 =	vld [tilespmem:s0+$0x16740]  }
0x11b: {  	v21 =	vld [tilespmem:s0+$0x16750]  }
0x11c: {  	v14 =	vadd.f32 v14, v17;
	v17 =	vld [tilespmem:s0+$0x16760]  }
0x11d: {  	v7 =	vadd.f32 v7, v18;
	v18 =	vld [tilespmem:s0+$0x16770]  }
0x11e: {  	v14 =	vmax.f32 v14, $0.0e+00;
	v9 =	vadd.f32 v9, v19;
	v19 =	vld [tilespmem:s0+$0x16780]  }
0x11f: {  	[tilespmem:s0+$0x16710] =	vst v14;
	v7 =	vmax.f32 v7, $0.0e+00;
	v10 =	vadd.f32 v10, v20;
	v14 =	vld [tilespmem:s0+$0x16790]  }
0x120: {  	[tilespmem:s0+$0x16720] =	vst v7;
	v7 =	vmax.f32 v9, $0.0e+00;
	v9 =	vadd.f32 v11, v21;
	v11 =	vld [tilespmem:s0+$0x167A0]  }
.Ltmp2:
0x121: {  	[tilespmem:s0+$0x16730] =	vst v7;
	v7 =	vmax.f32 v10, $0.0e+00;
	v10 =	vadd.f32 v8, v17;
	v8 =	vld [tilespmem:s0+$0x167B0];
	(pc) =	sbr.rel @p0 .LBB2_7-.Ltmp2, $4  }
0x122: {  	[tilespmem:s0+$0x16740] =	vst v7;
	v9 =	vmax.f32 v9, $0.0e+00;
	v12 =	vadd.f32 v12, v18;
	v7 =	vld [tilespmem:s0+$0x167C0]  }
0x123: {  	[tilespmem:s0+$0x16750] =	vst v9;
	v10 =	vmax.f32 v10, $0.0e+00;
	v17 =	vadd.f32 v13, v19;
	v9 =	vld [tilespmem:s0+$0x167D0]  }
0x124: {  	[tilespmem:s0+$0x16760] =	vst v10;
	v12 =	vmax.f32 v12, $0.0e+00;
	v13 =	vadd.f32 v15, v14;
	v10 =	vld [tilespmem:s0+$0x167E0]  }
0x125: {  	s19 =	sadd.s32 $0x400, s19;
	[tilespmem:s0+$0x16770] =	vst v12;
	v14 =	vmax.f32 v17, $0.0e+00;
	v12 =	vadd.f32 v16, v11;
	v11 =	vld [tilespmem:s0+$0x167F0]  }
0x126: {  	[tilespmem:s0+$0x16780] =	vst v14;
	v13 =	vmax.f32 v13, $0.0e+00;
	v6 =	vadd.f32 v6, v8;
	v63 =	vld [tilespmem:s0+$0x16800]  }
0x127: {  	[tilespmem:s0+$0x16790] =	vst v13;
	v12 =	vmax.f32 v12, $0.0e+00;
	v5 =	vadd.f32 v5, v7  }
0x128: {  	[tilespmem:s0+$0x167A0] =	vst v12;
	v6 =	vmax.f32 v6, $0.0e+00;
	v4 =	vadd.f32 v4, v9  }
0x129: {  	[tilespmem:s0+$0x167B0] =	vst v6;
	v5 =	vmax.f32 v5, $0.0e+00;
	v3 =	vadd.f32 v3, v10  }
0x12a: {  	p0 =	sne.s32 s17, $0x25;
	[tilespmem:s0+$0x167C0] =	vst v5;
	v4 =	vmax.f32 v4, $0.0e+00;
	v2 =	vadd.f32 v2, v11  }
.Ltmp3:
0x12b: {  	[tilespmem:s0+$0x167D0] =	vst v4;
	v3 =	vmax.f32 v3, $0.0e+00;
	v1 =	vadd.f32 v1, v63;
	(pc) =	sbr.rel @p0 .LBB2_4-.Ltmp3, $4  }
0x12c: {  	[tilespmem:s0+$0x167E0] =	vst v3;
	v2 =	vmax.f32 v2, $0.0e+00  }
0x12d: {  	[tilespmem:s0+$0x167F0] =	vst v2;
	v1 =	vmax.f32 v1, $0.0e+00  }
0x12e: {  	s22 =	sor.u32 $0x1E200, s16;
	[tilespmem:s0+$0x16800] =	vst v1;
	s0 =	smov.u32 s17  }
0x12f: {  	[spmem:s4] =	stream.indirect.scatter.add.f32 [tilespmem:s13], [sflag:$0x6], $0x80, s22, s9, $0xb8;
	[tilespmem:$0x1E400] =	vst v63  }
0x130: {  	_ =	swait.ge [sflag:s11], $0x2800  }
0x131: {  	[sflag:s11] =	ssyncset.done $0x0  }
0x132: {  	[sflag:s11] =	ssyncadd.s32 $0xFFFFD800  }
0x133: {  	_ =	swait.ge [sflag:s12], $0x2800  }
0x134: {  	[sflag:s12] =	ssyncset.done $0x0  }
0x135: {  	s0 =	simm.s32 $0x6;
	[sflag:s12] =	ssyncadd.s32 $0xFFFFD800  }
0x136: {  	_ =	swait.ge [sflag:s0], $0x2800  }
0x137: {  	[sflag:s0] =	ssyncset.done $0x0  }
0x138: {  	[sflag:s0] =	ssyncadd.s32 $0xFFFFD800;
	s0 =	simm.s32 $0xF0  }
0x139: {  	v7 =	vld [tilespmem:s0+$0x18F10]  }
0x13a: {  	v8 =	vld [tilespmem:s0+$0x18F20]  }
0x13b: {  	v9 =	vld [tilespmem:s0+$0x18F30]  }
0x13c: {  	v10 =	vld [tilespmem:s0+$0x18F40]  }
0x13d: {  	v11 =	vld [tilespmem:s0+$0x18F50]  }
0x13e: {  	v12 =	vld [tilespmem:s0+$0x18F60]  }
0x13f: {  	v13 =	vld [tilespmem:s0+$0x18F70]  }
0x140: {  	v14 =	vld [tilespmem:s0+$0x18F80]  }
0x141: {  	v15 =	vld [tilespmem:s0+$0x18F90]  }
0x142: {  	v16 =	vld [tilespmem:s0+$0x18FA0]  }
0x143: {  	v6 =	vld [tilespmem:s0+$0x18FB0]  }
0x144: {  	v5 =	vld [tilespmem:s0+$0x18FC0]  }
0x145: {  	v4 =	vld [tilespmem:s0+$0x18FD0]  }
0x146: {  	v17 =	vld [tilespmem:s0+$0x13F10]  }
0x147: {  	v18 =	vld [tilespmem:s0+$0x13F20]  }
0x148: {  	v3 =	vld [tilespmem:s0+$0x18FE0]  }
0x149: {  	v19 =	vld [tilespmem:s0+$0x13F30]  }
0x14a: {  	v20 =	vld [tilespmem:s0+$0x13F40]  }
0x14b: {  	v2 =	vld [tilespmem:s0+$0x18FF0];
	v7 =	vadd.f32 v7, v17  }
0x14c: {  	v21 =	vld [tilespmem:s0+$0x13F50];
	v8 =	vadd.f32 v8, v18  }
0x14d: {  	v60 =	vld [tilespmem:s0+$0x13F60];
	v7 =	vmax.f32 v7, $0.0e+00  }
0x14e: {  	v1 =	vld [tilespmem:s0+$0x19000];
	v8 =	vmax.f32 v8, $0.0e+00;
	[tilespmem:s0+$0x13F10] =	vst v7;
	v7 =	vadd.f32 v9, v19  }
0x14f: {  	v22 =	vld [tilespmem:s0+$0x13F70];
	[tilespmem:s0+$0x13F20] =	vst v8;
	v8 =	vadd.f32 v10, v20  }
0x150: {  	v61 =	vld [tilespmem:s0+$0x13F80];
	v7 =	vmax.f32 v7, $0.0e+00  }
0x151: {  	v62 =	vld [tilespmem:s0+$0x13F90];
	v9 =	vmax.f32 v8, $0.0e+00;
	[tilespmem:s0+$0x13F30] =	vst v7;
	v7 =	vadd.f32 v11, v21  }
0x152: {  	v63 =	vld [tilespmem:s0+$0x13FA0];
	[tilespmem:s0+$0x13F40] =	vst v9;
	v9 =	vadd.f32 v12, v60  }
0x153: {  	v8 =	vld [tilespmem:s0+$0x13FB0];
	v10 =	vmax.f32 v7, $0.0e+00  }
0x154: {  	v7 =	vld [tilespmem:s0+$0x13FC0];
	v11 =	vmax.f32 v9, $0.0e+00;
	[tilespmem:s0+$0x13F50] =	vst v10;
	v10 =	vadd.f32 v13, v22  }
0x155: {  	v9 =	vld [tilespmem:s0+$0x13FD0];
	[tilespmem:s0+$0x13F60] =	vst v11;
	v11 =	vadd.f32 v14, v61  }
0x156: {  	v13 =	vadd.f32 v15, v62;
	v12 =	vmax.f32 v10, $0.0e+00;
	v10 =	vld [tilespmem:s0+$0x13FE0]  }
0x157: {  	s16 =	simm.s32 $0x7C0;
	v14 =	vmax.f32 v11, $0.0e+00;
	v11 =	vld [tilespmem:s0+$0x13FF0];
	[tilespmem:s0+$0x13F70] =	vst v12;
	v12 =	vadd.f32 v16, v63  }
.LBB2_10:
0x158: {  	s17 =	sshra.s32 s16, $0x2;
	p0 =	sne.s32 s16, $0x9FC0;
	[tilespmem:s0+$0x13F80] =	vst v14;
	v13 =	vmax.f32 v13, $0.0e+00;
	v6 =	vadd.f32 v6, v8;
	v8 =	vld [tilespmem:s0+$0x14000]  }
0x159: {  	v14 =	vld [tilespmem:s17+$0x18F10];
	[tilespmem:s0+$0x13F90] =	vst v13;
	v12 =	vmax.f32 v12, $0.0e+00;
	v5 =	vadd.f32 v5, v7  }
0x15a: {  	v7 =	vld [tilespmem:s17+$0x18F20];
	[tilespmem:s0+$0x13FA0] =	vst v12;
	v6 =	vmax.f32 v6, $0.0e+00;
	v4 =	vadd.f32 v4, v9  }
0x15b: {  	v9 =	vld [tilespmem:s17+$0x18F30];
	[tilespmem:s0+$0x13FB0] =	vst v6;
	v5 =	vmax.f32 v5, $0.0e+00;
	v3 =	vadd.f32 v3, v10  }
0x15c: {  	v10 =	vld [tilespmem:s17+$0x18F40];
	[tilespmem:s0+$0x13FC0] =	vst v5;
	v4 =	vmax.f32 v4, $0.0e+00;
	v2 =	vadd.f32 v2, v11  }
0x15d: {  	v11 =	vld [tilespmem:s17+$0x18F50];
	[tilespmem:s0+$0x13FD0] =	vst v4;
	v3 =	vmax.f32 v3, $0.0e+00;
	v1 =	vadd.f32 v1, v8  }
0x15e: {  	v8 =	vld [tilespmem:s17+$0x18F60];
	[tilespmem:s0+$0x13FE0] =	vst v3;
	v2 =	vmax.f32 v2, $0.0e+00  }
0x15f: {  	v12 =	vld [tilespmem:s17+$0x18F70];
	[tilespmem:s0+$0x13FF0] =	vst v2;
	v1 =	vmax.f32 v1, $0.0e+00  }
0x160: {  	v13 =	vld [tilespmem:s17+$0x18F80];
	[tilespmem:s0+$0x14000] =	vst v1;
	s0 =	smov.u32 s17  }
0x161: {  	v15 =	vld [tilespmem:s0+$0x18F90]  }
0x162: {  	v16 =	vld [tilespmem:s0+$0x18FA0]  }
0x163: {  	v6 =	vld [tilespmem:s0+$0x18FB0]  }
0x164: {  	v5 =	vld [tilespmem:s0+$0x18FC0]  }
0x165: {  	v4 =	vld [tilespmem:s0+$0x18FD0]  }
0x166: {  	v3 =	vld [tilespmem:s0+$0x18FE0]  }
0x167: {  	v2 =	vld [tilespmem:s0+$0x18FF0]  }
0x168: {  	v1 =	vld [tilespmem:s0+$0x19000]  }
0x169: {  	v17 =	vld [tilespmem:s0+$0x13F10]  }
0x16a: {  	v18 =	vld [tilespmem:s0+$0x13F20]  }
0x16b: {  	v19 =	vld [tilespmem:s0+$0x13F30]  }
0x16c: {  	v20 =	vld [tilespmem:s0+$0x13F40]  }
0x16d: {  	v21 =	vld [tilespmem:s0+$0x13F50]  }
0x16e: {  	v14 =	vadd.f32 v14, v17;
	v17 =	vld [tilespmem:s0+$0x13F60]  }
0x16f: {  	v7 =	vadd.f32 v7, v18;
	v18 =	vld [tilespmem:s0+$0x13F70]  }
0x170: {  	v14 =	vmax.f32 v14, $0.0e+00;
	v9 =	vadd.f32 v9, v19;
	v19 =	vld [tilespmem:s0+$0x13F80]  }
0x171: {  	[tilespmem:s0+$0x13F10] =	vst v14;
	v7 =	vmax.f32 v7, $0.0e+00;
	v10 =	vadd.f32 v10, v20;
	v14 =	vld [tilespmem:s0+$0x13F90]  }
0x172: {  	[tilespmem:s0+$0x13F20] =	vst v7;
	v7 =	vmax.f32 v9, $0.0e+00;
	v9 =	vadd.f32 v11, v21;
	v11 =	vld [tilespmem:s0+$0x13FA0]  }
.Ltmp4:
0x173: {  	[tilespmem:s0+$0x13F30] =	vst v7;
	v7 =	vmax.f32 v10, $0.0e+00;
	v10 =	vadd.f32 v8, v17;
	v8 =	vld [tilespmem:s0+$0x13FB0];
	(pc) =	sbr.rel @p0 .LBB2_10-.Ltmp4, $4  }
0x174: {  	[tilespmem:s0+$0x13F40] =	vst v7;
	v9 =	vmax.f32 v9, $0.0e+00;
	v12 =	vadd.f32 v12, v18;
	v7 =	vld [tilespmem:s0+$0x13FC0]  }
0x175: {  	[tilespmem:s0+$0x13F50] =	vst v9;
	v10 =	vmax.f32 v10, $0.0e+00;
	v17 =	vadd.f32 v13, v19;
	v9 =	vld [tilespmem:s0+$0x13FD0]  }
0x176: {  	[tilespmem:s0+$0x13F60] =	vst v10;
	v12 =	vmax.f32 v12, $0.0e+00;
	v13 =	vadd.f32 v15, v14;
	v10 =	vld [tilespmem:s0+$0x13FE0]  }
0x177: {  	s16 =	sadd.s32 $0x400, s16;
	[tilespmem:s0+$0x13F70] =	vst v12;
	v14 =	vmax.f32 v17, $0.0e+00;
	v12 =	vadd.f32 v16, v11;
	v11 =	vld [tilespmem:s0+$0x13FF0]  }
0x178: {  	[tilespmem:s0+$0x13F80] =	vst v14;
	v13 =	vmax.f32 v13, $0.0e+00;
	v6 =	vadd.f32 v6, v8;
	v63 =	vld [tilespmem:s0+$0x14000]  }
0x179: {  	[tilespmem:s0+$0x13F90] =	vst v13;
	v12 =	vmax.f32 v12, $0.0e+00;
	v5 =	vadd.f32 v5, v7  }
0x17a: {  	[tilespmem:s0+$0x13FA0] =	vst v12;
	v6 =	vmax.f32 v6, $0.0e+00;
	v4 =	vadd.f32 v4, v9  }
0x17b: {  	[tilespmem:s0+$0x13FB0] =	vst v6;
	v5 =	vmax.f32 v5, $0.0e+00;
	v3 =	vadd.f32 v3, v10  }
0x17c: {  	[tilespmem:s0+$0x13FC0] =	vst v5;
	v4 =	vmax.f32 v4, $0.0e+00;
	v2 =	vadd.f32 v2, v11  }
0x17d: {  	[tilespmem:s0+$0x13FD0] =	vst v4;
	v3 =	vmax.f32 v3, $0.0e+00;
	v1 =	vadd.f32 v1, v63  }
0x17e: {  	[tilespmem:s0+$0x13FE0] =	vst v3;
	v2 =	vmax.f32 v2, $0.0e+00  }
0x17f: {  	[tilespmem:s0+$0x13FF0] =	vst v2;
	v1 =	vmax.f32 v1, $0.0e+00  }
0x180: {  	s16 =	simm.s32 $0x1E300;
	[tilespmem:s0+$0x14000] =	vst v1  }
0x181: {  	[spmem:s4] =	stream.indirect.scatter.add.f32 [tilespmem:s6], [sflag:$0x8], $0x80, s16, s9, $0xb8;
	[tilespmem:$0x1E400] =	vst v63  }
0x182: {  	_ =	swait.ge [sflag:s7], $0x2800  }
0x183: {  	[sflag:s7] =	ssyncset.done $0x0  }
0x184: {  	s17 =	stileid.u32;
	[sflag:s7] =	ssyncadd.s32 $0xFFFFD800  }
0x185: {  	s0 =	sshll.u32 s17, $0x6;
	[bflag:$0x0] =	sbarrier.arrive $0xFFFF  }
0x186: {  	s0 =	sor.u32 $0x1C08, s0;
	s16 =	sshrl.u32 s23, $0x3;
	s17 =	rddreg [dreg:$0x5]  }
0x187: {  	[hbm:s17], [sflag:s0] =	dma.local [spmem:s16], $0x500  }
0x188: {  	_ =	swait.ge [sflag:s7], $0x500  }
0x189: {  	[sflag:s7] =	ssyncset.done $0x0  }
0x18a: {  	s19 =	sshrl.u32 s25, $0x3;
	s22 =	rddreg [dreg:$0x6];
	[sflag:s7] =	ssyncadd.s32 $0xFFFFFB00  }
0x18b: {  	[hbm:s22], [sflag:s0] =	dma.local [spmem:s19], $0x500  }
0x18c: {  	s20 =	smov.u32 s23;
	_ =	swait.ge [sflag:s7], $0x500  }
0x18d: {  	s21 =	smov.u32 s25;
	[sflag:s7] =	ssyncset.done $0x0;
	s22 =	rddreg [dreg:$0xd]  }
0x18e: {  	s25 =	rddreg [dreg:$0x7];
	[sflag:s7] =	ssyncadd.s32 $0xFFFFFB00;
	s23 =	sshrl.u32 s22, $0x3  }
0x18f: {  	[hbm:s25], [sflag:s0] =	dma.local [spmem:s23], $0x500  }
0x190: {  	_ =	swait.ge [sflag:s7], $0x500  }
0x191: {  	[sflag:s7] =	ssyncset.done $0x0;
	s17 =	rddreg [dreg:$0xe]  }
0x192: {  	s19 =	rddreg [dreg:$0x8];
	[sflag:s7] =	ssyncadd.s32 $0xFFFFFB00;
	s16 =	sshrl.u32 s17, $0x3  }
0x193: {  	[hbm:s19], [sflag:s0] =	dma.local [spmem:s16], $0x500  }
0x194: {  	_ =	swait.ge [sflag:s7], $0x500  }
0x195: {  	[sflag:s7] =	ssyncset.done $0x0;
	s23 =	rddreg [dreg:$0xf]  }
0x196: {  	s25 =	rddreg [dreg:$0x9];
	[sflag:s7] =	ssyncadd.s32 $0xFFFFFB00;
	s16 =	sshrl.u32 s23, $0x3  }
0x197: {  	[hbm:s25], [sflag:s0] =	dma.local [spmem:s16], $0x500  }
0x198: {  	_ =	swait.ge [sflag:s7], $0x500  }
0x199: {  	[sflag:s7] =	ssyncset.done $0x0;
	s17 =	rddreg [dreg:$0x10]  }
0x19a: {  	s19 =	rddreg [dreg:$0xa];
	[sflag:s7] =	ssyncadd.s32 $0xFFFFFB00;
	s16 =	sshrl.u32 s17, $0x3  }
0x19b: {  	[hbm:s19], [sflag:s0] =	dma.local [spmem:s16], $0x500  }
0x19c: {  	_ =	swait.ge [sflag:s7], $0x500  }
0x19d: {  	[sflag:s7] =	ssyncset.done $0x0;
	s19 =	rddreg [dreg:$0x11]  }
0x19e: {  	s25 =	rddreg [dreg:$0xb];
	[sflag:s7] =	ssyncadd.s32 $0xFFFFFB00;
	s23 =	sshrl.u32 s19, $0x3  }
0x19f: {  	[hbm:s25], [sflag:s0] =	dma.local [spmem:s23], $0x500  }
0x1a0: {  	_ =	swait.ge [sflag:s7], $0x500  }
0x1a1: {  	[sflag:s7] =	ssyncset.done $0x0;
	s17 =	rddreg [dreg:$0x12]  }
0x1a2: {  	s23 =	rddreg [dreg:$0xc];
	[sflag:s7] =	ssyncadd.s32 $0xFFFFFB00;
	s16 =	sshrl.u32 s17, $0x3  }
0x1a3: {  	[hbm:s23], [sflag:s0] =	dma.local [spmem:s16], $0x500  }
0x1a4: {  	_ =	swait.ge [sflag:s7], $0x500  }
0x1a5: {  	s3 =	sadd.s32 $0x1, s3;
	s25 =	rddreg [dreg:$0x18]  }
0x1a6: {  	p0 =	sne.s32 s3, s25  }
.Ltmp5:
0x1a7: {  	_ = 	snop;
	(pc) =	sbr.rel @p0 .LBB2_1-.Ltmp5, $3  }
0x1a8: {  	_ =	sdelay $0x1  }
0x1a9: {  	[sflag:s7] =	ssyncset.done $0x0  }
0x1aa: {  	[sflag:s7] =	ssyncadd.s32 $0xFFFFFB00  }
0x1ab: {  	_ =	sfence.sel $0x180000  }
0x1ac: {  	[bflag:$0x0] =	sbarrier.arrive $0xFFFF  }
0x1ad: {  	_ =	strace $0x90000047  }
0x1ae: {  	s0 =	stileid.u32;
	[bflag:$0x2] =	sbarrier.arrive $0xFFFF  }
0x1af: {  	p0 =	sne.s32 s0, $0x0;
	s0 =	rddreg [dreg:$0x4]  }
0x1b0: {  	s0 =	sadd.s32 @!p0 $0x100000, s0  }
0x1b1: {  	[sflag:s0] =	ssyncadd.tile.s32 @!p0 $0x1;
	_ =	shalt  }
.Lfunc_end2:
_tile_overlayer_lowered:
.L_overlay_start_2:
0x1b2: {  	(tag) =	ssettag $0x2  }
0x1b3: {  	s0 =	rddreg [dreg:$0x0];
	s2 =	stileid.u32  }
0x1b4: {  	s1 =	rddreg [dreg:$0x1];
	p0 =	sne.s32 s2, $0x0  }
0x1b5: {  	s3 =	rddreg [dreg:$0x2];
	[bflag:$0x3] =	sbarrier.arrive $0xFFFF;
	s2 =	simm.s32 @!p0 $0x1C08  }
0x1b6: {  	[timem:s3], [sflag:s2] =	dma.local @!p0 [hbm:s0], s1  }
0x1b7: {  	s0 =	simm.s32 @!p0 $0x8  }
0x1b8: {  	_ =	swait.ge @!p0 [sflag:s0], s1  }
0x1b9: {  	s1 =	ssub.s32 @!p0 $0x0, s1;
	[sflag:s0] =	ssyncset.done @!p0 $0x0  }
0x1ba: {  	[sflag:s0] =	ssyncadd.s32 @!p0 s1  }
0x1bb: {  	[bflag:$0x3] =	sbarrier.arrive $0xFFFF  }
0x1bc: {  	_ =	shalt  }

// kernel: kernel.7.cloned.1.call-start
scs
__scs_entry_jumppad:
0x0: {  	(pc) =	sbr.rel $0x88, $3  }
0x1: {  	(tag) =	ssettag $0x0;
	lr =	simm.s32 $0x1  }
0x2: {  	[smem:$0x3F98] =	sst lr;
	_ =	strace $0xD0000000  }
0x3: {  	_ = 	snop  }
0x4: {  	_ = 	snop  }
0x5: {  	_ = 	snop  }
0x6: {  	_ = 	snop  }
0x7: {  	_ = 	snop  }
__scs_overlays_trampoline_lowered:
0x8: {  	[smem:$0x3FA7] =	sst s0  }
0x9: {  	[smem:$0x3FA8] =	sst s1  }
0xa: {  	[smem:$0x3FA9] =	sst s2  }
0xb: {  	[smem:$0x3FAA] =	sst s3  }
0xc: {  	[smem:$0x3FAB] =	sst s4  }
0xd: {  	[smem:$0x3FAC] =	sst s5  }
0xe: {  	[smem:$0x3FAD] =	sst s6  }
0xf: {  	[smem:$0x3FAE] =	sst s7  }
0x10: {  	[smem:$0x3FAF] =	sst s8  }
0x11: {  	[smem:$0x3FB0] =	sst s9;
	s0 =	simm.s32 @!p0 $0x0  }
0x12: {  	s1 =	sld [smem:$0x3F96];
	s0 =	simm.s32 @p0 $0x1  }
0x13: {  	[smem:$0x3FB1] =	sst s0;
	s0 =	simm.s32 @!p1 $0x0  }
0x14: {  	s2 =	sld [smem:$0x3F95];
	s0 =	simm.s32 @p1 $0x1  }
0x15: {  	[smem:$0x3FB2] =	sst s0;
	s0 =	simm.s32 @!p2 $0x0  }
0x16: {  	s3 =	sld [smem:$0x3FDB];
	s0 =	simm.s32 @p2 $0x1  }
0x17: {  	s4 =	simm.s32 $0x1BF5;
	[smem:$0x3FB4] =	sst s0  }
0x18: {  	s0 =	sld [smem:$0x3F97];
	_ =	swait.ge [sflag:s4], $0x0  }
0x19: {  	s7 =	sld [smem:$0x3F98]  }
0x1a: {  	s8 =	sadd.s32 $0xFFFFE003, lr  }
0x1b: {  	s9 =	sadd.s32 $0xFFFFFEF7, lr;
	s5 =	simm.s32 $0xFFFFFFFF;
	p2 =	slt.u32 s8, $0xFFFFF086  }
0x1c: {  	p1 =	slt.u32 s9, $0xF7A;
	s5 =	simm.s32 @!p2 $0x0  }
0x1d: {  	s5 =	simm.s32 @p1 $0x1;
	p0 =	seq.s32 s7, s2  }
0x1e: {  	s7 =	smul.u32 @!p0 $0xF7A, s2;
	p2 =	seq.s32 @!p0 s5, $0x0  }
0x1f: {  	s9 =	smul.u32 $0xF7A, s1;
	s8 =	simm.s32 @!p0 $0x1BF5;
	p2 =	por !p2, p0  }
0x20: {  	[sflag:s8] =	ssyncset.s32 @!p0 $0xFFFFF086;
	s6 =	sadd.s32 @!p0 s3, s7;
	s7 =	simm.s32 @!p0 $0x108  }
0x21: {  	s3 =	sadd.s32 s3, s9;
	s6 =	sadd.s32 @!p0 $0x88, s6;
	s7 =	simm.s32 @p2 $0x1082  }
0x22: {  	[simem:s7], [sflag:s8] =	dma.local @!p0 [hbm:s6], $0xF7A  }
0x23: {  	s9 =	sor.u32 $0xD0000000, s2;
	s6 =	simm.s32 $0x108;
	_ =	swait.ge @!p0 [sflag:s8], $0x0  }
0x24: {  	s3 =	sadd.s32 $0x88, s3;
	s6 =	simm.s32 @!p1 $0x1082;
	[sflag:s4] =	ssyncset.s32 $0xFFFFF086  }
0x25: {  	[simem:s6], [sflag:s4] =	dma.local [hbm:s3], $0xF7A  }
0x26: {  	[smem:$0x3F98] =	sst s1;
	(tag) =	ssettag s2;
	_ =	strace s9  }
0x27: {  	s1 =	sld [smem:$0x3FA8]  }
0x28: {  	s2 =	sld [smem:$0x3FA9]  }
0x29: {  	s4 =	sld [smem:$0x3FAB]  }
0x2a: {  	p0 =	seq.s32 s5, $0x0;
	s5 =	sld [smem:$0x3FAC]  }
0x2b: {  	s6 =	sld [smem:$0x3FAD]  }
0x2c: {  	s7 =	sld [smem:$0x3FAE]  }
0x2d: {  	s3 =	simm.s32 $0x108;
	s8 =	sld [smem:$0x3FAF]  }
0x2e: {  	s3 =	simm.s32 @!p0 $0x1082;
	s9 =	sld [smem:$0x3FB0]  }
0x2f: {  	lr =	sadd.s32 s0, s3;
	s0 =	sld [smem:$0x3FA7]  }
0x30: {  	s3 =	sld [smem:$0x3FAA]  }
0x31: {  	[smem:$0x3FB3] =	sst s10  }
0x32: {  	s10 =	sld [smem:$0x3FB1];
	_ =	sdelay $0x3  }
0x33: {  	p0 =	seq.s32 s10, $0x1;
	s10 =	sld [smem:$0x3FB3];
	_ =	sdelay $0x3  }
0x34: {  	[smem:$0x3FB3] =	sst s10  }
0x35: {  	s10 =	sld [smem:$0x3FB2];
	_ =	sdelay $0x3  }
0x36: {  	p1 =	seq.s32 s10, $0x1;
	s10 =	sld [smem:$0x3FB3];
	_ =	sdelay $0x3  }
0x37: {  	[smem:$0x3FB3] =	sst s10  }
0x38: {  	s10 =	sld [smem:$0x3FB4]  }
0x39: {  	_ = 	snop;
	(pc) =	sbr.ind lr, $3  }
0x3a: {  	_ = 	snop  }
0x3b: {  	_ = 	snop  }
0x3c: {  	p2 =	seq.s32 s10, $0x1;
	s10 =	sld [smem:$0x3FB3]  }
0x3d: {  	_ =	shalt  }
0x3e: {  	_ =	shalt  }
0x3f: {  	_ =	shalt  }
0x40: {  	_ =	shalt  }
0x41: {  	_ =	shalt  }
0x42: {  	_ =	shalt  }
0x43: {  	_ =	shalt  }
0x44: {  	_ =	shalt  }
0x45: {  	_ =	shalt  }
0x46: {  	_ =	shalt  }
0x47: {  	_ =	shalt  }
0x48: {  	_ =	shalt  }
0x49: {  	_ =	shalt  }
0x4a: {  	_ =	shalt  }
0x4b: {  	_ =	shalt  }
0x4c: {  	_ =	shalt  }
0x4d: {  	_ =	shalt  }
0x4e: {  	_ =	shalt  }
0x4f: {  	_ =	shalt  }
0x50: {  	_ =	shalt  }
0x51: {  	_ =	shalt  }
0x52: {  	_ =	shalt  }
0x53: {  	_ =	shalt  }
0x54: {  	_ =	shalt  }
0x55: {  	_ =	shalt  }
0x56: {  	_ =	shalt  }
0x57: {  	_ =	shalt  }
0x58: {  	_ =	shalt  }
0x59: {  	_ =	shalt  }
0x5a: {  	_ =	shalt  }
0x5b: {  	_ =	shalt  }
0x5c: {  	_ =	shalt  }
0x5d: {  	_ =	shalt  }
0x5e: {  	_ =	shalt  }
0x5f: {  	_ =	shalt  }
0x60: {  	_ =	shalt  }
0x61: {  	_ =	shalt  }
0x62: {  	_ =	shalt  }
0x63: {  	_ =	shalt  }
0x64: {  	_ =	shalt  }
0x65: {  	_ =	shalt  }
0x66: {  	_ =	shalt  }
0x67: {  	_ =	shalt  }
0x68: {  	_ =	shalt  }
0x69: {  	_ =	shalt  }
0x6a: {  	_ =	shalt  }
0x6b: {  	_ =	shalt  }
0x6c: {  	_ =	shalt  }
0x6d: {  	_ =	shalt  }
0x6e: {  	_ =	shalt  }
0x6f: {  	_ =	shalt  }
0x70: {  	_ =	shalt  }
0x71: {  	_ =	shalt  }
0x72: {  	_ =	shalt  }
0x73: {  	_ =	shalt  }
0x74: {  	_ =	shalt  }
0x75: {  	_ =	shalt  }
0x76: {  	_ =	shalt  }
0x77: {  	_ =	shalt  }
0x78: {  	_ =	shalt  }
0x79: {  	_ =	shalt  }
0x7a: {  	_ =	shalt  }
0x7b: {  	_ =	shalt  }
0x7c: {  	_ =	shalt  }
0x7d: {  	_ =	shalt  }
0x7e: {  	_ =	shalt  }
0x7f: {  	_ =	shalt  }
0x80: {  	_ =	shalt  }
0x81: {  	_ =	shalt  }
0x82: {  	_ =	shalt  }
0x83: {  	_ =	shalt  }
0x84: {  	_ =	shalt  }
0x85: {  	_ =	shalt  }
0x86: {  	_ =	shalt  }
0x87: {  	_ =	shalt  }
.Lfunc_end0:
.L_simem_size_0:
called_computation_lowered:
.L_overlay_start_0:
0x88: {  	s2 =	sld [smem:$0x3FD9]  }
0x89: {  	s3 =	sld [smem:$0x3FFE];
	_ =	sdelay $0x1  }
0x8a: {  	s1 =	srdreg.scid  }
0x8b: {  	s0 =	sand.u32 $0x1, s1  }
0x8c: {  	s17 =	sshll.u32 s0, $0xA;
	s2 =	sadd.s32 s3, s2  }
0x8d: {  	s2 =	sadd.s32 s2, s17  }
0x8e: {  	[smem:$0x3FBF] =	sst s2  }
0x8f: {  	_ = 	snop  }
0x90: {  	s4 =	sld [smem:$0x3FC9]  }
0x91: {  	s18 =	sld [smem:$0x3FD0];
	(tm) =	ssettm $0x1  }
0x92: {  	s19 =	sld [smem:$0x3FFB];
	_ =	sdelay $0x3  }
0x93: {  	_ =	strace s19  }
0x94: {  	s2 =	sld [smem:$0x3FFC];
	_ =	sdelay $0x3  }
0x95: {  	_ =	strace s2  }
0x96: {  	s2 =	sld [smem:$0x3FFD];
	_ =	sdelay $0x3  }
0x97: {  	_ =	strace s2  }
0x98: {  	_ =	strace $0x8FFFFFFF  }
0x99: {  	s20 =	sld [smem:$0x3FDB];
	_ =	sdelay $0x1  }
0x9a: {  	s5 =	simm.s32 $_scs_section_size  }
0x9b: {  	s6 =	simm.s32 $_size__tile_overlayer_lowered;
	s7 =	simm.s32 $_tile_overlayer_lowered  }
0x9c: {  	s8 =	simm.s32 $0x1BFF;
	s21 =	sshll.u32 s7, $0x1;
	s5 =	sadd.s32 s5, s20  }
0x9d: {  	s22 =	simm.s32 $0x0;
	s6 =	sshll.u32 s6, $0x1;
	s7 =	sadd.s32 s21, s5  }
0x9e: {  	[timem:s22], [sflag:s8] =	dma.local [hbm:s7], s6  }
0x9f: {  	_ =	swait.ge [sflag:s8], s6  }
0xa0: {  	s6 =	ssub.s32 $0x0, s6;
	[sflag:s8] =	ssyncset.done $0x0  }
0xa1: {  	[sflag:s8] =	ssyncadd.s32 s6;
	_ =	sdelay $0x1  }
0xa2: {  	s23 =	simm.s32 $0x1B8B  }
0xa3: {  	_ =	swait.ge [sflag:s23], $0x1  }
0xa4: {  	[sflag:s23] =	ssyncset.done $0x0  }
0xa5: {  	[sflag:s23] =	ssyncadd.s32 $0xFFFFFFFF  }
0xa6: {  	s6 =	sld [smem:$0x0]  }
0xa7: {  	s7 =	sand.u32 $0xFFFFFFFE, s1  }
0xa8: {  	p0 =	sne.s32 s1, s7  }
0xa9: {  	s7 =	sshll.u32 @p0 s7, $0xE  }
0xaa: {  	s7 =	sadd.s32 @p0 $0x11B8D, s7;
	s8 =	sshll.u32 @p0 s6, $0x11  }
0xab: {  	s7 =	sor.u32 @p0 s8, s7  }
0xac: {  	[sflag:s7] =	ssyncadd.remote.s32 @p0 $0x1;
	_ =	sdelay $0x1  }
0xad: {  	s7 =	simm.s32 @p0 $0x1B8D  }
0xae: {  	_ =	swait.eq @p0 [sflag:s7], $0x1  }
0xaf: {  	[sflag:s7] =	ssyncadd.s32 @p0 $0xFFFFFFFF  }
0xb0: {  	s8 =	sshll.u32 @!p0 s1, $0xE  }
0xb1: {  	s8 =	sor.u32 @!p0 $0x4000, s8;
	s7 =	simm.s32 @!p0 $0x1B8D  }
0xb2: {  	s6 =	sshll.u32 @!p0 s6, $0x11;
	s8 =	sadd.s32 @!p0 $0x11B8D, s8;
	_ =	swait.eq @!p0 [sflag:s7], $0x1  }
0xb3: {  	s6 =	sor.u32 @!p0 s6, s8;
	[sflag:s7] =	ssyncadd.s32 @!p0 $0xFFFFFFFF  }
0xb4: {  	s25 =	simm.s32 $0x1B8E;
	s24 =	sld [smem:$0x3FFE];
	[sflag:s6] =	ssyncadd.remote.s32 @!p0 $0x1  }
0xb5: {  	s26 =	simm.s32 $execute0_lowered;
	[smem:$0x3FD2] =	sst s25  }
0xb6: {  	s7 =	sshll.u32 s26, $0x1;
	_ =	strace $0x80000049;
	[dreg:$0x1] =	wrdreg $0xFFFFFFFF  }
0xb7: {  	s28 =	simm.s32 $_size_execute0_lowered;
	s5 =	sadd.s32 s5, s7;
	[dreg:$0x0] =	wrdreg $0x0  }
0xb8: {  	s7 =	sshll.u32 s28, $0x1;
	[dreg:$0x2] =	wrdreg s5  }
0xb9: {  	[dreg:$0x3] =	wrdreg s7  }
0xba: {  	[dreg:$0x4] =	wrdreg $0xC0  }
0xbb: {  	_ =	task [dreg:s22], $0x5FFFF  }
0xbc: {  	[dreg:$0x1] =	wrdreg $0xFFFFFFFF  }
0xbd: {  	[dreg:$0x0] =	wrdreg $0x60  }
0xbe: {  	[dreg:$0x2] =	wrdreg s4  }
0xbf: {  	[dreg:$0x3] =	wrdreg s24  }
0xc0: {  	[dreg:$0x4] =	wrdreg s18  }
0xc1: {  	[dreg:$0x5] =	wrdreg $0x0  }
0xc2: {  	[dreg:$0x6] =	wrdreg $0x9  }
0xc3: {  	_ =	task.clear_ibuf [dreg:s22], $0x7FFFF;
	_ =	strace $0x90000049  }
0xc4: {  	s29 =	simm.s32 $0x9;
	_ =	strace $0x8000004B  }
0xc5: {  	_ =	swait.ge [sflag:s29], $0x1  }
0xc6: {  	[sflag:s29] =	ssyncadd.s32 $0xFFFFFFFF  }
0xc7: {  	_ =	strace $0x9000004B  }
0xc8: {  	_ =	sfence  }
0xc9: {  	s30 =	sld [smem:$0x0];
	_ =	sdelay $0x2  }
0xca: {  	s31 =	sshll.u32 s1, $0xD;
	s1 =	sshrl.u32 s1, $0x2  }
0xcb: {  	s4 =	sand.u32 $0x4000, s31;
	s1 =	sadd.s32 s1, s30  }
0xcc: {  	s0 =	sor.u32 s4, s0;
	s1 =	sshll.u32 s1, $0x11  }
0xcd: {  	s0 =	sor.u32 s1, s0  }
0xce: {  	s0 =	sadd.s32 $0x8F2B, s0  }
0xcf: {  	[sflag:s0] =	ssyncadd.remote.s32 $0x1  }
0xd0: {  	_ =	sfence.sel $0xFFFF  }
0xd1: {  	[dreg:$0x0] =	wrdreg $0xFFFFFFFF;
	(pc) =	sbr.abs _section_cstart, $3  }
0xd2: {  	[dreg:$0x1] =	wrdreg $0xFFFFFFFF  }
0xd3: {  	_ =	task.clear_ibuf [dreg:s22], $0x2FFFF;
	_ =	strace $0x9FFFFFFF  }
0xd4: {  	(tm) =	ssettm $0x7FFFFFFF  }
0xd5: {  	_ =	shalt  }
tec
execute0_lowered:
.L_overlay_start_1:
0x0: {  	(tag) =	ssettag $0x1  }
0x1: {  	s1 =	rddreg [dreg:$0x0]  }
0x2: {  	s0 =	rddreg [dreg:$0x1]  }
0x3: {  	s2 =	rddreg [dreg:$0x2]  }
0x4: {  	s3 =	rddreg [dreg:$0x3];
	s5 =	simm.s32 $0x0;
	s4 =	srdreg.scid  }
0x5: {  	s20 =	stileid.u32;
	s28 =	simm.s32 $0x7;
	s30 =	simm.s32 $0x0  }
0x6: {  	[smem:$0x7FF] =	sst s5;
	s7 =	smul.u32 $0x14000, s20;
	s8 =	sadd.s32 $0x53D400, s0  }
0x7: {  	s4 =	sand.u32 $0x1, s4;
	s10 =	smul.u32 $0x50000, s20;
	_ =	strace $0x8000004A  }
0x8: {  	s6 =	ssub.s32 $0x2, s4;
	s11 =	smul.u32 $0x140000, s4;
	s4 =	sshll.u32 s4, $0x4  }
0x9: {  	s9 =	sshrl.u32 s6, $0x1;
	s12 =	sadd.s32 $0x5000, s7;
	s13 =	sadd.s32 $0x7800, s7  }
0xa: {  	s16 =	sadd.s32 $0xA000, s7;
	s17 =	sadd.s32 $0xC800, s7;
	s18 =	sadd.s32 $0xF000, s7  }
0xb: {  	s6 =	ssub.s32 s6, s9;
	s9 =	sor.u32 $0x2800, s7;
	s14 =	sadd.s32 s7, s11  }
0xc: {  	s7 =	sadd.s32 $0x11800, s7;
	s25 =	sadd.s32 s11, s12;
	s26 =	sadd.s32 s11, s13  }
0xd: {  	s19 =	sadd.s32 s11, s16;
	s23 =	sadd.s32 s11, s17;
	s31 =	sadd.s32 s12, s3  }
0xe: {  	s12 =	sadd.s32 s16, s3;
	s15 =	sadd.s32 s11, s9;
	s14 =	sshrl.u32 s14, $0x3  }
0xf: {  	s19 =	sshrl.u32 s19, $0x3;
	s29 =	sadd.s32 s9, s3;
	[dreg:$0xe] =	wrdreg s12  }
0x10: {  	s16 =	sadd.s32 s7, s3;
	s9 =	simm.s32 $0x1;
	s12 =	simm.s32 $0x1B800  }
0x11: {  	s15 =	sshrl.u32 s15, $0x3;
	s14 =	sadd.s32 s8, s14;
	[dreg:$0x10] =	wrdreg s16  }
0x12: {  	s22 =	sadd.s32 s8, s19;
	[dreg:$0x5] =	wrdreg s14;
	s24 =	sadd.s32 s8, s15  }
0x13: {  	s14 =	sshrl.u32 s25, $0x3;
	s15 =	sshrl.u32 s26, $0x3;
	[dreg:$0x9] =	wrdreg s22  }
0x14: {  	s26 =	sshrl.u32 s10, $0x2;
	s10 =	sor.u32 s20, s4;
	[dreg:$0x6] =	wrdreg s24  }
0x15: {  	s14 =	sadd.s32 s8, s14;
	s21 =	sadd.s32 s8, s15;
	s24 =	sadd.s32 s11, s18  }
0x16: {  	s11 =	sadd.s32 s11, s7;
	s20 =	sadd.s32 s26, s3;
	s19 =	smul.u32 $0xFA0, s10  }
0x17: {  	s18 =	sadd.s32 s18, s3;
	s26 =	smax.u32 s6, $0x1;
	[dreg:$0x7] =	wrdreg s14  }
0x18: {  	s6 =	simm.s32 $0x8;
	[dreg:$0x8] =	wrdreg s21;
	s14 =	sshrl.u32 s23, $0x3  }
0x19: {  	s15 =	sshrl.u32 s24, $0x3;
	[dreg:$0x16] =	wrdreg s26;
	s14 =	sadd.s32 s8, s14  }
0x1a: {  	s11 =	sshrl.u32 s11, $0x3;
	s25 =	sadd.s32 s8, s15;
	[dreg:$0xa] =	wrdreg s14  }
0x1b: {  	s7 =	simm.s32 $0x4;
	s8 =	sadd.s32 s8, s11;
	[dreg:$0xb] =	wrdreg s25  }
0x1c: {  	s26 =	simm.s32 $0x5;
	s11 =	sadd.s32 s13, s3;
	[dreg:$0xc] =	wrdreg s8  }
0x1d: {  	s15 =	sadd.s32 $0x1600, s0;
	s13 =	sadd.s32 s17, s3;
	[dreg:$0xd] =	wrdreg s11  }
0x1e: {  	s17 =	sshrl.u32 s19, $0x3;
	s14 =	sadd.s32 $0x349400, s0;
	[dreg:$0xf] =	wrdreg s13  }
0x1f: {  	s25 =	sadd.s32 $0x50, s19;
	s0 =	smul.u32 $0xFA00, s10;
	s22 =	sadd.s32 s15, s17  }
0x20: {  	s4 =	sadd.s32 s2, s17;
	s21 =	sshrl.u32 s25, $0x3;
	[dreg:$0x11] =	wrdreg s22  }
0x21: {  	s8 =	simm.s32 $0x50;
	[dreg:$0x12] =	wrdreg s4;
	s23 =	sadd.s32 s15, s21  }
0x22: {  	s10 =	simm.s32 $0x3;
	s24 =	sadd.s32 s2, s21;
	[dreg:$0x13] =	wrdreg s23  }
0x23: {  	s11 =	simm.s32 $0x16800;
	s0 =	sadd.s32 s14, s0;
	[dreg:$0x14] =	wrdreg s24  }
0x24: {  	v0 =	vimm.f32 $0.0e+00;
	s13 =	simm.s32 $0x2;
	s4 =	simm.s32 $0x14000;
	[dreg:$0x15] =	wrdreg s0  }
.LBB2_1:
0x25: {  	s0 =	simm.s32 $0x0;
	s16 =	simm.s32 $0x200  }
.LBB2_2:
0x26: {  	p0 =	sne.s32 s16, $0x9E00;
	[tilespmem:s0+$0x14070] =	vst v0  }
0x27: {  	[tilespmem:s0+$0x14000] =	vst v0  }
0x28: {  	[tilespmem:s0+$0x14010] =	vst v0  }
.Ltmp0:
0x29: {  	[tilespmem:s0+$0x14020] =	vst v0;
	(pc) =	sbr.rel @p0 .LBB2_2-.Ltmp0, $4  }
0x2a: {  	[tilespmem:s0+$0x14030] =	vst v0  }
0x2b: {  	[tilespmem:s0+$0x14040] =	vst v0  }
0x2c: {  	[tilespmem:s0+$0x14050] =	vst v0  }
0x2d: {  	[tilespmem:s0+$0x14060] =	vst v0;
	s0 =	sshra.s32 s16, $0x2;
	s16 =	sadd.s32 $0x200, s16  }
0x2e: {  	[tilespmem:s0+$0x14070] =	vst v0  }
0x2f: {  	[tilespmem:s0+$0x14000] =	vst v0  }
0x30: {  	[tilespmem:s0+$0x14010] =	vst v0  }
0x31: {  	[tilespmem:s0+$0x14020] =	vst v0  }
0x32: {  	[tilespmem:s0+$0x14030] =	vst v0  }
0x33: {  	[tilespmem:s0+$0x14040] =	vst v0  }
0x34: {  	[tilespmem:s0+$0x14050] =	vst v0  }
0x35: {  	[tilespmem:s0+$0x14060] =	vst v0  }
0x36: {  	[spmem:s20] =	stream.linear.scatter [tilespmem:s4], [sflag:$0x8], $0x2800, $0x38;
	[tilespmem:$0x1E400] =	vst v63  }
0x37: {  	_ =	swait.ge [sflag:s6], $0x2800  }
0x38: {  	[sflag:s6] =	ssyncset.done $0x0  }
0x39: {  	[sflag:s6] =	ssyncadd.s32 $0xFFFFD800  }
0x3a: {  	[spmem:s29] =	stream.linear.scatter [tilespmem:s4], [sflag:$0x8], $0x2800, $0x38;
	[tilespmem:$0x1E400] =	vst v63  }
0x3b: {  	_ =	swait.ge [sflag:s6], $0x2800  }
0x3c: {  	[sflag:s6] =	ssyncset.done $0x0  }
0x3d: {  	[sflag:s6] =	ssyncadd.s32 $0xFFFFD800  }
0x3e: {  	[spmem:s31] =	stream.linear.scatter [tilespmem:s4], [sflag:$0x8], $0x2800, $0x38;
	[tilespmem:$0x1E400] =	vst v63  }
0x3f: {  	_ =	swait.ge [sflag:s6], $0x2800  }
0x40: {  	[sflag:s6] =	ssyncset.done $0x0  }
0x41: {  	s21 =	smov.u32 s20;
	s20 =	rddreg [dreg:$0xd];
	[sflag:s6] =	ssyncadd.s32 $0xFFFFD800  }
0x42: {  	[spmem:s20] =	stream.linear.scatter [tilespmem:s4], [sflag:$0x8], $0x2800, $0x38;
	[tilespmem:$0x1E400] =	vst v63  }
0x43: {  	_ =	swait.ge [sflag:s6], $0x2800  }
0x44: {  	[sflag:s6] =	ssyncset.done $0x0  }
0x45: {  	s24 =	rddreg [dreg:$0xe];
	[sflag:s6] =	ssyncadd.s32 $0xFFFFD800  }
0x46: {  	[spmem:s24] =	stream.linear.scatter [tilespmem:s4], [sflag:$0x8], $0x2800, $0x38;
	[tilespmem:$0x1E400] =	vst v63  }
0x47: {  	_ =	swait.ge [sflag:s6], $0x2800  }
0x48: {  	[sflag:s6] =	ssyncset.done $0x0  }
0x49: {  	s22 =	smov.u32 s29;
	s29 =	rddreg [dreg:$0xf];
	[sflag:s6] =	ssyncadd.s32 $0xFFFFD800  }
0x4a: {  	[spmem:s29] =	stream.linear.scatter [tilespmem:s4], [sflag:$0x8], $0x2800, $0x38;
	[tilespmem:$0x1E400] =	vst v63  }
0x4b: {  	_ =	swait.ge [sflag:s6], $0x2800  }
0x4c: {  	[sflag:s6] =	ssyncset.done $0x0  }
0x4d: {  	[sflag:s6] =	ssyncadd.s32 $0xFFFFD800  }
0x4e: {  	[spmem:s18] =	stream.linear.scatter [tilespmem:s4], [sflag:$0x8], $0x2800, $0x38;
	[tilespmem:$0x1E400] =	vst v63  }
0x4f: {  	_ =	swait.ge [sflag:s6], $0x2800  }
0x50: {  	[sflag:s6] =	ssyncset.done $0x0  }
0x51: {  	s16 =	rddreg [dreg:$0x10];
	[sflag:s6] =	ssyncadd.s32 $0xFFFFD800  }
0x52: {  	[spmem:s16] =	stream.linear.scatter [tilespmem:s4], [sflag:$0x8], $0x2800, $0x38;
	[tilespmem:$0x1E400] =	vst v63  }
0x53: {  	_ =	swait.ge [sflag:s6], $0x2800  }
0x54: {  	[sflag:s6] =	ssyncset.done $0x0  }
0x55: {  	[sflag:s6] =	ssyncadd.s32 $0xFFFFD800  }
0x56: {  	s23 =	smov.u32 s31;
	[bflag:$0x0] =	sbarrier.arrive $0xFFFF  }
0x57: {  	s31 =	simm.s32 $0x0;
	s16 =	simm.s32 $0x1E000;
	s17 =	rddreg [dreg:$0x11]  }
0x58: {  	[tilespmem:s16], [sflag:$0x8] =	stream.linear.gather [hbm4b:s17+s31], $0x50, $0x38;
	[tilespmem:$0x1E400] =	vst v63  }
0x59: {  	_ =	swait.ge [sflag:s6], $0x50  }
0x5a: {  	s24 =	smov.u32 s18;
	[sflag:s6] =	ssyncset.done $0x0  }
0x5b: {  	s17 =	simm.s32 $0x1E200;
	s18 =	rddreg [dreg:$0x12];
	[sflag:s6] =	ssyncadd.s32 $0xFFFFFFB0  }
0x5c: {  	[tilespmem:s17], [sflag:$0x8] =	stream.linear.gather [hbm4b:s18+s31], $0x50, $0x38;
	[tilespmem:$0x1E400] =	vst v63  }
0x5d: {  	_ =	swait.ge [sflag:s6], $0x50  }
0x5e: {  	[sflag:s6] =	ssyncset.done $0x0  }
0x5f: {  	s29 =	simm.s32 $0x1E080;
	s20 =	rddreg [dreg:$0x13];
	[sflag:s6] =	ssyncadd.s32 $0xFFFFFFB0  }
0x60: {  	[tilespmem:s29], [sflag:$0x8] =	stream.linear.gather [hbm4b:s20+s31], $0x50, $0x38;
	[tilespmem:$0x1E400] =	vst v63  }
0x61: {  	_ =	swait.ge [sflag:s6], $0x50  }
0x62: {  	[sflag:s6] =	ssyncset.done $0x0  }
0x63: {  	s18 =	simm.s32 $0x1E280;
	s17 =	rddreg [dreg:$0x14];
	[sflag:s6] =	ssyncadd.s32 $0xFFFFFFB0  }
0x64: {  	[tilespmem:s18], [sflag:$0x8] =	stream.linear.gather [hbm4b:s17+s31], $0x50, $0x38;
	[tilespmem:$0x1E400] =	vst v63  }
0x65: {  	_ =	swait.ge [sflag:s6], $0x50  }
0x66: {  	[sflag:s6] =	ssyncset.done $0x0  }
0x67: {  	s20 =	rddreg [dreg:$0x15];
	[sflag:s6] =	ssyncadd.s32 $0xFFFFFFB0  }
0x68: {  	[tilespmem:s4], [sflag:$0x1] =	stream.linear.gather [hbm4b:s20+s31], $0x2800, $0x38;
	[tilespmem:$0x1E400] =	vst v63  }
0x69: {  	s29 =	simm.s32 $0x19000  }
0x6a: {  	[tilespmem:s29], [sflag:$0x3] =	stream.indirect.gather [hbm4b:s1+s8], $0x80, s16, s8, $0xb8;
	[tilespmem:$0x1E400] =	vst v63  }
.LBB2_4:
0x6b: {  	_ =	swait.ge [sflag:s9], $0x2800  }
0x6c: {  	[sflag:s9] =	ssyncset.done $0x0  }
0x6d: {  	[sflag:s9] =	ssyncadd.s32 $0xFFFFD800  }
0x6e: {  	s29 =	sadd.s32 $0x1, s31;
	_ =	swait.ge [sflag:s10], $0x2800  }
0x6f: {  	p0 =	seq.s32 s31, $0x0;
	s0 =	smul.u32 $0xA0, s29;
	[sflag:s10] =	ssyncset.done $0x0  }
0x70: {  	s16 =	simm.s32 @!p0 $0x6;
	s17 =	sshll.u32 s29, $0x8;
	[sflag:s10] =	ssyncadd.s32 $0xFFFFD800  }
0x71: {  	s17 =	sand.u32 $0x100, s17;
	s18 =	sadd.s32 s19, s0;
	_ =	swait.ge @!p0 [sflag:s16], $0x2800  }
0x72: {  	s0 =	sadd.s32 s0, s25;
	s18 =	sshrl.u32 s18, $0x3;
	[sflag:s16] =	ssyncset.done @!p0 $0x0  }
0x73: {  	s20 =	sadd.s32 s15, s18;
	[sflag:s16] =	ssyncadd.s32 @!p0 $0xFFFFD800;
	s16 =	sor.u32 $0x1E000, s17  }
0x74: {  	[tilespmem:s16], [sflag:$0x7] =	stream.linear.gather [hbm4b:s20+s5], $0x50, $0x38;
	[tilespmem:$0x1E400] =	vst v63  }
0x75: {  	s0 =	sshrl.u32 s0, $0x3;
	s18 =	sadd.s32 s2, s18;
	s20 =	sor.u32 $0x1E200, s17  }
0x76: {  	[tilespmem:s20], [sflag:$0x7] =	stream.linear.gather [hbm4b:s18+s5], $0x50, $0x38;
	[tilespmem:$0x1E400] =	vst v63  }
0x77: {  	s16 =	sshll.u32 s31, $0x1;
	s18 =	sor.u32 $0x1E080, s17;
	s20 =	sadd.s32 s15, s0  }
0x78: {  	[tilespmem:s18], [sflag:$0x7] =	stream.linear.gather [hbm4b:s20+s5], $0x50, $0x38;
	[tilespmem:$0x1E400] =	vst v63  }
0x79: {  	s18 =	sor.u32 $0x1, s16  }
0x7a: {  	s17 =	sor.u32 $0x1E280, s17;
	s0 =	sadd.s32 s2, s0;
	s20 =	smul.u32 $0x50, s18  }
0x7b: {  	[tilespmem:s17], [sflag:$0x7] =	stream.linear.gather [hbm4b:s0+s5], $0x50, $0x38;
	[tilespmem:$0x1E400] =	vst v63  }
0x7c: {  	s17 =	sadd.s32 s19, s20  }
0x7d: {  	s0 =	sshll.u32 s17, $0x4  }
0x7e: {  	s18 =	sshll.u32 s18, $0x7;
	s0 =	sadd.s32 s14, s0  }
0x7f: {  	[tilespmem:s11], [sflag:$0x2] =	stream.linear.gather [hbm4b:s0+s5], $0x2800, $0x38;
	[tilespmem:$0x1E400] =	vst v63  }
0x80: {  	s0 =	sand.u32 $0x180, s18  }
0x81: {  	s17 =	simm.s32 $0xF0;
	s20 =	sor.u32 $0x1E000, s0  }
0x82: {  	[tilespmem:s12], [sflag:$0x4] =	stream.indirect.gather [hbm4b:s1+s8], $0x80, s20, s8, $0xb8;
	[tilespmem:$0x1E400] =	vst v63  }
0x83: {  	v7 =	vld [tilespmem:s17+$0x18F10]  }
0x84: {  	v8 =	vld [tilespmem:s17+$0x18F20]  }
0x85: {  	v9 =	vld [tilespmem:s17+$0x18F30]  }
0x86: {  	v10 =	vld [tilespmem:s17+$0x18F40]  }
0x87: {  	v11 =	vld [tilespmem:s17+$0x18F50]  }
0x88: {  	v12 =	vld [tilespmem:s17+$0x18F60]  }
0x89: {  	v13 =	vld [tilespmem:s17+$0x18F70]  }
0x8a: {  	v14 =	vld [tilespmem:s17+$0x18F80]  }
0x8b: {  	v15 =	vld [tilespmem:s17+$0x18F90]  }
0x8c: {  	v16 =	vld [tilespmem:s17+$0x18FA0]  }
0x8d: {  	v6 =	vld [tilespmem:s17+$0x18FB0]  }
0x8e: {  	v5 =	vld [tilespmem:s17+$0x18FC0]  }
0x8f: {  	v4 =	vld [tilespmem:s17+$0x18FD0]  }
0x90: {  	v17 =	vld [tilespmem:s17+$0x13F10]  }
0x91: {  	v18 =	vld [tilespmem:s17+$0x13F20]  }
0x92: {  	v3 =	vld [tilespmem:s17+$0x18FE0]  }
0x93: {  	v19 =	vld [tilespmem:s17+$0x13F30]  }
0x94: {  	v20 =	vld [tilespmem:s17+$0x13F40]  }
0x95: {  	v2 =	vld [tilespmem:s17+$0x18FF0];
	v7 =	vadd.f32 v7, v17  }
0x96: {  	v21 =	vld [tilespmem:s17+$0x13F50];
	v8 =	vadd.f32 v8, v18  }
0x97: {  	v60 =	vld [tilespmem:s17+$0x13F60];
	v7 =	vmax.f32 v7, $0.0e+00  }
0x98: {  	v1 =	vld [tilespmem:s17+$0x19000];
	v8 =	vmax.f32 v8, $0.0e+00;
	[tilespmem:s17+$0x13F10] =	vst v7;
	v7 =	vadd.f32 v9, v19  }
0x99: {  	v22 =	vld [tilespmem:s17+$0x13F70];
	[tilespmem:s17+$0x13F20] =	vst v8;
	v8 =	vadd.f32 v10, v20  }
0x9a: {  	v61 =	vld [tilespmem:s17+$0x13F80];
	v7 =	vmax.f32 v7, $0.0e+00  }
0x9b: {  	v62 =	vld [tilespmem:s17+$0x13F90];
	v9 =	vmax.f32 v8, $0.0e+00;
	[tilespmem:s17+$0x13F30] =	vst v7;
	v7 =	vadd.f32 v11, v21  }
0x9c: {  	v63 =	vld [tilespmem:s17+$0x13FA0];
	[tilespmem:s17+$0x13F40] =	vst v9;
	v9 =	vadd.f32 v12, v60  }
0x9d: {  	v8 =	vld [tilespmem:s17+$0x13FB0];
	v10 =	vmax.f32 v7, $0.0e+00  }
0x9e: {  	v7 =	vld [tilespmem:s17+$0x13FC0];
	v11 =	vmax.f32 v9, $0.0e+00;
	[tilespmem:s17+$0x13F50] =	vst v10;
	v10 =	vadd.f32 v13, v22  }
0x9f: {  	v9 =	vld [tilespmem:s17+$0x13FD0];
	[tilespmem:s17+$0x13F60] =	vst v11;
	v11 =	vadd.f32 v14, v61  }
0xa0: {  	v13 =	vadd.f32 v15, v62;
	v12 =	vmax.f32 v10, $0.0e+00;
	v10 =	vld [tilespmem:s17+$0x13FE0]  }
0xa1: {  	s18 =	simm.s32 $0x7C0;
	v14 =	vmax.f32 v11, $0.0e+00;
	v11 =	vld [tilespmem:s17+$0x13FF0];
	[tilespmem:s17+$0x13F70] =	vst v12;
	v12 =	vadd.f32 v16, v63  }
.LBB2_5:
0xa2: {  	s20 =	sshra.s32 s18, $0x2;
	p0 =	sne.s32 s18, $0x9FC0;
	[tilespmem:s17+$0x13F80] =	vst v14;
	v13 =	vmax.f32 v13, $0.0e+00;
	v6 =	vadd.f32 v6, v8;
	v8 =	vld [tilespmem:s17+$0x14000]  }
0xa3: {  	v14 =	vld [tilespmem:s20+$0x18F10];
	[tilespmem:s17+$0x13F90] =	vst v13;
	v12 =	vmax.f32 v12, $0.0e+00;
	v5 =	vadd.f32 v5, v7  }
0xa4: {  	v7 =	vld [tilespmem:s20+$0x18F20];
	[tilespmem:s17+$0x13FA0] =	vst v12;
	v6 =	vmax.f32 v6, $0.0e+00;
	v4 =	vadd.f32 v4, v9  }
0xa5: {  	v9 =	vld [tilespmem:s20+$0x18F30];
	[tilespmem:s17+$0x13FB0] =	vst v6;
	v5 =	vmax.f32 v5, $0.0e+00;
	v3 =	vadd.f32 v3, v10  }
0xa6: {  	v10 =	vld [tilespmem:s20+$0x18F40];
	[tilespmem:s17+$0x13FC0] =	vst v5;
	v4 =	vmax.f32 v4, $0.0e+00;
	v2 =	vadd.f32 v2, v11  }
0xa7: {  	v11 =	vld [tilespmem:s20+$0x18F50];
	[tilespmem:s17+$0x13FD0] =	vst v4;
	v3 =	vmax.f32 v3, $0.0e+00;
	v1 =	vadd.f32 v1, v8  }
0xa8: {  	v8 =	vld [tilespmem:s20+$0x18F60];
	[tilespmem:s17+$0x13FE0] =	vst v3;
	v2 =	vmax.f32 v2, $0.0e+00  }
0xa9: {  	v12 =	vld [tilespmem:s20+$0x18F70];
	[tilespmem:s17+$0x13FF0] =	vst v2;
	v1 =	vmax.f32 v1, $0.0e+00  }
0xaa: {  	v13 =	vld [tilespmem:s20+$0x18F80];
	[tilespmem:s17+$0x14000] =	vst v1;
	s17 =	smov.u32 s20  }
0xab: {  	v15 =	vld [tilespmem:s17+$0x18F90]  }
0xac: {  	v16 =	vld [tilespmem:s17+$0x18FA0]  }
0xad: {  	v6 =	vld [tilespmem:s17+$0x18FB0]  }
0xae: {  	v5 =	vld [tilespmem:s17+$0x18FC0]  }
0xaf: {  	v4 =	vld [tilespmem:s17+$0x18FD0]  }
0xb0: {  	v3 =	vld [tilespmem:s17+$0x18FE0]  }
0xb1: {  	v2 =	vld [tilespmem:s17+$0x18FF0]  }
0xb2: {  	v1 =	vld [tilespmem:s17+$0x19000]  }
0xb3: {  	v17 =	vld [tilespmem:s17+$0x13F10]  }
0xb4: {  	v18 =	vld [tilespmem:s17+$0x13F20]  }
0xb5: {  	v19 =	vld [tilespmem:s17+$0x13F30]  }
0xb6: {  	v20 =	vld [tilespmem:s17+$0x13F40]  }
0xb7: {  	v21 =	vld [tilespmem:s17+$0x13F50]  }
0xb8: {  	v14 =	vadd.f32 v14, v17;
	v17 =	vld [tilespmem:s17+$0x13F60]  }
0xb9: {  	v7 =	vadd.f32 v7, v18;
	v18 =	vld [tilespmem:s17+$0x13F70]  }
0xba: {  	v14 =	vmax.f32 v14, $0.0e+00;
	v9 =	vadd.f32 v9, v19;
	v19 =	vld [tilespmem:s17+$0x13F80]  }
0xbb: {  	[tilespmem:s17+$0x13F10] =	vst v14;
	v7 =	vmax.f32 v7, $0.0e+00;
	v10 =	vadd.f32 v10, v20;
	v14 =	vld [tilespmem:s17+$0x13F90]  }
0xbc: {  	[tilespmem:s17+$0x13F20] =	vst v7;
	v7 =	vmax.f32 v9, $0.0e+00;
	v9 =	vadd.f32 v11, v21;
	v11 =	vld [tilespmem:s17+$0x13FA0]  }
.Ltmp1:
0xbd: {  	[tilespmem:s17+$0x13F30] =	vst v7;
	v7 =	vmax.f32 v10, $0.0e+00;
	v10 =	vadd.f32 v8, v17;
	v8 =	vld [tilespmem:s17+$0x13FB0];
	(pc) =	sbr.rel @p0 .LBB2_5-.Ltmp1, $4  }
0xbe: {  	[tilespmem:s17+$0x13F40] =	vst v7;
	v9 =	vmax.f32 v9, $0.0e+00;
	v12 =	vadd.f32 v12, v18;
	v7 =	vld [tilespmem:s17+$0x13FC0]  }
0xbf: {  	[tilespmem:s17+$0x13F50] =	vst v9;
	v10 =	vmax.f32 v10, $0.0e+00;
	v17 =	vadd.f32 v13, v19;
	v9 =	vld [tilespmem:s17+$0x13FD0]  }
0xc0: {  	[tilespmem:s17+$0x13F60] =	vst v10;
	v12 =	vmax.f32 v12, $0.0e+00;
	v13 =	vadd.f32 v15, v14;
	v10 =	vld [tilespmem:s17+$0x13FE0]  }
0xc1: {  	s18 =	sadd.s32 $0x400, s18;
	[tilespmem:s17+$0x13F70] =	vst v12;
	v14 =	vmax.f32 v17, $0.0e+00;
	v12 =	vadd.f32 v16, v11;
	v11 =	vld [tilespmem:s17+$0x13FF0]  }
0xc2: {  	[tilespmem:s17+$0x13F80] =	vst v14;
	v13 =	vmax.f32 v13, $0.0e+00;
	v6 =	vadd.f32 v6, v8;
	v8 =	vld [tilespmem:s17+$0x14000]  }
0xc3: {  	[tilespmem:s17+$0x13F90] =	vst v13;
	v12 =	vmax.f32 v12, $0.0e+00;
	v5 =	vadd.f32 v5, v7  }
0xc4: {  	[tilespmem:s17+$0x13FA0] =	vst v12;
	v6 =	vmax.f32 v6, $0.0e+00;
	v4 =	vadd.f32 v4, v9  }
0xc5: {  	[tilespmem:s17+$0x13FB0] =	vst v6;
	v5 =	vmax.f32 v5, $0.0e+00;
	v3 =	vadd.f32 v3, v10  }
0xc6: {  	[tilespmem:s17+$0x13FC0] =	vst v5;
	v4 =	vmax.f32 v4, $0.0e+00;
	v2 =	vadd.f32 v2, v11  }
0xc7: {  	[tilespmem:s17+$0x13FD0] =	vst v4;
	v3 =	vmax.f32 v3, $0.0e+00;
	v1 =	vadd.f32 v1, v8  }
0xc8: {  	s18 =	sshll.u32 s31, $0x8;
	[tilespmem:s17+$0x13FE0] =	vst v3;
	v2 =	vmax.f32 v2, $0.0e+00  }
0xc9: {  	s18 =	sand.u32 $0x100, s18;
	[tilespmem:s17+$0x13FF0] =	vst v2;
	v1 =	vmax.f32 v1, $0.0e+00  }
0xca: {  	s20 =	sor.u32 $0x1E200, s18;
	[tilespmem:s17+$0x14000] =	vst v1  }
0xcb: {  	[spmem:s3] =	stream.indirect.scatter.add.f32 [tilespmem:s4], [sflag:$0x5], $0x80, s20, s8, $0xb8;
	[tilespmem:$0x1E400] =	vst v63  }
0xcc: {  	_ =	swait.ge [sflag:s13], $0x2800  }
0xcd: {  	[sflag:s13] =	ssyncset.done $0x0  }
0xce: {  	[sflag:s13] =	ssyncadd.s32 $0xFFFFD800  }
0xcf: {  	_ =	swait.ge [sflag:s7], $0x2800  }
0xd0: {  	[sflag:s7] =	ssyncset.done $0x0  }
0xd1: {  	[sflag:s7] =	ssyncadd.s32 $0xFFFFD800  }
0xd2: {  	_ =	swait.ge [sflag:s26], $0x2800  }
0xd3: {  	[sflag:s26] =	ssyncset.done $0x0  }
0xd4: {  	[sflag:s26] =	ssyncadd.s32 $0xFFFFD800  }
0xd5: {  	_ =	swait.ge [sflag:s28], $0x50  }
0xd6: {  	[sflag:s28] =	ssyncset.done $0x0  }
0xd7: {  	[sflag:s28] =	ssyncadd.s32 $0xFFFFFFB0  }
0xd8: {  	_ =	swait.ge [sflag:s28], $0x50  }
0xd9: {  	[sflag:s28] =	ssyncset.done $0x0  }
0xda: {  	p0 =	seq.s32 s31, $0x18;
	[sflag:s28] =	ssyncadd.s32 $0xFFFFFFB0  }
0xdb: {  	s16 =	sadd.s32 @!p0 $0x2, s16;
	_ =	swait.ge [sflag:s28], $0x50  }
0xdc: {  	s17 =	smul.u32 @!p0 $0x50, s16;
	[sflag:s28] =	ssyncset.done $0x0  }
0xdd: {  	s18 =	simm.s32 @!p0 $0x0;
	[sflag:s28] =	ssyncadd.s32 $0xFFFFFFB0  }
0xde: {  	s16 =	sshll.u32 @!p0 s16, $0x7;
	s17 =	sadd.s32 @!p0 s19, s17;
	_ =	swait.ge [sflag:s28], $0x50  }
0xdf: {  	s20 =	simm.s32 @!p0 $0x14000;
	s17 =	sshll.u32 @!p0 s17, $0x4;
	[sflag:s28] =	ssyncset.done $0x0  }
0xe0: {  	s16 =	sand.u32 @!p0 $0x100, s16;
	s17 =	sadd.s32 @!p0 s14, s17;
	[sflag:s28] =	ssyncadd.s32 $0xFFFFFFB0  }
0xe1: {  	[tilespmem:s20], [sflag:$0x1] =	stream.linear.gather @!p0 [hbm4b:s17+s18], $0x2800, $0x38;
	[tilespmem:$0x1E400] =	vst v63  }
0xe2: {  	s16 =	sor.u32 @!p0 $0x1E000, s16;
	s17 =	simm.s32 @!p0 $0x50;
	s18 =	simm.s32 @!p0 $0x19000  }
0xe3: {  	[tilespmem:s18], [sflag:$0x3] =	stream.indirect.gather @!p0 [hbm4b:s1+s17], $0x80, s16, s17, $0xb8;
	[tilespmem:$0x1E400] =	vst v63  }
0xe4: {  	s16 =	simm.s32 $0xF0  }
0xe5: {  	v7 =	vld [tilespmem:s16+$0x1B710]  }
0xe6: {  	v8 =	vld [tilespmem:s16+$0x1B720]  }
0xe7: {  	v9 =	vld [tilespmem:s16+$0x1B730]  }
0xe8: {  	v10 =	vld [tilespmem:s16+$0x1B740]  }
0xe9: {  	v11 =	vld [tilespmem:s16+$0x1B750]  }
0xea: {  	v12 =	vld [tilespmem:s16+$0x1B760]  }
0xeb: {  	v13 =	vld [tilespmem:s16+$0x1B770]  }
0xec: {  	v14 =	vld [tilespmem:s16+$0x1B780]  }
0xed: {  	v15 =	vld [tilespmem:s16+$0x1B790]  }
0xee: {  	v16 =	vld [tilespmem:s16+$0x1B7A0]  }
0xef: {  	v6 =	vld [tilespmem:s16+$0x1B7B0]  }
0xf0: {  	v5 =	vld [tilespmem:s16+$0x1B7C0]  }
0xf1: {  	v4 =	vld [tilespmem:s16+$0x1B7D0]  }
0xf2: {  	v17 =	vld [tilespmem:s16+$0x16710]  }
0xf3: {  	v18 =	vld [tilespmem:s16+$0x16720]  }
0xf4: {  	v3 =	vld [tilespmem:s16+$0x1B7E0]  }
0xf5: {  	v19 =	vld [tilespmem:s16+$0x16730]  }
0xf6: {  	v20 =	vld [tilespmem:s16+$0x16740]  }
0xf7: {  	v2 =	vld [tilespmem:s16+$0x1B7F0];
	v7 =	vadd.f32 v7, v17  }
0xf8: {  	v21 =	vld [tilespmem:s16+$0x16750];
	v8 =	vadd.f32 v8, v18  }
0xf9: {  	v60 =	vld [tilespmem:s16+$0x16760];
	v7 =	vmax.f32 v7, $0.0e+00  }
0xfa: {  	v1 =	vld [tilespmem:s16+$0x1B800];
	v8 =	vmax.f32 v8, $0.0e+00;
	[tilespmem:s16+$0x16710] =	vst v7;
	v7 =	vadd.f32 v9, v19  }
0xfb: {  	v22 =	vld [tilespmem:s16+$0x16770];
	[tilespmem:s16+$0x16720] =	vst v8;
	v8 =	vadd.f32 v10, v20  }
0xfc: {  	v61 =	vld [tilespmem:s16+$0x16780];
	v7 =	vmax.f32 v7, $0.0e+00  }
0xfd: {  	v62 =	vld [tilespmem:s16+$0x16790];
	v9 =	vmax.f32 v8, $0.0e+00;
	[tilespmem:s16+$0x16730] =	vst v7;
	v7 =	vadd.f32 v11, v21  }
0xfe: {  	v63 =	vld [tilespmem:s16+$0x167A0];
	[tilespmem:s16+$0x16740] =	vst v9;
	v9 =	vadd.f32 v12, v60  }
0xff: {  	v8 =	vld [tilespmem:s16+$0x167B0];
	v10 =	vmax.f32 v7, $0.0e+00  }
0x100: {  	v7 =	vld [tilespmem:s16+$0x167C0];
	v11 =	vmax.f32 v9, $0.0e+00;
	[tilespmem:s16+$0x16750] =	vst v10;
	v10 =	vadd.f32 v13, v22  }
0x101: {  	v9 =	vld [tilespmem:s16+$0x167D0];
	[tilespmem:s16+$0x16760] =	vst v11;
	v11 =	vadd.f32 v14, v61  }
0x102: {  	v13 =	vadd.f32 v15, v62;
	v12 =	vmax.f32 v10, $0.0e+00;
	v10 =	vld [tilespmem:s16+$0x167E0]  }
0x103: {  	s17 =	simm.s32 $0x7C0;
	v14 =	vmax.f32 v11, $0.0e+00;
	v11 =	vld [tilespmem:s16+$0x167F0];
	[tilespmem:s16+$0x16770] =	vst v12;
	v12 =	vadd.f32 v16, v63  }
.LBB2_7:
0x104: {  	s18 =	sshra.s32 s17, $0x2;
	p0 =	sne.s32 s17, $0x9FC0;
	[tilespmem:s16+$0x16780] =	vst v14;
	v13 =	vmax.f32 v13, $0.0e+00;
	v6 =	vadd.f32 v6, v8;
	v8 =	vld [tilespmem:s16+$0x16800]  }
0x105: {  	v14 =	vld [tilespmem:s18+$0x1B710];
	[tilespmem:s16+$0x16790] =	vst v13;
	v12 =	vmax.f32 v12, $0.0e+00;
	v5 =	vadd.f32 v5, v7  }
0x106: {  	v7 =	vld [tilespmem:s18+$0x1B720];
	[tilespmem:s16+$0x167A0] =	vst v12;
	v6 =	vmax.f32 v6, $0.0e+00;
	v4 =	vadd.f32 v4, v9  }
0x107: {  	v9 =	vld [tilespmem:s18+$0x1B730];
	[tilespmem:s16+$0x167B0] =	vst v6;
	v5 =	vmax.f32 v5, $0.0e+00;
	v3 =	vadd.f32 v3, v10  }
0x108: {  	v10 =	vld [tilespmem:s18+$0x1B740];
	[tilespmem:s16+$0x167C0] =	vst v5;
	v4 =	vmax.f32 v4, $0.0e+00;
	v2 =	vadd.f32 v2, v11  }
0x109: {  	v11 =	vld [tilespmem:s18+$0x1B750];
	[tilespmem:s16+$0x167D0] =	vst v4;
	v3 =	vmax.f32 v3, $0.0e+00;
	v1 =	vadd.f32 v1, v8  }
0x10a: {  	v8 =	vld [tilespmem:s18+$0x1B760];
	[tilespmem:s16+$0x167E0] =	vst v3;
	v2 =	vmax.f32 v2, $0.0e+00  }
0x10b: {  	v12 =	vld [tilespmem:s18+$0x1B770];
	[tilespmem:s16+$0x167F0] =	vst v2;
	v1 =	vmax.f32 v1, $0.0e+00  }
0x10c: {  	v13 =	vld [tilespmem:s18+$0x1B780];
	[tilespmem:s16+$0x16800] =	vst v1;
	s16 =	smov.u32 s18  }
0x10d: {  	v15 =	vld [tilespmem:s16+$0x1B790]  }
0x10e: {  	v16 =	vld [tilespmem:s16+$0x1B7A0]  }
0x10f: {  	v6 =	vld [tilespmem:s16+$0x1B7B0]  }
0x110: {  	v5 =	vld [tilespmem:s16+$0x1B7C0]  }
0x111: {  	v4 =	vld [tilespmem:s16+$0x1B7D0]  }
0x112: {  	v3 =	vld [tilespmem:s16+$0x1B7E0]  }
0x113: {  	v2 =	vld [tilespmem:s16+$0x1B7F0]  }
0x114: {  	v1 =	vld [tilespmem:s16+$0x1B800]  }
0x115: {  	v17 =	vld [tilespmem:s16+$0x16710]  }
0x116: {  	v18 =	vld [tilespmem:s16+$0x16720]  }
0x117: {  	v19 =	vld [tilespmem:s16+$0x16730]  }
0x118: {  	v20 =	vld [tilespmem:s16+$0x16740]  }
0x119: {  	v21 =	vld [tilespmem:s16+$0x16750]  }
0x11a: {  	v14 =	vadd.f32 v14, v17;
	v17 =	vld [tilespmem:s16+$0x16760]  }
0x11b: {  	v7 =	vadd.f32 v7, v18;
	v18 =	vld [tilespmem:s16+$0x16770]  }
0x11c: {  	v14 =	vmax.f32 v14, $0.0e+00;
	v9 =	vadd.f32 v9, v19;
	v19 =	vld [tilespmem:s16+$0x16780]  }
0x11d: {  	[tilespmem:s16+$0x16710] =	vst v14;
	v7 =	vmax.f32 v7, $0.0e+00;
	v10 =	vadd.f32 v10, v20;
	v14 =	vld [tilespmem:s16+$0x16790]  }
0x11e: {  	[tilespmem:s16+$0x16720] =	vst v7;
	v7 =	vmax.f32 v9, $0.0e+00;
	v9 =	vadd.f32 v11, v21;
	v11 =	vld [tilespmem:s16+$0x167A0]  }
.Ltmp2:
0x11f: {  	[tilespmem:s16+$0x16730] =	vst v7;
	v7 =	vmax.f32 v10, $0.0e+00;
	v10 =	vadd.f32 v8, v17;
	v8 =	vld [tilespmem:s16+$0x167B0];
	(pc) =	sbr.rel @p0 .LBB2_7-.Ltmp2, $4  }
0x120: {  	[tilespmem:s16+$0x16740] =	vst v7;
	v9 =	vmax.f32 v9, $0.0e+00;
	v12 =	vadd.f32 v12, v18;
	v7 =	vld [tilespmem:s16+$0x167C0]  }
0x121: {  	[tilespmem:s16+$0x16750] =	vst v9;
	v10 =	vmax.f32 v10, $0.0e+00;
	v17 =	vadd.f32 v13, v19;
	v9 =	vld [tilespmem:s16+$0x167D0]  }
0x122: {  	[tilespmem:s16+$0x16760] =	vst v10;
	v12 =	vmax.f32 v12, $0.0e+00;
	v13 =	vadd.f32 v15, v14;
	v10 =	vld [tilespmem:s16+$0x167E0]  }
0x123: {  	s17 =	sadd.s32 $0x400, s17;
	[tilespmem:s16+$0x16770] =	vst v12;
	v14 =	vmax.f32 v17, $0.0e+00;
	v12 =	vadd.f32 v16, v11;
	v11 =	vld [tilespmem:s16+$0x167F0]  }
0x124: {  	[tilespmem:s16+$0x16780] =	vst v14;
	v13 =	vmax.f32 v13, $0.0e+00;
	v6 =	vadd.f32 v6, v8;
	v63 =	vld [tilespmem:s16+$0x16800]  }
0x125: {  	[tilespmem:s16+$0x16790] =	vst v13;
	v12 =	vmax.f32 v12, $0.0e+00;
	v5 =	vadd.f32 v5, v7  }
0x126: {  	[tilespmem:s16+$0x167A0] =	vst v12;
	v6 =	vmax.f32 v6, $0.0e+00;
	v4 =	vadd.f32 v4, v9  }
0x127: {  	[tilespmem:s16+$0x167B0] =	vst v6;
	v5 =	vmax.f32 v5, $0.0e+00;
	v3 =	vadd.f32 v3, v10  }
0x128: {  	p0 =	sne.s32 s29, $0x19;
	[tilespmem:s16+$0x167C0] =	vst v5;
	v4 =	vmax.f32 v4, $0.0e+00;
	v2 =	vadd.f32 v2, v11  }
.Ltmp3:
0x129: {  	[tilespmem:s16+$0x167D0] =	vst v4;
	v3 =	vmax.f32 v3, $0.0e+00;
	v1 =	vadd.f32 v1, v63;
	(pc) =	sbr.rel @p0 .LBB2_4-.Ltmp3, $4  }
0x12a: {  	[tilespmem:s16+$0x167E0] =	vst v3;
	v2 =	vmax.f32 v2, $0.0e+00  }
0x12b: {  	[tilespmem:s16+$0x167F0] =	vst v2;
	v1 =	vmax.f32 v1, $0.0e+00  }
0x12c: {  	s0 =	sor.u32 $0x1E200, s0;
	s31 =	smov.u32 s29;
	[tilespmem:s16+$0x16800] =	vst v1  }
0x12d: {  	[spmem:s3] =	stream.indirect.scatter.add.f32 [tilespmem:s11], [sflag:$0x6], $0x80, s0, s8, $0xb8;
	[tilespmem:$0x1E400] =	vst v63  }
0x12e: {  	s0 =	simm.s32 $0x6  }
0x12f: {  	_ =	swait.ge [sflag:s0], $0x2800  }
0x130: {  	[sflag:s0] =	ssyncset.done $0x0  }
0x131: {  	s20 =	stileid.u32;
	[sflag:s0] =	ssyncadd.s32 $0xFFFFD800  }
0x132: {  	s0 =	sshll.u32 s20, $0x6;
	[bflag:$0x0] =	sbarrier.arrive $0xFFFF  }
0x133: {  	s16 =	sshrl.u32 s21, $0x3;
	s0 =	sor.u32 $0x1C08, s0;
	s17 =	rddreg [dreg:$0x5]  }
0x134: {  	[hbm:s17], [sflag:s0] =	dma.local [spmem:s16], $0x500  }
0x135: {  	_ =	swait.ge [sflag:s6], $0x500  }
0x136: {  	s29 =	smov.u32 s22;
	s20 =	smov.u32 s21;
	[sflag:s6] =	ssyncset.done $0x0  }
0x137: {  	s21 =	sshrl.u32 s22, $0x3;
	s22 =	rddreg [dreg:$0x6];
	[sflag:s6] =	ssyncadd.s32 $0xFFFFFB00  }
0x138: {  	[hbm:s22], [sflag:s0] =	dma.local [spmem:s21], $0x500  }
0x139: {  	_ =	swait.ge [sflag:s6], $0x500  }
0x13a: {  	[sflag:s6] =	ssyncset.done $0x0  }
0x13b: {  	s18 =	sshrl.u32 s23, $0x3;
	s21 =	rddreg [dreg:$0x7];
	[sflag:s6] =	ssyncadd.s32 $0xFFFFFB00  }
0x13c: {  	[hbm:s21], [sflag:s0] =	dma.local [spmem:s18], $0x500  }
0x13d: {  	_ =	swait.ge [sflag:s6], $0x500  }
0x13e: {  	s31 =	smov.u32 s23;
	[sflag:s6] =	ssyncset.done $0x0;
	s22 =	rddreg [dreg:$0xd]  }
0x13f: {  	s23 =	rddreg [dreg:$0x8];
	[sflag:s6] =	ssyncadd.s32 $0xFFFFFB00;
	s16 =	sshrl.u32 s22, $0x3  }
0x140: {  	[hbm:s23], [sflag:s0] =	dma.local [spmem:s16], $0x500  }
0x141: {  	_ =	swait.ge [sflag:s6], $0x500  }
0x142: {  	[sflag:s6] =	ssyncset.done $0x0;
	s18 =	rddreg [dreg:$0xe]  }
0x143: {  	s21 =	rddreg [dreg:$0x9];
	[sflag:s6] =	ssyncadd.s32 $0xFFFFFB00;
	s16 =	sshrl.u32 s18, $0x3  }
0x144: {  	[hbm:s21], [sflag:s0] =	dma.local [spmem:s16], $0x500  }
0x145: {  	_ =	swait.ge [sflag:s6], $0x500  }
0x146: {  	[sflag:s6] =	ssyncset.done $0x0;
	s22 =	rddreg [dreg:$0xf]  }
0x147: {  	s23 =	rddreg [dreg:$0xa];
	[sflag:s6] =	ssyncadd.s32 $0xFFFFFB00;
	s16 =	sshrl.u32 s22, $0x3  }
0x148: {  	[hbm:s23], [sflag:s0] =	dma.local [spmem:s16], $0x500  }
0x149: {  	_ =	swait.ge [sflag:s6], $0x500  }
0x14a: {  	[sflag:s6] =	ssyncset.done $0x0  }
0x14b: {  	s17 =	sshrl.u32 s24, $0x3;
	s21 =	rddreg [dreg:$0xb];
	[sflag:s6] =	ssyncadd.s32 $0xFFFFFB00  }
0x14c: {  	[hbm:s21], [sflag:s0] =	dma.local [spmem:s17], $0x500  }
0x14d: {  	_ =	swait.ge [sflag:s6], $0x500  }
0x14e: {  	[sflag:s6] =	ssyncset.done $0x0;
	s22 =	rddreg [dreg:$0x10]  }
0x14f: {  	s23 =	rddreg [dreg:$0xc];
	[sflag:s6] =	ssyncadd.s32 $0xFFFFFB00;
	s16 =	sshrl.u32 s22, $0x3  }
0x150: {  	[hbm:s23], [sflag:s0] =	dma.local [spmem:s16], $0x500  }
0x151: {  	_ =	swait.ge [sflag:s6], $0x500  }
0x152: {  	s30 =	sadd.s32 $0x1, s30;
	s18 =	smov.u32 s24;
	s24 =	rddreg [dreg:$0x16]  }
0x153: {  	p0 =	sne.s32 s30, s24  }
.Ltmp4:
0x154: {  	_ = 	snop;
	(pc) =	sbr.rel @p0 .LBB2_1-.Ltmp4, $3  }
0x155: {  	_ =	sdelay $0x1  }
0x156: {  	[sflag:s6] =	ssyncset.done $0x0  }
0x157: {  	[sflag:s6] =	ssyncadd.s32 $0xFFFFFB00  }
0x158: {  	_ =	sfence.sel $0x180000  }
0x159: {  	[bflag:$0x0] =	sbarrier.arrive $0xFFFF  }
0x15a: {  	_ =	strace $0x9000004A  }
0x15b: {  	s0 =	stileid.u32;
	[bflag:$0x2] =	sbarrier.arrive $0xFFFF  }
0x15c: {  	p0 =	sne.s32 s0, $0x0;
	s0 =	rddreg [dreg:$0x4]  }
0x15d: {  	s0 =	sadd.s32 @!p0 $0x100000, s0  }
0x15e: {  	[sflag:s0] =	ssyncadd.tile.s32 @!p0 $0x1;
	_ =	shalt  }
.Lfunc_end2:
_tile_overlayer_lowered:
.L_overlay_start_2:
0x15f: {  	(tag) =	ssettag $0x2  }
0x160: {  	s0 =	rddreg [dreg:$0x0];
	s2 =	stileid.u32  }
0x161: {  	s1 =	rddreg [dreg:$0x1];
	p0 =	sne.s32 s2, $0x0  }
0x162: {  	s3 =	rddreg [dreg:$0x2];
	[bflag:$0x3] =	sbarrier.arrive $0xFFFF;
	s2 =	simm.s32 @!p0 $0x1C08  }
0x163: {  	[timem:s3], [sflag:s2] =	dma.local @!p0 [hbm:s0], s1  }
0x164: {  	s0 =	simm.s32 @!p0 $0x8  }
0x165: {  	_ =	swait.ge @!p0 [sflag:s0], s1  }
0x166: {  	s1 =	ssub.s32 @!p0 $0x0, s1;
	[sflag:s0] =	ssyncset.done @!p0 $0x0  }
0x167: {  	[sflag:s0] =	ssyncadd.s32 @!p0 s1  }
0x168: {  	[bflag:$0x3] =	sbarrier.arrive $0xFFFF  }
0x169: {  	_ =	shalt  }

</sc_bundles>
